<compile_context>
chip_gen: v7x
topology: tpu7x:2x2x1
jax: 0.10.2.dev20260603
libtpu: 0.0.44.dev20260713+nightly
codegen_flags: <defaults>
</compile_context>

<pallas_src>
import jax
import jax.numpy as jnp
from jax import lax
from jax.experimental import pallas as pl
from jax.experimental.pallas import tpu as pltpu
from jax.experimental.pallas import tpu_sc as plsc

B = 8
NL = 32
V = 100000
K = 64
W1 = 3840
NSLAB = 26
WT = 160
GROUP = 1280
GPL = 79
RTAIL = 78
TAILW = V - RTAIL * GROUP
GPB = NL * GPL
GPW = 8 * GPL
NSUM = GPB // 16
CAP = 2048
BIGI = 2**30
F32 = jnp.float32
I32 = jnp.int32


def _scbody(sampled, parent, tok_out, prob_out, par_out,
            slab, slabB, stail, gwin, gtail, parent_v, gmax_v, gm_v, sum_v,
            ids_v, tmp16f, ids16_v, cnt_v, cand_val_v, cand_idx_v, csum_v,
            mval_v, midx_v, msum_v, l2_v, tok_v, prob_v, par_v,
            gmax_sh, ids_sh, t_sh, val_sh, idx_sh, sum_sh, semA, semB):
    c = lax.axis_index("c")
    s = lax.axis_index("s")
    bl = s // 4
    part = s % 4
    batch = c * 4 + bl
    ix16 = lax.iota(I32, 16)

    def _parent_at(lf):
        pvreg = parent_v[pl.ds((lf // 16) * 16, 16)]
        return jnp.max(jnp.where(ix16 == lf % 16, pvreg, -1.0))

    pltpu.sync_copy(parent.at[pl.ds(batch * NL, NL)], parent_v)

    def group_scan(bufref, lfl, coff, nv, p):
        neg = jnp.full((16,), -1.0, F32)

        def vb4(j, accs):
            a0, a1, a2, a3 = accs
            base = coff + j * 64
            a0 = jnp.maximum(a0, bufref[lfl, pl.ds(base, 16)])
            a1 = jnp.maximum(a1, bufref[lfl, pl.ds(base + 16, 16)])
            a2 = jnp.maximum(a2, bufref[lfl, pl.ds(base + 32, 16)])
            a3 = jnp.maximum(a3, bufref[lfl, pl.ds(base + 48, 16)])
            return a0, a1, a2, a3

        def vb1(j, acc):
            return jnp.maximum(acc, bufref[lfl, pl.ds(coff + j * 16, 16)])

        if nv % 4 == 0:
            accs = lax.fori_loop(0, nv // 4, vb4, (neg, neg, neg, neg),
                                 unroll=5)
            acc = jnp.maximum(jnp.maximum(accs[0], accs[1]),
                              jnp.maximum(accs[2], accs[3]))
        else:
            acc = lax.fori_loop(0, nv, vb1, neg, unroll=10)
        return p * jnp.max(acc)

    def emit(gt, m, gvec):
        gvec = jnp.where(ix16 == gt % 16, m, gvec)

        @pl.when(gt % 16 == 15)
        def _():
            gmax_v[pl.ds((gt // 16) * 16, 16)] = gvec

        return gvec

    def _src(ch):
        return sampled.at[batch, pl.ds(part * 8, 8), pl.ds(ch * W1, W1)]

    def process(buf, ch, gvec):
        def rin_body(r_in, gvec):
            def lf_body(lfl, gvec):
                p = _parent_at(part * 8 + lfl)
                m = group_scan(buf, lfl, r_in * GROUP, GROUP // 16, p)
                return emit((ch * 3 + r_in) * 8 + lfl, m, gvec)

            return lax.fori_loop(0, 8, lf_body, gvec)

        return lax.fori_loop(0, 3, rin_body, gvec)

    pltpu.async_copy(_src(0), slab, semA)

    def blk_body(b, gvec):
        chA = 2 * b
        chB = chA + 1
        pltpu.async_copy(_src(chB), slabB, semB)
        pltpu.make_async_copy(_src(chA), slab, semA).wait()
        gvec = process(slab, chA, gvec)

        @pl.when(b < NSLAB // 2 - 1)
        def _():
            pltpu.async_copy(_src(chA + 2), slab, semA)

        pltpu.make_async_copy(_src(chB), slabB, semB).wait()
        return process(slabB, chB, gvec)

    gvec = lax.fori_loop(0, NSLAB // 2, blk_body,
                         jnp.full((16,), -2.0, F32))

    pltpu.sync_copy(
        sampled.at[batch, pl.ds(part * 8, 8), pl.ds(NSLAB * W1, WT)], stail)

    def tail_body(lfl, gvec):
        p = _parent_at(part * 8 + lfl)
        m = group_scan(stail, lfl, 0, TAILW // 16, p)
        return emit(NSLAB * 3 * 8 + lfl, m, gvec)

    gvec = lax.fori_loop(0, 8, tail_body, gvec)

    gmax_v[pl.ds((GPW // 16) * 16, 16)] = jnp.where(ix16 < GPW % 16, gvec,
                                                    -2.0)
    pltpu.sync_copy(gmax_v.at[pl.ds(0, GPW)],
                    gmax_sh.at[pl.ds(bl * GPB + part * GPW, GPW)])
    plsc.subcore_barrier()

    @pl.when(part == 0)
    def _phase2():
        pltpu.sync_copy(gmax_sh.at[pl.ds(bl * GPB, GPB)], gm_v)
        nsv = (NSUM + 15) // 16
        for sv in range(nsv):
            sum_v[pl.ds(sv * 16, 16)] = jnp.full((16,), -2.0, F32)

        def build(i, carry):
            m = jnp.max(gm_v[pl.ds(i * 16, 16)])
            base = (i // 16) * 16
            cur = sum_v[pl.ds(base, 16)]
            sum_v[pl.ds(base, 16)] = jnp.where(ix16 == (i % 16), m, cur)
            return carry

        lax.fori_loop(0, NSUM, build, 0, unroll=4)

        def extract(k, carry):
            idvec, _t = carry
            macc = sum_v[pl.ds(0, 16)]
            for sv in range(1, nsv):
                macc = jnp.maximum(macc, sum_v[pl.ds(sv * 16, 16)])
            m = jnp.max(macc)
            j0acc = jnp.full((16,), BIGI, I32)
            for sv in range(nsv):
                svv = sum_v[pl.ds(sv * 16, 16)]
                j0acc = jnp.minimum(
                    j0acc, jnp.where(svv == m, sv * 16 + ix16, BIGI))
            j0 = jnp.min(j0acc)
            gv = gm_v[pl.ds(j0 * 16, 16)]
            msk = gv == m
            lane = jnp.min(jnp.where(msk, ix16, BIGI))
            gid = j0 * 16 + lane
            idvec = jnp.where(ix16 == (k % 16), gid, idvec)

            @pl.when(k % 16 == 15)
            def _():
                ids_v[pl.ds((k // 16) * 16, 16)] = idvec

            gv2 = jnp.where(ix16 == lane, -2.0, gv)
            gm_v[pl.ds(j0 * 16, 16)] = gv2
            newm = jnp.max(gv2)
            base = (j0 // 16) * 16
            cur = sum_v[pl.ds(base, 16)]
            sum_v[pl.ds(base, 16)] = jnp.where(ix16 == (j0 % 16), newm, cur)
            return idvec, m

        _, t = lax.fori_loop(0, K, extract,
                             (jnp.full((16,), 0, I32), F32(0.0)))
        pltpu.sync_copy(ids_v, ids_sh.at[pl.ds(bl * K, K)])
        tmp16f[...] = jnp.full((16,), t, F32)
        pltpu.sync_copy(tmp16f, t_sh.at[pl.ds(bl * 16, 16)])

    plsc.subcore_barrier()

    pltpu.sync_copy(ids_sh.at[pl.ds(bl * K + part * 16, 16)], ids16_v)
    pltpu.sync_copy(t_sh.at[pl.ds(bl * 16, 16)], tmp16f)
    t = tmp16f[...][0]

    def initc(i, carry):
        cand_val_v[pl.ds(i * 16, 16)] = jnp.full((16,), -1.0, F32)
        cand_idx_v[pl.ds(i * 16, 16)] = jnp.full((16,), BIGI, I32)
        return carry

    lax.fori_loop(0, CAP // 16, initc, 0, unroll=8)
    cnt_v[...] = jnp.full((16,), 0, I32)

    def comp_scan(bufref, lfl, nv, p, base):
        def vb(j, cv):
            x = bufref[lfl, pl.ds(j * 16, 16)]
            v = x * p
            msk = v >= t
            ones = msk.astype(I32)
            pos = jnp.minimum(cv + plsc.cumsum(ones) - 1, CAP - 1)
            plsc.store_scatter(cand_val_v, [pos], v, mask=msk)
            idxv = base + j * 16 + ix16
            plsc.store_scatter(cand_idx_v, [pos], idxv, mask=msk)
            return cv + plsc.all_reduce_population_count(msk)

        cnt_v[...] = lax.fori_loop(0, nv, vb, cnt_v[...], unroll=4)

    def g_body(i, carry):
        gid = jnp.max(jnp.where(ix16 == i, ids16_v[...], -1))
        ps = gid // GPW
        q = gid % GPW
        r = q // 8
        lfl = q % 8
        lf = ps * 8 + lfl
        p = _parent_at(lf)
        base = lf * V + r * GROUP

        @pl.when(r != RTAIL)
        def _():
            pltpu.sync_copy(
                sampled.at[batch, pl.ds(ps * 8, 8), pl.ds(r * GROUP, GROUP)],
                gwin)
            comp_scan(gwin, lfl, GROUP // 16, p, base)

        @pl.when(r == RTAIL)
        def _():
            pltpu.sync_copy(
                sampled.at[batch, pl.ds(ps * 8, 8),
                           pl.ds(RTAIL * GROUP, TAILW)], gtail)
            comp_scan(gtail, lfl, TAILW // 16, p, base)

        return carry

    lax.fori_loop(0, 16, g_body, 0)

    def sb(i, carry):
        m = jnp.max(cand_val_v[pl.ds(i * 16, 16)])
        base = (i // 16) * 16
        cur = csum_v[pl.ds(base, 16)]
        csum_v[pl.ds(base, 16)] = jnp.where(ix16 == (i % 16), m, cur)
        return carry

    lax.fori_loop(0, CAP // 16, sb, 0, unroll=4)
    pltpu.sync_copy(cand_val_v, val_sh.at[pl.ds(s * CAP, CAP)])
    pltpu.sync_copy(cand_idx_v, idx_sh.at[pl.ds(s * CAP, CAP)])
    pltpu.sync_copy(csum_v, sum_sh.at[pl.ds(s * (CAP // 16), CAP // 16)])
    plsc.subcore_barrier()

    @pl.when(part == 0)
    def _phase4():
        for q in range(4):
            sq = bl * 4 + q
            pltpu.sync_copy(val_sh.at[pl.ds(sq * CAP, CAP)], mval_v.at[pl.ds(q * CAP, CAP)])
            pltpu.sync_copy(idx_sh.at[pl.ds(sq * CAP, CAP)], midx_v.at[pl.ds(q * CAP, CAP)])
            pltpu.sync_copy(sum_sh.at[pl.ds(sq * (CAP // 16), CAP // 16)],
                            msum_v.at[pl.ds(q * (CAP // 16), CAP // 16)])
        nsv = 4 * CAP // 256

        def l2b(i, carry):
            m = jnp.max(msum_v[pl.ds(i * 16, 16)])
            base = (i // 16) * 16
            cur = l2_v[pl.ds(base, 16)]
            l2_v[pl.ds(base, 16)] = jnp.where(ix16 == (i % 16), m, cur)
            return carry

        lax.fori_loop(0, nsv, l2b, 0, unroll=4)

        def extract(k, carry):
            tvec, pvec, prvec = carry
            macc = jnp.maximum(l2_v[pl.ds(0, 16)], l2_v[pl.ds(16, 16)])
            m = jnp.max(macc)
            j1acc = jnp.full((16,), BIGI, I32)
            for sv in range(2):
                lv = l2_v[pl.ds(sv * 16, 16)]
                j1acc = jnp.minimum(
                    j1acc, jnp.where(lv == m, sv * 16 + ix16, BIGI))
            j1 = jnp.min(j1acc)
            svv = msum_v[pl.ds(j1 * 16, 16)]
            j0 = jnp.min(jnp.where(svv == m, j1 * 16 + ix16, BIGI))
            vv = mval_v[pl.ds(j0 * 16, 16)]
            iv = midx_v[pl.ds(j0 * 16, 16)]
            msk = vv == m
            chosen = jnp.min(jnp.where(msk, iv, BIGI))
            lane = jnp.min(jnp.where(msk & (iv == chosen), ix16, BIGI))
            tok = chosen % V
            par = chosen // V
            tvec = jnp.where(ix16 == (k % 16), tok, tvec)
            prvec = jnp.where(ix16 == (k % 16), par, prvec)
            pvec = jnp.where(ix16 == (k % 16), m, pvec)

            @pl.when(k % 16 == 15)
            def _():
                kb = (k // 16) * 16
                tok_v[pl.ds(kb, 16)] = tvec
                prob_v[pl.ds(kb, 16)] = pvec
                par_v[pl.ds(kb, 16)] = prvec

            vv2 = jnp.where(ix16 == lane, -2.0, vv)
            mval_v[pl.ds(j0 * 16, 16)] = vv2
            newm = jnp.max(vv2)
            ls = j0 % 16
            svv2 = jnp.where(ix16 == ls, newm, svv)
            msum_v[pl.ds(j1 * 16, 16)] = svv2
            newm2 = jnp.max(svv2)
            base = (j1 // 16) * 16
            cur = l2_v[pl.ds(base, 16)]
            l2_v[pl.ds(base, 16)] = jnp.where(ix16 == (j1 % 16), newm2, cur)
            return tvec, pvec, prvec

        z16i = jnp.full((16,), 0, I32)
        lax.fori_loop(0, K, extract, (z16i, jnp.full((16,), 0.0, F32), z16i))
        pltpu.sync_copy(tok_v, tok_out.at[pl.ds(batch * K, K)])
        pltpu.sync_copy(prob_v, prob_out.at[pl.ds(batch * K, K)])
        pltpu.sync_copy(par_v, par_out.at[pl.ds(batch * K, K)])

    plsc.subcore_barrier()


@jax.jit
def _sc_topk(sampled_probs, parent_probs):
    mesh = plsc.VectorSubcoreMesh(core_axis_name="c", subcore_axis_name="s",
                                  num_cores=2, num_subcores=16)
    f = pl.kernel(
        _scbody,
        out_type=(
            jax.ShapeDtypeStruct((B * K,), I32),
            jax.ShapeDtypeStruct((B * K,), F32),
            jax.ShapeDtypeStruct((B * K,), I32),
        ),
        mesh=mesh,
        compiler_params=pltpu.CompilerParams(needs_layout_passes=False),
        scratch_types=[
            pltpu.VMEM((8, W1), F32),
            pltpu.VMEM((8, W1), F32),
            pltpu.VMEM((8, WT), F32),
            pltpu.VMEM((8, GROUP), F32),
            pltpu.VMEM((8, TAILW), F32),
            pltpu.VMEM((NL,), F32),
            pltpu.VMEM((GPW + 8,), F32),
            pltpu.VMEM((GPB,), F32),
            pltpu.VMEM((160,), F32),
            pltpu.VMEM((K,), I32),
            pltpu.VMEM((16,), F32),
            pltpu.VMEM((16,), I32),
            pltpu.VMEM((16,), I32),
            pltpu.VMEM((CAP,), F32),
            pltpu.VMEM((CAP,), I32),
            pltpu.VMEM((CAP // 16,), F32),
            pltpu.VMEM((4 * CAP,), F32),
            pltpu.VMEM((4 * CAP,), I32),
            pltpu.VMEM((4 * CAP // 16,), F32),
            pltpu.VMEM((32,), F32),
            pltpu.VMEM((K,), I32),
            pltpu.VMEM((K,), F32),
            pltpu.VMEM((K,), I32),
            pltpu.VMEM_SHARED((4 * GPB,), F32),
            pltpu.VMEM_SHARED((4 * K,), I32),
            pltpu.VMEM_SHARED((64,), F32),
            pltpu.VMEM_SHARED((16 * CAP,), F32),
            pltpu.VMEM_SHARED((16 * CAP,), I32),
            pltpu.VMEM_SHARED((16 * (CAP // 16),), F32),
            pltpu.SemaphoreType.DMA,
            pltpu.SemaphoreType.DMA,
        ],
    )
    return f(sampled_probs, parent_probs)


def kernel(sampled_probs, parent_probs, sample_k, sample_min_prob):
    tok, probs, par = _sc_topk(sampled_probs, parent_probs.reshape(-1))
    tok = tok.reshape(B, K)
    probs = probs.reshape(B, K)
    par = par.reshape(B, K)
    token_ids = tok.astype(jnp.int64)
    parent_indices = par.astype(jnp.int64)
    return (token_ids, probs, parent_indices)

# --- scband reference (transcript-rebuilt; emitter-appended) ---
"""Pipeline reference for scband-ssm-classic-87986700026022 (READ-ONLY COPY).

The authoritative reference and input builder live on the scoring server;
editing this copy changes nothing except your own understanding.
"""

import jax, jax.numpy as jnp
import numpy as np

BATCH = 8
N_LEAVES = 32
VOCAB = 100000
SAMPLE_K = 64


def setup_inputs(seed: int = 0) -> dict:
    key = jax.random.key(seed)
    k1, k2 = jax.random.split(key)
    sampled_probs = jax.random.uniform(k1, (BATCH, N_LEAVES, VOCAB), dtype=jnp.float32)
    # normalize so each leaf's distribution sums to 1 (like softmax output)
    sampled_probs = sampled_probs / jnp.sum(sampled_probs, axis=-1, keepdims=True)
    parent_probs = jax.random.uniform(k2, (BATCH, N_LEAVES), dtype=jnp.float32)
    return {
        "sampled_probs": sampled_probs,
        "parent_probs": parent_probs,
        "sample_k": SAMPLE_K,
        "sample_min_prob": 0.02,
    }


def reference(sampled_probs, parent_probs, sample_k, sample_min_prob):
    # Faithful port of SSMBase.topk_sampling
    batch_size, n_leaves, vocab_size = sampled_probs.shape
    global_probs = sampled_probs * parent_probs[..., None]
    flattened_probs = global_probs.reshape(batch_size, -1)
    topk_probs, topk_indices = jax.lax.top_k(flattened_probs, SAMPLE_K)
    topk_probs = topk_probs + (jnp.asarray(sample_k, dtype=topk_probs.dtype) - SAMPLE_K) * 0.0
    parent_indices = (topk_indices // vocab_size).astype(jnp.int64)
    token_ids = (topk_indices % vocab_size).astype(jnp.int64)
    return (token_ids, topk_probs, parent_indices)

if __name__ == "__main__":
    import jax
    _d = setup_inputs()
    print(jax.jit(kernel)(*tuple(_d.values())))

</pallas_src>

<mosaic_0001>
#map = affine_map<(d0, d1) -> (0, 0, 0)>
#map1 = affine_map<(d0, d1) -> (0)>
module attributes {stable_mosaic.version = 14 : i64} {
  func.func @_scbody(%arg0: i32, %arg1: i32, %arg2: memref<8x32x100000xf32, #tpu.memory_space<hbm>>, %arg3: memref<256xf32, #tpu.memory_space<hbm>>, %arg4: memref<512xi32, #tpu.memory_space<hbm>>, %arg5: memref<512xf32, #tpu.memory_space<hbm>>, %arg6: memref<512xi32, #tpu.memory_space<hbm>>, %arg7: memref<8x3840xf32, #tpu.memory_space<vmem>>, %arg8: memref<8x3840xf32, #tpu.memory_space<vmem>>, %arg9: memref<8x160xf32, #tpu.memory_space<vmem>>, %arg10: memref<8x1280xf32, #tpu.memory_space<vmem>>, %arg11: memref<8x160xf32, #tpu.memory_space<vmem>>, %arg12: memref<32xf32, #tpu.memory_space<vmem>>, %arg13: memref<640xf32, #tpu.memory_space<vmem>>, %arg14: memref<2528xf32, #tpu.memory_space<vmem>>, %arg15: memref<160xf32, #tpu.memory_space<vmem>>, %arg16: memref<64xi32, #tpu.memory_space<vmem>>, %arg17: memref<16xf32, #tpu.memory_space<vmem>>, %arg18: memref<16xi32, #tpu.memory_space<vmem>>, %arg19: memref<16xi32, #tpu.memory_space<vmem>>, %arg20: memref<2048xf32, #tpu.memory_space<vmem>>, %arg21: memref<2048xi32, #tpu.memory_space<vmem>>, %arg22: memref<128xf32, #tpu.memory_space<vmem>>, %arg23: memref<8192xf32, #tpu.memory_space<vmem>>, %arg24: memref<8192xi32, #tpu.memory_space<vmem>>, %arg25: memref<512xf32, #tpu.memory_space<vmem>>, %arg26: memref<32xf32, #tpu.memory_space<vmem>>, %arg27: memref<64xi32, #tpu.memory_space<vmem>>, %arg28: memref<64xf32, #tpu.memory_space<vmem>>, %arg29: memref<64xi32, #tpu.memory_space<vmem>>, %arg30: memref<10112xf32, #tpu.memory_space<vmem_shared>>, %arg31: memref<256xi32, #tpu.memory_space<vmem_shared>>, %arg32: memref<64xf32, #tpu.memory_space<vmem_shared>>, %arg33: memref<32768xf32, #tpu.memory_space<vmem_shared>>, %arg34: memref<32768xi32, #tpu.memory_space<vmem_shared>>, %arg35: memref<2048xf32, #tpu.memory_space<vmem_shared>>, %arg36: memref<!tpu.dma_semaphore, #tpu.memory_space<semaphore_mem>>, %arg37: memref<!tpu.dma_semaphore, #tpu.memory_space<semaphore_mem>>) attributes {dimension_semantics = [#tpu.dimension_semantics<core_parallel>, #tpu.dimension_semantics<subcore_parallel>], iteration_bounds = array<i64: 2, 16>, scalar_prefetch = 0 : i64, scratch_operands = 31 : i64, tpu.core_type = #tpu.core_type<sc_vector_subcore>, window_params = [{transform_indices = #map}, {transform_indices = #map1}, {transform_indices = #map1}, {transform_indices = #map1}, {transform_indices = #map1}]} {
    %jit3A = arith.constant 4 : i32
    %div3A = arith.divsi %arg1, %jit3A : i32
    %sign3A = arith.constant 0 : i32
    %sign3A_0 = arith.cmpi sgt, %arg1, %sign3A : i32
    %sign3A_1 = arith.extui %sign3A_0 : i1 to i32
    %sign3A_2 = arith.constant 0 : i32
    %sign3A_3 = arith.cmpi slt, %arg1, %sign3A_2 : i32
    %sign3A_4 = arith.extui %sign3A_3 : i1 to i32
    %sign3A_5 = arith.subi %sign3A_1, %sign3A_4 : i32
    %sign3A_6 = arith.constant 0 : i32
    %sign3A_7 = arith.cmpi sgt, %jit3A, %sign3A_6 : i32
    %sign3A_8 = arith.extui %sign3A_7 : i1 to i32
    %sign3A_9 = arith.constant 0 : i32
    %sign3A_10 = arith.cmpi slt, %jit3A, %sign3A_9 : i32
    %sign3A_11 = arith.extui %sign3A_10 : i1 to i32
    %sign3A_12 = arith.subi %sign3A_8, %sign3A_11 : i32
    %ne3A = arith.cmpi ne, %sign3A_5, %sign3A_12 : i32
    %rem3A = arith.remsi %arg1, %jit3A : i32
    %ne3A_13 = arith.constant 0 : i32
    %ne3A_14 = arith.cmpi ne, %rem3A, %ne3A_13 : i32
    %and3A = arith.andi %ne3A, %ne3A_14 : i1
    %sub3A = arith.constant 1 : i32
    %sub3A_15 = arith.subi %div3A, %sub3A : i32
    %select_n3A = arith.select %and3A, %sub3A_15, %div3A : i32
    %jit3A_16 = arith.constant 4 : i32
    %eq3A = arith.constant 0 : i32
    %eq3A_17 = arith.cmpi eq, %jit3A_16, %eq3A : i32
    %jit3A_18 = arith.constant 1 : i32
    %select_n3A_19 = arith.select %eq3A_17, %jit3A_18, %jit3A_16 : i32
    %rem3A_20 = arith.remsi %arg1, %select_n3A_19 : i32
    %ne3A_21 = arith.constant 0 : i32
    %ne3A_22 = arith.cmpi ne, %rem3A_20, %ne3A_21 : i32
    %lt3A = arith.constant 0 : i32
    %lt3A_23 = arith.cmpi slt, %rem3A_20, %lt3A : i32
    %lt3A_24 = arith.constant 0 : i32
    %lt3A_25 = arith.cmpi slt, %select_n3A_19, %lt3A_24 : i32
    %ne3A_26 = arith.xori %lt3A_23, %lt3A_25 : i1
    %and3A_27 = arith.andi %ne3A_26, %ne3A_22 : i1
    %add3A = arith.addi %rem3A_20, %select_n3A_19 : i32
    %select_n3A_28 = arith.select %and3A_27, %add3A, %rem3A_20 : i32
    %mul3A = arith.constant 4 : i32
    %mul3A_29 = arith.muli %arg0, %mul3A : i32
    %add3A_30 = arith.addi %mul3A_29, %select_n3A : i32
    %iota3A = tpu.iota {dimensions = array<i32: 0>} : vector<16xi32>
    %mul3A_31 = arith.constant 32 : i32
    %mul3A_32 = arith.muli %add3A_30, %mul3A_31 : i32
    "tpu.region"() ({
      %run_scoped3A = tpu.sem_alloc : memref<!tpu.dma_semaphore, #tpu.memory_space<semaphore_mem>>
      %dma_start3A_113 = tpu.memref_slice %arg3[%mul3A_32] : memref<256xf32, #tpu.memory_space<hbm>> -> memref<32xf32, #tpu.memory_space<hbm>>
      %dma_start3A_114 = tpu.memref_slice %arg3[%mul3A_32] : memref<256xf32, #tpu.memory_space<hbm>> -> memref<32xf32, #tpu.memory_space<hbm>>
      tpu.enqueue_dma source(%dma_start3A_114 : memref<32xf32, #tpu.memory_space<hbm>>) target(%arg12 : memref<32xf32, #tpu.memory_space<vmem>>) target_semaphore(%run_scoped3A : memref<!tpu.dma_semaphore, #tpu.memory_space<semaphore_mem>>)
      %dma_wait3A = tpu.memref_slice %arg3[%mul3A_32] : memref<256xf32, #tpu.memory_space<hbm>> -> memref<32xf32, #tpu.memory_space<hbm>>
      %dma_wait3A_115 = tpu.memref_slice %arg3[%mul3A_32] : memref<256xf32, #tpu.memory_space<hbm>> -> memref<32xf32, #tpu.memory_space<hbm>>
      tpu.wait_dma2 semaphore(%run_scoped3A : memref<!tpu.dma_semaphore, #tpu.memory_space<semaphore_mem>>) src(%dma_wait3A_115 : memref<32xf32, #tpu.memory_space<hbm>>) dst(%arg12 : memref<32xf32, #tpu.memory_space<vmem>>)
      tpu.yield
    }) : () -> ()
    %mul3A_33 = arith.constant 8 : i32
    %mul3A_34 = arith.muli %select_n3A_28, %mul3A_33 : i32
    %dma_start3A = arith.constant 0 : i32
    %dma_start3A_35 = tpu.memref_slice %arg2[%add3A_30, %mul3A_34, %dma_start3A] : memref<8x32x100000xf32, #tpu.memory_space<hbm>> -> memref<1x8x3840xf32, #tpu.memory_space<hbm>>
    %dma_start3A_36 = tpu.memref_squeeze %dma_start3A_35 : memref<1x8x3840xf32, #tpu.memory_space<hbm>> -> memref<8x3840xf32, #tpu.memory_space<hbm>>
    %dma_start3A_37 = arith.constant 0 : i32
    %dma_start3A_38 = tpu.memref_slice %arg2[%add3A_30, %mul3A_34, %dma_start3A_37] : memref<8x32x100000xf32, #tpu.memory_space<hbm>> -> memref<1x8x3840xf32, #tpu.memory_space<hbm>>
    %dma_start3A_39 = tpu.memref_squeeze %dma_start3A_38 : memref<1x8x3840xf32, #tpu.memory_space<hbm>> -> memref<8x3840xf32, #tpu.memory_space<hbm>>
    tpu.enqueue_dma source(%dma_start3A_39 : memref<8x3840xf32, #tpu.memory_space<hbm>>) target(%arg7 : memref<8x3840xf32, #tpu.memory_space<vmem>>) target_semaphore(%arg36 : memref<!tpu.dma_semaphore, #tpu.memory_space<semaphore_mem>>)
    %broadcast_in_dim3A = arith.constant -2.000000e+00 : f32
    %broadcast_in_dim3A_40 = vector.broadcast %broadcast_in_dim3A : f32 to vector<16xf32>
    %scan3A = arith.constant 0 : i32
    %scan3A_41 = arith.constant 13 : i32
    %scan3A_42 = arith.addi %scan3A, %scan3A_41 : i32
    %scan3A_43 = arith.constant 1 : i32
    %scan3A_44 = scf.for %scan3A_113 = %scan3A to %scan3A_42 step %scan3A_43 iter_args(%scan3A_114 = %broadcast_in_dim3A_40) -> (vector<16xf32>)  : i32 {
      %mul3A_115 = arith.constant 2 : i32
      %mul3A_116 = arith.muli %mul3A_115, %scan3A_113 : i32
      %add3A_117 = arith.constant 1 : i32
      %add3A_118 = arith.addi %mul3A_116, %add3A_117 : i32
      %mul3A_119 = arith.constant 8 : i32
      %mul3A_120 = arith.muli %select_n3A_28, %mul3A_119 : i32
      %mul3A_121 = arith.constant 3840 : i32
      %mul3A_122 = arith.muli %add3A_118, %mul3A_121 : i32
      %dma_start3A_123 = tpu.memref_slice %arg2[%add3A_30, %mul3A_120, %mul3A_122] : memref<8x32x100000xf32, #tpu.memory_space<hbm>> -> memref<1x8x3840xf32, #tpu.memory_space<hbm>>
      %dma_start3A_124 = tpu.memref_squeeze %dma_start3A_123 : memref<1x8x3840xf32, #tpu.memory_space<hbm>> -> memref<8x3840xf32, #tpu.memory_space<hbm>>
      %dma_start3A_125 = tpu.memref_slice %arg2[%add3A_30, %mul3A_120, %mul3A_122] : memref<8x32x100000xf32, #tpu.memory_space<hbm>> -> memref<1x8x3840xf32, #tpu.memory_space<hbm>>
      %dma_start3A_126 = tpu.memref_squeeze %dma_start3A_125 : memref<1x8x3840xf32, #tpu.memory_space<hbm>> -> memref<8x3840xf32, #tpu.memory_space<hbm>>
      tpu.enqueue_dma source(%dma_start3A_126 : memref<8x3840xf32, #tpu.memory_space<hbm>>) target(%arg8 : memref<8x3840xf32, #tpu.memory_space<vmem>>) target_semaphore(%arg37 : memref<!tpu.dma_semaphore, #tpu.memory_space<semaphore_mem>>)
      %mul3A_127 = arith.constant 8 : i32
      %mul3A_128 = arith.muli %select_n3A_28, %mul3A_127 : i32
      %mul3A_129 = arith.constant 3840 : i32
      %mul3A_130 = arith.muli %mul3A_116, %mul3A_129 : i32
      %dma_wait3A = tpu.memref_slice %arg2[%add3A_30, %mul3A_128, %mul3A_130] : memref<8x32x100000xf32, #tpu.memory_space<hbm>> -> memref<1x8x3840xf32, #tpu.memory_space<hbm>>
      %dma_wait3A_131 = tpu.memref_squeeze %dma_wait3A : memref<1x8x3840xf32, #tpu.memory_space<hbm>> -> memref<8x3840xf32, #tpu.memory_space<hbm>>
      %dma_wait3A_132 = tpu.memref_slice %arg2[%add3A_30, %mul3A_128, %mul3A_130] : memref<8x32x100000xf32, #tpu.memory_space<hbm>> -> memref<1x8x3840xf32, #tpu.memory_space<hbm>>
      %dma_wait3A_133 = tpu.memref_squeeze %dma_wait3A_132 : memref<1x8x3840xf32, #tpu.memory_space<hbm>> -> memref<8x3840xf32, #tpu.memory_space<hbm>>
      tpu.wait_dma2 semaphore(%arg36 : memref<!tpu.dma_semaphore, #tpu.memory_space<semaphore_mem>>) src(%dma_wait3A_133 : memref<8x3840xf32, #tpu.memory_space<hbm>>) dst(%arg7 : memref<8x3840xf32, #tpu.memory_space<vmem>>)
      %scan3A_134 = arith.constant 0 : i32
      %scan3A_135 = arith.constant 3 : i32
      %scan3A_136 = arith.addi %scan3A_134, %scan3A_135 : i32
      %scan3A_137 = arith.constant 1 : i32
      %scan3A_138 = scf.for %scan3A_159 = %scan3A_134 to %scan3A_136 step %scan3A_137 iter_args(%scan3A_160 = %scan3A_114) -> (vector<16xf32>)  : i32 {
        %scan3A_161 = arith.constant 0 : i32
        %scan3A_162 = arith.constant 8 : i32
        %scan3A_163 = arith.addi %scan3A_161, %scan3A_162 : i32
        %scan3A_164 = arith.constant 1 : i32
        %scan3A_165 = scf.for %scan3A_167 = %scan3A_161 to %scan3A_163 step %scan3A_164 iter_args(%scan3A_168 = %scan3A_160) -> (vector<16xf32>)  : i32 {
          %mul3A_169 = arith.constant 8 : i32
          %mul3A_170 = arith.muli %select_n3A_28, %mul3A_169 : i32
          %add3A_171 = arith.addi %mul3A_170, %scan3A_167 : i32
          %jit3A_172 = arith.constant 16 : i32
          %div3A_173 = arith.divsi %add3A_171, %jit3A_172 : i32
          %sign3A_174 = arith.constant 0 : i32
          %sign3A_175 = arith.cmpi sgt, %add3A_171, %sign3A_174 : i32
          %sign3A_176 = arith.extui %sign3A_175 : i1 to i32
          %sign3A_177 = arith.constant 0 : i32
          %sign3A_178 = arith.cmpi slt, %add3A_171, %sign3A_177 : i32
          %sign3A_179 = arith.extui %sign3A_178 : i1 to i32
          %sign3A_180 = arith.subi %sign3A_176, %sign3A_179 : i32
          %sign3A_181 = arith.constant 0 : i32
          %sign3A_182 = arith.cmpi sgt, %jit3A_172, %sign3A_181 : i32
          %sign3A_183 = arith.extui %sign3A_182 : i1 to i32
          %sign3A_184 = arith.constant 0 : i32
          %sign3A_185 = arith.cmpi slt, %jit3A_172, %sign3A_184 : i32
          %sign3A_186 = arith.extui %sign3A_185 : i1 to i32
          %sign3A_187 = arith.subi %sign3A_183, %sign3A_186 : i32
          %ne3A_188 = arith.cmpi ne, %sign3A_180, %sign3A_187 : i32
          %rem3A_189 = arith.remsi %add3A_171, %jit3A_172 : i32
          %ne3A_190 = arith.constant 0 : i32
          %ne3A_191 = arith.cmpi ne, %rem3A_189, %ne3A_190 : i32
          %and3A_192 = arith.andi %ne3A_188, %ne3A_191 : i1
          %sub3A_193 = arith.constant 1 : i32
          %sub3A_194 = arith.subi %div3A_173, %sub3A_193 : i32
          %select_n3A_195 = arith.select %and3A_192, %sub3A_194, %div3A_173 : i32
          %mul3A_196 = arith.constant 16 : i32
          %mul3A_197 = arith.muli %select_n3A_195, %mul3A_196 : i32
          %get3A_198 = arith.index_cast %mul3A_197 : i32 to index
          %get3A_199 = tpu.vector_load %arg12[%get3A_198] {strides = array<i32>} : memref<32xf32, #tpu.memory_space<vmem>>, vector<16xf32>,
          %jit3A_200 = arith.constant 16 : i32
          %eq3A_201 = arith.constant 0 : i32
          %eq3A_202 = arith.cmpi eq, %jit3A_200, %eq3A_201 : i32
          %jit3A_203 = arith.constant 1 : i32
          %select_n3A_204 = arith.select %eq3A_202, %jit3A_203, %jit3A_200 : i32
          %rem3A_205 = arith.remsi %add3A_171, %select_n3A_204 : i32
          %ne3A_206 = arith.constant 0 : i32
          %ne3A_207 = arith.cmpi ne, %rem3A_205, %ne3A_206 : i32
          %lt3A_208 = arith.constant 0 : i32
          %lt3A_209 = arith.cmpi slt, %rem3A_205, %lt3A_208 : i32
          %lt3A_210 = arith.constant 0 : i32
          %lt3A_211 = arith.cmpi slt, %select_n3A_204, %lt3A_210 : i32
          %ne3A_212 = arith.xori %lt3A_209, %lt3A_211 : i1
          %and3A_213 = arith.andi %ne3A_212, %ne3A_207 : i1
          %add3A_214 = arith.addi %rem3A_205, %select_n3A_204 : i32
          %select_n3A_215 = arith.select %and3A_213, %add3A_214, %rem3A_205 : i32
          %eq3A_216 = vector.broadcast %select_n3A_215 : i32 to vector<16xi32>
          %eq3A_217 = arith.cmpi eq, %iota3A, %eq3A_216 : vector<16xi32>
          %jit3A_218 = arith.constant -1.000000e+00 : f32
          %broadcast_in_dim3A_219 = vector.broadcast %jit3A_218 : f32 to vector<16xf32>
          %select_n3A_220 = arith.select %eq3A_217, %get3A_199, %broadcast_in_dim3A_219 : vector<16xi1>, vector<16xf32>
          %reduce_max3A = arith.constant true
          %reduce_max3A_221 = vector.broadcast %reduce_max3A : i1 to vector<16xi1>
          %reduce_max3A_222 = tpu.scan <max>, %select_n3A_220 masked %reduce_max3A_221 : vector<16xf32>, vector<16xi1> -> vector<16xf32>
          %reduce_max3A_223 = vector.extract %reduce_max3A_222[15] : f32 from vector<16xf32>
          %mul3A_224 = arith.constant 1280 : i32
          %mul3A_225 = arith.muli %scan3A_159, %mul3A_224 : i32
          %broadcast_in_dim3A_226 = arith.constant -1.000000e+00 : f32
          %broadcast_in_dim3A_227 = vector.broadcast %broadcast_in_dim3A_226 : f32 to vector<16xf32>
          %scan3A_228 = arith.constant 0 : i32
          %scan3A_229 = arith.constant 20 : i32
          %scan3A_230 = arith.addi %scan3A_228, %scan3A_229 : i32
          %scan3A_231 = arith.constant 5 : i32
          %scan3A_232:4 = scf.for %scan3A_288 = %scan3A_228 to %scan3A_230 step %scan3A_231 iter_args(%scan3A_289 = %broadcast_in_dim3A_227, %scan3A_290 = %broadcast_in_dim3A_227, %scan3A_291 = %broadcast_in_dim3A_227, %scan3A_292 = %broadcast_in_dim3A_227) -> (vector<16xf32>, vector<16xf32>, vector<16xf32>, vector<16xf32>)  : i32 {
            %mul3A_293 = arith.constant 64 : i32
            %mul3A_294 = arith.muli %scan3A_288, %mul3A_293 : i32
            %add3A_295 = arith.addi %mul3A_225, %mul3A_294 : i32
            %get3A_296 = arith.index_cast %scan3A_167 : i32 to index
            %get3A_297 = arith.index_cast %add3A_295 : i32 to index
            %get3A_298 = tpu.vector_load %arg7[%get3A_296, %get3A_297] {strides = array<i32>} : memref<8x3840xf32, #tpu.memory_space<vmem>>, vector<16xf32>,
            %max3A_299 = arith.maximumf %scan3A_289, %get3A_298 : vector<16xf32>
            %add3A_300 = arith.constant 16 : i32
            %add3A_301 = arith.addi %add3A_295, %add3A_300 : i32
            %get3A_302 = arith.index_cast %scan3A_167 : i32 to index
            %get3A_303 = arith.index_cast %add3A_301 : i32 to index
            %get3A_304 = tpu.vector_load %arg7[%get3A_302, %get3A_303] {strides = array<i32>} : memref<8x3840xf32, #tpu.memory_space<vmem>>, vector<16xf32>,
            %max3A_305 = arith.maximumf %scan3A_290, %get3A_304 : vector<16xf32>
            %add3A_306 = arith.constant 32 : i32
            %add3A_307 = arith.addi %add3A_295, %add3A_306 : i32
            %get3A_308 = arith.index_cast %scan3A_167 : i32 to index
            %get3A_309 = arith.index_cast %add3A_307 : i32 to index
            %get3A_310 = tpu.vector_load %arg7[%get3A_308, %get3A_309] {strides = array<i32>} : memref<8x3840xf32, #tpu.memory_space<vmem>>, vector<16xf32>,
            %max3A_311 = arith.maximumf %scan3A_291, %get3A_310 : vector<16xf32>
            %add3A_312 = arith.constant 48 : i32
            %add3A_313 = arith.addi %add3A_295, %add3A_312 : i32
            %get3A_314 = arith.index_cast %scan3A_167 : i32 to index
            %get3A_315 = arith.index_cast %add3A_313 : i32 to index
            %get3A_316 = tpu.vector_load %arg7[%get3A_314, %get3A_315] {strides = array<i32>} : memref<8x3840xf32, #tpu.memory_space<vmem>>, vector<16xf32>,
            %max3A_317 = arith.maximumf %scan3A_292, %get3A_316 : vector<16xf32>
            %scan3A_318 = arith.constant 1 : i32
            %scan3A_319 = arith.addi %scan3A_288, %scan3A_318 : i32
            %mul3A_320 = arith.constant 64 : i32
            %mul3A_321 = arith.muli %scan3A_319, %mul3A_320 : i32
            %add3A_322 = arith.addi %mul3A_225, %mul3A_321 : i32
            %get3A_323 = arith.index_cast %scan3A_167 : i32 to index
            %get3A_324 = arith.index_cast %add3A_322 : i32 to index
            %get3A_325 = tpu.vector_load %arg7[%get3A_323, %get3A_324] {strides = array<i32>} : memref<8x3840xf32, #tpu.memory_space<vmem>>, vector<16xf32>,
            %max3A_326 = arith.maximumf %max3A_299, %get3A_325 : vector<16xf32>
            %add3A_327 = arith.constant 16 : i32
            %add3A_328 = arith.addi %add3A_322, %add3A_327 : i32
            %get3A_329 = arith.index_cast %scan3A_167 : i32 to index
            %get3A_330 = arith.index_cast %add3A_328 : i32 to index
            %get3A_331 = tpu.vector_load %arg7[%get3A_329, %get3A_330] {strides = array<i32>} : memref<8x3840xf32, #tpu.memory_space<vmem>>, vector<16xf32>,
            %max3A_332 = arith.maximumf %max3A_305, %get3A_331 : vector<16xf32>
            %add3A_333 = arith.constant 32 : i32
            %add3A_334 = arith.addi %add3A_322, %add3A_333 : i32
            %get3A_335 = arith.index_cast %scan3A_167 : i32 to index
            %get3A_336 = arith.index_cast %add3A_334 : i32 to index
            %get3A_337 = tpu.vector_load %arg7[%get3A_335, %get3A_336] {strides = array<i32>} : memref<8x3840xf32, #tpu.memory_space<vmem>>, vector<16xf32>,
            %max3A_338 = arith.maximumf %max3A_311, %get3A_337 : vector<16xf32>
            %add3A_339 = arith.constant 48 : i32
            %add3A_340 = arith.addi %add3A_322, %add3A_339 : i32
            %get3A_341 = arith.index_cast %scan3A_167 : i32 to index
            %get3A_342 = arith.index_cast %add3A_340 : i32 to index
            %get3A_343 = tpu.vector_load %arg7[%get3A_341, %get3A_342] {strides = array<i32>} : memref<8x3840xf32, #tpu.memory_space<vmem>>, vector<16xf32>,
            %max3A_344 = arith.maximumf %max3A_317, %get3A_343 : vector<16xf32>
            %scan3A_345 = arith.constant 2 : i32
            %scan3A_346 = arith.addi %scan3A_288, %scan3A_345 : i32
            %mul3A_347 = arith.constant 64 : i32
            %mul3A_348 = arith.muli %scan3A_346, %mul3A_347 : i32
            %add3A_349 = arith.addi %mul3A_225, %mul3A_348 : i32
            %get3A_350 = arith.index_cast %scan3A_167 : i32 to index
            %get3A_351 = arith.index_cast %add3A_349 : i32 to index
            %get3A_352 = tpu.vector_load %arg7[%get3A_350, %get3A_351] {strides = array<i32>} : memref<8x3840xf32, #tpu.memory_space<vmem>>, vector<16xf32>,
            %max3A_353 = arith.maximumf %max3A_326, %get3A_352 : vector<16xf32>
            %add3A_354 = arith.constant 16 : i32
            %add3A_355 = arith.addi %add3A_349, %add3A_354 : i32
            %get3A_356 = arith.index_cast %scan3A_167 : i32 to index
            %get3A_357 = arith.index_cast %add3A_355 : i32 to index
            %get3A_358 = tpu.vector_load %arg7[%get3A_356, %get3A_357] {strides = array<i32>} : memref<8x3840xf32, #tpu.memory_space<vmem>>, vector<16xf32>,
            %max3A_359 = arith.maximumf %max3A_332, %get3A_358 : vector<16xf32>
            %add3A_360 = arith.constant 32 : i32
            %add3A_361 = arith.addi %add3A_349, %add3A_360 : i32
            %get3A_362 = arith.index_cast %scan3A_167 : i32 to index
            %get3A_363 = arith.index_cast %add3A_361 : i32 to index
            %get3A_364 = tpu.vector_load %arg7[%get3A_362, %get3A_363] {strides = array<i32>} : memref<8x3840xf32, #tpu.memory_space<vmem>>, vector<16xf32>,
            %max3A_365 = arith.maximumf %max3A_338, %get3A_364 : vector<16xf32>
            %add3A_366 = arith.constant 48 : i32
            %add3A_367 = arith.addi %add3A_349, %add3A_366 : i32
            %get3A_368 = arith.index_cast %scan3A_167 : i32 to index
            %get3A_369 = arith.index_cast %add3A_367 : i32 to index
            %get3A_370 = tpu.vector_load %arg7[%get3A_368, %get3A_369] {strides = array<i32>} : memref<8x3840xf32, #tpu.memory_space<vmem>>, vector<16xf32>,
            %max3A_371 = arith.maximumf %max3A_344, %get3A_370 : vector<16xf32>
            %scan3A_372 = arith.constant 3 : i32
            %scan3A_373 = arith.addi %scan3A_288, %scan3A_372 : i32
            %mul3A_374 = arith.constant 64 : i32
            %mul3A_375 = arith.muli %scan3A_373, %mul3A_374 : i32
            %add3A_376 = arith.addi %mul3A_225, %mul3A_375 : i32
            %get3A_377 = arith.index_cast %scan3A_167 : i32 to index
            %get3A_378 = arith.index_cast %add3A_376 : i32 to index
            %get3A_379 = tpu.vector_load %arg7[%get3A_377, %get3A_378] {strides = array<i32>} : memref<8x3840xf32, #tpu.memory_space<vmem>>, vector<16xf32>,
            %max3A_380 = arith.maximumf %max3A_353, %get3A_379 : vector<16xf32>
            %add3A_381 = arith.constant 16 : i32
            %add3A_382 = arith.addi %add3A_376, %add3A_381 : i32
            %get3A_383 = arith.index_cast %scan3A_167 : i32 to index
            %get3A_384 = arith.index_cast %add3A_382 : i32 to index
            %get3A_385 = tpu.vector_load %arg7[%get3A_383, %get3A_384] {strides = array<i32>} : memref<8x3840xf32, #tpu.memory_space<vmem>>, vector<16xf32>,
            %max3A_386 = arith.maximumf %max3A_359, %get3A_385 : vector<16xf32>
            %add3A_387 = arith.constant 32 : i32
            %add3A_388 = arith.addi %add3A_376, %add3A_387 : i32
            %get3A_389 = arith.index_cast %scan3A_167 : i32 to index
            %get3A_390 = arith.index_cast %add3A_388 : i32 to index
            %get3A_391 = tpu.vector_load %arg7[%get3A_389, %get3A_390] {strides = array<i32>} : memref<8x3840xf32, #tpu.memory_space<vmem>>, vector<16xf32>,
            %max3A_392 = arith.maximumf %max3A_365, %get3A_391 : vector<16xf32>
            %add3A_393 = arith.constant 48 : i32
            %add3A_394 = arith.addi %add3A_376, %add3A_393 : i32
            %get3A_395 = arith.index_cast %scan3A_167 : i32 to index
            %get3A_396 = arith.index_cast %add3A_394 : i32 to index
            %get3A_397 = tpu.vector_load %arg7[%get3A_395, %get3A_396] {strides = array<i32>} : memref<8x3840xf32, #tpu.memory_space<vmem>>, vector<16xf32>,
            %max3A_398 = arith.maximumf %max3A_371, %get3A_397 : vector<16xf32>
            %scan3A_399 = arith.constant 4 : i32
            %scan3A_400 = arith.addi %scan3A_288, %scan3A_399 : i32
            %mul3A_401 = arith.constant 64 : i32
            %mul3A_402 = arith.muli %scan3A_400, %mul3A_401 : i32
            %add3A_403 = arith.addi %mul3A_225, %mul3A_402 : i32
            %get3A_404 = arith.index_cast %scan3A_167 : i32 to index
            %get3A_405 = arith.index_cast %add3A_403 : i32 to index
            %get3A_406 = tpu.vector_load %arg7[%get3A_404, %get3A_405] {strides = array<i32>} : memref<8x3840xf32, #tpu.memory_space<vmem>>, vector<16xf32>,
            %max3A_407 = arith.maximumf %max3A_380, %get3A_406 : vector<16xf32>
            %add3A_408 = arith.constant 16 : i32
            %add3A_409 = arith.addi %add3A_403, %add3A_408 : i32
            %get3A_410 = arith.index_cast %scan3A_167 : i32 to index
            %get3A_411 = arith.index_cast %add3A_409 : i32 to index
            %get3A_412 = tpu.vector_load %arg7[%get3A_410, %get3A_411] {strides = array<i32>} : memref<8x3840xf32, #tpu.memory_space<vmem>>, vector<16xf32>,
            %max3A_413 = arith.maximumf %max3A_386, %get3A_412 : vector<16xf32>
            %add3A_414 = arith.constant 32 : i32
            %add3A_415 = arith.addi %add3A_403, %add3A_414 : i32
            %get3A_416 = arith.index_cast %scan3A_167 : i32 to index
            %get3A_417 = arith.index_cast %add3A_415 : i32 to index
            %get3A_418 = tpu.vector_load %arg7[%get3A_416, %get3A_417] {strides = array<i32>} : memref<8x3840xf32, #tpu.memory_space<vmem>>, vector<16xf32>,
            %max3A_419 = arith.maximumf %max3A_392, %get3A_418 : vector<16xf32>
            %add3A_420 = arith.constant 48 : i32
            %add3A_421 = arith.addi %add3A_403, %add3A_420 : i32
            %get3A_422 = arith.index_cast %scan3A_167 : i32 to index
            %get3A_423 = arith.index_cast %add3A_421 : i32 to index
            %get3A_424 = tpu.vector_load %arg7[%get3A_422, %get3A_423] {strides = array<i32>} : memref<8x3840xf32, #tpu.memory_space<vmem>>, vector<16xf32>,
            %max3A_425 = arith.maximumf %max3A_398, %get3A_424 : vector<16xf32>
            scf.yield %max3A_407, %max3A_413, %max3A_419, %max3A_425 : vector<16xf32>, vector<16xf32>, vector<16xf32>, vector<16xf32>
          }
          %scan3A_233 = arith.constant 20 : i32
          %max3A = arith.maximumf %scan3A_232#0, %scan3A_232#1 : vector<16xf32>
          %max3A_234 = arith.maximumf %scan3A_232#2, %scan3A_232#3 : vector<16xf32>
          %max3A_235 = arith.maximumf %max3A, %max3A_234 : vector<16xf32>
          %reduce_max3A_236 = arith.constant true
          %reduce_max3A_237 = vector.broadcast %reduce_max3A_236 : i1 to vector<16xi1>
          %reduce_max3A_238 = tpu.scan <max>, %max3A_235 masked %reduce_max3A_237 : vector<16xf32>, vector<16xi1> -> vector<16xf32>
          %reduce_max3A_239 = vector.extract %reduce_max3A_238[15] : f32 from vector<16xf32>
          %mul3A_240 = arith.mulf %reduce_max3A_223, %reduce_max3A_239 : f32
          %mul3A_241 = arith.constant 3 : i32
          %mul3A_242 = arith.muli %mul3A_116, %mul3A_241 : i32
          %add3A_243 = arith.addi %mul3A_242, %scan3A_159 : i32
          %mul3A_244 = arith.constant 8 : i32
          %mul3A_245 = arith.muli %add3A_243, %mul3A_244 : i32
          %add3A_246 = arith.addi %mul3A_245, %scan3A_167 : i32
          %jit3A_247 = arith.constant 16 : i32
          %eq3A_248 = arith.constant 0 : i32
          %eq3A_249 = arith.cmpi eq, %jit3A_247, %eq3A_248 : i32
          %jit3A_250 = arith.constant 1 : i32
          %select_n3A_251 = arith.select %eq3A_249, %jit3A_250, %jit3A_247 : i32
          %rem3A_252 = arith.remsi %add3A_246, %select_n3A_251 : i32
          %ne3A_253 = arith.constant 0 : i32
          %ne3A_254 = arith.cmpi ne, %rem3A_252, %ne3A_253 : i32
          %lt3A_255 = arith.constant 0 : i32
          %lt3A_256 = arith.cmpi slt, %rem3A_252, %lt3A_255 : i32
          %lt3A_257 = arith.constant 0 : i32
          %lt3A_258 = arith.cmpi slt, %select_n3A_251, %lt3A_257 : i32
          %ne3A_259 = arith.xori %lt3A_256, %lt3A_258 : i1
          %and3A_260 = arith.andi %ne3A_259, %ne3A_254 : i1
          %add3A_261 = arith.addi %rem3A_252, %select_n3A_251 : i32
          %select_n3A_262 = arith.select %and3A_260, %add3A_261, %rem3A_252 : i32
          %eq3A_263 = vector.broadcast %select_n3A_262 : i32 to vector<16xi32>
          %eq3A_264 = arith.cmpi eq, %iota3A, %eq3A_263 : vector<16xi32>
          %broadcast_in_dim3A_265 = vector.broadcast %mul3A_240 : f32 to vector<16xf32>
          %select_n3A_266 = arith.select %eq3A_264, %broadcast_in_dim3A_265, %scan3A_168 : vector<16xi1>, vector<16xf32>
          %jit3A_267 = arith.constant 16 : i32
          %eq3A_268 = arith.constant 0 : i32
          %eq3A_269 = arith.cmpi eq, %jit3A_267, %eq3A_268 : i32
          %jit3A_270 = arith.constant 1 : i32
          %select_n3A_271 = arith.select %eq3A_269, %jit3A_270, %jit3A_267 : i32
          %rem3A_272 = arith.remsi %add3A_246, %select_n3A_271 : i32
          %ne3A_273 = arith.constant 0 : i32
          %ne3A_274 = arith.cmpi ne, %rem3A_272, %ne3A_273 : i32
          %lt3A_275 = arith.constant 0 : i32
          %lt3A_276 = arith.cmpi slt, %rem3A_272, %lt3A_275 : i32
          %lt3A_277 = arith.constant 0 : i32
          %lt3A_278 = arith.cmpi slt, %select_n3A_271, %lt3A_277 : i32
          %ne3A_279 = arith.xori %lt3A_276, %lt3A_278 : i1
          %and3A_280 = arith.andi %ne3A_279, %ne3A_274 : i1
          %add3A_281 = arith.addi %rem3A_272, %select_n3A_271 : i32
          %select_n3A_282 = arith.select %and3A_280, %add3A_281, %rem3A_272 : i32
          %eq3A_283 = arith.constant 15 : i32
          %eq3A_284 = arith.cmpi eq, %select_n3A_282, %eq3A_283 : i32
          %convert_element_type3A_285 = arith.extui %eq3A_284 : i1 to i32
          %cond3A_286 = arith.constant 0 : i32
          %cond3A_287 = arith.cmpi ne, %convert_element_type3A_285, %cond3A_286 : i32
          scf.if %cond3A_287 {
            %jit3A_288 = arith.constant 16 : i32
            %div3A_289 = arith.divsi %add3A_246, %jit3A_288 : i32
            %sign3A_290 = arith.constant 0 : i32
            %sign3A_291 = arith.cmpi sgt, %add3A_246, %sign3A_290 : i32
            %sign3A_292 = arith.extui %sign3A_291 : i1 to i32
            %sign3A_293 = arith.constant 0 : i32
            %sign3A_294 = arith.cmpi slt, %add3A_246, %sign3A_293 : i32
            %sign3A_295 = arith.extui %sign3A_294 : i1 to i32
            %sign3A_296 = arith.subi %sign3A_292, %sign3A_295 : i32
            %sign3A_297 = arith.constant 0 : i32
            %sign3A_298 = arith.cmpi sgt, %jit3A_288, %sign3A_297 : i32
            %sign3A_299 = arith.extui %sign3A_298 : i1 to i32
            %sign3A_300 = arith.constant 0 : i32
            %sign3A_301 = arith.cmpi slt, %jit3A_288, %sign3A_300 : i32
            %sign3A_302 = arith.extui %sign3A_301 : i1 to i32
            %sign3A_303 = arith.subi %sign3A_299, %sign3A_302 : i32
            %ne3A_304 = arith.cmpi ne, %sign3A_296, %sign3A_303 : i32
            %rem3A_305 = arith.remsi %add3A_246, %jit3A_288 : i32
            %ne3A_306 = arith.constant 0 : i32
            %ne3A_307 = arith.cmpi ne, %rem3A_305, %ne3A_306 : i32
            %and3A_308 = arith.andi %ne3A_304, %ne3A_307 : i1
            %sub3A_309 = arith.constant 1 : i32
            %sub3A_310 = arith.subi %div3A_289, %sub3A_309 : i32
            %select_n3A_311 = arith.select %and3A_308, %sub3A_310, %div3A_289 : i32
            %mul3A_312 = arith.constant 16 : i32
            %mul3A_313 = arith.muli %select_n3A_311, %mul3A_312 : i32
            %swap3A_314 = arith.index_cast %mul3A_313 : i32 to index
            %swap3A_315 = tpu.vector_load %arg13[%swap3A_314] {strides = array<i32>} : memref<640xf32, #tpu.memory_space<vmem>>, vector<16xf32>,
            tpu.vector_store %arg13[%swap3A_314], %select_n3A_266 {strides = array<i32>} : memref<640xf32, #tpu.memory_space<vmem>>, vector<16xf32>,
          } else {
          }
          scf.yield %select_n3A_266 : vector<16xf32>
        }
        %scan3A_166 = arith.constant 8 : i32
        scf.yield %scan3A_165 : vector<16xf32>
      }
      %scan3A_139 = arith.constant 3 : i32
      %lt3A_140 = arith.constant 12 : i32
      %lt3A_141 = arith.cmpi slt, %scan3A_113, %lt3A_140 : i32
      %convert_element_type3A_142 = arith.extui %lt3A_141 : i1 to i32
      %cond3A_143 = arith.constant 0 : i32
      %cond3A_144 = arith.cmpi ne, %convert_element_type3A_142, %cond3A_143 : i32
      scf.if %cond3A_144 {
        %add3A_159 = arith.constant 2 : i32
        %add3A_160 = arith.addi %mul3A_116, %add3A_159 : i32
        %mul3A_161 = arith.constant 8 : i32
        %mul3A_162 = arith.muli %select_n3A_28, %mul3A_161 : i32
        %mul3A_163 = arith.constant 3840 : i32
        %mul3A_164 = arith.muli %add3A_160, %mul3A_163 : i32
        %dma_start3A_165 = tpu.memref_slice %arg2[%add3A_30, %mul3A_162, %mul3A_164] : memref<8x32x100000xf32, #tpu.memory_space<hbm>> -> memref<1x8x3840xf32, #tpu.memory_space<hbm>>
        %dma_start3A_166 = tpu.memref_squeeze %dma_start3A_165 : memref<1x8x3840xf32, #tpu.memory_space<hbm>> -> memref<8x3840xf32, #tpu.memory_space<hbm>>
        %dma_start3A_167 = tpu.memref_slice %arg2[%add3A_30, %mul3A_162, %mul3A_164] : memref<8x32x100000xf32, #tpu.memory_space<hbm>> -> memref<1x8x3840xf32, #tpu.memory_space<hbm>>
        %dma_start3A_168 = tpu.memref_squeeze %dma_start3A_167 : memref<1x8x3840xf32, #tpu.memory_space<hbm>> -> memref<8x3840xf32, #tpu.memory_space<hbm>>
        tpu.enqueue_dma source(%dma_start3A_168 : memref<8x3840xf32, #tpu.memory_space<hbm>>) target(%arg7 : memref<8x3840xf32, #tpu.memory_space<vmem>>) target_semaphore(%arg36 : memref<!tpu.dma_semaphore, #tpu.memory_space<semaphore_mem>>)
      } else {
      }
      %mul3A_145 = arith.constant 8 : i32
      %mul3A_146 = arith.muli %select_n3A_28, %mul3A_145 : i32
      %mul3A_147 = arith.constant 3840 : i32
      %mul3A_148 = arith.muli %add3A_118, %mul3A_147 : i32
      %dma_wait3A_149 = tpu.memref_slice %arg2[%add3A_30, %mul3A_146, %mul3A_148] : memref<8x32x100000xf32, #tpu.memory_space<hbm>> -> memref<1x8x3840xf32, #tpu.memory_space<hbm>>
      %dma_wait3A_150 = tpu.memref_squeeze %dma_wait3A_149 : memref<1x8x3840xf32, #tpu.memory_space<hbm>> -> memref<8x3840xf32, #tpu.memory_space<hbm>>
      %dma_wait3A_151 = tpu.memref_slice %arg2[%add3A_30, %mul3A_146, %mul3A_148] : memref<8x32x100000xf32, #tpu.memory_space<hbm>> -> memref<1x8x3840xf32, #tpu.memory_space<hbm>>
      %dma_wait3A_152 = tpu.memref_squeeze %dma_wait3A_151 : memref<1x8x3840xf32, #tpu.memory_space<hbm>> -> memref<8x3840xf32, #tpu.memory_space<hbm>>
      tpu.wait_dma2 semaphore(%arg37 : memref<!tpu.dma_semaphore, #tpu.memory_space<semaphore_mem>>) src(%dma_wait3A_152 : memref<8x3840xf32, #tpu.memory_space<hbm>>) dst(%arg8 : memref<8x3840xf32, #tpu.memory_space<vmem>>)
      %scan3A_153 = arith.constant 0 : i32
      %scan3A_154 = arith.constant 3 : i32
      %scan3A_155 = arith.addi %scan3A_153, %scan3A_154 : i32
      %scan3A_156 = arith.constant 1 : i32
      %scan3A_157 = scf.for %scan3A_159 = %scan3A_153 to %scan3A_155 step %scan3A_156 iter_args(%scan3A_160 = %scan3A_138) -> (vector<16xf32>)  : i32 {
        %scan3A_161 = arith.constant 0 : i32
        %scan3A_162 = arith.constant 8 : i32
        %scan3A_163 = arith.addi %scan3A_161, %scan3A_162 : i32
        %scan3A_164 = arith.constant 1 : i32
        %scan3A_165 = scf.for %scan3A_167 = %scan3A_161 to %scan3A_163 step %scan3A_164 iter_args(%scan3A_168 = %scan3A_160) -> (vector<16xf32>)  : i32 {
          %mul3A_169 = arith.constant 8 : i32
          %mul3A_170 = arith.muli %select_n3A_28, %mul3A_169 : i32
          %add3A_171 = arith.addi %mul3A_170, %scan3A_167 : i32
          %jit3A_172 = arith.constant 16 : i32
          %div3A_173 = arith.divsi %add3A_171, %jit3A_172 : i32
          %sign3A_174 = arith.constant 0 : i32
          %sign3A_175 = arith.cmpi sgt, %add3A_171, %sign3A_174 : i32
          %sign3A_176 = arith.extui %sign3A_175 : i1 to i32
          %sign3A_177 = arith.constant 0 : i32
          %sign3A_178 = arith.cmpi slt, %add3A_171, %sign3A_177 : i32
          %sign3A_179 = arith.extui %sign3A_178 : i1 to i32
          %sign3A_180 = arith.subi %sign3A_176, %sign3A_179 : i32
          %sign3A_181 = arith.constant 0 : i32
          %sign3A_182 = arith.cmpi sgt, %jit3A_172, %sign3A_181 : i32
          %sign3A_183 = arith.extui %sign3A_182 : i1 to i32
          %sign3A_184 = arith.constant 0 : i32
          %sign3A_185 = arith.cmpi slt, %jit3A_172, %sign3A_184 : i32
          %sign3A_186 = arith.extui %sign3A_185 : i1 to i32
          %sign3A_187 = arith.subi %sign3A_183, %sign3A_186 : i32
          %ne3A_188 = arith.cmpi ne, %sign3A_180, %sign3A_187 : i32
          %rem3A_189 = arith.remsi %add3A_171, %jit3A_172 : i32
          %ne3A_190 = arith.constant 0 : i32
          %ne3A_191 = arith.cmpi ne, %rem3A_189, %ne3A_190 : i32
          %and3A_192 = arith.andi %ne3A_188, %ne3A_191 : i1
          %sub3A_193 = arith.constant 1 : i32
          %sub3A_194 = arith.subi %div3A_173, %sub3A_193 : i32
          %select_n3A_195 = arith.select %and3A_192, %sub3A_194, %div3A_173 : i32
          %mul3A_196 = arith.constant 16 : i32
          %mul3A_197 = arith.muli %select_n3A_195, %mul3A_196 : i32
          %get3A_198 = arith.index_cast %mul3A_197 : i32 to index
          %get3A_199 = tpu.vector_load %arg12[%get3A_198] {strides = array<i32>} : memref<32xf32, #tpu.memory_space<vmem>>, vector<16xf32>,
          %jit3A_200 = arith.constant 16 : i32
          %eq3A_201 = arith.constant 0 : i32
          %eq3A_202 = arith.cmpi eq, %jit3A_200, %eq3A_201 : i32
          %jit3A_203 = arith.constant 1 : i32
          %select_n3A_204 = arith.select %eq3A_202, %jit3A_203, %jit3A_200 : i32
          %rem3A_205 = arith.remsi %add3A_171, %select_n3A_204 : i32
          %ne3A_206 = arith.constant 0 : i32
          %ne3A_207 = arith.cmpi ne, %rem3A_205, %ne3A_206 : i32
          %lt3A_208 = arith.constant 0 : i32
          %lt3A_209 = arith.cmpi slt, %rem3A_205, %lt3A_208 : i32
          %lt3A_210 = arith.constant 0 : i32
          %lt3A_211 = arith.cmpi slt, %select_n3A_204, %lt3A_210 : i32
          %ne3A_212 = arith.xori %lt3A_209, %lt3A_211 : i1
          %and3A_213 = arith.andi %ne3A_212, %ne3A_207 : i1
          %add3A_214 = arith.addi %rem3A_205, %select_n3A_204 : i32
          %select_n3A_215 = arith.select %and3A_213, %add3A_214, %rem3A_205 : i32
          %eq3A_216 = vector.broadcast %select_n3A_215 : i32 to vector<16xi32>
          %eq3A_217 = arith.cmpi eq, %iota3A, %eq3A_216 : vector<16xi32>
          %jit3A_218 = arith.constant -1.000000e+00 : f32
          %broadcast_in_dim3A_219 = vector.broadcast %jit3A_218 : f32 to vector<16xf32>
          %select_n3A_220 = arith.select %eq3A_217, %get3A_199, %broadcast_in_dim3A_219 : vector<16xi1>, vector<16xf32>
          %reduce_max3A = arith.constant true
          %reduce_max3A_221 = vector.broadcast %reduce_max3A : i1 to vector<16xi1>
          %reduce_max3A_222 = tpu.scan <max>, %select_n3A_220 masked %reduce_max3A_221 : vector<16xf32>, vector<16xi1> -> vector<16xf32>
          %reduce_max3A_223 = vector.extract %reduce_max3A_222[15] : f32 from vector<16xf32>
          %mul3A_224 = arith.constant 1280 : i32
          %mul3A_225 = arith.muli %scan3A_159, %mul3A_224 : i32
          %broadcast_in_dim3A_226 = arith.constant -1.000000e+00 : f32
          %broadcast_in_dim3A_227 = vector.broadcast %broadcast_in_dim3A_226 : f32 to vector<16xf32>
          %scan3A_228 = arith.constant 0 : i32
          %scan3A_229 = arith.constant 20 : i32
          %scan3A_230 = arith.addi %scan3A_228, %scan3A_229 : i32
          %scan3A_231 = arith.constant 5 : i32
          %scan3A_232:4 = scf.for %scan3A_288 = %scan3A_228 to %scan3A_230 step %scan3A_231 iter_args(%scan3A_289 = %broadcast_in_dim3A_227, %scan3A_290 = %broadcast_in_dim3A_227, %scan3A_291 = %broadcast_in_dim3A_227, %scan3A_292 = %broadcast_in_dim3A_227) -> (vector<16xf32>, vector<16xf32>, vector<16xf32>, vector<16xf32>)  : i32 {
            %mul3A_293 = arith.constant 64 : i32
            %mul3A_294 = arith.muli %scan3A_288, %mul3A_293 : i32
            %add3A_295 = arith.addi %mul3A_225, %mul3A_294 : i32
            %get3A_296 = arith.index_cast %scan3A_167 : i32 to index
            %get3A_297 = arith.index_cast %add3A_295 : i32 to index
            %get3A_298 = tpu.vector_load %arg8[%get3A_296, %get3A_297] {strides = array<i32>} : memref<8x3840xf32, #tpu.memory_space<vmem>>, vector<16xf32>,
            %max3A_299 = arith.maximumf %scan3A_289, %get3A_298 : vector<16xf32>
            %add3A_300 = arith.constant 16 : i32
            %add3A_301 = arith.addi %add3A_295, %add3A_300 : i32
            %get3A_302 = arith.index_cast %scan3A_167 : i32 to index
            %get3A_303 = arith.index_cast %add3A_301 : i32 to index
            %get3A_304 = tpu.vector_load %arg8[%get3A_302, %get3A_303] {strides = array<i32>} : memref<8x3840xf32, #tpu.memory_space<vmem>>, vector<16xf32>,
            %max3A_305 = arith.maximumf %scan3A_290, %get3A_304 : vector<16xf32>
            %add3A_306 = arith.constant 32 : i32
            %add3A_307 = arith.addi %add3A_295, %add3A_306 : i32
            %get3A_308 = arith.index_cast %scan3A_167 : i32 to index
            %get3A_309 = arith.index_cast %add3A_307 : i32 to index
            %get3A_310 = tpu.vector_load %arg8[%get3A_308, %get3A_309] {strides = array<i32>} : memref<8x3840xf32, #tpu.memory_space<vmem>>, vector<16xf32>,
            %max3A_311 = arith.maximumf %scan3A_291, %get3A_310 : vector<16xf32>
            %add3A_312 = arith.constant 48 : i32
            %add3A_313 = arith.addi %add3A_295, %add3A_312 : i32
            %get3A_314 = arith.index_cast %scan3A_167 : i32 to index
            %get3A_315 = arith.index_cast %add3A_313 : i32 to index
            %get3A_316 = tpu.vector_load %arg8[%get3A_314, %get3A_315] {strides = array<i32>} : memref<8x3840xf32, #tpu.memory_space<vmem>>, vector<16xf32>,
            %max3A_317 = arith.maximumf %scan3A_292, %get3A_316 : vector<16xf32>
            %scan3A_318 = arith.constant 1 : i32
            %scan3A_319 = arith.addi %scan3A_288, %scan3A_318 : i32
            %mul3A_320 = arith.constant 64 : i32
            %mul3A_321 = arith.muli %scan3A_319, %mul3A_320 : i32
            %add3A_322 = arith.addi %mul3A_225, %mul3A_321 : i32
            %get3A_323 = arith.index_cast %scan3A_167 : i32 to index
            %get3A_324 = arith.index_cast %add3A_322 : i32 to index
            %get3A_325 = tpu.vector_load %arg8[%get3A_323, %get3A_324] {strides = array<i32>} : memref<8x3840xf32, #tpu.memory_space<vmem>>, vector<16xf32>,
            %max3A_326 = arith.maximumf %max3A_299, %get3A_325 : vector<16xf32>
            %add3A_327 = arith.constant 16 : i32
            %add3A_328 = arith.addi %add3A_322, %add3A_327 : i32
            %get3A_329 = arith.index_cast %scan3A_167 : i32 to index
            %get3A_330 = arith.index_cast %add3A_328 : i32 to index
            %get3A_331 = tpu.vector_load %arg8[%get3A_329, %get3A_330] {strides = array<i32>} : memref<8x3840xf32, #tpu.memory_space<vmem>>, vector<16xf32>,
            %max3A_332 = arith.maximumf %max3A_305, %get3A_331 : vector<16xf32>
            %add3A_333 = arith.constant 32 : i32
            %add3A_334 = arith.addi %add3A_322, %add3A_333 : i32
            %get3A_335 = arith.index_cast %scan3A_167 : i32 to index
            %get3A_336 = arith.index_cast %add3A_334 : i32 to index
            %get3A_337 = tpu.vector_load %arg8[%get3A_335, %get3A_336] {strides = array<i32>} : memref<8x3840xf32, #tpu.memory_space<vmem>>, vector<16xf32>,
            %max3A_338 = arith.maximumf %max3A_311, %get3A_337 : vector<16xf32>
            %add3A_339 = arith.constant 48 : i32
            %add3A_340 = arith.addi %add3A_322, %add3A_339 : i32
            %get3A_341 = arith.index_cast %scan3A_167 : i32 to index
            %get3A_342 = arith.index_cast %add3A_340 : i32 to index
            %get3A_343 = tpu.vector_load %arg8[%get3A_341, %get3A_342] {strides = array<i32>} : memref<8x3840xf32, #tpu.memory_space<vmem>>, vector<16xf32>,
            %max3A_344 = arith.maximumf %max3A_317, %get3A_343 : vector<16xf32>
            %scan3A_345 = arith.constant 2 : i32
            %scan3A_346 = arith.addi %scan3A_288, %scan3A_345 : i32
            %mul3A_347 = arith.constant 64 : i32
            %mul3A_348 = arith.muli %scan3A_346, %mul3A_347 : i32
            %add3A_349 = arith.addi %mul3A_225, %mul3A_348 : i32
            %get3A_350 = arith.index_cast %scan3A_167 : i32 to index
            %get3A_351 = arith.index_cast %add3A_349 : i32 to index
            %get3A_352 = tpu.vector_load %arg8[%get3A_350, %get3A_351] {strides = array<i32>} : memref<8x3840xf32, #tpu.memory_space<vmem>>, vector<16xf32>,
            %max3A_353 = arith.maximumf %max3A_326, %get3A_352 : vector<16xf32>
            %add3A_354 = arith.constant 16 : i32
            %add3A_355 = arith.addi %add3A_349, %add3A_354 : i32
            %get3A_356 = arith.index_cast %scan3A_167 : i32 to index
            %get3A_357 = arith.index_cast %add3A_355 : i32 to index
            %get3A_358 = tpu.vector_load %arg8[%get3A_356, %get3A_357] {strides = array<i32>} : memref<8x3840xf32, #tpu.memory_space<vmem>>, vector<16xf32>,
            %max3A_359 = arith.maximumf %max3A_332, %get3A_358 : vector<16xf32>
            %add3A_360 = arith.constant 32 : i32
            %add3A_361 = arith.addi %add3A_349, %add3A_360 : i32
            %get3A_362 = arith.index_cast %scan3A_167 : i32 to index
            %get3A_363 = arith.index_cast %add3A_361 : i32 to index
            %get3A_364 = tpu.vector_load %arg8[%get3A_362, %get3A_363] {strides = array<i32>} : memref<8x3840xf32, #tpu.memory_space<vmem>>, vector<16xf32>,
            %max3A_365 = arith.maximumf %max3A_338, %get3A_364 : vector<16xf32>
            %add3A_366 = arith.constant 48 : i32
            %add3A_367 = arith.addi %add3A_349, %add3A_366 : i32
            %get3A_368 = arith.index_cast %scan3A_167 : i32 to index
            %get3A_369 = arith.index_cast %add3A_367 : i32 to index
            %get3A_370 = tpu.vector_load %arg8[%get3A_368, %get3A_369] {strides = array<i32>} : memref<8x3840xf32, #tpu.memory_space<vmem>>, vector<16xf32>,
            %max3A_371 = arith.maximumf %max3A_344, %get3A_370 : vector<16xf32>
            %scan3A_372 = arith.constant 3 : i32
            %scan3A_373 = arith.addi %scan3A_288, %scan3A_372 : i32
            %mul3A_374 = arith.constant 64 : i32
            %mul3A_375 = arith.muli %scan3A_373, %mul3A_374 : i32
            %add3A_376 = arith.addi %mul3A_225, %mul3A_375 : i32
            %get3A_377 = arith.index_cast %scan3A_167 : i32 to index
            %get3A_378 = arith.index_cast %add3A_376 : i32 to index
            %get3A_379 = tpu.vector_load %arg8[%get3A_377, %get3A_378] {strides = array<i32>} : memref<8x3840xf32, #tpu.memory_space<vmem>>, vector<16xf32>,
            %max3A_380 = arith.maximumf %max3A_353, %get3A_379 : vector<16xf32>
            %add3A_381 = arith.constant 16 : i32
            %add3A_382 = arith.addi %add3A_376, %add3A_381 : i32
            %get3A_383 = arith.index_cast %scan3A_167 : i32 to index
            %get3A_384 = arith.index_cast %add3A_382 : i32 to index
            %get3A_385 = tpu.vector_load %arg8[%get3A_383, %get3A_384] {strides = array<i32>} : memref<8x3840xf32, #tpu.memory_space<vmem>>, vector<16xf32>,
            %max3A_386 = arith.maximumf %max3A_359, %get3A_385 : vector<16xf32>
            %add3A_387 = arith.constant 32 : i32
            %add3A_388 = arith.addi %add3A_376, %add3A_387 : i32
            %get3A_389 = arith.index_cast %scan3A_167 : i32 to index
            %get3A_390 = arith.index_cast %add3A_388 : i32 to index
            %get3A_391 = tpu.vector_load %arg8[%get3A_389, %get3A_390] {strides = array<i32>} : memref<8x3840xf32, #tpu.memory_space<vmem>>, vector<16xf32>,
            %max3A_392 = arith.maximumf %max3A_365, %get3A_391 : vector<16xf32>
            %add3A_393 = arith.constant 48 : i32
            %add3A_394 = arith.addi %add3A_376, %add3A_393 : i32
            %get3A_395 = arith.index_cast %scan3A_167 : i32 to index
            %get3A_396 = arith.index_cast %add3A_394 : i32 to index
            %get3A_397 = tpu.vector_load %arg8[%get3A_395, %get3A_396] {strides = array<i32>} : memref<8x3840xf32, #tpu.memory_space<vmem>>, vector<16xf32>,
            %max3A_398 = arith.maximumf %max3A_371, %get3A_397 : vector<16xf32>
            %scan3A_399 = arith.constant 4 : i32
            %scan3A_400 = arith.addi %scan3A_288, %scan3A_399 : i32
            %mul3A_401 = arith.constant 64 : i32
            %mul3A_402 = arith.muli %scan3A_400, %mul3A_401 : i32
            %add3A_403 = arith.addi %mul3A_225, %mul3A_402 : i32
            %get3A_404 = arith.index_cast %scan3A_167 : i32 to index
            %get3A_405 = arith.index_cast %add3A_403 : i32 to index
            %get3A_406 = tpu.vector_load %arg8[%get3A_404, %get3A_405] {strides = array<i32>} : memref<8x3840xf32, #tpu.memory_space<vmem>>, vector<16xf32>,
            %max3A_407 = arith.maximumf %max3A_380, %get3A_406 : vector<16xf32>
            %add3A_408 = arith.constant 16 : i32
            %add3A_409 = arith.addi %add3A_403, %add3A_408 : i32
            %get3A_410 = arith.index_cast %scan3A_167 : i32 to index
            %get3A_411 = arith.index_cast %add3A_409 : i32 to index
            %get3A_412 = tpu.vector_load %arg8[%get3A_410, %get3A_411] {strides = array<i32>} : memref<8x3840xf32, #tpu.memory_space<vmem>>, vector<16xf32>,
            %max3A_413 = arith.maximumf %max3A_386, %get3A_412 : vector<16xf32>
            %add3A_414 = arith.constant 32 : i32
            %add3A_415 = arith.addi %add3A_403, %add3A_414 : i32
            %get3A_416 = arith.index_cast %scan3A_167 : i32 to index
            %get3A_417 = arith.index_cast %add3A_415 : i32 to index
            %get3A_418 = tpu.vector_load %arg8[%get3A_416, %get3A_417] {strides = array<i32>} : memref<8x3840xf32, #tpu.memory_space<vmem>>, vector<16xf32>,
            %max3A_419 = arith.maximumf %max3A_392, %get3A_418 : vector<16xf32>
            %add3A_420 = arith.constant 48 : i32
            %add3A_421 = arith.addi %add3A_403, %add3A_420 : i32
            %get3A_422 = arith.index_cast %scan3A_167 : i32 to index
            %get3A_423 = arith.index_cast %add3A_421 : i32 to index
            %get3A_424 = tpu.vector_load %arg8[%get3A_422, %get3A_423] {strides = array<i32>} : memref<8x3840xf32, #tpu.memory_space<vmem>>, vector<16xf32>,
            %max3A_425 = arith.maximumf %max3A_398, %get3A_424 : vector<16xf32>
            scf.yield %max3A_407, %max3A_413, %max3A_419, %max3A_425 : vector<16xf32>, vector<16xf32>, vector<16xf32>, vector<16xf32>
          }
          %scan3A_233 = arith.constant 20 : i32
          %max3A = arith.maximumf %scan3A_232#0, %scan3A_232#1 : vector<16xf32>
          %max3A_234 = arith.maximumf %scan3A_232#2, %scan3A_232#3 : vector<16xf32>
          %max3A_235 = arith.maximumf %max3A, %max3A_234 : vector<16xf32>
          %reduce_max3A_236 = arith.constant true
          %reduce_max3A_237 = vector.broadcast %reduce_max3A_236 : i1 to vector<16xi1>
          %reduce_max3A_238 = tpu.scan <max>, %max3A_235 masked %reduce_max3A_237 : vector<16xf32>, vector<16xi1> -> vector<16xf32>
          %reduce_max3A_239 = vector.extract %reduce_max3A_238[15] : f32 from vector<16xf32>
          %mul3A_240 = arith.mulf %reduce_max3A_223, %reduce_max3A_239 : f32
          %mul3A_241 = arith.constant 3 : i32
          %mul3A_242 = arith.muli %add3A_118, %mul3A_241 : i32
          %add3A_243 = arith.addi %mul3A_242, %scan3A_159 : i32
          %mul3A_244 = arith.constant 8 : i32
          %mul3A_245 = arith.muli %add3A_243, %mul3A_244 : i32
          %add3A_246 = arith.addi %mul3A_245, %scan3A_167 : i32
          %jit3A_247 = arith.constant 16 : i32
          %eq3A_248 = arith.constant 0 : i32
          %eq3A_249 = arith.cmpi eq, %jit3A_247, %eq3A_248 : i32
          %jit3A_250 = arith.constant 1 : i32
          %select_n3A_251 = arith.select %eq3A_249, %jit3A_250, %jit3A_247 : i32
          %rem3A_252 = arith.remsi %add3A_246, %select_n3A_251 : i32
          %ne3A_253 = arith.constant 0 : i32
          %ne3A_254 = arith.cmpi ne, %rem3A_252, %ne3A_253 : i32
          %lt3A_255 = arith.constant 0 : i32
          %lt3A_256 = arith.cmpi slt, %rem3A_252, %lt3A_255 : i32
          %lt3A_257 = arith.constant 0 : i32
          %lt3A_258 = arith.cmpi slt, %select_n3A_251, %lt3A_257 : i32
          %ne3A_259 = arith.xori %lt3A_256, %lt3A_258 : i1
          %and3A_260 = arith.andi %ne3A_259, %ne3A_254 : i1
          %add3A_261 = arith.addi %rem3A_252, %select_n3A_251 : i32
          %select_n3A_262 = arith.select %and3A_260, %add3A_261, %rem3A_252 : i32
          %eq3A_263 = vector.broadcast %select_n3A_262 : i32 to vector<16xi32>
          %eq3A_264 = arith.cmpi eq, %iota3A, %eq3A_263 : vector<16xi32>
          %broadcast_in_dim3A_265 = vector.broadcast %mul3A_240 : f32 to vector<16xf32>
          %select_n3A_266 = arith.select %eq3A_264, %broadcast_in_dim3A_265, %scan3A_168 : vector<16xi1>, vector<16xf32>
          %jit3A_267 = arith.constant 16 : i32
          %eq3A_268 = arith.constant 0 : i32
          %eq3A_269 = arith.cmpi eq, %jit3A_267, %eq3A_268 : i32
          %jit3A_270 = arith.constant 1 : i32
          %select_n3A_271 = arith.select %eq3A_269, %jit3A_270, %jit3A_267 : i32
          %rem3A_272 = arith.remsi %add3A_246, %select_n3A_271 : i32
          %ne3A_273 = arith.constant 0 : i32
          %ne3A_274 = arith.cmpi ne, %rem3A_272, %ne3A_273 : i32
          %lt3A_275 = arith.constant 0 : i32
          %lt3A_276 = arith.cmpi slt, %rem3A_272, %lt3A_275 : i32
          %lt3A_277 = arith.constant 0 : i32
          %lt3A_278 = arith.cmpi slt, %select_n3A_271, %lt3A_277 : i32
          %ne3A_279 = arith.xori %lt3A_276, %lt3A_278 : i1
          %and3A_280 = arith.andi %ne3A_279, %ne3A_274 : i1
          %add3A_281 = arith.addi %rem3A_272, %select_n3A_271 : i32
          %select_n3A_282 = arith.select %and3A_280, %add3A_281, %rem3A_272 : i32
          %eq3A_283 = arith.constant 15 : i32
          %eq3A_284 = arith.cmpi eq, %select_n3A_282, %eq3A_283 : i32
          %convert_element_type3A_285 = arith.extui %eq3A_284 : i1 to i32
          %cond3A_286 = arith.constant 0 : i32
          %cond3A_287 = arith.cmpi ne, %convert_element_type3A_285, %cond3A_286 : i32
          scf.if %cond3A_287 {
            %jit3A_288 = arith.constant 16 : i32
            %div3A_289 = arith.divsi %add3A_246, %jit3A_288 : i32
            %sign3A_290 = arith.constant 0 : i32
            %sign3A_291 = arith.cmpi sgt, %add3A_246, %sign3A_290 : i32
            %sign3A_292 = arith.extui %sign3A_291 : i1 to i32
            %sign3A_293 = arith.constant 0 : i32
            %sign3A_294 = arith.cmpi slt, %add3A_246, %sign3A_293 : i32
            %sign3A_295 = arith.extui %sign3A_294 : i1 to i32
            %sign3A_296 = arith.subi %sign3A_292, %sign3A_295 : i32
            %sign3A_297 = arith.constant 0 : i32
            %sign3A_298 = arith.cmpi sgt, %jit3A_288, %sign3A_297 : i32
            %sign3A_299 = arith.extui %sign3A_298 : i1 to i32
            %sign3A_300 = arith.constant 0 : i32
            %sign3A_301 = arith.cmpi slt, %jit3A_288, %sign3A_300 : i32
            %sign3A_302 = arith.extui %sign3A_301 : i1 to i32
            %sign3A_303 = arith.subi %sign3A_299, %sign3A_302 : i32
            %ne3A_304 = arith.cmpi ne, %sign3A_296, %sign3A_303 : i32
            %rem3A_305 = arith.remsi %add3A_246, %jit3A_288 : i32
            %ne3A_306 = arith.constant 0 : i32
            %ne3A_307 = arith.cmpi ne, %rem3A_305, %ne3A_306 : i32
            %and3A_308 = arith.andi %ne3A_304, %ne3A_307 : i1
            %sub3A_309 = arith.constant 1 : i32
            %sub3A_310 = arith.subi %div3A_289, %sub3A_309 : i32
            %select_n3A_311 = arith.select %and3A_308, %sub3A_310, %div3A_289 : i32
            %mul3A_312 = arith.constant 16 : i32
            %mul3A_313 = arith.muli %select_n3A_311, %mul3A_312 : i32
            %swap3A_314 = arith.index_cast %mul3A_313 : i32 to index
            %swap3A_315 = tpu.vector_load %arg13[%swap3A_314] {strides = array<i32>} : memref<640xf32, #tpu.memory_space<vmem>>, vector<16xf32>,
            tpu.vector_store %arg13[%swap3A_314], %select_n3A_266 {strides = array<i32>} : memref<640xf32, #tpu.memory_space<vmem>>, vector<16xf32>,
          } else {
          }
          scf.yield %select_n3A_266 : vector<16xf32>
        }
        %scan3A_166 = arith.constant 8 : i32
        scf.yield %scan3A_165 : vector<16xf32>
      }
      %scan3A_158 = arith.constant 3 : i32
      scf.yield %scan3A_157 : vector<16xf32>
    }
    %scan3A_45 = arith.constant 13 : i32
    %mul3A_46 = arith.constant 8 : i32
    %mul3A_47 = arith.muli %select_n3A_28, %mul3A_46 : i32
    "tpu.region"() ({
      %run_scoped3A = tpu.sem_alloc : memref<!tpu.dma_semaphore, #tpu.memory_space<semaphore_mem>>
      %dma_start3A_113 = arith.constant 99840 : i32
      %dma_start3A_114 = tpu.memref_slice %arg2[%add3A_30, %mul3A_47, %dma_start3A_113] : memref<8x32x100000xf32, #tpu.memory_space<hbm>> -> memref<1x8x160xf32, #tpu.memory_space<hbm>>
      %dma_start3A_115 = tpu.memref_squeeze %dma_start3A_114 : memref<1x8x160xf32, #tpu.memory_space<hbm>> -> memref<8x160xf32, #tpu.memory_space<hbm>>
      %dma_start3A_116 = arith.constant 99840 : i32
      %dma_start3A_117 = tpu.memref_slice %arg2[%add3A_30, %mul3A_47, %dma_start3A_116] : memref<8x32x100000xf32, #tpu.memory_space<hbm>> -> memref<1x8x160xf32, #tpu.memory_space<hbm>>
      %dma_start3A_118 = tpu.memref_squeeze %dma_start3A_117 : memref<1x8x160xf32, #tpu.memory_space<hbm>> -> memref<8x160xf32, #tpu.memory_space<hbm>>
      tpu.enqueue_dma source(%dma_start3A_118 : memref<8x160xf32, #tpu.memory_space<hbm>>) target(%arg9 : memref<8x160xf32, #tpu.memory_space<vmem>>) target_semaphore(%run_scoped3A : memref<!tpu.dma_semaphore, #tpu.memory_space<semaphore_mem>>)
      %dma_wait3A = arith.constant 99840 : i32
      %dma_wait3A_119 = tpu.memref_slice %arg2[%add3A_30, %mul3A_47, %dma_wait3A] : memref<8x32x100000xf32, #tpu.memory_space<hbm>> -> memref<1x8x160xf32, #tpu.memory_space<hbm>>
      %dma_wait3A_120 = tpu.memref_squeeze %dma_wait3A_119 : memref<1x8x160xf32, #tpu.memory_space<hbm>> -> memref<8x160xf32, #tpu.memory_space<hbm>>
      %dma_wait3A_121 = arith.constant 99840 : i32
      %dma_wait3A_122 = tpu.memref_slice %arg2[%add3A_30, %mul3A_47, %dma_wait3A_121] : memref<8x32x100000xf32, #tpu.memory_space<hbm>> -> memref<1x8x160xf32, #tpu.memory_space<hbm>>
      %dma_wait3A_123 = tpu.memref_squeeze %dma_wait3A_122 : memref<1x8x160xf32, #tpu.memory_space<hbm>> -> memref<8x160xf32, #tpu.memory_space<hbm>>
      tpu.wait_dma2 semaphore(%run_scoped3A : memref<!tpu.dma_semaphore, #tpu.memory_space<semaphore_mem>>) src(%dma_wait3A_123 : memref<8x160xf32, #tpu.memory_space<hbm>>) dst(%arg9 : memref<8x160xf32, #tpu.memory_space<vmem>>)
      tpu.yield
    }) : () -> ()
    %scan3A_48 = arith.constant 0 : i32
    %scan3A_49 = arith.constant 8 : i32
    %scan3A_50 = arith.addi %scan3A_48, %scan3A_49 : i32
    %scan3A_51 = arith.constant 1 : i32
    %scan3A_52 = scf.for %scan3A_113 = %scan3A_48 to %scan3A_50 step %scan3A_51 iter_args(%scan3A_114 = %scan3A_44) -> (vector<16xf32>)  : i32 {
      %mul3A_115 = arith.constant 8 : i32
      %mul3A_116 = arith.muli %select_n3A_28, %mul3A_115 : i32
      %add3A_117 = arith.addi %mul3A_116, %scan3A_113 : i32
      %jit3A_118 = arith.constant 16 : i32
      %div3A_119 = arith.divsi %add3A_117, %jit3A_118 : i32
      %sign3A_120 = arith.constant 0 : i32
      %sign3A_121 = arith.cmpi sgt, %add3A_117, %sign3A_120 : i32
      %sign3A_122 = arith.extui %sign3A_121 : i1 to i32
      %sign3A_123 = arith.constant 0 : i32
      %sign3A_124 = arith.cmpi slt, %add3A_117, %sign3A_123 : i32
      %sign3A_125 = arith.extui %sign3A_124 : i1 to i32
      %sign3A_126 = arith.subi %sign3A_122, %sign3A_125 : i32
      %sign3A_127 = arith.constant 0 : i32
      %sign3A_128 = arith.cmpi sgt, %jit3A_118, %sign3A_127 : i32
      %sign3A_129 = arith.extui %sign3A_128 : i1 to i32
      %sign3A_130 = arith.constant 0 : i32
      %sign3A_131 = arith.cmpi slt, %jit3A_118, %sign3A_130 : i32
      %sign3A_132 = arith.extui %sign3A_131 : i1 to i32
      %sign3A_133 = arith.subi %sign3A_129, %sign3A_132 : i32
      %ne3A_134 = arith.cmpi ne, %sign3A_126, %sign3A_133 : i32
      %rem3A_135 = arith.remsi %add3A_117, %jit3A_118 : i32
      %ne3A_136 = arith.constant 0 : i32
      %ne3A_137 = arith.cmpi ne, %rem3A_135, %ne3A_136 : i32
      %and3A_138 = arith.andi %ne3A_134, %ne3A_137 : i1
      %sub3A_139 = arith.constant 1 : i32
      %sub3A_140 = arith.subi %div3A_119, %sub3A_139 : i32
      %select_n3A_141 = arith.select %and3A_138, %sub3A_140, %div3A_119 : i32
      %mul3A_142 = arith.constant 16 : i32
      %mul3A_143 = arith.muli %select_n3A_141, %mul3A_142 : i32
      %get3A_144 = arith.index_cast %mul3A_143 : i32 to index
      %get3A_145 = tpu.vector_load %arg12[%get3A_144] {strides = array<i32>} : memref<32xf32, #tpu.memory_space<vmem>>, vector<16xf32>,
      %jit3A_146 = arith.constant 16 : i32
      %eq3A_147 = arith.constant 0 : i32
      %eq3A_148 = arith.cmpi eq, %jit3A_146, %eq3A_147 : i32
      %jit3A_149 = arith.constant 1 : i32
      %select_n3A_150 = arith.select %eq3A_148, %jit3A_149, %jit3A_146 : i32
      %rem3A_151 = arith.remsi %add3A_117, %select_n3A_150 : i32
      %ne3A_152 = arith.constant 0 : i32
      %ne3A_153 = arith.cmpi ne, %rem3A_151, %ne3A_152 : i32
      %lt3A_154 = arith.constant 0 : i32
      %lt3A_155 = arith.cmpi slt, %rem3A_151, %lt3A_154 : i32
      %lt3A_156 = arith.constant 0 : i32
      %lt3A_157 = arith.cmpi slt, %select_n3A_150, %lt3A_156 : i32
      %ne3A_158 = arith.xori %lt3A_155, %lt3A_157 : i1
      %and3A_159 = arith.andi %ne3A_158, %ne3A_153 : i1
      %add3A_160 = arith.addi %rem3A_151, %select_n3A_150 : i32
      %select_n3A_161 = arith.select %and3A_159, %add3A_160, %rem3A_151 : i32
      %eq3A_162 = vector.broadcast %select_n3A_161 : i32 to vector<16xi32>
      %eq3A_163 = arith.cmpi eq, %iota3A, %eq3A_162 : vector<16xi32>
      %jit3A_164 = arith.constant -1.000000e+00 : f32
      %broadcast_in_dim3A_165 = vector.broadcast %jit3A_164 : f32 to vector<16xf32>
      %select_n3A_166 = arith.select %eq3A_163, %get3A_145, %broadcast_in_dim3A_165 : vector<16xi1>, vector<16xf32>
      %reduce_max3A = arith.constant true
      %reduce_max3A_167 = vector.broadcast %reduce_max3A : i1 to vector<16xi1>
      %reduce_max3A_168 = tpu.scan <max>, %select_n3A_166 masked %reduce_max3A_167 : vector<16xf32>, vector<16xi1> -> vector<16xf32>
      %reduce_max3A_169 = vector.extract %reduce_max3A_168[15] : f32 from vector<16xf32>
      %broadcast_in_dim3A_170 = arith.constant -1.000000e+00 : f32
      %broadcast_in_dim3A_171 = vector.broadcast %broadcast_in_dim3A_170 : f32 to vector<16xf32>
      %scan3A_172 = arith.constant 0 : i32
      %mul3A_173 = arith.constant 16 : i32
      %mul3A_174 = arith.muli %scan3A_172, %mul3A_173 : i32
      %add3A_175 = arith.constant 0 : i32
      %add3A_176 = arith.addi %add3A_175, %mul3A_174 : i32
      %get3A_177 = arith.index_cast %scan3A_113 : i32 to index
      %get3A_178 = arith.index_cast %add3A_176 : i32 to index
      %get3A_179 = tpu.vector_load %arg9[%get3A_177, %get3A_178] {strides = array<i32>} : memref<8x160xf32, #tpu.memory_space<vmem>>, vector<16xf32>,
      %max3A = arith.maximumf %broadcast_in_dim3A_171, %get3A_179 : vector<16xf32>
      %scan3A_180 = arith.constant 1 : i32
      %mul3A_181 = arith.constant 16 : i32
      %mul3A_182 = arith.muli %scan3A_180, %mul3A_181 : i32
      %add3A_183 = arith.constant 0 : i32
      %add3A_184 = arith.addi %add3A_183, %mul3A_182 : i32
      %get3A_185 = arith.index_cast %scan3A_113 : i32 to index
      %get3A_186 = arith.index_cast %add3A_184 : i32 to index
      %get3A_187 = tpu.vector_load %arg9[%get3A_185, %get3A_186] {strides = array<i32>} : memref<8x160xf32, #tpu.memory_space<vmem>>, vector<16xf32>,
      %max3A_188 = arith.maximumf %max3A, %get3A_187 : vector<16xf32>
      %scan3A_189 = arith.constant 2 : i32
      %mul3A_190 = arith.constant 16 : i32
      %mul3A_191 = arith.muli %scan3A_189, %mul3A_190 : i32
      %add3A_192 = arith.constant 0 : i32
      %add3A_193 = arith.addi %add3A_192, %mul3A_191 : i32
      %get3A_194 = arith.index_cast %scan3A_113 : i32 to index
      %get3A_195 = arith.index_cast %add3A_193 : i32 to index
      %get3A_196 = tpu.vector_load %arg9[%get3A_194, %get3A_195] {strides = array<i32>} : memref<8x160xf32, #tpu.memory_space<vmem>>, vector<16xf32>,
      %max3A_197 = arith.maximumf %max3A_188, %get3A_196 : vector<16xf32>
      %scan3A_198 = arith.constant 3 : i32
      %mul3A_199 = arith.constant 16 : i32
      %mul3A_200 = arith.muli %scan3A_198, %mul3A_199 : i32
      %add3A_201 = arith.constant 0 : i32
      %add3A_202 = arith.addi %add3A_201, %mul3A_200 : i32
      %get3A_203 = arith.index_cast %scan3A_113 : i32 to index
      %get3A_204 = arith.index_cast %add3A_202 : i32 to index
      %get3A_205 = tpu.vector_load %arg9[%get3A_203, %get3A_204] {strides = array<i32>} : memref<8x160xf32, #tpu.memory_space<vmem>>, vector<16xf32>,
      %max3A_206 = arith.maximumf %max3A_197, %get3A_205 : vector<16xf32>
      %scan3A_207 = arith.constant 4 : i32
      %mul3A_208 = arith.constant 16 : i32
      %mul3A_209 = arith.muli %scan3A_207, %mul3A_208 : i32
      %add3A_210 = arith.constant 0 : i32
      %add3A_211 = arith.addi %add3A_210, %mul3A_209 : i32
      %get3A_212 = arith.index_cast %scan3A_113 : i32 to index
      %get3A_213 = arith.index_cast %add3A_211 : i32 to index
      %get3A_214 = tpu.vector_load %arg9[%get3A_212, %get3A_213] {strides = array<i32>} : memref<8x160xf32, #tpu.memory_space<vmem>>, vector<16xf32>,
      %max3A_215 = arith.maximumf %max3A_206, %get3A_214 : vector<16xf32>
      %scan3A_216 = arith.constant 5 : i32
      %mul3A_217 = arith.constant 16 : i32
      %mul3A_218 = arith.muli %scan3A_216, %mul3A_217 : i32
      %add3A_219 = arith.constant 0 : i32
      %add3A_220 = arith.addi %add3A_219, %mul3A_218 : i32
      %get3A_221 = arith.index_cast %scan3A_113 : i32 to index
      %get3A_222 = arith.index_cast %add3A_220 : i32 to index
      %get3A_223 = tpu.vector_load %arg9[%get3A_221, %get3A_222] {strides = array<i32>} : memref<8x160xf32, #tpu.memory_space<vmem>>, vector<16xf32>,
      %max3A_224 = arith.maximumf %max3A_215, %get3A_223 : vector<16xf32>
      %scan3A_225 = arith.constant 6 : i32
      %mul3A_226 = arith.constant 16 : i32
      %mul3A_227 = arith.muli %scan3A_225, %mul3A_226 : i32
      %add3A_228 = arith.constant 0 : i32
      %add3A_229 = arith.addi %add3A_228, %mul3A_227 : i32
      %get3A_230 = arith.index_cast %scan3A_113 : i32 to index
      %get3A_231 = arith.index_cast %add3A_229 : i32 to index
      %get3A_232 = tpu.vector_load %arg9[%get3A_230, %get3A_231] {strides = array<i32>} : memref<8x160xf32, #tpu.memory_space<vmem>>, vector<16xf32>,
      %max3A_233 = arith.maximumf %max3A_224, %get3A_232 : vector<16xf32>
      %scan3A_234 = arith.constant 7 : i32
      %mul3A_235 = arith.constant 16 : i32
      %mul3A_236 = arith.muli %scan3A_234, %mul3A_235 : i32
      %add3A_237 = arith.constant 0 : i32
      %add3A_238 = arith.addi %add3A_237, %mul3A_236 : i32
      %get3A_239 = arith.index_cast %scan3A_113 : i32 to index
      %get3A_240 = arith.index_cast %add3A_238 : i32 to index
      %get3A_241 = tpu.vector_load %arg9[%get3A_239, %get3A_240] {strides = array<i32>} : memref<8x160xf32, #tpu.memory_space<vmem>>, vector<16xf32>,
      %max3A_242 = arith.maximumf %max3A_233, %get3A_241 : vector<16xf32>
      %scan3A_243 = arith.constant 8 : i32
      %mul3A_244 = arith.constant 16 : i32
      %mul3A_245 = arith.muli %scan3A_243, %mul3A_244 : i32
      %add3A_246 = arith.constant 0 : i32
      %add3A_247 = arith.addi %add3A_246, %mul3A_245 : i32
      %get3A_248 = arith.index_cast %scan3A_113 : i32 to index
      %get3A_249 = arith.index_cast %add3A_247 : i32 to index
      %get3A_250 = tpu.vector_load %arg9[%get3A_248, %get3A_249] {strides = array<i32>} : memref<8x160xf32, #tpu.memory_space<vmem>>, vector<16xf32>,
      %max3A_251 = arith.maximumf %max3A_242, %get3A_250 : vector<16xf32>
      %scan3A_252 = arith.constant 9 : i32
      %mul3A_253 = arith.constant 16 : i32
      %mul3A_254 = arith.muli %scan3A_252, %mul3A_253 : i32
      %add3A_255 = arith.constant 0 : i32
      %add3A_256 = arith.addi %add3A_255, %mul3A_254 : i32
      %get3A_257 = arith.index_cast %scan3A_113 : i32 to index
      %get3A_258 = arith.index_cast %add3A_256 : i32 to index
      %get3A_259 = tpu.vector_load %arg9[%get3A_257, %get3A_258] {strides = array<i32>} : memref<8x160xf32, #tpu.memory_space<vmem>>, vector<16xf32>,
      %max3A_260 = arith.maximumf %max3A_251, %get3A_259 : vector<16xf32>
      %scan3A_261 = arith.constant 10 : i32
      %reduce_max3A_262 = arith.constant true
      %reduce_max3A_263 = vector.broadcast %reduce_max3A_262 : i1 to vector<16xi1>
      %reduce_max3A_264 = tpu.scan <max>, %max3A_260 masked %reduce_max3A_263 : vector<16xf32>, vector<16xi1> -> vector<16xf32>
      %reduce_max3A_265 = vector.extract %reduce_max3A_264[15] : f32 from vector<16xf32>
      %mul3A_266 = arith.mulf %reduce_max3A_169, %reduce_max3A_265 : f32
      %add3A_267 = arith.constant 624 : i32
      %add3A_268 = arith.addi %add3A_267, %scan3A_113 : i32
      %jit3A_269 = arith.constant 16 : i32
      %eq3A_270 = arith.constant 0 : i32
      %eq3A_271 = arith.cmpi eq, %jit3A_269, %eq3A_270 : i32
      %jit3A_272 = arith.constant 1 : i32
      %select_n3A_273 = arith.select %eq3A_271, %jit3A_272, %jit3A_269 : i32
      %rem3A_274 = arith.remsi %add3A_268, %select_n3A_273 : i32
      %ne3A_275 = arith.constant 0 : i32
      %ne3A_276 = arith.cmpi ne, %rem3A_274, %ne3A_275 : i32
      %lt3A_277 = arith.constant 0 : i32
      %lt3A_278 = arith.cmpi slt, %rem3A_274, %lt3A_277 : i32
      %lt3A_279 = arith.constant 0 : i32
      %lt3A_280 = arith.cmpi slt, %select_n3A_273, %lt3A_279 : i32
      %ne3A_281 = arith.xori %lt3A_278, %lt3A_280 : i1
      %and3A_282 = arith.andi %ne3A_281, %ne3A_276 : i1
      %add3A_283 = arith.addi %rem3A_274, %select_n3A_273 : i32
      %select_n3A_284 = arith.select %and3A_282, %add3A_283, %rem3A_274 : i32
      %eq3A_285 = vector.broadcast %select_n3A_284 : i32 to vector<16xi32>
      %eq3A_286 = arith.cmpi eq, %iota3A, %eq3A_285 : vector<16xi32>
      %broadcast_in_dim3A_287 = vector.broadcast %mul3A_266 : f32 to vector<16xf32>
      %select_n3A_288 = arith.select %eq3A_286, %broadcast_in_dim3A_287, %scan3A_114 : vector<16xi1>, vector<16xf32>
      %jit3A_289 = arith.constant 16 : i32
      %eq3A_290 = arith.constant 0 : i32
      %eq3A_291 = arith.cmpi eq, %jit3A_289, %eq3A_290 : i32
      %jit3A_292 = arith.constant 1 : i32
      %select_n3A_293 = arith.select %eq3A_291, %jit3A_292, %jit3A_289 : i32
      %rem3A_294 = arith.remsi %add3A_268, %select_n3A_293 : i32
      %ne3A_295 = arith.constant 0 : i32
      %ne3A_296 = arith.cmpi ne, %rem3A_294, %ne3A_295 : i32
      %lt3A_297 = arith.constant 0 : i32
      %lt3A_298 = arith.cmpi slt, %rem3A_294, %lt3A_297 : i32
      %lt3A_299 = arith.constant 0 : i32
      %lt3A_300 = arith.cmpi slt, %select_n3A_293, %lt3A_299 : i32
      %ne3A_301 = arith.xori %lt3A_298, %lt3A_300 : i1
      %and3A_302 = arith.andi %ne3A_301, %ne3A_296 : i1
      %add3A_303 = arith.addi %rem3A_294, %select_n3A_293 : i32
      %select_n3A_304 = arith.select %and3A_302, %add3A_303, %rem3A_294 : i32
      %eq3A_305 = arith.constant 15 : i32
      %eq3A_306 = arith.cmpi eq, %select_n3A_304, %eq3A_305 : i32
      %convert_element_type3A_307 = arith.extui %eq3A_306 : i1 to i32
      %cond3A_308 = arith.constant 0 : i32
      %cond3A_309 = arith.cmpi ne, %convert_element_type3A_307, %cond3A_308 : i32
      scf.if %cond3A_309 {
        %jit3A_310 = arith.constant 16 : i32
        %div3A_311 = arith.divsi %add3A_268, %jit3A_310 : i32
        %sign3A_312 = arith.constant 0 : i32
        %sign3A_313 = arith.cmpi sgt, %add3A_268, %sign3A_312 : i32
        %sign3A_314 = arith.extui %sign3A_313 : i1 to i32
        %sign3A_315 = arith.constant 0 : i32
        %sign3A_316 = arith.cmpi slt, %add3A_268, %sign3A_315 : i32
        %sign3A_317 = arith.extui %sign3A_316 : i1 to i32
        %sign3A_318 = arith.subi %sign3A_314, %sign3A_317 : i32
        %sign3A_319 = arith.constant 0 : i32
        %sign3A_320 = arith.cmpi sgt, %jit3A_310, %sign3A_319 : i32
        %sign3A_321 = arith.extui %sign3A_320 : i1 to i32
        %sign3A_322 = arith.constant 0 : i32
        %sign3A_323 = arith.cmpi slt, %jit3A_310, %sign3A_322 : i32
        %sign3A_324 = arith.extui %sign3A_323 : i1 to i32
        %sign3A_325 = arith.subi %sign3A_321, %sign3A_324 : i32
        %ne3A_326 = arith.cmpi ne, %sign3A_318, %sign3A_325 : i32
        %rem3A_327 = arith.remsi %add3A_268, %jit3A_310 : i32
        %ne3A_328 = arith.constant 0 : i32
        %ne3A_329 = arith.cmpi ne, %rem3A_327, %ne3A_328 : i32
        %and3A_330 = arith.andi %ne3A_326, %ne3A_329 : i1
        %sub3A_331 = arith.constant 1 : i32
        %sub3A_332 = arith.subi %div3A_311, %sub3A_331 : i32
        %select_n3A_333 = arith.select %and3A_330, %sub3A_332, %div3A_311 : i32
        %mul3A_334 = arith.constant 16 : i32
        %mul3A_335 = arith.muli %select_n3A_333, %mul3A_334 : i32
        %swap3A_336 = arith.index_cast %mul3A_335 : i32 to index
        %swap3A_337 = tpu.vector_load %arg13[%swap3A_336] {strides = array<i32>} : memref<640xf32, #tpu.memory_space<vmem>>, vector<16xf32>,
        tpu.vector_store %arg13[%swap3A_336], %select_n3A_288 {strides = array<i32>} : memref<640xf32, #tpu.memory_space<vmem>>, vector<16xf32>,
      } else {
      }
      scf.yield %select_n3A_288 : vector<16xf32>
    }
    %scan3A_53 = arith.constant 8 : i32
    %lt3A_54 = arith.constant 8 : i32
    %lt3A_55 = vector.broadcast %lt3A_54 : i32 to vector<16xi32>
    %lt3A_56 = arith.cmpi slt, %iota3A, %lt3A_55 : vector<16xi32>
    %jit3A_57 = arith.constant -2.000000e+00 : f32
    %broadcast_in_dim3A_58 = vector.broadcast %jit3A_57 : f32 to vector<16xf32>
    %select_n3A_59 = arith.select %lt3A_56, %scan3A_52, %broadcast_in_dim3A_58 : vector<16xi1>, vector<16xf32>
    %swap3A = arith.constant 624 : index
    %swap3A_60 = tpu.vector_load %arg13[%swap3A] {strides = array<i32>} : memref<640xf32, #tpu.memory_space<vmem>>, vector<16xf32>,
    tpu.vector_store %arg13[%swap3A], %select_n3A_59 {strides = array<i32>} : memref<640xf32, #tpu.memory_space<vmem>>, vector<16xf32>,
    %mul3A_61 = arith.constant 2528 : i32
    %mul3A_62 = arith.muli %select_n3A, %mul3A_61 : i32
    %mul3A_63 = arith.constant 632 : i32
    %mul3A_64 = arith.muli %select_n3A_28, %mul3A_63 : i32
    %add3A_65 = arith.addi %mul3A_62, %mul3A_64 : i32
    "tpu.region"() ({
      %run_scoped3A = tpu.sem_alloc : memref<!tpu.dma_semaphore, #tpu.memory_space<semaphore_mem>>
      %dma_start3A_113 = arith.constant 0 : i32
      %dma_start3A_114 = tpu.memref_slice %arg13[%dma_start3A_113] : memref<640xf32, #tpu.memory_space<vmem>> -> memref<632xf32, #tpu.memory_space<vmem>>
      %dma_start3A_115 = tpu.memref_slice %arg30[%add3A_65] : memref<10112xf32, #tpu.memory_space<vmem_shared>> -> memref<632xf32, #tpu.memory_space<vmem_shared>>
      %dma_start3A_116 = tpu.memref_slice %arg30[%add3A_65] : memref<10112xf32, #tpu.memory_space<vmem_shared>> -> memref<632xf32, #tpu.memory_space<vmem_shared>>
      %dma_start3A_117 = arith.constant 0 : i32
      %dma_start3A_118 = tpu.memref_slice %arg13[%dma_start3A_117] : memref<640xf32, #tpu.memory_space<vmem>> -> memref<632xf32, #tpu.memory_space<vmem>>
      tpu.enqueue_dma source(%dma_start3A_118 : memref<632xf32, #tpu.memory_space<vmem>>) target(%dma_start3A_116 : memref<632xf32, #tpu.memory_space<vmem_shared>>) target_semaphore(%run_scoped3A : memref<!tpu.dma_semaphore, #tpu.memory_space<semaphore_mem>>)
      %dma_wait3A = arith.constant 0 : i32
      %dma_wait3A_119 = tpu.memref_slice %arg13[%dma_wait3A] : memref<640xf32, #tpu.memory_space<vmem>> -> memref<632xf32, #tpu.memory_space<vmem>>
      %dma_wait3A_120 = tpu.memref_slice %arg30[%add3A_65] : memref<10112xf32, #tpu.memory_space<vmem_shared>> -> memref<632xf32, #tpu.memory_space<vmem_shared>>
      %dma_wait3A_121 = tpu.memref_slice %arg30[%add3A_65] : memref<10112xf32, #tpu.memory_space<vmem_shared>> -> memref<632xf32, #tpu.memory_space<vmem_shared>>
      %dma_wait3A_122 = arith.constant 0 : i32
      %dma_wait3A_123 = tpu.memref_slice %arg13[%dma_wait3A_122] : memref<640xf32, #tpu.memory_space<vmem>> -> memref<632xf32, #tpu.memory_space<vmem>>
      tpu.wait_dma2 semaphore(%run_scoped3A : memref<!tpu.dma_semaphore, #tpu.memory_space<semaphore_mem>>) src(%dma_wait3A_123 : memref<632xf32, #tpu.memory_space<vmem>>) dst(%dma_wait3A_121 : memref<632xf32, #tpu.memory_space<vmem_shared>>)
      tpu.yield
    }) : () -> ()
    %barrier3A = arith.constant 0 : index
    tpu.barrier barrier_id(%barrier3A)
    %eq3A_66 = arith.constant 0 : i32
    %eq3A_67 = arith.cmpi eq, %select_n3A_28, %eq3A_66 : i32
    %convert_element_type3A = arith.extui %eq3A_67 : i1 to i32
    %cond3A = arith.constant 0 : i32
    %cond3A_68 = arith.cmpi ne, %convert_element_type3A, %cond3A : i32
    scf.if %cond3A_68 {
      %mul3A_113 = arith.constant 2528 : i32
      %mul3A_114 = arith.muli %select_n3A, %mul3A_113 : i32
      "tpu.region"() ({
        %run_scoped3A = tpu.sem_alloc : memref<!tpu.dma_semaphore, #tpu.memory_space<semaphore_mem>>
        %dma_start3A_296 = tpu.memref_slice %arg30[%mul3A_114] : memref<10112xf32, #tpu.memory_space<vmem_shared>> -> memref<2528xf32, #tpu.memory_space<vmem_shared>>
        %dma_start3A_297 = tpu.memref_slice %arg30[%mul3A_114] : memref<10112xf32, #tpu.memory_space<vmem_shared>> -> memref<2528xf32, #tpu.memory_space<vmem_shared>>
        tpu.enqueue_dma source(%dma_start3A_297 : memref<2528xf32, #tpu.memory_space<vmem_shared>>) target(%arg14 : memref<2528xf32, #tpu.memory_space<vmem>>) target_semaphore(%run_scoped3A : memref<!tpu.dma_semaphore, #tpu.memory_space<semaphore_mem>>)
        %dma_wait3A = tpu.memref_slice %arg30[%mul3A_114] : memref<10112xf32, #tpu.memory_space<vmem_shared>> -> memref<2528xf32, #tpu.memory_space<vmem_shared>>
        %dma_wait3A_298 = tpu.memref_slice %arg30[%mul3A_114] : memref<10112xf32, #tpu.memory_space<vmem_shared>> -> memref<2528xf32, #tpu.memory_space<vmem_shared>>
        tpu.wait_dma2 semaphore(%run_scoped3A : memref<!tpu.dma_semaphore, #tpu.memory_space<semaphore_mem>>) src(%dma_wait3A_298 : memref<2528xf32, #tpu.memory_space<vmem_shared>>) dst(%arg14 : memref<2528xf32, #tpu.memory_space<vmem>>)
        tpu.yield
      }) : () -> ()
      %broadcast_in_dim3A_115 = arith.constant -2.000000e+00 : f32
      %broadcast_in_dim3A_116 = vector.broadcast %broadcast_in_dim3A_115 : f32 to vector<16xf32>
      %swap3A_117 = arith.constant 0 : index
      %swap3A_118 = tpu.vector_load %arg15[%swap3A_117] {strides = array<i32>} : memref<160xf32, #tpu.memory_space<vmem>>, vector<16xf32>,
      tpu.vector_store %arg15[%swap3A_117], %broadcast_in_dim3A_116 {strides = array<i32>} : memref<160xf32, #tpu.memory_space<vmem>>, vector<16xf32>,
      %broadcast_in_dim3A_119 = arith.constant -2.000000e+00 : f32
      %broadcast_in_dim3A_120 = vector.broadcast %broadcast_in_dim3A_119 : f32 to vector<16xf32>
      %swap3A_121 = arith.constant 16 : index
      %swap3A_122 = tpu.vector_load %arg15[%swap3A_121] {strides = array<i32>} : memref<160xf32, #tpu.memory_space<vmem>>, vector<16xf32>,
      tpu.vector_store %arg15[%swap3A_121], %broadcast_in_dim3A_120 {strides = array<i32>} : memref<160xf32, #tpu.memory_space<vmem>>, vector<16xf32>,
      %broadcast_in_dim3A_123 = arith.constant -2.000000e+00 : f32
      %broadcast_in_dim3A_124 = vector.broadcast %broadcast_in_dim3A_123 : f32 to vector<16xf32>
      %swap3A_125 = arith.constant 32 : index
      %swap3A_126 = tpu.vector_load %arg15[%swap3A_125] {strides = array<i32>} : memref<160xf32, #tpu.memory_space<vmem>>, vector<16xf32>,
      tpu.vector_store %arg15[%swap3A_125], %broadcast_in_dim3A_124 {strides = array<i32>} : memref<160xf32, #tpu.memory_space<vmem>>, vector<16xf32>,
      %broadcast_in_dim3A_127 = arith.constant -2.000000e+00 : f32
      %broadcast_in_dim3A_128 = vector.broadcast %broadcast_in_dim3A_127 : f32 to vector<16xf32>
      %swap3A_129 = arith.constant 48 : index
      %swap3A_130 = tpu.vector_load %arg15[%swap3A_129] {strides = array<i32>} : memref<160xf32, #tpu.memory_space<vmem>>, vector<16xf32>,
      tpu.vector_store %arg15[%swap3A_129], %broadcast_in_dim3A_128 {strides = array<i32>} : memref<160xf32, #tpu.memory_space<vmem>>, vector<16xf32>,
      %broadcast_in_dim3A_131 = arith.constant -2.000000e+00 : f32
      %broadcast_in_dim3A_132 = vector.broadcast %broadcast_in_dim3A_131 : f32 to vector<16xf32>
      %swap3A_133 = arith.constant 64 : index
      %swap3A_134 = tpu.vector_load %arg15[%swap3A_133] {strides = array<i32>} : memref<160xf32, #tpu.memory_space<vmem>>, vector<16xf32>,
      tpu.vector_store %arg15[%swap3A_133], %broadcast_in_dim3A_132 {strides = array<i32>} : memref<160xf32, #tpu.memory_space<vmem>>, vector<16xf32>,
      %broadcast_in_dim3A_135 = arith.constant -2.000000e+00 : f32
      %broadcast_in_dim3A_136 = vector.broadcast %broadcast_in_dim3A_135 : f32 to vector<16xf32>
      %swap3A_137 = arith.constant 80 : index
      %swap3A_138 = tpu.vector_load %arg15[%swap3A_137] {strides = array<i32>} : memref<160xf32, #tpu.memory_space<vmem>>, vector<16xf32>,
      tpu.vector_store %arg15[%swap3A_137], %broadcast_in_dim3A_136 {strides = array<i32>} : memref<160xf32, #tpu.memory_space<vmem>>, vector<16xf32>,
      %broadcast_in_dim3A_139 = arith.constant -2.000000e+00 : f32
      %broadcast_in_dim3A_140 = vector.broadcast %broadcast_in_dim3A_139 : f32 to vector<16xf32>
      %swap3A_141 = arith.constant 96 : index
      %swap3A_142 = tpu.vector_load %arg15[%swap3A_141] {strides = array<i32>} : memref<160xf32, #tpu.memory_space<vmem>>, vector<16xf32>,
      tpu.vector_store %arg15[%swap3A_141], %broadcast_in_dim3A_140 {strides = array<i32>} : memref<160xf32, #tpu.memory_space<vmem>>, vector<16xf32>,
      %broadcast_in_dim3A_143 = arith.constant -2.000000e+00 : f32
      %broadcast_in_dim3A_144 = vector.broadcast %broadcast_in_dim3A_143 : f32 to vector<16xf32>
      %swap3A_145 = arith.constant 112 : index
      %swap3A_146 = tpu.vector_load %arg15[%swap3A_145] {strides = array<i32>} : memref<160xf32, #tpu.memory_space<vmem>>, vector<16xf32>,
      tpu.vector_store %arg15[%swap3A_145], %broadcast_in_dim3A_144 {strides = array<i32>} : memref<160xf32, #tpu.memory_space<vmem>>, vector<16xf32>,
      %broadcast_in_dim3A_147 = arith.constant -2.000000e+00 : f32
      %broadcast_in_dim3A_148 = vector.broadcast %broadcast_in_dim3A_147 : f32 to vector<16xf32>
      %swap3A_149 = arith.constant 128 : index
      %swap3A_150 = tpu.vector_load %arg15[%swap3A_149] {strides = array<i32>} : memref<160xf32, #tpu.memory_space<vmem>>, vector<16xf32>,
      tpu.vector_store %arg15[%swap3A_149], %broadcast_in_dim3A_148 {strides = array<i32>} : memref<160xf32, #tpu.memory_space<vmem>>, vector<16xf32>,
      %broadcast_in_dim3A_151 = arith.constant -2.000000e+00 : f32
      %broadcast_in_dim3A_152 = vector.broadcast %broadcast_in_dim3A_151 : f32 to vector<16xf32>
      %swap3A_153 = arith.constant 144 : index
      %swap3A_154 = tpu.vector_load %arg15[%swap3A_153] {strides = array<i32>} : memref<160xf32, #tpu.memory_space<vmem>>, vector<16xf32>,
      tpu.vector_store %arg15[%swap3A_153], %broadcast_in_dim3A_152 {strides = array<i32>} : memref<160xf32, #tpu.memory_space<vmem>>, vector<16xf32>,
      %scan3A_155 = arith.constant 0 : i32
      %scan3A_156 = arith.constant 0 : i32
      %scan3A_157 = arith.constant 156 : i32
      %scan3A_158 = arith.addi %scan3A_156, %scan3A_157 : i32
      %scan3A_159 = arith.constant 4 : i32
      scf.for %scan3A_296 = %scan3A_156 to %scan3A_158 step %scan3A_159  : i32 {
        %mul3A_297 = arith.constant 16 : i32
        %mul3A_298 = arith.muli %scan3A_296, %mul3A_297 : i32
        %get3A_299 = arith.index_cast %mul3A_298 : i32 to index
        %get3A_300 = tpu.vector_load %arg14[%get3A_299] {strides = array<i32>} : memref<2528xf32, #tpu.memory_space<vmem>>, vector<16xf32>,
        %reduce_max3A_301 = arith.constant true
        %reduce_max3A_302 = vector.broadcast %reduce_max3A_301 : i1 to vector<16xi1>
        %reduce_max3A_303 = tpu.scan <max>, %get3A_300 masked %reduce_max3A_302 : vector<16xf32>, vector<16xi1> -> vector<16xf32>
        %reduce_max3A_304 = vector.extract %reduce_max3A_303[15] : f32 from vector<16xf32>
        %jit3A_305 = arith.constant 16 : i32
        %div3A_306 = arith.divsi %scan3A_296, %jit3A_305 : i32
        %sign3A_307 = arith.constant 0 : i32
        %sign3A_308 = arith.cmpi sgt, %scan3A_296, %sign3A_307 : i32
        %sign3A_309 = arith.extui %sign3A_308 : i1 to i32
        %sign3A_310 = arith.constant 0 : i32
        %sign3A_311 = arith.cmpi slt, %scan3A_296, %sign3A_310 : i32
        %sign3A_312 = arith.extui %sign3A_311 : i1 to i32
        %sign3A_313 = arith.subi %sign3A_309, %sign3A_312 : i32
        %sign3A_314 = arith.constant 0 : i32
        %sign3A_315 = arith.cmpi sgt, %jit3A_305, %sign3A_314 : i32
        %sign3A_316 = arith.extui %sign3A_315 : i1 to i32
        %sign3A_317 = arith.constant 0 : i32
        %sign3A_318 = arith.cmpi slt, %jit3A_305, %sign3A_317 : i32
        %sign3A_319 = arith.extui %sign3A_318 : i1 to i32
        %sign3A_320 = arith.subi %sign3A_316, %sign3A_319 : i32
        %ne3A_321 = arith.cmpi ne, %sign3A_313, %sign3A_320 : i32
        %rem3A_322 = arith.remsi %scan3A_296, %jit3A_305 : i32
        %ne3A_323 = arith.constant 0 : i32
        %ne3A_324 = arith.cmpi ne, %rem3A_322, %ne3A_323 : i32
        %and3A_325 = arith.andi %ne3A_321, %ne3A_324 : i1
        %sub3A_326 = arith.constant 1 : i32
        %sub3A_327 = arith.subi %div3A_306, %sub3A_326 : i32
        %select_n3A_328 = arith.select %and3A_325, %sub3A_327, %div3A_306 : i32
        %mul3A_329 = arith.constant 16 : i32
        %mul3A_330 = arith.muli %select_n3A_328, %mul3A_329 : i32
        %get3A_331 = arith.index_cast %mul3A_330 : i32 to index
        %get3A_332 = tpu.vector_load %arg15[%get3A_331] {strides = array<i32>} : memref<160xf32, #tpu.memory_space<vmem>>, vector<16xf32>,
        %jit3A_333 = arith.constant 16 : i32
        %eq3A_334 = arith.constant 0 : i32
        %eq3A_335 = arith.cmpi eq, %jit3A_333, %eq3A_334 : i32
        %jit3A_336 = arith.constant 1 : i32
        %select_n3A_337 = arith.select %eq3A_335, %jit3A_336, %jit3A_333 : i32
        %rem3A_338 = arith.remsi %scan3A_296, %select_n3A_337 : i32
        %ne3A_339 = arith.constant 0 : i32
        %ne3A_340 = arith.cmpi ne, %rem3A_338, %ne3A_339 : i32
        %lt3A_341 = arith.constant 0 : i32
        %lt3A_342 = arith.cmpi slt, %rem3A_338, %lt3A_341 : i32
        %lt3A_343 = arith.constant 0 : i32
        %lt3A_344 = arith.cmpi slt, %select_n3A_337, %lt3A_343 : i32
        %ne3A_345 = arith.xori %lt3A_342, %lt3A_344 : i1
        %and3A_346 = arith.andi %ne3A_345, %ne3A_340 : i1
        %add3A_347 = arith.addi %rem3A_338, %select_n3A_337 : i32
        %select_n3A_348 = arith.select %and3A_346, %add3A_347, %rem3A_338 : i32
        %eq3A_349 = vector.broadcast %select_n3A_348 : i32 to vector<16xi32>
        %eq3A_350 = arith.cmpi eq, %iota3A, %eq3A_349 : vector<16xi32>
        %broadcast_in_dim3A_351 = vector.broadcast %reduce_max3A_304 : f32 to vector<16xf32>
        %select_n3A_352 = arith.select %eq3A_350, %broadcast_in_dim3A_351, %get3A_332 : vector<16xi1>, vector<16xf32>
        %swap3A_353 = arith.index_cast %mul3A_330 : i32 to index
        %swap3A_354 = tpu.vector_load %arg15[%swap3A_353] {strides = array<i32>} : memref<160xf32, #tpu.memory_space<vmem>>, vector<16xf32>,
        tpu.vector_store %arg15[%swap3A_353], %select_n3A_352 {strides = array<i32>} : memref<160xf32, #tpu.memory_space<vmem>>, vector<16xf32>,
        %scan3A_355 = arith.constant 1 : i32
        %scan3A_356 = arith.addi %scan3A_296, %scan3A_355 : i32
        %mul3A_357 = arith.constant 16 : i32
        %mul3A_358 = arith.muli %scan3A_356, %mul3A_357 : i32
        %get3A_359 = arith.index_cast %mul3A_358 : i32 to index
        %get3A_360 = tpu.vector_load %arg14[%get3A_359] {strides = array<i32>} : memref<2528xf32, #tpu.memory_space<vmem>>, vector<16xf32>,
        %reduce_max3A_361 = arith.constant true
        %reduce_max3A_362 = vector.broadcast %reduce_max3A_361 : i1 to vector<16xi1>
        %reduce_max3A_363 = tpu.scan <max>, %get3A_360 masked %reduce_max3A_362 : vector<16xf32>, vector<16xi1> -> vector<16xf32>
        %reduce_max3A_364 = vector.extract %reduce_max3A_363[15] : f32 from vector<16xf32>
        %jit3A_365 = arith.constant 16 : i32
        %div3A_366 = arith.divsi %scan3A_356, %jit3A_365 : i32
        %sign3A_367 = arith.constant 0 : i32
        %sign3A_368 = arith.cmpi sgt, %scan3A_356, %sign3A_367 : i32
        %sign3A_369 = arith.extui %sign3A_368 : i1 to i32
        %sign3A_370 = arith.constant 0 : i32
        %sign3A_371 = arith.cmpi slt, %scan3A_356, %sign3A_370 : i32
        %sign3A_372 = arith.extui %sign3A_371 : i1 to i32
        %sign3A_373 = arith.subi %sign3A_369, %sign3A_372 : i32
        %sign3A_374 = arith.constant 0 : i32
        %sign3A_375 = arith.cmpi sgt, %jit3A_365, %sign3A_374 : i32
        %sign3A_376 = arith.extui %sign3A_375 : i1 to i32
        %sign3A_377 = arith.constant 0 : i32
        %sign3A_378 = arith.cmpi slt, %jit3A_365, %sign3A_377 : i32
        %sign3A_379 = arith.extui %sign3A_378 : i1 to i32
        %sign3A_380 = arith.subi %sign3A_376, %sign3A_379 : i32
        %ne3A_381 = arith.cmpi ne, %sign3A_373, %sign3A_380 : i32
        %rem3A_382 = arith.remsi %scan3A_356, %jit3A_365 : i32
        %ne3A_383 = arith.constant 0 : i32
        %ne3A_384 = arith.cmpi ne, %rem3A_382, %ne3A_383 : i32
        %and3A_385 = arith.andi %ne3A_381, %ne3A_384 : i1
        %sub3A_386 = arith.constant 1 : i32
        %sub3A_387 = arith.subi %div3A_366, %sub3A_386 : i32
        %select_n3A_388 = arith.select %and3A_385, %sub3A_387, %div3A_366 : i32
        %mul3A_389 = arith.constant 16 : i32
        %mul3A_390 = arith.muli %select_n3A_388, %mul3A_389 : i32
        %get3A_391 = arith.index_cast %mul3A_390 : i32 to index
        %get3A_392 = tpu.vector_load %arg15[%get3A_391] {strides = array<i32>} : memref<160xf32, #tpu.memory_space<vmem>>, vector<16xf32>,
        %jit3A_393 = arith.constant 16 : i32
        %eq3A_394 = arith.constant 0 : i32
        %eq3A_395 = arith.cmpi eq, %jit3A_393, %eq3A_394 : i32
        %jit3A_396 = arith.constant 1 : i32
        %select_n3A_397 = arith.select %eq3A_395, %jit3A_396, %jit3A_393 : i32
        %rem3A_398 = arith.remsi %scan3A_356, %select_n3A_397 : i32
        %ne3A_399 = arith.constant 0 : i32
        %ne3A_400 = arith.cmpi ne, %rem3A_398, %ne3A_399 : i32
        %lt3A_401 = arith.constant 0 : i32
        %lt3A_402 = arith.cmpi slt, %rem3A_398, %lt3A_401 : i32
        %lt3A_403 = arith.constant 0 : i32
        %lt3A_404 = arith.cmpi slt, %select_n3A_397, %lt3A_403 : i32
        %ne3A_405 = arith.xori %lt3A_402, %lt3A_404 : i1
        %and3A_406 = arith.andi %ne3A_405, %ne3A_400 : i1
        %add3A_407 = arith.addi %rem3A_398, %select_n3A_397 : i32
        %select_n3A_408 = arith.select %and3A_406, %add3A_407, %rem3A_398 : i32
        %eq3A_409 = vector.broadcast %select_n3A_408 : i32 to vector<16xi32>
        %eq3A_410 = arith.cmpi eq, %iota3A, %eq3A_409 : vector<16xi32>
        %broadcast_in_dim3A_411 = vector.broadcast %reduce_max3A_364 : f32 to vector<16xf32>
        %select_n3A_412 = arith.select %eq3A_410, %broadcast_in_dim3A_411, %get3A_392 : vector<16xi1>, vector<16xf32>
        %swap3A_413 = arith.index_cast %mul3A_390 : i32 to index
        %swap3A_414 = tpu.vector_load %arg15[%swap3A_413] {strides = array<i32>} : memref<160xf32, #tpu.memory_space<vmem>>, vector<16xf32>,
        tpu.vector_store %arg15[%swap3A_413], %select_n3A_412 {strides = array<i32>} : memref<160xf32, #tpu.memory_space<vmem>>, vector<16xf32>,
        %scan3A_415 = arith.constant 2 : i32
        %scan3A_416 = arith.addi %scan3A_296, %scan3A_415 : i32
        %mul3A_417 = arith.constant 16 : i32
        %mul3A_418 = arith.muli %scan3A_416, %mul3A_417 : i32
        %get3A_419 = arith.index_cast %mul3A_418 : i32 to index
        %get3A_420 = tpu.vector_load %arg14[%get3A_419] {strides = array<i32>} : memref<2528xf32, #tpu.memory_space<vmem>>, vector<16xf32>,
        %reduce_max3A_421 = arith.constant true
        %reduce_max3A_422 = vector.broadcast %reduce_max3A_421 : i1 to vector<16xi1>
        %reduce_max3A_423 = tpu.scan <max>, %get3A_420 masked %reduce_max3A_422 : vector<16xf32>, vector<16xi1> -> vector<16xf32>
        %reduce_max3A_424 = vector.extract %reduce_max3A_423[15] : f32 from vector<16xf32>
        %jit3A_425 = arith.constant 16 : i32
        %div3A_426 = arith.divsi %scan3A_416, %jit3A_425 : i32
        %sign3A_427 = arith.constant 0 : i32
        %sign3A_428 = arith.cmpi sgt, %scan3A_416, %sign3A_427 : i32
        %sign3A_429 = arith.extui %sign3A_428 : i1 to i32
        %sign3A_430 = arith.constant 0 : i32
        %sign3A_431 = arith.cmpi slt, %scan3A_416, %sign3A_430 : i32
        %sign3A_432 = arith.extui %sign3A_431 : i1 to i32
        %sign3A_433 = arith.subi %sign3A_429, %sign3A_432 : i32
        %sign3A_434 = arith.constant 0 : i32
        %sign3A_435 = arith.cmpi sgt, %jit3A_425, %sign3A_434 : i32
        %sign3A_436 = arith.extui %sign3A_435 : i1 to i32
        %sign3A_437 = arith.constant 0 : i32
        %sign3A_438 = arith.cmpi slt, %jit3A_425, %sign3A_437 : i32
        %sign3A_439 = arith.extui %sign3A_438 : i1 to i32
        %sign3A_440 = arith.subi %sign3A_436, %sign3A_439 : i32
        %ne3A_441 = arith.cmpi ne, %sign3A_433, %sign3A_440 : i32
        %rem3A_442 = arith.remsi %scan3A_416, %jit3A_425 : i32
        %ne3A_443 = arith.constant 0 : i32
        %ne3A_444 = arith.cmpi ne, %rem3A_442, %ne3A_443 : i32
        %and3A_445 = arith.andi %ne3A_441, %ne3A_444 : i1
        %sub3A_446 = arith.constant 1 : i32
        %sub3A_447 = arith.subi %div3A_426, %sub3A_446 : i32
        %select_n3A_448 = arith.select %and3A_445, %sub3A_447, %div3A_426 : i32
        %mul3A_449 = arith.constant 16 : i32
        %mul3A_450 = arith.muli %select_n3A_448, %mul3A_449 : i32
        %get3A_451 = arith.index_cast %mul3A_450 : i32 to index
        %get3A_452 = tpu.vector_load %arg15[%get3A_451] {strides = array<i32>} : memref<160xf32, #tpu.memory_space<vmem>>, vector<16xf32>,
        %jit3A_453 = arith.constant 16 : i32
        %eq3A_454 = arith.constant 0 : i32
        %eq3A_455 = arith.cmpi eq, %jit3A_453, %eq3A_454 : i32
        %jit3A_456 = arith.constant 1 : i32
        %select_n3A_457 = arith.select %eq3A_455, %jit3A_456, %jit3A_453 : i32
        %rem3A_458 = arith.remsi %scan3A_416, %select_n3A_457 : i32
        %ne3A_459 = arith.constant 0 : i32
        %ne3A_460 = arith.cmpi ne, %rem3A_458, %ne3A_459 : i32
        %lt3A_461 = arith.constant 0 : i32
        %lt3A_462 = arith.cmpi slt, %rem3A_458, %lt3A_461 : i32
        %lt3A_463 = arith.constant 0 : i32
        %lt3A_464 = arith.cmpi slt, %select_n3A_457, %lt3A_463 : i32
        %ne3A_465 = arith.xori %lt3A_462, %lt3A_464 : i1
        %and3A_466 = arith.andi %ne3A_465, %ne3A_460 : i1
        %add3A_467 = arith.addi %rem3A_458, %select_n3A_457 : i32
        %select_n3A_468 = arith.select %and3A_466, %add3A_467, %rem3A_458 : i32
        %eq3A_469 = vector.broadcast %select_n3A_468 : i32 to vector<16xi32>
        %eq3A_470 = arith.cmpi eq, %iota3A, %eq3A_469 : vector<16xi32>
        %broadcast_in_dim3A_471 = vector.broadcast %reduce_max3A_424 : f32 to vector<16xf32>
        %select_n3A_472 = arith.select %eq3A_470, %broadcast_in_dim3A_471, %get3A_452 : vector<16xi1>, vector<16xf32>
        %swap3A_473 = arith.index_cast %mul3A_450 : i32 to index
        %swap3A_474 = tpu.vector_load %arg15[%swap3A_473] {strides = array<i32>} : memref<160xf32, #tpu.memory_space<vmem>>, vector<16xf32>,
        tpu.vector_store %arg15[%swap3A_473], %select_n3A_472 {strides = array<i32>} : memref<160xf32, #tpu.memory_space<vmem>>, vector<16xf32>,
        %scan3A_475 = arith.constant 3 : i32
        %scan3A_476 = arith.addi %scan3A_296, %scan3A_475 : i32
        %mul3A_477 = arith.constant 16 : i32
        %mul3A_478 = arith.muli %scan3A_476, %mul3A_477 : i32
        %get3A_479 = arith.index_cast %mul3A_478 : i32 to index
        %get3A_480 = tpu.vector_load %arg14[%get3A_479] {strides = array<i32>} : memref<2528xf32, #tpu.memory_space<vmem>>, vector<16xf32>,
        %reduce_max3A_481 = arith.constant true
        %reduce_max3A_482 = vector.broadcast %reduce_max3A_481 : i1 to vector<16xi1>
        %reduce_max3A_483 = tpu.scan <max>, %get3A_480 masked %reduce_max3A_482 : vector<16xf32>, vector<16xi1> -> vector<16xf32>
        %reduce_max3A_484 = vector.extract %reduce_max3A_483[15] : f32 from vector<16xf32>
        %jit3A_485 = arith.constant 16 : i32
        %div3A_486 = arith.divsi %scan3A_476, %jit3A_485 : i32
        %sign3A_487 = arith.constant 0 : i32
        %sign3A_488 = arith.cmpi sgt, %scan3A_476, %sign3A_487 : i32
        %sign3A_489 = arith.extui %sign3A_488 : i1 to i32
        %sign3A_490 = arith.constant 0 : i32
        %sign3A_491 = arith.cmpi slt, %scan3A_476, %sign3A_490 : i32
        %sign3A_492 = arith.extui %sign3A_491 : i1 to i32
        %sign3A_493 = arith.subi %sign3A_489, %sign3A_492 : i32
        %sign3A_494 = arith.constant 0 : i32
        %sign3A_495 = arith.cmpi sgt, %jit3A_485, %sign3A_494 : i32
        %sign3A_496 = arith.extui %sign3A_495 : i1 to i32
        %sign3A_497 = arith.constant 0 : i32
        %sign3A_498 = arith.cmpi slt, %jit3A_485, %sign3A_497 : i32
        %sign3A_499 = arith.extui %sign3A_498 : i1 to i32
        %sign3A_500 = arith.subi %sign3A_496, %sign3A_499 : i32
        %ne3A_501 = arith.cmpi ne, %sign3A_493, %sign3A_500 : i32
        %rem3A_502 = arith.remsi %scan3A_476, %jit3A_485 : i32
        %ne3A_503 = arith.constant 0 : i32
        %ne3A_504 = arith.cmpi ne, %rem3A_502, %ne3A_503 : i32
        %and3A_505 = arith.andi %ne3A_501, %ne3A_504 : i1
        %sub3A_506 = arith.constant 1 : i32
        %sub3A_507 = arith.subi %div3A_486, %sub3A_506 : i32
        %select_n3A_508 = arith.select %and3A_505, %sub3A_507, %div3A_486 : i32
        %mul3A_509 = arith.constant 16 : i32
        %mul3A_510 = arith.muli %select_n3A_508, %mul3A_509 : i32
        %get3A_511 = arith.index_cast %mul3A_510 : i32 to index
        %get3A_512 = tpu.vector_load %arg15[%get3A_511] {strides = array<i32>} : memref<160xf32, #tpu.memory_space<vmem>>, vector<16xf32>,
        %jit3A_513 = arith.constant 16 : i32
        %eq3A_514 = arith.constant 0 : i32
        %eq3A_515 = arith.cmpi eq, %jit3A_513, %eq3A_514 : i32
        %jit3A_516 = arith.constant 1 : i32
        %select_n3A_517 = arith.select %eq3A_515, %jit3A_516, %jit3A_513 : i32
        %rem3A_518 = arith.remsi %scan3A_476, %select_n3A_517 : i32
        %ne3A_519 = arith.constant 0 : i32
        %ne3A_520 = arith.cmpi ne, %rem3A_518, %ne3A_519 : i32
        %lt3A_521 = arith.constant 0 : i32
        %lt3A_522 = arith.cmpi slt, %rem3A_518, %lt3A_521 : i32
        %lt3A_523 = arith.constant 0 : i32
        %lt3A_524 = arith.cmpi slt, %select_n3A_517, %lt3A_523 : i32
        %ne3A_525 = arith.xori %lt3A_522, %lt3A_524 : i1
        %and3A_526 = arith.andi %ne3A_525, %ne3A_520 : i1
        %add3A_527 = arith.addi %rem3A_518, %select_n3A_517 : i32
        %select_n3A_528 = arith.select %and3A_526, %add3A_527, %rem3A_518 : i32
        %eq3A_529 = vector.broadcast %select_n3A_528 : i32 to vector<16xi32>
        %eq3A_530 = arith.cmpi eq, %iota3A, %eq3A_529 : vector<16xi32>
        %broadcast_in_dim3A_531 = vector.broadcast %reduce_max3A_484 : f32 to vector<16xf32>
        %select_n3A_532 = arith.select %eq3A_530, %broadcast_in_dim3A_531, %get3A_512 : vector<16xi1>, vector<16xf32>
        %swap3A_533 = arith.index_cast %mul3A_510 : i32 to index
        %swap3A_534 = tpu.vector_load %arg15[%swap3A_533] {strides = array<i32>} : memref<160xf32, #tpu.memory_space<vmem>>, vector<16xf32>,
        tpu.vector_store %arg15[%swap3A_533], %select_n3A_532 {strides = array<i32>} : memref<160xf32, #tpu.memory_space<vmem>>, vector<16xf32>,
      }
      %scan3A_160 = arith.constant 156 : i32
      %scan3A_161 = arith.addi %scan3A_156, %scan3A_160 : i32
      %mul3A_162 = arith.constant 16 : i32
      %mul3A_163 = arith.muli %scan3A_161, %mul3A_162 : i32
      %get3A_164 = arith.index_cast %mul3A_163 : i32 to index
      %get3A_165 = tpu.vector_load %arg14[%get3A_164] {strides = array<i32>} : memref<2528xf32, #tpu.memory_space<vmem>>, vector<16xf32>,
      %reduce_max3A = arith.constant true
      %reduce_max3A_166 = vector.broadcast %reduce_max3A : i1 to vector<16xi1>
      %reduce_max3A_167 = tpu.scan <max>, %get3A_165 masked %reduce_max3A_166 : vector<16xf32>, vector<16xi1> -> vector<16xf32>
      %reduce_max3A_168 = vector.extract %reduce_max3A_167[15] : f32 from vector<16xf32>
      %jit3A_169 = arith.constant 16 : i32
      %div3A_170 = arith.divsi %scan3A_161, %jit3A_169 : i32
      %sign3A_171 = arith.constant 0 : i32
      %sign3A_172 = arith.cmpi sgt, %scan3A_161, %sign3A_171 : i32
      %sign3A_173 = arith.extui %sign3A_172 : i1 to i32
      %sign3A_174 = arith.constant 0 : i32
      %sign3A_175 = arith.cmpi slt, %scan3A_161, %sign3A_174 : i32
      %sign3A_176 = arith.extui %sign3A_175 : i1 to i32
      %sign3A_177 = arith.subi %sign3A_173, %sign3A_176 : i32
      %sign3A_178 = arith.constant 0 : i32
      %sign3A_179 = arith.cmpi sgt, %jit3A_169, %sign3A_178 : i32
      %sign3A_180 = arith.extui %sign3A_179 : i1 to i32
      %sign3A_181 = arith.constant 0 : i32
      %sign3A_182 = arith.cmpi slt, %jit3A_169, %sign3A_181 : i32
      %sign3A_183 = arith.extui %sign3A_182 : i1 to i32
      %sign3A_184 = arith.subi %sign3A_180, %sign3A_183 : i32
      %ne3A_185 = arith.cmpi ne, %sign3A_177, %sign3A_184 : i32
      %rem3A_186 = arith.remsi %scan3A_161, %jit3A_169 : i32
      %ne3A_187 = arith.constant 0 : i32
      %ne3A_188 = arith.cmpi ne, %rem3A_186, %ne3A_187 : i32
      %and3A_189 = arith.andi %ne3A_185, %ne3A_188 : i1
      %sub3A_190 = arith.constant 1 : i32
      %sub3A_191 = arith.subi %div3A_170, %sub3A_190 : i32
      %select_n3A_192 = arith.select %and3A_189, %sub3A_191, %div3A_170 : i32
      %mul3A_193 = arith.constant 16 : i32
      %mul3A_194 = arith.muli %select_n3A_192, %mul3A_193 : i32
      %get3A_195 = arith.index_cast %mul3A_194 : i32 to index
      %get3A_196 = tpu.vector_load %arg15[%get3A_195] {strides = array<i32>} : memref<160xf32, #tpu.memory_space<vmem>>, vector<16xf32>,
      %jit3A_197 = arith.constant 16 : i32
      %eq3A_198 = arith.constant 0 : i32
      %eq3A_199 = arith.cmpi eq, %jit3A_197, %eq3A_198 : i32
      %jit3A_200 = arith.constant 1 : i32
      %select_n3A_201 = arith.select %eq3A_199, %jit3A_200, %jit3A_197 : i32
      %rem3A_202 = arith.remsi %scan3A_161, %select_n3A_201 : i32
      %ne3A_203 = arith.constant 0 : i32
      %ne3A_204 = arith.cmpi ne, %rem3A_202, %ne3A_203 : i32
      %lt3A_205 = arith.constant 0 : i32
      %lt3A_206 = arith.cmpi slt, %rem3A_202, %lt3A_205 : i32
      %lt3A_207 = arith.constant 0 : i32
      %lt3A_208 = arith.cmpi slt, %select_n3A_201, %lt3A_207 : i32
      %ne3A_209 = arith.xori %lt3A_206, %lt3A_208 : i1
      %and3A_210 = arith.andi %ne3A_209, %ne3A_204 : i1
      %add3A_211 = arith.addi %rem3A_202, %select_n3A_201 : i32
      %select_n3A_212 = arith.select %and3A_210, %add3A_211, %rem3A_202 : i32
      %eq3A_213 = vector.broadcast %select_n3A_212 : i32 to vector<16xi32>
      %eq3A_214 = arith.cmpi eq, %iota3A, %eq3A_213 : vector<16xi32>
      %broadcast_in_dim3A_215 = vector.broadcast %reduce_max3A_168 : f32 to vector<16xf32>
      %select_n3A_216 = arith.select %eq3A_214, %broadcast_in_dim3A_215, %get3A_196 : vector<16xi1>, vector<16xf32>
      %swap3A_217 = arith.index_cast %mul3A_194 : i32 to index
      %swap3A_218 = tpu.vector_load %arg15[%swap3A_217] {strides = array<i32>} : memref<160xf32, #tpu.memory_space<vmem>>, vector<16xf32>,
      tpu.vector_store %arg15[%swap3A_217], %select_n3A_216 {strides = array<i32>} : memref<160xf32, #tpu.memory_space<vmem>>, vector<16xf32>,
      %scan3A_219 = arith.constant 157 : i32
      %scan3A_220 = arith.addi %scan3A_156, %scan3A_219 : i32
      %mul3A_221 = arith.constant 16 : i32
      %mul3A_222 = arith.muli %scan3A_220, %mul3A_221 : i32
      %get3A_223 = arith.index_cast %mul3A_222 : i32 to index
      %get3A_224 = tpu.vector_load %arg14[%get3A_223] {strides = array<i32>} : memref<2528xf32, #tpu.memory_space<vmem>>, vector<16xf32>,
      %reduce_max3A_225 = arith.constant true
      %reduce_max3A_226 = vector.broadcast %reduce_max3A_225 : i1 to vector<16xi1>
      %reduce_max3A_227 = tpu.scan <max>, %get3A_224 masked %reduce_max3A_226 : vector<16xf32>, vector<16xi1> -> vector<16xf32>
      %reduce_max3A_228 = vector.extract %reduce_max3A_227[15] : f32 from vector<16xf32>
      %jit3A_229 = arith.constant 16 : i32
      %div3A_230 = arith.divsi %scan3A_220, %jit3A_229 : i32
      %sign3A_231 = arith.constant 0 : i32
      %sign3A_232 = arith.cmpi sgt, %scan3A_220, %sign3A_231 : i32
      %sign3A_233 = arith.extui %sign3A_232 : i1 to i32
      %sign3A_234 = arith.constant 0 : i32
      %sign3A_235 = arith.cmpi slt, %scan3A_220, %sign3A_234 : i32
      %sign3A_236 = arith.extui %sign3A_235 : i1 to i32
      %sign3A_237 = arith.subi %sign3A_233, %sign3A_236 : i32
      %sign3A_238 = arith.constant 0 : i32
      %sign3A_239 = arith.cmpi sgt, %jit3A_229, %sign3A_238 : i32
      %sign3A_240 = arith.extui %sign3A_239 : i1 to i32
      %sign3A_241 = arith.constant 0 : i32
      %sign3A_242 = arith.cmpi slt, %jit3A_229, %sign3A_241 : i32
      %sign3A_243 = arith.extui %sign3A_242 : i1 to i32
      %sign3A_244 = arith.subi %sign3A_240, %sign3A_243 : i32
      %ne3A_245 = arith.cmpi ne, %sign3A_237, %sign3A_244 : i32
      %rem3A_246 = arith.remsi %scan3A_220, %jit3A_229 : i32
      %ne3A_247 = arith.constant 0 : i32
      %ne3A_248 = arith.cmpi ne, %rem3A_246, %ne3A_247 : i32
      %and3A_249 = arith.andi %ne3A_245, %ne3A_248 : i1
      %sub3A_250 = arith.constant 1 : i32
      %sub3A_251 = arith.subi %div3A_230, %sub3A_250 : i32
      %select_n3A_252 = arith.select %and3A_249, %sub3A_251, %div3A_230 : i32
      %mul3A_253 = arith.constant 16 : i32
      %mul3A_254 = arith.muli %select_n3A_252, %mul3A_253 : i32
      %get3A_255 = arith.index_cast %mul3A_254 : i32 to index
      %get3A_256 = tpu.vector_load %arg15[%get3A_255] {strides = array<i32>} : memref<160xf32, #tpu.memory_space<vmem>>, vector<16xf32>,
      %jit3A_257 = arith.constant 16 : i32
      %eq3A_258 = arith.constant 0 : i32
      %eq3A_259 = arith.cmpi eq, %jit3A_257, %eq3A_258 : i32
      %jit3A_260 = arith.constant 1 : i32
      %select_n3A_261 = arith.select %eq3A_259, %jit3A_260, %jit3A_257 : i32
      %rem3A_262 = arith.remsi %scan3A_220, %select_n3A_261 : i32
      %ne3A_263 = arith.constant 0 : i32
      %ne3A_264 = arith.cmpi ne, %rem3A_262, %ne3A_263 : i32
      %lt3A_265 = arith.constant 0 : i32
      %lt3A_266 = arith.cmpi slt, %rem3A_262, %lt3A_265 : i32
      %lt3A_267 = arith.constant 0 : i32
      %lt3A_268 = arith.cmpi slt, %select_n3A_261, %lt3A_267 : i32
      %ne3A_269 = arith.xori %lt3A_266, %lt3A_268 : i1
      %and3A_270 = arith.andi %ne3A_269, %ne3A_264 : i1
      %add3A_271 = arith.addi %rem3A_262, %select_n3A_261 : i32
      %select_n3A_272 = arith.select %and3A_270, %add3A_271, %rem3A_262 : i32
      %eq3A_273 = vector.broadcast %select_n3A_272 : i32 to vector<16xi32>
      %eq3A_274 = arith.cmpi eq, %iota3A, %eq3A_273 : vector<16xi32>
      %broadcast_in_dim3A_275 = vector.broadcast %reduce_max3A_228 : f32 to vector<16xf32>
      %select_n3A_276 = arith.select %eq3A_274, %broadcast_in_dim3A_275, %get3A_256 : vector<16xi1>, vector<16xf32>
      %swap3A_277 = arith.index_cast %mul3A_254 : i32 to index
      %swap3A_278 = tpu.vector_load %arg15[%swap3A_277] {strides = array<i32>} : memref<160xf32, #tpu.memory_space<vmem>>, vector<16xf32>,
      tpu.vector_store %arg15[%swap3A_277], %select_n3A_276 {strides = array<i32>} : memref<160xf32, #tpu.memory_space<vmem>>, vector<16xf32>,
      %scan3A_279 = arith.constant 158 : i32
      %broadcast_in_dim3A_280 = arith.constant 0 : i32
      %broadcast_in_dim3A_281 = vector.broadcast %broadcast_in_dim3A_280 : i32 to vector<16xi32>
      %scan3A_282 = arith.constant 0.000000e+00 : f32
      %scan3A_283 = arith.constant 0 : i32
      %scan3A_284 = arith.constant 64 : i32
      %scan3A_285 = arith.addi %scan3A_283, %scan3A_284 : i32
      %scan3A_286 = arith.constant 1 : i32
      %scan3A_287:2 = scf.for %scan3A_296 = %scan3A_283 to %scan3A_285 step %scan3A_286 iter_args(%scan3A_297 = %broadcast_in_dim3A_281, %scan3A_298 = %scan3A_282) -> (vector<16xi32>, f32)  : i32 {
        %get3A_299 = arith.constant 0 : index
        %get3A_300 = tpu.vector_load %arg15[%get3A_299] {strides = array<i32>} : memref<160xf32, #tpu.memory_space<vmem>>, vector<16xf32>,
        %get3A_301 = arith.constant 16 : index
        %get3A_302 = tpu.vector_load %arg15[%get3A_301] {strides = array<i32>} : memref<160xf32, #tpu.memory_space<vmem>>, vector<16xf32>,
        %max3A = arith.maximumf %get3A_300, %get3A_302 : vector<16xf32>
        %get3A_303 = arith.constant 32 : index
        %get3A_304 = tpu.vector_load %arg15[%get3A_303] {strides = array<i32>} : memref<160xf32, #tpu.memory_space<vmem>>, vector<16xf32>,
        %max3A_305 = arith.maximumf %max3A, %get3A_304 : vector<16xf32>
        %get3A_306 = arith.constant 48 : index
        %get3A_307 = tpu.vector_load %arg15[%get3A_306] {strides = array<i32>} : memref<160xf32, #tpu.memory_space<vmem>>, vector<16xf32>,
        %max3A_308 = arith.maximumf %max3A_305, %get3A_307 : vector<16xf32>
        %get3A_309 = arith.constant 64 : index
        %get3A_310 = tpu.vector_load %arg15[%get3A_309] {strides = array<i32>} : memref<160xf32, #tpu.memory_space<vmem>>, vector<16xf32>,
        %max3A_311 = arith.maximumf %max3A_308, %get3A_310 : vector<16xf32>
        %get3A_312 = arith.constant 80 : index
        %get3A_313 = tpu.vector_load %arg15[%get3A_312] {strides = array<i32>} : memref<160xf32, #tpu.memory_space<vmem>>, vector<16xf32>,
        %max3A_314 = arith.maximumf %max3A_311, %get3A_313 : vector<16xf32>
        %get3A_315 = arith.constant 96 : index
        %get3A_316 = tpu.vector_load %arg15[%get3A_315] {strides = array<i32>} : memref<160xf32, #tpu.memory_space<vmem>>, vector<16xf32>,
        %max3A_317 = arith.maximumf %max3A_314, %get3A_316 : vector<16xf32>
        %get3A_318 = arith.constant 112 : index
        %get3A_319 = tpu.vector_load %arg15[%get3A_318] {strides = array<i32>} : memref<160xf32, #tpu.memory_space<vmem>>, vector<16xf32>,
        %max3A_320 = arith.maximumf %max3A_317, %get3A_319 : vector<16xf32>
        %get3A_321 = arith.constant 128 : index
        %get3A_322 = tpu.vector_load %arg15[%get3A_321] {strides = array<i32>} : memref<160xf32, #tpu.memory_space<vmem>>, vector<16xf32>,
        %max3A_323 = arith.maximumf %max3A_320, %get3A_322 : vector<16xf32>
        %get3A_324 = arith.constant 144 : index
        %get3A_325 = tpu.vector_load %arg15[%get3A_324] {strides = array<i32>} : memref<160xf32, #tpu.memory_space<vmem>>, vector<16xf32>,
        %max3A_326 = arith.maximumf %max3A_323, %get3A_325 : vector<16xf32>
        %reduce_max3A_327 = arith.constant true
        %reduce_max3A_328 = vector.broadcast %reduce_max3A_327 : i1 to vector<16xi1>
        %reduce_max3A_329 = tpu.scan <max>, %max3A_326 masked %reduce_max3A_328 : vector<16xf32>, vector<16xi1> -> vector<16xf32>
        %reduce_max3A_330 = vector.extract %reduce_max3A_329[15] : f32 from vector<16xf32>
        %broadcast_in_dim3A_331 = arith.constant 1073741824 : i32
        %broadcast_in_dim3A_332 = vector.broadcast %broadcast_in_dim3A_331 : i32 to vector<16xi32>
        %get3A_333 = arith.constant 0 : index
        %get3A_334 = tpu.vector_load %arg15[%get3A_333] {strides = array<i32>} : memref<160xf32, #tpu.memory_space<vmem>>, vector<16xf32>,
        %eq3A_335 = vector.broadcast %reduce_max3A_330 : f32 to vector<16xf32>
        %eq3A_336 = arith.cmpf oeq, %get3A_334, %eq3A_335 : vector<16xf32>
        %add3A_337 = arith.constant 0 : i32
        %add3A_338 = vector.broadcast %add3A_337 : i32 to vector<16xi32>
        %add3A_339 = arith.addi %add3A_338, %iota3A : vector<16xi32>
        %jit3A_340 = arith.constant 1073741824 : i32
        %broadcast_in_dim3A_341 = vector.broadcast %jit3A_340 : i32 to vector<16xi32>
        %select_n3A_342 = arith.select %eq3A_336, %add3A_339, %broadcast_in_dim3A_341 : vector<16xi1>, vector<16xi32>
        %min3A = arith.minsi %broadcast_in_dim3A_332, %select_n3A_342 : vector<16xi32>
        %get3A_343 = arith.constant 16 : index
        %get3A_344 = tpu.vector_load %arg15[%get3A_343] {strides = array<i32>} : memref<160xf32, #tpu.memory_space<vmem>>, vector<16xf32>,
        %eq3A_345 = vector.broadcast %reduce_max3A_330 : f32 to vector<16xf32>
        %eq3A_346 = arith.cmpf oeq, %get3A_344, %eq3A_345 : vector<16xf32>
        %add3A_347 = arith.constant 16 : i32
        %add3A_348 = vector.broadcast %add3A_347 : i32 to vector<16xi32>
        %add3A_349 = arith.addi %add3A_348, %iota3A : vector<16xi32>
        %jit3A_350 = arith.constant 1073741824 : i32
        %broadcast_in_dim3A_351 = vector.broadcast %jit3A_350 : i32 to vector<16xi32>
        %select_n3A_352 = arith.select %eq3A_346, %add3A_349, %broadcast_in_dim3A_351 : vector<16xi1>, vector<16xi32>
        %min3A_353 = arith.minsi %min3A, %select_n3A_352 : vector<16xi32>
        %get3A_354 = arith.constant 32 : index
        %get3A_355 = tpu.vector_load %arg15[%get3A_354] {strides = array<i32>} : memref<160xf32, #tpu.memory_space<vmem>>, vector<16xf32>,
        %eq3A_356 = vector.broadcast %reduce_max3A_330 : f32 to vector<16xf32>
        %eq3A_357 = arith.cmpf oeq, %get3A_355, %eq3A_356 : vector<16xf32>
        %add3A_358 = arith.constant 32 : i32
        %add3A_359 = vector.broadcast %add3A_358 : i32 to vector<16xi32>
        %add3A_360 = arith.addi %add3A_359, %iota3A : vector<16xi32>
        %jit3A_361 = arith.constant 1073741824 : i32
        %broadcast_in_dim3A_362 = vector.broadcast %jit3A_361 : i32 to vector<16xi32>
        %select_n3A_363 = arith.select %eq3A_357, %add3A_360, %broadcast_in_dim3A_362 : vector<16xi1>, vector<16xi32>
        %min3A_364 = arith.minsi %min3A_353, %select_n3A_363 : vector<16xi32>
        %get3A_365 = arith.constant 48 : index
        %get3A_366 = tpu.vector_load %arg15[%get3A_365] {strides = array<i32>} : memref<160xf32, #tpu.memory_space<vmem>>, vector<16xf32>,
        %eq3A_367 = vector.broadcast %reduce_max3A_330 : f32 to vector<16xf32>
        %eq3A_368 = arith.cmpf oeq, %get3A_366, %eq3A_367 : vector<16xf32>
        %add3A_369 = arith.constant 48 : i32
        %add3A_370 = vector.broadcast %add3A_369 : i32 to vector<16xi32>
        %add3A_371 = arith.addi %add3A_370, %iota3A : vector<16xi32>
        %jit3A_372 = arith.constant 1073741824 : i32
        %broadcast_in_dim3A_373 = vector.broadcast %jit3A_372 : i32 to vector<16xi32>
        %select_n3A_374 = arith.select %eq3A_368, %add3A_371, %broadcast_in_dim3A_373 : vector<16xi1>, vector<16xi32>
        %min3A_375 = arith.minsi %min3A_364, %select_n3A_374 : vector<16xi32>
        %get3A_376 = arith.constant 64 : index
        %get3A_377 = tpu.vector_load %arg15[%get3A_376] {strides = array<i32>} : memref<160xf32, #tpu.memory_space<vmem>>, vector<16xf32>,
        %eq3A_378 = vector.broadcast %reduce_max3A_330 : f32 to vector<16xf32>
        %eq3A_379 = arith.cmpf oeq, %get3A_377, %eq3A_378 : vector<16xf32>
        %add3A_380 = arith.constant 64 : i32
        %add3A_381 = vector.broadcast %add3A_380 : i32 to vector<16xi32>
        %add3A_382 = arith.addi %add3A_381, %iota3A : vector<16xi32>
        %jit3A_383 = arith.constant 1073741824 : i32
        %broadcast_in_dim3A_384 = vector.broadcast %jit3A_383 : i32 to vector<16xi32>
        %select_n3A_385 = arith.select %eq3A_379, %add3A_382, %broadcast_in_dim3A_384 : vector<16xi1>, vector<16xi32>
        %min3A_386 = arith.minsi %min3A_375, %select_n3A_385 : vector<16xi32>
        %get3A_387 = arith.constant 80 : index
        %get3A_388 = tpu.vector_load %arg15[%get3A_387] {strides = array<i32>} : memref<160xf32, #tpu.memory_space<vmem>>, vector<16xf32>,
        %eq3A_389 = vector.broadcast %reduce_max3A_330 : f32 to vector<16xf32>
        %eq3A_390 = arith.cmpf oeq, %get3A_388, %eq3A_389 : vector<16xf32>
        %add3A_391 = arith.constant 80 : i32
        %add3A_392 = vector.broadcast %add3A_391 : i32 to vector<16xi32>
        %add3A_393 = arith.addi %add3A_392, %iota3A : vector<16xi32>
        %jit3A_394 = arith.constant 1073741824 : i32
        %broadcast_in_dim3A_395 = vector.broadcast %jit3A_394 : i32 to vector<16xi32>
        %select_n3A_396 = arith.select %eq3A_390, %add3A_393, %broadcast_in_dim3A_395 : vector<16xi1>, vector<16xi32>
        %min3A_397 = arith.minsi %min3A_386, %select_n3A_396 : vector<16xi32>
        %get3A_398 = arith.constant 96 : index
        %get3A_399 = tpu.vector_load %arg15[%get3A_398] {strides = array<i32>} : memref<160xf32, #tpu.memory_space<vmem>>, vector<16xf32>,
        %eq3A_400 = vector.broadcast %reduce_max3A_330 : f32 to vector<16xf32>
        %eq3A_401 = arith.cmpf oeq, %get3A_399, %eq3A_400 : vector<16xf32>
        %add3A_402 = arith.constant 96 : i32
        %add3A_403 = vector.broadcast %add3A_402 : i32 to vector<16xi32>
        %add3A_404 = arith.addi %add3A_403, %iota3A : vector<16xi32>
        %jit3A_405 = arith.constant 1073741824 : i32
        %broadcast_in_dim3A_406 = vector.broadcast %jit3A_405 : i32 to vector<16xi32>
        %select_n3A_407 = arith.select %eq3A_401, %add3A_404, %broadcast_in_dim3A_406 : vector<16xi1>, vector<16xi32>
        %min3A_408 = arith.minsi %min3A_397, %select_n3A_407 : vector<16xi32>
        %get3A_409 = arith.constant 112 : index
        %get3A_410 = tpu.vector_load %arg15[%get3A_409] {strides = array<i32>} : memref<160xf32, #tpu.memory_space<vmem>>, vector<16xf32>,
        %eq3A_411 = vector.broadcast %reduce_max3A_330 : f32 to vector<16xf32>
        %eq3A_412 = arith.cmpf oeq, %get3A_410, %eq3A_411 : vector<16xf32>
        %add3A_413 = arith.constant 112 : i32
        %add3A_414 = vector.broadcast %add3A_413 : i32 to vector<16xi32>
        %add3A_415 = arith.addi %add3A_414, %iota3A : vector<16xi32>
        %jit3A_416 = arith.constant 1073741824 : i32
        %broadcast_in_dim3A_417 = vector.broadcast %jit3A_416 : i32 to vector<16xi32>
        %select_n3A_418 = arith.select %eq3A_412, %add3A_415, %broadcast_in_dim3A_417 : vector<16xi1>, vector<16xi32>
        %min3A_419 = arith.minsi %min3A_408, %select_n3A_418 : vector<16xi32>
        %get3A_420 = arith.constant 128 : index
        %get3A_421 = tpu.vector_load %arg15[%get3A_420] {strides = array<i32>} : memref<160xf32, #tpu.memory_space<vmem>>, vector<16xf32>,
        %eq3A_422 = vector.broadcast %reduce_max3A_330 : f32 to vector<16xf32>
        %eq3A_423 = arith.cmpf oeq, %get3A_421, %eq3A_422 : vector<16xf32>
        %add3A_424 = arith.constant 128 : i32
        %add3A_425 = vector.broadcast %add3A_424 : i32 to vector<16xi32>
        %add3A_426 = arith.addi %add3A_425, %iota3A : vector<16xi32>
        %jit3A_427 = arith.constant 1073741824 : i32
        %broadcast_in_dim3A_428 = vector.broadcast %jit3A_427 : i32 to vector<16xi32>
        %select_n3A_429 = arith.select %eq3A_423, %add3A_426, %broadcast_in_dim3A_428 : vector<16xi1>, vector<16xi32>
        %min3A_430 = arith.minsi %min3A_419, %select_n3A_429 : vector<16xi32>
        %get3A_431 = arith.constant 144 : index
        %get3A_432 = tpu.vector_load %arg15[%get3A_431] {strides = array<i32>} : memref<160xf32, #tpu.memory_space<vmem>>, vector<16xf32>,
        %eq3A_433 = vector.broadcast %reduce_max3A_330 : f32 to vector<16xf32>
        %eq3A_434 = arith.cmpf oeq, %get3A_432, %eq3A_433 : vector<16xf32>
        %add3A_435 = arith.constant 144 : i32
        %add3A_436 = vector.broadcast %add3A_435 : i32 to vector<16xi32>
        %add3A_437 = arith.addi %add3A_436, %iota3A : vector<16xi32>
        %jit3A_438 = arith.constant 1073741824 : i32
        %broadcast_in_dim3A_439 = vector.broadcast %jit3A_438 : i32 to vector<16xi32>
        %select_n3A_440 = arith.select %eq3A_434, %add3A_437, %broadcast_in_dim3A_439 : vector<16xi1>, vector<16xi32>
        %min3A_441 = arith.minsi %min3A_430, %select_n3A_440 : vector<16xi32>
        %reduce_min3A = arith.constant true
        %reduce_min3A_442 = vector.broadcast %reduce_min3A : i1 to vector<16xi1>
        %reduce_min3A_443 = arith.constant -2147483648 : i32
        %reduce_min3A_444 = vector.broadcast %reduce_min3A_443 : i32 to vector<16xi32>
        %reduce_min3A_445 = arith.xori %min3A_441, %reduce_min3A_444 : vector<16xi32>
        %reduce_min3A_446 = tpu.scan <min>, %reduce_min3A_445 masked %reduce_min3A_442 : vector<16xi32>, vector<16xi1> -> vector<16xi32>
        %reduce_min3A_447 = arith.xori %reduce_min3A_446, %reduce_min3A_444 : vector<16xi32>
        %reduce_min3A_448 = vector.extract %reduce_min3A_447[15] : i32 from vector<16xi32>
        %mul3A_449 = arith.constant 16 : i32
        %mul3A_450 = arith.muli %reduce_min3A_448, %mul3A_449 : i32
        %get3A_451 = arith.index_cast %mul3A_450 : i32 to index
        %get3A_452 = tpu.vector_load %arg14[%get3A_451] {strides = array<i32>} : memref<2528xf32, #tpu.memory_space<vmem>>, vector<16xf32>,
        %eq3A_453 = vector.broadcast %reduce_max3A_330 : f32 to vector<16xf32>
        %eq3A_454 = arith.cmpf oeq, %get3A_452, %eq3A_453 : vector<16xf32>
        %jit3A_455 = arith.constant 1073741824 : i32
        %broadcast_in_dim3A_456 = vector.broadcast %jit3A_455 : i32 to vector<16xi32>
        %select_n3A_457 = arith.select %eq3A_454, %iota3A, %broadcast_in_dim3A_456 : vector<16xi1>, vector<16xi32>
        %reduce_min3A_458 = arith.constant true
        %reduce_min3A_459 = vector.broadcast %reduce_min3A_458 : i1 to vector<16xi1>
        %reduce_min3A_460 = arith.constant -2147483648 : i32
        %reduce_min3A_461 = vector.broadcast %reduce_min3A_460 : i32 to vector<16xi32>
        %reduce_min3A_462 = arith.xori %select_n3A_457, %reduce_min3A_461 : vector<16xi32>
        %reduce_min3A_463 = tpu.scan <min>, %reduce_min3A_462 masked %reduce_min3A_459 : vector<16xi32>, vector<16xi1> -> vector<16xi32>
        %reduce_min3A_464 = arith.xori %reduce_min3A_463, %reduce_min3A_461 : vector<16xi32>
        %reduce_min3A_465 = vector.extract %reduce_min3A_464[15] : i32 from vector<16xi32>
        %mul3A_466 = arith.constant 16 : i32
        %mul3A_467 = arith.muli %reduce_min3A_448, %mul3A_466 : i32
        %add3A_468 = arith.addi %mul3A_467, %reduce_min3A_465 : i32
        %jit3A_469 = arith.constant 16 : i32
        %eq3A_470 = arith.constant 0 : i32
        %eq3A_471 = arith.cmpi eq, %jit3A_469, %eq3A_470 : i32
        %jit3A_472 = arith.constant 1 : i32
        %select_n3A_473 = arith.select %eq3A_471, %jit3A_472, %jit3A_469 : i32
        %rem3A_474 = arith.remsi %scan3A_296, %select_n3A_473 : i32
        %ne3A_475 = arith.constant 0 : i32
        %ne3A_476 = arith.cmpi ne, %rem3A_474, %ne3A_475 : i32
        %lt3A_477 = arith.constant 0 : i32
        %lt3A_478 = arith.cmpi slt, %rem3A_474, %lt3A_477 : i32
        %lt3A_479 = arith.constant 0 : i32
        %lt3A_480 = arith.cmpi slt, %select_n3A_473, %lt3A_479 : i32
        %ne3A_481 = arith.xori %lt3A_478, %lt3A_480 : i1
        %and3A_482 = arith.andi %ne3A_481, %ne3A_476 : i1
        %add3A_483 = arith.addi %rem3A_474, %select_n3A_473 : i32
        %select_n3A_484 = arith.select %and3A_482, %add3A_483, %rem3A_474 : i32
        %eq3A_485 = vector.broadcast %select_n3A_484 : i32 to vector<16xi32>
        %eq3A_486 = arith.cmpi eq, %iota3A, %eq3A_485 : vector<16xi32>
        %broadcast_in_dim3A_487 = vector.broadcast %add3A_468 : i32 to vector<16xi32>
        %select_n3A_488 = arith.select %eq3A_486, %broadcast_in_dim3A_487, %scan3A_297 : vector<16xi1>, vector<16xi32>
        %jit3A_489 = arith.constant 16 : i32
        %eq3A_490 = arith.constant 0 : i32
        %eq3A_491 = arith.cmpi eq, %jit3A_489, %eq3A_490 : i32
        %jit3A_492 = arith.constant 1 : i32
        %select_n3A_493 = arith.select %eq3A_491, %jit3A_492, %jit3A_489 : i32
        %rem3A_494 = arith.remsi %scan3A_296, %select_n3A_493 : i32
        %ne3A_495 = arith.constant 0 : i32
        %ne3A_496 = arith.cmpi ne, %rem3A_494, %ne3A_495 : i32
        %lt3A_497 = arith.constant 0 : i32
        %lt3A_498 = arith.cmpi slt, %rem3A_494, %lt3A_497 : i32
        %lt3A_499 = arith.constant 0 : i32
        %lt3A_500 = arith.cmpi slt, %select_n3A_493, %lt3A_499 : i32
        %ne3A_501 = arith.xori %lt3A_498, %lt3A_500 : i1
        %and3A_502 = arith.andi %ne3A_501, %ne3A_496 : i1
        %add3A_503 = arith.addi %rem3A_494, %select_n3A_493 : i32
        %select_n3A_504 = arith.select %and3A_502, %add3A_503, %rem3A_494 : i32
        %eq3A_505 = arith.constant 15 : i32
        %eq3A_506 = arith.cmpi eq, %select_n3A_504, %eq3A_505 : i32
        %convert_element_type3A_507 = arith.extui %eq3A_506 : i1 to i32
        %cond3A_508 = arith.constant 0 : i32
        %cond3A_509 = arith.cmpi ne, %convert_element_type3A_507, %cond3A_508 : i32
        scf.if %cond3A_509 {
          %jit3A_573 = arith.constant 16 : i32
          %div3A_574 = arith.divsi %scan3A_296, %jit3A_573 : i32
          %sign3A_575 = arith.constant 0 : i32
          %sign3A_576 = arith.cmpi sgt, %scan3A_296, %sign3A_575 : i32
          %sign3A_577 = arith.extui %sign3A_576 : i1 to i32
          %sign3A_578 = arith.constant 0 : i32
          %sign3A_579 = arith.cmpi slt, %scan3A_296, %sign3A_578 : i32
          %sign3A_580 = arith.extui %sign3A_579 : i1 to i32
          %sign3A_581 = arith.subi %sign3A_577, %sign3A_580 : i32
          %sign3A_582 = arith.constant 0 : i32
          %sign3A_583 = arith.cmpi sgt, %jit3A_573, %sign3A_582 : i32
          %sign3A_584 = arith.extui %sign3A_583 : i1 to i32
          %sign3A_585 = arith.constant 0 : i32
          %sign3A_586 = arith.cmpi slt, %jit3A_573, %sign3A_585 : i32
          %sign3A_587 = arith.extui %sign3A_586 : i1 to i32
          %sign3A_588 = arith.subi %sign3A_584, %sign3A_587 : i32
          %ne3A_589 = arith.cmpi ne, %sign3A_581, %sign3A_588 : i32
          %rem3A_590 = arith.remsi %scan3A_296, %jit3A_573 : i32
          %ne3A_591 = arith.constant 0 : i32
          %ne3A_592 = arith.cmpi ne, %rem3A_590, %ne3A_591 : i32
          %and3A_593 = arith.andi %ne3A_589, %ne3A_592 : i1
          %sub3A_594 = arith.constant 1 : i32
          %sub3A_595 = arith.subi %div3A_574, %sub3A_594 : i32
          %select_n3A_596 = arith.select %and3A_593, %sub3A_595, %div3A_574 : i32
          %mul3A_597 = arith.constant 16 : i32
          %mul3A_598 = arith.muli %select_n3A_596, %mul3A_597 : i32
          %swap3A_599 = arith.index_cast %mul3A_598 : i32 to index
          %swap3A_600 = tpu.vector_load %arg16[%swap3A_599] {strides = array<i32>} : memref<64xi32, #tpu.memory_space<vmem>>, vector<16xi32>,
          tpu.vector_store %arg16[%swap3A_599], %select_n3A_488 {strides = array<i32>} : memref<64xi32, #tpu.memory_space<vmem>>, vector<16xi32>,
        } else {
        }
        %eq3A_510 = vector.broadcast %reduce_min3A_465 : i32 to vector<16xi32>
        %eq3A_511 = arith.cmpi eq, %iota3A, %eq3A_510 : vector<16xi32>
        %jit3A_512 = arith.constant -2.000000e+00 : f32
        %broadcast_in_dim3A_513 = vector.broadcast %jit3A_512 : f32 to vector<16xf32>
        %select_n3A_514 = arith.select %eq3A_511, %broadcast_in_dim3A_513, %get3A_452 : vector<16xi1>, vector<16xf32>
        %mul3A_515 = arith.constant 16 : i32
        %mul3A_516 = arith.muli %reduce_min3A_448, %mul3A_515 : i32
        %swap3A_517 = arith.index_cast %mul3A_516 : i32 to index
        %swap3A_518 = tpu.vector_load %arg14[%swap3A_517] {strides = array<i32>} : memref<2528xf32, #tpu.memory_space<vmem>>, vector<16xf32>,
        tpu.vector_store %arg14[%swap3A_517], %select_n3A_514 {strides = array<i32>} : memref<2528xf32, #tpu.memory_space<vmem>>, vector<16xf32>,
        %reduce_max3A_519 = arith.constant true
        %reduce_max3A_520 = vector.broadcast %reduce_max3A_519 : i1 to vector<16xi1>
        %reduce_max3A_521 = tpu.scan <max>, %select_n3A_514 masked %reduce_max3A_520 : vector<16xf32>, vector<16xi1> -> vector<16xf32>
        %reduce_max3A_522 = vector.extract %reduce_max3A_521[15] : f32 from vector<16xf32>
        %jit3A_523 = arith.constant 16 : i32
        %div3A_524 = arith.divsi %reduce_min3A_448, %jit3A_523 : i32
        %sign3A_525 = arith.constant 0 : i32
        %sign3A_526 = arith.cmpi sgt, %reduce_min3A_448, %sign3A_525 : i32
        %sign3A_527 = arith.extui %sign3A_526 : i1 to i32
        %sign3A_528 = arith.constant 0 : i32
        %sign3A_529 = arith.cmpi slt, %reduce_min3A_448, %sign3A_528 : i32
        %sign3A_530 = arith.extui %sign3A_529 : i1 to i32
        %sign3A_531 = arith.subi %sign3A_527, %sign3A_530 : i32
        %sign3A_532 = arith.constant 0 : i32
        %sign3A_533 = arith.cmpi sgt, %jit3A_523, %sign3A_532 : i32
        %sign3A_534 = arith.extui %sign3A_533 : i1 to i32
        %sign3A_535 = arith.constant 0 : i32
        %sign3A_536 = arith.cmpi slt, %jit3A_523, %sign3A_535 : i32
        %sign3A_537 = arith.extui %sign3A_536 : i1 to i32
        %sign3A_538 = arith.subi %sign3A_534, %sign3A_537 : i32
        %ne3A_539 = arith.cmpi ne, %sign3A_531, %sign3A_538 : i32
        %rem3A_540 = arith.remsi %reduce_min3A_448, %jit3A_523 : i32
        %ne3A_541 = arith.constant 0 : i32
        %ne3A_542 = arith.cmpi ne, %rem3A_540, %ne3A_541 : i32
        %and3A_543 = arith.andi %ne3A_539, %ne3A_542 : i1
        %sub3A_544 = arith.constant 1 : i32
        %sub3A_545 = arith.subi %div3A_524, %sub3A_544 : i32
        %select_n3A_546 = arith.select %and3A_543, %sub3A_545, %div3A_524 : i32
        %mul3A_547 = arith.constant 16 : i32
        %mul3A_548 = arith.muli %select_n3A_546, %mul3A_547 : i32
        %get3A_549 = arith.index_cast %mul3A_548 : i32 to index
        %get3A_550 = tpu.vector_load %arg15[%get3A_549] {strides = array<i32>} : memref<160xf32, #tpu.memory_space<vmem>>, vector<16xf32>,
        %jit3A_551 = arith.constant 16 : i32
        %eq3A_552 = arith.constant 0 : i32
        %eq3A_553 = arith.cmpi eq, %jit3A_551, %eq3A_552 : i32
        %jit3A_554 = arith.constant 1 : i32
        %select_n3A_555 = arith.select %eq3A_553, %jit3A_554, %jit3A_551 : i32
        %rem3A_556 = arith.remsi %reduce_min3A_448, %select_n3A_555 : i32
        %ne3A_557 = arith.constant 0 : i32
        %ne3A_558 = arith.cmpi ne, %rem3A_556, %ne3A_557 : i32
        %lt3A_559 = arith.constant 0 : i32
        %lt3A_560 = arith.cmpi slt, %rem3A_556, %lt3A_559 : i32
        %lt3A_561 = arith.constant 0 : i32
        %lt3A_562 = arith.cmpi slt, %select_n3A_555, %lt3A_561 : i32
        %ne3A_563 = arith.xori %lt3A_560, %lt3A_562 : i1
        %and3A_564 = arith.andi %ne3A_563, %ne3A_558 : i1
        %add3A_565 = arith.addi %rem3A_556, %select_n3A_555 : i32
        %select_n3A_566 = arith.select %and3A_564, %add3A_565, %rem3A_556 : i32
        %eq3A_567 = vector.broadcast %select_n3A_566 : i32 to vector<16xi32>
        %eq3A_568 = arith.cmpi eq, %iota3A, %eq3A_567 : vector<16xi32>
        %broadcast_in_dim3A_569 = vector.broadcast %reduce_max3A_522 : f32 to vector<16xf32>
        %select_n3A_570 = arith.select %eq3A_568, %broadcast_in_dim3A_569, %get3A_550 : vector<16xi1>, vector<16xf32>
        %swap3A_571 = arith.index_cast %mul3A_548 : i32 to index
        %swap3A_572 = tpu.vector_load %arg15[%swap3A_571] {strides = array<i32>} : memref<160xf32, #tpu.memory_space<vmem>>, vector<16xf32>,
        tpu.vector_store %arg15[%swap3A_571], %select_n3A_570 {strides = array<i32>} : memref<160xf32, #tpu.memory_space<vmem>>, vector<16xf32>,
        scf.yield %select_n3A_488, %reduce_max3A_330 : vector<16xi32>, f32
      }
      %scan3A_288 = arith.constant 64 : i32
      %mul3A_289 = arith.constant 64 : i32
      %mul3A_290 = arith.muli %select_n3A, %mul3A_289 : i32
      "tpu.region"() ({
        %run_scoped3A = tpu.sem_alloc : memref<!tpu.dma_semaphore, #tpu.memory_space<semaphore_mem>>
        %dma_start3A_296 = tpu.memref_slice %arg31[%mul3A_290] : memref<256xi32, #tpu.memory_space<vmem_shared>> -> memref<64xi32, #tpu.memory_space<vmem_shared>>
        %dma_start3A_297 = tpu.memref_slice %arg31[%mul3A_290] : memref<256xi32, #tpu.memory_space<vmem_shared>> -> memref<64xi32, #tpu.memory_space<vmem_shared>>
        tpu.enqueue_dma source(%arg16 : memref<64xi32, #tpu.memory_space<vmem>>) target(%dma_start3A_297 : memref<64xi32, #tpu.memory_space<vmem_shared>>) target_semaphore(%run_scoped3A : memref<!tpu.dma_semaphore, #tpu.memory_space<semaphore_mem>>)
        %dma_wait3A = tpu.memref_slice %arg31[%mul3A_290] : memref<256xi32, #tpu.memory_space<vmem_shared>> -> memref<64xi32, #tpu.memory_space<vmem_shared>>
        %dma_wait3A_298 = tpu.memref_slice %arg31[%mul3A_290] : memref<256xi32, #tpu.memory_space<vmem_shared>> -> memref<64xi32, #tpu.memory_space<vmem_shared>>
        tpu.wait_dma2 semaphore(%run_scoped3A : memref<!tpu.dma_semaphore, #tpu.memory_space<semaphore_mem>>) src(%arg16 : memref<64xi32, #tpu.memory_space<vmem>>) dst(%dma_wait3A_298 : memref<64xi32, #tpu.memory_space<vmem_shared>>)
        tpu.yield
      }) : () -> ()
      %broadcast_in_dim3A_291 = vector.broadcast %scan3A_287#1 : f32 to vector<16xf32>
      %swap3A_292 = arith.constant 0 : index
      %swap3A_293 = tpu.vector_load %arg17[%swap3A_292] {strides = array<i32>} : memref<16xf32, #tpu.memory_space<vmem>>, vector<16xf32>,
      tpu.vector_store %arg17[%swap3A_292], %broadcast_in_dim3A_291 {strides = array<i32>} : memref<16xf32, #tpu.memory_space<vmem>>, vector<16xf32>,
      %mul3A_294 = arith.constant 16 : i32
      %mul3A_295 = arith.muli %select_n3A, %mul3A_294 : i32
      "tpu.region"() ({
        %run_scoped3A = tpu.sem_alloc : memref<!tpu.dma_semaphore, #tpu.memory_space<semaphore_mem>>
        %dma_start3A_296 = tpu.memref_slice %arg32[%mul3A_295] : memref<64xf32, #tpu.memory_space<vmem_shared>> -> memref<16xf32, #tpu.memory_space<vmem_shared>>
        %dma_start3A_297 = tpu.memref_slice %arg32[%mul3A_295] : memref<64xf32, #tpu.memory_space<vmem_shared>> -> memref<16xf32, #tpu.memory_space<vmem_shared>>
        tpu.enqueue_dma source(%arg17 : memref<16xf32, #tpu.memory_space<vmem>>) target(%dma_start3A_297 : memref<16xf32, #tpu.memory_space<vmem_shared>>) target_semaphore(%run_scoped3A : memref<!tpu.dma_semaphore, #tpu.memory_space<semaphore_mem>>)
        %dma_wait3A = tpu.memref_slice %arg32[%mul3A_295] : memref<64xf32, #tpu.memory_space<vmem_shared>> -> memref<16xf32, #tpu.memory_space<vmem_shared>>
        %dma_wait3A_298 = tpu.memref_slice %arg32[%mul3A_295] : memref<64xf32, #tpu.memory_space<vmem_shared>> -> memref<16xf32, #tpu.memory_space<vmem_shared>>
        tpu.wait_dma2 semaphore(%run_scoped3A : memref<!tpu.dma_semaphore, #tpu.memory_space<semaphore_mem>>) src(%arg17 : memref<16xf32, #tpu.memory_space<vmem>>) dst(%dma_wait3A_298 : memref<16xf32, #tpu.memory_space<vmem_shared>>)
        tpu.yield
      }) : () -> ()
    } else {
    }
    %barrier3A_69 = arith.constant 0 : index
    tpu.barrier barrier_id(%barrier3A_69)
    %mul3A_70 = arith.constant 64 : i32
    %mul3A_71 = arith.muli %select_n3A, %mul3A_70 : i32
    %mul3A_72 = arith.constant 16 : i32
    %mul3A_73 = arith.muli %select_n3A_28, %mul3A_72 : i32
    %add3A_74 = arith.addi %mul3A_71, %mul3A_73 : i32
    "tpu.region"() ({
      %run_scoped3A = tpu.sem_alloc : memref<!tpu.dma_semaphore, #tpu.memory_space<semaphore_mem>>
      %dma_start3A_113 = tpu.memref_slice %arg31[%add3A_74] : memref<256xi32, #tpu.memory_space<vmem_shared>> -> memref<16xi32, #tpu.memory_space<vmem_shared>>
      %dma_start3A_114 = tpu.memref_slice %arg31[%add3A_74] : memref<256xi32, #tpu.memory_space<vmem_shared>> -> memref<16xi32, #tpu.memory_space<vmem_shared>>
      tpu.enqueue_dma source(%dma_start3A_114 : memref<16xi32, #tpu.memory_space<vmem_shared>>) target(%arg18 : memref<16xi32, #tpu.memory_space<vmem>>) target_semaphore(%run_scoped3A : memref<!tpu.dma_semaphore, #tpu.memory_space<semaphore_mem>>)
      %dma_wait3A = tpu.memref_slice %arg31[%add3A_74] : memref<256xi32, #tpu.memory_space<vmem_shared>> -> memref<16xi32, #tpu.memory_space<vmem_shared>>
      %dma_wait3A_115 = tpu.memref_slice %arg31[%add3A_74] : memref<256xi32, #tpu.memory_space<vmem_shared>> -> memref<16xi32, #tpu.memory_space<vmem_shared>>
      tpu.wait_dma2 semaphore(%run_scoped3A : memref<!tpu.dma_semaphore, #tpu.memory_space<semaphore_mem>>) src(%dma_wait3A_115 : memref<16xi32, #tpu.memory_space<vmem_shared>>) dst(%arg18 : memref<16xi32, #tpu.memory_space<vmem>>)
      tpu.yield
    }) : () -> ()
    %mul3A_75 = arith.constant 16 : i32
    %mul3A_76 = arith.muli %select_n3A, %mul3A_75 : i32
    "tpu.region"() ({
      %run_scoped3A = tpu.sem_alloc : memref<!tpu.dma_semaphore, #tpu.memory_space<semaphore_mem>>
      %dma_start3A_113 = tpu.memref_slice %arg32[%mul3A_76] : memref<64xf32, #tpu.memory_space<vmem_shared>> -> memref<16xf32, #tpu.memory_space<vmem_shared>>
      %dma_start3A_114 = tpu.memref_slice %arg32[%mul3A_76] : memref<64xf32, #tpu.memory_space<vmem_shared>> -> memref<16xf32, #tpu.memory_space<vmem_shared>>
      tpu.enqueue_dma source(%dma_start3A_114 : memref<16xf32, #tpu.memory_space<vmem_shared>>) target(%arg17 : memref<16xf32, #tpu.memory_space<vmem>>) target_semaphore(%run_scoped3A : memref<!tpu.dma_semaphore, #tpu.memory_space<semaphore_mem>>)
      %dma_wait3A = tpu.memref_slice %arg32[%mul3A_76] : memref<64xf32, #tpu.memory_space<vmem_shared>> -> memref<16xf32, #tpu.memory_space<vmem_shared>>
      %dma_wait3A_115 = tpu.memref_slice %arg32[%mul3A_76] : memref<64xf32, #tpu.memory_space<vmem_shared>> -> memref<16xf32, #tpu.memory_space<vmem_shared>>
      tpu.wait_dma2 semaphore(%run_scoped3A : memref<!tpu.dma_semaphore, #tpu.memory_space<semaphore_mem>>) src(%dma_wait3A_115 : memref<16xf32, #tpu.memory_space<vmem_shared>>) dst(%arg17 : memref<16xf32, #tpu.memory_space<vmem>>)
      tpu.yield
    }) : () -> ()
    %get3A = arith.constant 0 : index
    %get3A_77 = tpu.vector_load %arg17[%get3A] {strides = array<i32>} : memref<16xf32, #tpu.memory_space<vmem>>, vector<16xf32>,
    %slice3A = vector.extract_strided_slice %get3A_77 {offsets = [0], sizes = [1], strides = [1]} : vector<16xf32> to vector<1xf32>
    %squeeze3A = vector.extract %slice3A[0] : f32 from vector<1xf32>
    %scan3A_78 = arith.constant 0 : i32
    %scan3A_79 = arith.constant 0 : i32
    %scan3A_80 = arith.constant 128 : i32
    %scan3A_81 = arith.addi %scan3A_79, %scan3A_80 : i32
    %scan3A_82 = arith.constant 8 : i32
    scf.for %scan3A_113 = %scan3A_79 to %scan3A_81 step %scan3A_82  : i32 {
      %broadcast_in_dim3A_114 = arith.constant -1.000000e+00 : f32
      %broadcast_in_dim3A_115 = vector.broadcast %broadcast_in_dim3A_114 : f32 to vector<16xf32>
      %mul3A_116 = arith.constant 16 : i32
      %mul3A_117 = arith.muli %scan3A_113, %mul3A_116 : i32
      %swap3A_118 = arith.index_cast %mul3A_117 : i32 to index
      %swap3A_119 = tpu.vector_load %arg20[%swap3A_118] {strides = array<i32>} : memref<2048xf32, #tpu.memory_space<vmem>>, vector<16xf32>,
      tpu.vector_store %arg20[%swap3A_118], %broadcast_in_dim3A_115 {strides = array<i32>} : memref<2048xf32, #tpu.memory_space<vmem>>, vector<16xf32>,
      %broadcast_in_dim3A_120 = arith.constant 1073741824 : i32
      %broadcast_in_dim3A_121 = vector.broadcast %broadcast_in_dim3A_120 : i32 to vector<16xi32>
      %mul3A_122 = arith.constant 16 : i32
      %mul3A_123 = arith.muli %scan3A_113, %mul3A_122 : i32
      %swap3A_124 = arith.index_cast %mul3A_123 : i32 to index
      %swap3A_125 = tpu.vector_load %arg21[%swap3A_124] {strides = array<i32>} : memref<2048xi32, #tpu.memory_space<vmem>>, vector<16xi32>,
      tpu.vector_store %arg21[%swap3A_124], %broadcast_in_dim3A_121 {strides = array<i32>} : memref<2048xi32, #tpu.memory_space<vmem>>, vector<16xi32>,
      %scan3A_126 = arith.constant 1 : i32
      %scan3A_127 = arith.addi %scan3A_113, %scan3A_126 : i32
      %broadcast_in_dim3A_128 = arith.constant -1.000000e+00 : f32
      %broadcast_in_dim3A_129 = vector.broadcast %broadcast_in_dim3A_128 : f32 to vector<16xf32>
      %mul3A_130 = arith.constant 16 : i32
      %mul3A_131 = arith.muli %scan3A_127, %mul3A_130 : i32
      %swap3A_132 = arith.index_cast %mul3A_131 : i32 to index
      %swap3A_133 = tpu.vector_load %arg20[%swap3A_132] {strides = array<i32>} : memref<2048xf32, #tpu.memory_space<vmem>>, vector<16xf32>,
      tpu.vector_store %arg20[%swap3A_132], %broadcast_in_dim3A_129 {strides = array<i32>} : memref<2048xf32, #tpu.memory_space<vmem>>, vector<16xf32>,
      %broadcast_in_dim3A_134 = arith.constant 1073741824 : i32
      %broadcast_in_dim3A_135 = vector.broadcast %broadcast_in_dim3A_134 : i32 to vector<16xi32>
      %mul3A_136 = arith.constant 16 : i32
      %mul3A_137 = arith.muli %scan3A_127, %mul3A_136 : i32
      %swap3A_138 = arith.index_cast %mul3A_137 : i32 to index
      %swap3A_139 = tpu.vector_load %arg21[%swap3A_138] {strides = array<i32>} : memref<2048xi32, #tpu.memory_space<vmem>>, vector<16xi32>,
      tpu.vector_store %arg21[%swap3A_138], %broadcast_in_dim3A_135 {strides = array<i32>} : memref<2048xi32, #tpu.memory_space<vmem>>, vector<16xi32>,
      %scan3A_140 = arith.constant 2 : i32
      %scan3A_141 = arith.addi %scan3A_113, %scan3A_140 : i32
      %broadcast_in_dim3A_142 = arith.constant -1.000000e+00 : f32
      %broadcast_in_dim3A_143 = vector.broadcast %broadcast_in_dim3A_142 : f32 to vector<16xf32>
      %mul3A_144 = arith.constant 16 : i32
      %mul3A_145 = arith.muli %scan3A_141, %mul3A_144 : i32
      %swap3A_146 = arith.index_cast %mul3A_145 : i32 to index
      %swap3A_147 = tpu.vector_load %arg20[%swap3A_146] {strides = array<i32>} : memref<2048xf32, #tpu.memory_space<vmem>>, vector<16xf32>,
      tpu.vector_store %arg20[%swap3A_146], %broadcast_in_dim3A_143 {strides = array<i32>} : memref<2048xf32, #tpu.memory_space<vmem>>, vector<16xf32>,
      %broadcast_in_dim3A_148 = arith.constant 1073741824 : i32
      %broadcast_in_dim3A_149 = vector.broadcast %broadcast_in_dim3A_148 : i32 to vector<16xi32>
      %mul3A_150 = arith.constant 16 : i32
      %mul3A_151 = arith.muli %scan3A_141, %mul3A_150 : i32
      %swap3A_152 = arith.index_cast %mul3A_151 : i32 to index
      %swap3A_153 = tpu.vector_load %arg21[%swap3A_152] {strides = array<i32>} : memref<2048xi32, #tpu.memory_space<vmem>>, vector<16xi32>,
      tpu.vector_store %arg21[%swap3A_152], %broadcast_in_dim3A_149 {strides = array<i32>} : memref<2048xi32, #tpu.memory_space<vmem>>, vector<16xi32>,
      %scan3A_154 = arith.constant 3 : i32
      %scan3A_155 = arith.addi %scan3A_113, %scan3A_154 : i32
      %broadcast_in_dim3A_156 = arith.constant -1.000000e+00 : f32
      %broadcast_in_dim3A_157 = vector.broadcast %broadcast_in_dim3A_156 : f32 to vector<16xf32>
      %mul3A_158 = arith.constant 16 : i32
      %mul3A_159 = arith.muli %scan3A_155, %mul3A_158 : i32
      %swap3A_160 = arith.index_cast %mul3A_159 : i32 to index
      %swap3A_161 = tpu.vector_load %arg20[%swap3A_160] {strides = array<i32>} : memref<2048xf32, #tpu.memory_space<vmem>>, vector<16xf32>,
      tpu.vector_store %arg20[%swap3A_160], %broadcast_in_dim3A_157 {strides = array<i32>} : memref<2048xf32, #tpu.memory_space<vmem>>, vector<16xf32>,
      %broadcast_in_dim3A_162 = arith.constant 1073741824 : i32
      %broadcast_in_dim3A_163 = vector.broadcast %broadcast_in_dim3A_162 : i32 to vector<16xi32>
      %mul3A_164 = arith.constant 16 : i32
      %mul3A_165 = arith.muli %scan3A_155, %mul3A_164 : i32
      %swap3A_166 = arith.index_cast %mul3A_165 : i32 to index
      %swap3A_167 = tpu.vector_load %arg21[%swap3A_166] {strides = array<i32>} : memref<2048xi32, #tpu.memory_space<vmem>>, vector<16xi32>,
      tpu.vector_store %arg21[%swap3A_166], %broadcast_in_dim3A_163 {strides = array<i32>} : memref<2048xi32, #tpu.memory_space<vmem>>, vector<16xi32>,
      %scan3A_168 = arith.constant 4 : i32
      %scan3A_169 = arith.addi %scan3A_113, %scan3A_168 : i32
      %broadcast_in_dim3A_170 = arith.constant -1.000000e+00 : f32
      %broadcast_in_dim3A_171 = vector.broadcast %broadcast_in_dim3A_170 : f32 to vector<16xf32>
      %mul3A_172 = arith.constant 16 : i32
      %mul3A_173 = arith.muli %scan3A_169, %mul3A_172 : i32
      %swap3A_174 = arith.index_cast %mul3A_173 : i32 to index
      %swap3A_175 = tpu.vector_load %arg20[%swap3A_174] {strides = array<i32>} : memref<2048xf32, #tpu.memory_space<vmem>>, vector<16xf32>,
      tpu.vector_store %arg20[%swap3A_174], %broadcast_in_dim3A_171 {strides = array<i32>} : memref<2048xf32, #tpu.memory_space<vmem>>, vector<16xf32>,
      %broadcast_in_dim3A_176 = arith.constant 1073741824 : i32
      %broadcast_in_dim3A_177 = vector.broadcast %broadcast_in_dim3A_176 : i32 to vector<16xi32>
      %mul3A_178 = arith.constant 16 : i32
      %mul3A_179 = arith.muli %scan3A_169, %mul3A_178 : i32
      %swap3A_180 = arith.index_cast %mul3A_179 : i32 to index
      %swap3A_181 = tpu.vector_load %arg21[%swap3A_180] {strides = array<i32>} : memref<2048xi32, #tpu.memory_space<vmem>>, vector<16xi32>,
      tpu.vector_store %arg21[%swap3A_180], %broadcast_in_dim3A_177 {strides = array<i32>} : memref<2048xi32, #tpu.memory_space<vmem>>, vector<16xi32>,
      %scan3A_182 = arith.constant 5 : i32
      %scan3A_183 = arith.addi %scan3A_113, %scan3A_182 : i32
      %broadcast_in_dim3A_184 = arith.constant -1.000000e+00 : f32
      %broadcast_in_dim3A_185 = vector.broadcast %broadcast_in_dim3A_184 : f32 to vector<16xf32>
      %mul3A_186 = arith.constant 16 : i32
      %mul3A_187 = arith.muli %scan3A_183, %mul3A_186 : i32
      %swap3A_188 = arith.index_cast %mul3A_187 : i32 to index
      %swap3A_189 = tpu.vector_load %arg20[%swap3A_188] {strides = array<i32>} : memref<2048xf32, #tpu.memory_space<vmem>>, vector<16xf32>,
      tpu.vector_store %arg20[%swap3A_188], %broadcast_in_dim3A_185 {strides = array<i32>} : memref<2048xf32, #tpu.memory_space<vmem>>, vector<16xf32>,
      %broadcast_in_dim3A_190 = arith.constant 1073741824 : i32
      %broadcast_in_dim3A_191 = vector.broadcast %broadcast_in_dim3A_190 : i32 to vector<16xi32>
      %mul3A_192 = arith.constant 16 : i32
      %mul3A_193 = arith.muli %scan3A_183, %mul3A_192 : i32
      %swap3A_194 = arith.index_cast %mul3A_193 : i32 to index
      %swap3A_195 = tpu.vector_load %arg21[%swap3A_194] {strides = array<i32>} : memref<2048xi32, #tpu.memory_space<vmem>>, vector<16xi32>,
      tpu.vector_store %arg21[%swap3A_194], %broadcast_in_dim3A_191 {strides = array<i32>} : memref<2048xi32, #tpu.memory_space<vmem>>, vector<16xi32>,
      %scan3A_196 = arith.constant 6 : i32
      %scan3A_197 = arith.addi %scan3A_113, %scan3A_196 : i32
      %broadcast_in_dim3A_198 = arith.constant -1.000000e+00 : f32
      %broadcast_in_dim3A_199 = vector.broadcast %broadcast_in_dim3A_198 : f32 to vector<16xf32>
      %mul3A_200 = arith.constant 16 : i32
      %mul3A_201 = arith.muli %scan3A_197, %mul3A_200 : i32
      %swap3A_202 = arith.index_cast %mul3A_201 : i32 to index
      %swap3A_203 = tpu.vector_load %arg20[%swap3A_202] {strides = array<i32>} : memref<2048xf32, #tpu.memory_space<vmem>>, vector<16xf32>,
      tpu.vector_store %arg20[%swap3A_202], %broadcast_in_dim3A_199 {strides = array<i32>} : memref<2048xf32, #tpu.memory_space<vmem>>, vector<16xf32>,
      %broadcast_in_dim3A_204 = arith.constant 1073741824 : i32
      %broadcast_in_dim3A_205 = vector.broadcast %broadcast_in_dim3A_204 : i32 to vector<16xi32>
      %mul3A_206 = arith.constant 16 : i32
      %mul3A_207 = arith.muli %scan3A_197, %mul3A_206 : i32
      %swap3A_208 = arith.index_cast %mul3A_207 : i32 to index
      %swap3A_209 = tpu.vector_load %arg21[%swap3A_208] {strides = array<i32>} : memref<2048xi32, #tpu.memory_space<vmem>>, vector<16xi32>,
      tpu.vector_store %arg21[%swap3A_208], %broadcast_in_dim3A_205 {strides = array<i32>} : memref<2048xi32, #tpu.memory_space<vmem>>, vector<16xi32>,
      %scan3A_210 = arith.constant 7 : i32
      %scan3A_211 = arith.addi %scan3A_113, %scan3A_210 : i32
      %broadcast_in_dim3A_212 = arith.constant -1.000000e+00 : f32
      %broadcast_in_dim3A_213 = vector.broadcast %broadcast_in_dim3A_212 : f32 to vector<16xf32>
      %mul3A_214 = arith.constant 16 : i32
      %mul3A_215 = arith.muli %scan3A_211, %mul3A_214 : i32
      %swap3A_216 = arith.index_cast %mul3A_215 : i32 to index
      %swap3A_217 = tpu.vector_load %arg20[%swap3A_216] {strides = array<i32>} : memref<2048xf32, #tpu.memory_space<vmem>>, vector<16xf32>,
      tpu.vector_store %arg20[%swap3A_216], %broadcast_in_dim3A_213 {strides = array<i32>} : memref<2048xf32, #tpu.memory_space<vmem>>, vector<16xf32>,
      %broadcast_in_dim3A_218 = arith.constant 1073741824 : i32
      %broadcast_in_dim3A_219 = vector.broadcast %broadcast_in_dim3A_218 : i32 to vector<16xi32>
      %mul3A_220 = arith.constant 16 : i32
      %mul3A_221 = arith.muli %scan3A_211, %mul3A_220 : i32
      %swap3A_222 = arith.index_cast %mul3A_221 : i32 to index
      %swap3A_223 = tpu.vector_load %arg21[%swap3A_222] {strides = array<i32>} : memref<2048xi32, #tpu.memory_space<vmem>>, vector<16xi32>,
      tpu.vector_store %arg21[%swap3A_222], %broadcast_in_dim3A_219 {strides = array<i32>} : memref<2048xi32, #tpu.memory_space<vmem>>, vector<16xi32>,
    }
    %scan3A_83 = arith.constant 128 : i32
    %broadcast_in_dim3A_84 = arith.constant 0 : i32
    %broadcast_in_dim3A_85 = vector.broadcast %broadcast_in_dim3A_84 : i32 to vector<16xi32>
    %swap3A_86 = arith.constant 0 : index
    %swap3A_87 = tpu.vector_load %arg19[%swap3A_86] {strides = array<i32>} : memref<16xi32, #tpu.memory_space<vmem>>, vector<16xi32>,
    tpu.vector_store %arg19[%swap3A_86], %broadcast_in_dim3A_85 {strides = array<i32>} : memref<16xi32, #tpu.memory_space<vmem>>, vector<16xi32>,
    %scan3A_88 = arith.constant 0 : i32
    %scan3A_89 = arith.constant 0 : i32
    %scan3A_90 = arith.constant 16 : i32
    %scan3A_91 = arith.addi %scan3A_89, %scan3A_90 : i32
    %scan3A_92 = arith.constant 1 : i32
    scf.for %scan3A_113 = %scan3A_89 to %scan3A_91 step %scan3A_92  : i32 {
      %eq3A_114 = vector.broadcast %scan3A_113 : i32 to vector<16xi32>
      %eq3A_115 = arith.cmpi eq, %iota3A, %eq3A_114 : vector<16xi32>
      %get3A_116 = arith.constant 0 : index
      %get3A_117 = tpu.vector_load %arg18[%get3A_116] {strides = array<i32>} : memref<16xi32, #tpu.memory_space<vmem>>, vector<16xi32>,
      %jit3A_118 = arith.constant -1 : i32
      %broadcast_in_dim3A_119 = vector.broadcast %jit3A_118 : i32 to vector<16xi32>
      %select_n3A_120 = arith.select %eq3A_115, %get3A_117, %broadcast_in_dim3A_119 : vector<16xi1>, vector<16xi32>
      %reduce_max3A = arith.constant true
      %reduce_max3A_121 = vector.broadcast %reduce_max3A : i1 to vector<16xi1>
      %reduce_max3A_122 = arith.constant -2147483648 : i32
      %reduce_max3A_123 = vector.broadcast %reduce_max3A_122 : i32 to vector<16xi32>
      %reduce_max3A_124 = arith.xori %select_n3A_120, %reduce_max3A_123 : vector<16xi32>
      %reduce_max3A_125 = tpu.scan <max>, %reduce_max3A_124 masked %reduce_max3A_121 : vector<16xi32>, vector<16xi1> -> vector<16xi32>
      %reduce_max3A_126 = arith.xori %reduce_max3A_125, %reduce_max3A_123 : vector<16xi32>
      %reduce_max3A_127 = vector.extract %reduce_max3A_126[15] : i32 from vector<16xi32>
      %jit3A_128 = arith.constant 632 : i32
      %div3A_129 = arith.divsi %reduce_max3A_127, %jit3A_128 : i32
      %sign3A_130 = arith.constant 0 : i32
      %sign3A_131 = arith.cmpi sgt, %reduce_max3A_127, %sign3A_130 : i32
      %sign3A_132 = arith.extui %sign3A_131 : i1 to i32
      %sign3A_133 = arith.constant 0 : i32
      %sign3A_134 = arith.cmpi slt, %reduce_max3A_127, %sign3A_133 : i32
      %sign3A_135 = arith.extui %sign3A_134 : i1 to i32
      %sign3A_136 = arith.subi %sign3A_132, %sign3A_135 : i32
      %sign3A_137 = arith.constant 0 : i32
      %sign3A_138 = arith.cmpi sgt, %jit3A_128, %sign3A_137 : i32
      %sign3A_139 = arith.extui %sign3A_138 : i1 to i32
      %sign3A_140 = arith.constant 0 : i32
      %sign3A_141 = arith.cmpi slt, %jit3A_128, %sign3A_140 : i32
      %sign3A_142 = arith.extui %sign3A_141 : i1 to i32
      %sign3A_143 = arith.subi %sign3A_139, %sign3A_142 : i32
      %ne3A_144 = arith.cmpi ne, %sign3A_136, %sign3A_143 : i32
      %rem3A_145 = arith.remsi %reduce_max3A_127, %jit3A_128 : i32
      %ne3A_146 = arith.constant 0 : i32
      %ne3A_147 = arith.cmpi ne, %rem3A_145, %ne3A_146 : i32
      %and3A_148 = arith.andi %ne3A_144, %ne3A_147 : i1
      %sub3A_149 = arith.constant 1 : i32
      %sub3A_150 = arith.subi %div3A_129, %sub3A_149 : i32
      %select_n3A_151 = arith.select %and3A_148, %sub3A_150, %div3A_129 : i32
      %jit3A_152 = arith.constant 632 : i32
      %eq3A_153 = arith.constant 0 : i32
      %eq3A_154 = arith.cmpi eq, %jit3A_152, %eq3A_153 : i32
      %jit3A_155 = arith.constant 1 : i32
      %select_n3A_156 = arith.select %eq3A_154, %jit3A_155, %jit3A_152 : i32
      %rem3A_157 = arith.remsi %reduce_max3A_127, %select_n3A_156 : i32
      %ne3A_158 = arith.constant 0 : i32
      %ne3A_159 = arith.cmpi ne, %rem3A_157, %ne3A_158 : i32
      %lt3A_160 = arith.constant 0 : i32
      %lt3A_161 = arith.cmpi slt, %rem3A_157, %lt3A_160 : i32
      %lt3A_162 = arith.constant 0 : i32
      %lt3A_163 = arith.cmpi slt, %select_n3A_156, %lt3A_162 : i32
      %ne3A_164 = arith.xori %lt3A_161, %lt3A_163 : i1
      %and3A_165 = arith.andi %ne3A_164, %ne3A_159 : i1
      %add3A_166 = arith.addi %rem3A_157, %select_n3A_156 : i32
      %select_n3A_167 = arith.select %and3A_165, %add3A_166, %rem3A_157 : i32
      %jit3A_168 = arith.constant 8 : i32
      %div3A_169 = arith.divsi %select_n3A_167, %jit3A_168 : i32
      %sign3A_170 = arith.constant 0 : i32
      %sign3A_171 = arith.cmpi sgt, %select_n3A_167, %sign3A_170 : i32
      %sign3A_172 = arith.extui %sign3A_171 : i1 to i32
      %sign3A_173 = arith.constant 0 : i32
      %sign3A_174 = arith.cmpi slt, %select_n3A_167, %sign3A_173 : i32
      %sign3A_175 = arith.extui %sign3A_174 : i1 to i32
      %sign3A_176 = arith.subi %sign3A_172, %sign3A_175 : i32
      %sign3A_177 = arith.constant 0 : i32
      %sign3A_178 = arith.cmpi sgt, %jit3A_168, %sign3A_177 : i32
      %sign3A_179 = arith.extui %sign3A_178 : i1 to i32
      %sign3A_180 = arith.constant 0 : i32
      %sign3A_181 = arith.cmpi slt, %jit3A_168, %sign3A_180 : i32
      %sign3A_182 = arith.extui %sign3A_181 : i1 to i32
      %sign3A_183 = arith.subi %sign3A_179, %sign3A_182 : i32
      %ne3A_184 = arith.cmpi ne, %sign3A_176, %sign3A_183 : i32
      %rem3A_185 = arith.remsi %select_n3A_167, %jit3A_168 : i32
      %ne3A_186 = arith.constant 0 : i32
      %ne3A_187 = arith.cmpi ne, %rem3A_185, %ne3A_186 : i32
      %and3A_188 = arith.andi %ne3A_184, %ne3A_187 : i1
      %sub3A_189 = arith.constant 1 : i32
      %sub3A_190 = arith.subi %div3A_169, %sub3A_189 : i32
      %select_n3A_191 = arith.select %and3A_188, %sub3A_190, %div3A_169 : i32
      %jit3A_192 = arith.constant 8 : i32
      %eq3A_193 = arith.constant 0 : i32
      %eq3A_194 = arith.cmpi eq, %jit3A_192, %eq3A_193 : i32
      %jit3A_195 = arith.constant 1 : i32
      %select_n3A_196 = arith.select %eq3A_194, %jit3A_195, %jit3A_192 : i32
      %rem3A_197 = arith.remsi %select_n3A_167, %select_n3A_196 : i32
      %ne3A_198 = arith.constant 0 : i32
      %ne3A_199 = arith.cmpi ne, %rem3A_197, %ne3A_198 : i32
      %lt3A_200 = arith.constant 0 : i32
      %lt3A_201 = arith.cmpi slt, %rem3A_197, %lt3A_200 : i32
      %lt3A_202 = arith.constant 0 : i32
      %lt3A_203 = arith.cmpi slt, %select_n3A_196, %lt3A_202 : i32
      %ne3A_204 = arith.xori %lt3A_201, %lt3A_203 : i1
      %and3A_205 = arith.andi %ne3A_204, %ne3A_199 : i1
      %add3A_206 = arith.addi %rem3A_197, %select_n3A_196 : i32
      %select_n3A_207 = arith.select %and3A_205, %add3A_206, %rem3A_197 : i32
      %mul3A_208 = arith.constant 8 : i32
      %mul3A_209 = arith.muli %select_n3A_151, %mul3A_208 : i32
      %add3A_210 = arith.addi %mul3A_209, %select_n3A_207 : i32
      %jit3A_211 = arith.constant 16 : i32
      %div3A_212 = arith.divsi %add3A_210, %jit3A_211 : i32
      %sign3A_213 = arith.constant 0 : i32
      %sign3A_214 = arith.cmpi sgt, %add3A_210, %sign3A_213 : i32
      %sign3A_215 = arith.extui %sign3A_214 : i1 to i32
      %sign3A_216 = arith.constant 0 : i32
      %sign3A_217 = arith.cmpi slt, %add3A_210, %sign3A_216 : i32
      %sign3A_218 = arith.extui %sign3A_217 : i1 to i32
      %sign3A_219 = arith.subi %sign3A_215, %sign3A_218 : i32
      %sign3A_220 = arith.constant 0 : i32
      %sign3A_221 = arith.cmpi sgt, %jit3A_211, %sign3A_220 : i32
      %sign3A_222 = arith.extui %sign3A_221 : i1 to i32
      %sign3A_223 = arith.constant 0 : i32
      %sign3A_224 = arith.cmpi slt, %jit3A_211, %sign3A_223 : i32
      %sign3A_225 = arith.extui %sign3A_224 : i1 to i32
      %sign3A_226 = arith.subi %sign3A_222, %sign3A_225 : i32
      %ne3A_227 = arith.cmpi ne, %sign3A_219, %sign3A_226 : i32
      %rem3A_228 = arith.remsi %add3A_210, %jit3A_211 : i32
      %ne3A_229 = arith.constant 0 : i32
      %ne3A_230 = arith.cmpi ne, %rem3A_228, %ne3A_229 : i32
      %and3A_231 = arith.andi %ne3A_227, %ne3A_230 : i1
      %sub3A_232 = arith.constant 1 : i32
      %sub3A_233 = arith.subi %div3A_212, %sub3A_232 : i32
      %select_n3A_234 = arith.select %and3A_231, %sub3A_233, %div3A_212 : i32
      %mul3A_235 = arith.constant 16 : i32
      %mul3A_236 = arith.muli %select_n3A_234, %mul3A_235 : i32
      %get3A_237 = arith.index_cast %mul3A_236 : i32 to index
      %get3A_238 = tpu.vector_load %arg12[%get3A_237] {strides = array<i32>} : memref<32xf32, #tpu.memory_space<vmem>>, vector<16xf32>,
      %jit3A_239 = arith.constant 16 : i32
      %eq3A_240 = arith.constant 0 : i32
      %eq3A_241 = arith.cmpi eq, %jit3A_239, %eq3A_240 : i32
      %jit3A_242 = arith.constant 1 : i32
      %select_n3A_243 = arith.select %eq3A_241, %jit3A_242, %jit3A_239 : i32
      %rem3A_244 = arith.remsi %add3A_210, %select_n3A_243 : i32
      %ne3A_245 = arith.constant 0 : i32
      %ne3A_246 = arith.cmpi ne, %rem3A_244, %ne3A_245 : i32
      %lt3A_247 = arith.constant 0 : i32
      %lt3A_248 = arith.cmpi slt, %rem3A_244, %lt3A_247 : i32
      %lt3A_249 = arith.constant 0 : i32
      %lt3A_250 = arith.cmpi slt, %select_n3A_243, %lt3A_249 : i32
      %ne3A_251 = arith.xori %lt3A_248, %lt3A_250 : i1
      %and3A_252 = arith.andi %ne3A_251, %ne3A_246 : i1
      %add3A_253 = arith.addi %rem3A_244, %select_n3A_243 : i32
      %select_n3A_254 = arith.select %and3A_252, %add3A_253, %rem3A_244 : i32
      %eq3A_255 = vector.broadcast %select_n3A_254 : i32 to vector<16xi32>
      %eq3A_256 = arith.cmpi eq, %iota3A, %eq3A_255 : vector<16xi32>
      %jit3A_257 = arith.constant -1.000000e+00 : f32
      %broadcast_in_dim3A_258 = vector.broadcast %jit3A_257 : f32 to vector<16xf32>
      %select_n3A_259 = arith.select %eq3A_256, %get3A_238, %broadcast_in_dim3A_258 : vector<16xi1>, vector<16xf32>
      %reduce_max3A_260 = arith.constant true
      %reduce_max3A_261 = vector.broadcast %reduce_max3A_260 : i1 to vector<16xi1>
      %reduce_max3A_262 = tpu.scan <max>, %select_n3A_259 masked %reduce_max3A_261 : vector<16xf32>, vector<16xi1> -> vector<16xf32>
      %reduce_max3A_263 = vector.extract %reduce_max3A_262[15] : f32 from vector<16xf32>
      %mul3A_264 = arith.constant 100000 : i32
      %mul3A_265 = arith.muli %add3A_210, %mul3A_264 : i32
      %mul3A_266 = arith.constant 1280 : i32
      %mul3A_267 = arith.muli %select_n3A_191, %mul3A_266 : i32
      %add3A_268 = arith.addi %mul3A_265, %mul3A_267 : i32
      %ne3A_269 = arith.constant 78 : i32
      %ne3A_270 = arith.cmpi ne, %select_n3A_191, %ne3A_269 : i32
      %convert_element_type3A_271 = arith.extui %ne3A_270 : i1 to i32
      %cond3A_272 = arith.constant 0 : i32
      %cond3A_273 = arith.cmpi ne, %convert_element_type3A_271, %cond3A_272 : i32
      scf.if %cond3A_273 {
        %mul3A_279 = arith.constant 8 : i32
        %mul3A_280 = arith.muli %select_n3A_151, %mul3A_279 : i32
        %mul3A_281 = arith.constant 1280 : i32
        %mul3A_282 = arith.muli %select_n3A_191, %mul3A_281 : i32
        "tpu.region"() ({
          %run_scoped3A = tpu.sem_alloc : memref<!tpu.dma_semaphore, #tpu.memory_space<semaphore_mem>>
          %dma_start3A_293 = tpu.memref_slice %arg2[%add3A_30, %mul3A_280, %mul3A_282] : memref<8x32x100000xf32, #tpu.memory_space<hbm>> -> memref<1x8x1280xf32, #tpu.memory_space<hbm>>
          %dma_start3A_294 = tpu.memref_squeeze %dma_start3A_293 : memref<1x8x1280xf32, #tpu.memory_space<hbm>> -> memref<8x1280xf32, #tpu.memory_space<hbm>>
          %dma_start3A_295 = tpu.memref_slice %arg2[%add3A_30, %mul3A_280, %mul3A_282] : memref<8x32x100000xf32, #tpu.memory_space<hbm>> -> memref<1x8x1280xf32, #tpu.memory_space<hbm>>
          %dma_start3A_296 = tpu.memref_squeeze %dma_start3A_295 : memref<1x8x1280xf32, #tpu.memory_space<hbm>> -> memref<8x1280xf32, #tpu.memory_space<hbm>>
          tpu.enqueue_dma source(%dma_start3A_296 : memref<8x1280xf32, #tpu.memory_space<hbm>>) target(%arg10 : memref<8x1280xf32, #tpu.memory_space<vmem>>) target_semaphore(%run_scoped3A : memref<!tpu.dma_semaphore, #tpu.memory_space<semaphore_mem>>)
          %dma_wait3A = tpu.memref_slice %arg2[%add3A_30, %mul3A_280, %mul3A_282] : memref<8x32x100000xf32, #tpu.memory_space<hbm>> -> memref<1x8x1280xf32, #tpu.memory_space<hbm>>
          %dma_wait3A_297 = tpu.memref_squeeze %dma_wait3A : memref<1x8x1280xf32, #tpu.memory_space<hbm>> -> memref<8x1280xf32, #tpu.memory_space<hbm>>
          %dma_wait3A_298 = tpu.memref_slice %arg2[%add3A_30, %mul3A_280, %mul3A_282] : memref<8x32x100000xf32, #tpu.memory_space<hbm>> -> memref<1x8x1280xf32, #tpu.memory_space<hbm>>
          %dma_wait3A_299 = tpu.memref_squeeze %dma_wait3A_298 : memref<1x8x1280xf32, #tpu.memory_space<hbm>> -> memref<8x1280xf32, #tpu.memory_space<hbm>>
          tpu.wait_dma2 semaphore(%run_scoped3A : memref<!tpu.dma_semaphore, #tpu.memory_space<semaphore_mem>>) src(%dma_wait3A_299 : memref<8x1280xf32, #tpu.memory_space<hbm>>) dst(%arg10 : memref<8x1280xf32, #tpu.memory_space<vmem>>)
          tpu.yield
        }) : () -> ()
        %get3A_283 = arith.constant 0 : index
        %get3A_284 = tpu.vector_load %arg19[%get3A_283] {strides = array<i32>} : memref<16xi32, #tpu.memory_space<vmem>>, vector<16xi32>,
        %scan3A_285 = arith.constant 0 : i32
        %scan3A_286 = arith.constant 80 : i32
        %scan3A_287 = arith.addi %scan3A_285, %scan3A_286 : i32
        %scan3A_288 = arith.constant 4 : i32
        %scan3A_289 = scf.for %scan3A_293 = %scan3A_285 to %scan3A_287 step %scan3A_288 iter_args(%scan3A_294 = %get3A_284) -> (vector<16xi32>)  : i32 {
          %mul3A_295 = arith.constant 16 : i32
          %mul3A_296 = arith.muli %scan3A_293, %mul3A_295 : i32
          %get3A_297 = arith.index_cast %select_n3A_207 : i32 to index
          %get3A_298 = arith.index_cast %mul3A_296 : i32 to index
          %get3A_299 = tpu.vector_load %arg10[%get3A_297, %get3A_298] {strides = array<i32>} : memref<8x1280xf32, #tpu.memory_space<vmem>>, vector<16xf32>,
          %mul3A_300 = vector.broadcast %reduce_max3A_263 : f32 to vector<16xf32>
          %mul3A_301 = arith.mulf %get3A_299, %mul3A_300 : vector<16xf32>
          %ge3A = vector.broadcast %squeeze3A : f32 to vector<16xf32>
          %ge3A_302 = arith.cmpf oge, %mul3A_301, %ge3A : vector<16xf32>
          %convert_element_type3A_303 = arith.extui %ge3A_302 : vector<16xi1> to vector<16xi32>
          %broadcast_in_dim3A_304 = arith.constant true
          %broadcast_in_dim3A_305 = vector.broadcast %broadcast_in_dim3A_304 : i1 to vector<16xi1>
          %masked_cumsum3A = tpu.scan <sum>, %convert_element_type3A_303 masked %broadcast_in_dim3A_305 : vector<16xi32>, vector<16xi1> -> vector<16xi32>
          %add3A_306 = arith.addi %scan3A_294, %masked_cumsum3A : vector<16xi32>
          %sub3A_307 = arith.constant 1 : i32
          %sub3A_308 = vector.broadcast %sub3A_307 : i32 to vector<16xi32>
          %sub3A_309 = arith.subi %add3A_306, %sub3A_308 : vector<16xi32>
          %min3A = arith.constant 2047 : i32
          %min3A_310 = vector.broadcast %min3A : i32 to vector<16xi32>
          %min3A_311 = arith.minsi %sub3A_309, %min3A_310 : vector<16xi32>
          tpu.vector_store_idx %arg20[%min3A_311], %mul3A_301 masked %ge3A_302 : memref<2048xf32, #tpu.memory_space<vmem>>[vector<16xi32>], vector<16xf32>, vector<16xi1>
          %mul3A_312 = arith.constant 16 : i32
          %mul3A_313 = arith.muli %scan3A_293, %mul3A_312 : i32
          %add3A_314 = arith.addi %add3A_268, %mul3A_313 : i32
          %add3A_315 = vector.broadcast %add3A_314 : i32 to vector<16xi32>
          %add3A_316 = arith.addi %add3A_315, %iota3A : vector<16xi32>
          tpu.vector_store_idx %arg21[%min3A_311], %add3A_316 masked %ge3A_302 : memref<2048xi32, #tpu.memory_space<vmem>>[vector<16xi32>], vector<16xi32>, vector<16xi1>
          %all_reduce_population_count3A = tpu.all_reduce %ge3A_302 {dim = 0 : i64, kind = #tpu.reduction_kind<sum>} : vector<16xi1> -> vector<16xi32>
          %add3A_317 = arith.addi %scan3A_294, %all_reduce_population_count3A : vector<16xi32>
          %scan3A_318 = arith.constant 1 : i32
          %scan3A_319 = arith.addi %scan3A_293, %scan3A_318 : i32
          %mul3A_320 = arith.constant 16 : i32
          %mul3A_321 = arith.muli %scan3A_319, %mul3A_320 : i32
          %get3A_322 = arith.index_cast %select_n3A_207 : i32 to index
          %get3A_323 = arith.index_cast %mul3A_321 : i32 to index
          %get3A_324 = tpu.vector_load %arg10[%get3A_322, %get3A_323] {strides = array<i32>} : memref<8x1280xf32, #tpu.memory_space<vmem>>, vector<16xf32>,
          %mul3A_325 = vector.broadcast %reduce_max3A_263 : f32 to vector<16xf32>
          %mul3A_326 = arith.mulf %get3A_324, %mul3A_325 : vector<16xf32>
          %ge3A_327 = vector.broadcast %squeeze3A : f32 to vector<16xf32>
          %ge3A_328 = arith.cmpf oge, %mul3A_326, %ge3A_327 : vector<16xf32>
          %convert_element_type3A_329 = arith.extui %ge3A_328 : vector<16xi1> to vector<16xi32>
          %broadcast_in_dim3A_330 = arith.constant true
          %broadcast_in_dim3A_331 = vector.broadcast %broadcast_in_dim3A_330 : i1 to vector<16xi1>
          %masked_cumsum3A_332 = tpu.scan <sum>, %convert_element_type3A_329 masked %broadcast_in_dim3A_331 : vector<16xi32>, vector<16xi1> -> vector<16xi32>
          %add3A_333 = arith.addi %add3A_317, %masked_cumsum3A_332 : vector<16xi32>
          %sub3A_334 = arith.constant 1 : i32
          %sub3A_335 = vector.broadcast %sub3A_334 : i32 to vector<16xi32>
          %sub3A_336 = arith.subi %add3A_333, %sub3A_335 : vector<16xi32>
          %min3A_337 = arith.constant 2047 : i32
          %min3A_338 = vector.broadcast %min3A_337 : i32 to vector<16xi32>
          %min3A_339 = arith.minsi %sub3A_336, %min3A_338 : vector<16xi32>
          tpu.vector_store_idx %arg20[%min3A_339], %mul3A_326 masked %ge3A_328 : memref<2048xf32, #tpu.memory_space<vmem>>[vector<16xi32>], vector<16xf32>, vector<16xi1>
          %mul3A_340 = arith.constant 16 : i32
          %mul3A_341 = arith.muli %scan3A_319, %mul3A_340 : i32
          %add3A_342 = arith.addi %add3A_268, %mul3A_341 : i32
          %add3A_343 = vector.broadcast %add3A_342 : i32 to vector<16xi32>
          %add3A_344 = arith.addi %add3A_343, %iota3A : vector<16xi32>
          tpu.vector_store_idx %arg21[%min3A_339], %add3A_344 masked %ge3A_328 : memref<2048xi32, #tpu.memory_space<vmem>>[vector<16xi32>], vector<16xi32>, vector<16xi1>
          %all_reduce_population_count3A_345 = tpu.all_reduce %ge3A_328 {dim = 0 : i64, kind = #tpu.reduction_kind<sum>} : vector<16xi1> -> vector<16xi32>
          %add3A_346 = arith.addi %add3A_317, %all_reduce_population_count3A_345 : vector<16xi32>
          %scan3A_347 = arith.constant 2 : i32
          %scan3A_348 = arith.addi %scan3A_293, %scan3A_347 : i32
          %mul3A_349 = arith.constant 16 : i32
          %mul3A_350 = arith.muli %scan3A_348, %mul3A_349 : i32
          %get3A_351 = arith.index_cast %select_n3A_207 : i32 to index
          %get3A_352 = arith.index_cast %mul3A_350 : i32 to index
          %get3A_353 = tpu.vector_load %arg10[%get3A_351, %get3A_352] {strides = array<i32>} : memref<8x1280xf32, #tpu.memory_space<vmem>>, vector<16xf32>,
          %mul3A_354 = vector.broadcast %reduce_max3A_263 : f32 to vector<16xf32>
          %mul3A_355 = arith.mulf %get3A_353, %mul3A_354 : vector<16xf32>
          %ge3A_356 = vector.broadcast %squeeze3A : f32 to vector<16xf32>
          %ge3A_357 = arith.cmpf oge, %mul3A_355, %ge3A_356 : vector<16xf32>
          %convert_element_type3A_358 = arith.extui %ge3A_357 : vector<16xi1> to vector<16xi32>
          %broadcast_in_dim3A_359 = arith.constant true
          %broadcast_in_dim3A_360 = vector.broadcast %broadcast_in_dim3A_359 : i1 to vector<16xi1>
          %masked_cumsum3A_361 = tpu.scan <sum>, %convert_element_type3A_358 masked %broadcast_in_dim3A_360 : vector<16xi32>, vector<16xi1> -> vector<16xi32>
          %add3A_362 = arith.addi %add3A_346, %masked_cumsum3A_361 : vector<16xi32>
          %sub3A_363 = arith.constant 1 : i32
          %sub3A_364 = vector.broadcast %sub3A_363 : i32 to vector<16xi32>
          %sub3A_365 = arith.subi %add3A_362, %sub3A_364 : vector<16xi32>
          %min3A_366 = arith.constant 2047 : i32
          %min3A_367 = vector.broadcast %min3A_366 : i32 to vector<16xi32>
          %min3A_368 = arith.minsi %sub3A_365, %min3A_367 : vector<16xi32>
          tpu.vector_store_idx %arg20[%min3A_368], %mul3A_355 masked %ge3A_357 : memref<2048xf32, #tpu.memory_space<vmem>>[vector<16xi32>], vector<16xf32>, vector<16xi1>
          %mul3A_369 = arith.constant 16 : i32
          %mul3A_370 = arith.muli %scan3A_348, %mul3A_369 : i32
          %add3A_371 = arith.addi %add3A_268, %mul3A_370 : i32
          %add3A_372 = vector.broadcast %add3A_371 : i32 to vector<16xi32>
          %add3A_373 = arith.addi %add3A_372, %iota3A : vector<16xi32>
          tpu.vector_store_idx %arg21[%min3A_368], %add3A_373 masked %ge3A_357 : memref<2048xi32, #tpu.memory_space<vmem>>[vector<16xi32>], vector<16xi32>, vector<16xi1>
          %all_reduce_population_count3A_374 = tpu.all_reduce %ge3A_357 {dim = 0 : i64, kind = #tpu.reduction_kind<sum>} : vector<16xi1> -> vector<16xi32>
          %add3A_375 = arith.addi %add3A_346, %all_reduce_population_count3A_374 : vector<16xi32>
          %scan3A_376 = arith.constant 3 : i32
          %scan3A_377 = arith.addi %scan3A_293, %scan3A_376 : i32
          %mul3A_378 = arith.constant 16 : i32
          %mul3A_379 = arith.muli %scan3A_377, %mul3A_378 : i32
          %get3A_380 = arith.index_cast %select_n3A_207 : i32 to index
          %get3A_381 = arith.index_cast %mul3A_379 : i32 to index
          %get3A_382 = tpu.vector_load %arg10[%get3A_380, %get3A_381] {strides = array<i32>} : memref<8x1280xf32, #tpu.memory_space<vmem>>, vector<16xf32>,
          %mul3A_383 = vector.broadcast %reduce_max3A_263 : f32 to vector<16xf32>
          %mul3A_384 = arith.mulf %get3A_382, %mul3A_383 : vector<16xf32>
          %ge3A_385 = vector.broadcast %squeeze3A : f32 to vector<16xf32>
          %ge3A_386 = arith.cmpf oge, %mul3A_384, %ge3A_385 : vector<16xf32>
          %convert_element_type3A_387 = arith.extui %ge3A_386 : vector<16xi1> to vector<16xi32>
          %broadcast_in_dim3A_388 = arith.constant true
          %broadcast_in_dim3A_389 = vector.broadcast %broadcast_in_dim3A_388 : i1 to vector<16xi1>
          %masked_cumsum3A_390 = tpu.scan <sum>, %convert_element_type3A_387 masked %broadcast_in_dim3A_389 : vector<16xi32>, vector<16xi1> -> vector<16xi32>
          %add3A_391 = arith.addi %add3A_375, %masked_cumsum3A_390 : vector<16xi32>
          %sub3A_392 = arith.constant 1 : i32
          %sub3A_393 = vector.broadcast %sub3A_392 : i32 to vector<16xi32>
          %sub3A_394 = arith.subi %add3A_391, %sub3A_393 : vector<16xi32>
          %min3A_395 = arith.constant 2047 : i32
          %min3A_396 = vector.broadcast %min3A_395 : i32 to vector<16xi32>
          %min3A_397 = arith.minsi %sub3A_394, %min3A_396 : vector<16xi32>
          tpu.vector_store_idx %arg20[%min3A_397], %mul3A_384 masked %ge3A_386 : memref<2048xf32, #tpu.memory_space<vmem>>[vector<16xi32>], vector<16xf32>, vector<16xi1>
          %mul3A_398 = arith.constant 16 : i32
          %mul3A_399 = arith.muli %scan3A_377, %mul3A_398 : i32
          %add3A_400 = arith.addi %add3A_268, %mul3A_399 : i32
          %add3A_401 = vector.broadcast %add3A_400 : i32 to vector<16xi32>
          %add3A_402 = arith.addi %add3A_401, %iota3A : vector<16xi32>
          tpu.vector_store_idx %arg21[%min3A_397], %add3A_402 masked %ge3A_386 : memref<2048xi32, #tpu.memory_space<vmem>>[vector<16xi32>], vector<16xi32>, vector<16xi1>
          %all_reduce_population_count3A_403 = tpu.all_reduce %ge3A_386 {dim = 0 : i64, kind = #tpu.reduction_kind<sum>} : vector<16xi1> -> vector<16xi32>
          %add3A_404 = arith.addi %add3A_375, %all_reduce_population_count3A_403 : vector<16xi32>
          scf.yield %add3A_404 : vector<16xi32>
        }
        %scan3A_290 = arith.constant 80 : i32
        %swap3A_291 = arith.constant 0 : index
        %swap3A_292 = tpu.vector_load %arg19[%swap3A_291] {strides = array<i32>} : memref<16xi32, #tpu.memory_space<vmem>>, vector<16xi32>,
        tpu.vector_store %arg19[%swap3A_291], %scan3A_289 {strides = array<i32>} : memref<16xi32, #tpu.memory_space<vmem>>, vector<16xi32>,
      } else {
      }
      %eq3A_274 = arith.constant 78 : i32
      %eq3A_275 = arith.cmpi eq, %select_n3A_191, %eq3A_274 : i32
      %convert_element_type3A_276 = arith.extui %eq3A_275 : i1 to i32
      %cond3A_277 = arith.constant 0 : i32
      %cond3A_278 = arith.cmpi ne, %convert_element_type3A_276, %cond3A_277 : i32
      scf.if %cond3A_278 {
        %mul3A_279 = arith.constant 8 : i32
        %mul3A_280 = arith.muli %select_n3A_151, %mul3A_279 : i32
        "tpu.region"() ({
          %run_scoped3A = tpu.sem_alloc : memref<!tpu.dma_semaphore, #tpu.memory_space<semaphore_mem>>
          %dma_start3A_345 = arith.constant 99840 : i32
          %dma_start3A_346 = tpu.memref_slice %arg2[%add3A_30, %mul3A_280, %dma_start3A_345] : memref<8x32x100000xf32, #tpu.memory_space<hbm>> -> memref<1x8x160xf32, #tpu.memory_space<hbm>>
          %dma_start3A_347 = tpu.memref_squeeze %dma_start3A_346 : memref<1x8x160xf32, #tpu.memory_space<hbm>> -> memref<8x160xf32, #tpu.memory_space<hbm>>
          %dma_start3A_348 = arith.constant 99840 : i32
          %dma_start3A_349 = tpu.memref_slice %arg2[%add3A_30, %mul3A_280, %dma_start3A_348] : memref<8x32x100000xf32, #tpu.memory_space<hbm>> -> memref<1x8x160xf32, #tpu.memory_space<hbm>>
          %dma_start3A_350 = tpu.memref_squeeze %dma_start3A_349 : memref<1x8x160xf32, #tpu.memory_space<hbm>> -> memref<8x160xf32, #tpu.memory_space<hbm>>
          tpu.enqueue_dma source(%dma_start3A_350 : memref<8x160xf32, #tpu.memory_space<hbm>>) target(%arg11 : memref<8x160xf32, #tpu.memory_space<vmem>>) target_semaphore(%run_scoped3A : memref<!tpu.dma_semaphore, #tpu.memory_space<semaphore_mem>>)
          %dma_wait3A = arith.constant 99840 : i32
          %dma_wait3A_351 = tpu.memref_slice %arg2[%add3A_30, %mul3A_280, %dma_wait3A] : memref<8x32x100000xf32, #tpu.memory_space<hbm>> -> memref<1x8x160xf32, #tpu.memory_space<hbm>>
          %dma_wait3A_352 = tpu.memref_squeeze %dma_wait3A_351 : memref<1x8x160xf32, #tpu.memory_space<hbm>> -> memref<8x160xf32, #tpu.memory_space<hbm>>
          %dma_wait3A_353 = arith.constant 99840 : i32
          %dma_wait3A_354 = tpu.memref_slice %arg2[%add3A_30, %mul3A_280, %dma_wait3A_353] : memref<8x32x100000xf32, #tpu.memory_space<hbm>> -> memref<1x8x160xf32, #tpu.memory_space<hbm>>
          %dma_wait3A_355 = tpu.memref_squeeze %dma_wait3A_354 : memref<1x8x160xf32, #tpu.memory_space<hbm>> -> memref<8x160xf32, #tpu.memory_space<hbm>>
          tpu.wait_dma2 semaphore(%run_scoped3A : memref<!tpu.dma_semaphore, #tpu.memory_space<semaphore_mem>>) src(%dma_wait3A_355 : memref<8x160xf32, #tpu.memory_space<hbm>>) dst(%arg11 : memref<8x160xf32, #tpu.memory_space<vmem>>)
          tpu.yield
        }) : () -> ()
        %get3A_281 = arith.constant 0 : index
        %get3A_282 = tpu.vector_load %arg19[%get3A_281] {strides = array<i32>} : memref<16xi32, #tpu.memory_space<vmem>>, vector<16xi32>,
        %scan3A_283 = arith.constant 0 : i32
        %scan3A_284 = arith.constant 8 : i32
        %scan3A_285 = arith.addi %scan3A_283, %scan3A_284 : i32
        %scan3A_286 = arith.constant 4 : i32
        %scan3A_287 = scf.for %scan3A_345 = %scan3A_283 to %scan3A_285 step %scan3A_286 iter_args(%scan3A_346 = %get3A_282) -> (vector<16xi32>)  : i32 {
          %mul3A_347 = arith.constant 16 : i32
          %mul3A_348 = arith.muli %scan3A_345, %mul3A_347 : i32
          %get3A_349 = arith.index_cast %select_n3A_207 : i32 to index
          %get3A_350 = arith.index_cast %mul3A_348 : i32 to index
          %get3A_351 = tpu.vector_load %arg11[%get3A_349, %get3A_350] {strides = array<i32>} : memref<8x160xf32, #tpu.memory_space<vmem>>, vector<16xf32>,
          %mul3A_352 = vector.broadcast %reduce_max3A_263 : f32 to vector<16xf32>
          %mul3A_353 = arith.mulf %get3A_351, %mul3A_352 : vector<16xf32>
          %ge3A_354 = vector.broadcast %squeeze3A : f32 to vector<16xf32>
          %ge3A_355 = arith.cmpf oge, %mul3A_353, %ge3A_354 : vector<16xf32>
          %convert_element_type3A_356 = arith.extui %ge3A_355 : vector<16xi1> to vector<16xi32>
          %broadcast_in_dim3A_357 = arith.constant true
          %broadcast_in_dim3A_358 = vector.broadcast %broadcast_in_dim3A_357 : i1 to vector<16xi1>
          %masked_cumsum3A_359 = tpu.scan <sum>, %convert_element_type3A_356 masked %broadcast_in_dim3A_358 : vector<16xi32>, vector<16xi1> -> vector<16xi32>
          %add3A_360 = arith.addi %scan3A_346, %masked_cumsum3A_359 : vector<16xi32>
          %sub3A_361 = arith.constant 1 : i32
          %sub3A_362 = vector.broadcast %sub3A_361 : i32 to vector<16xi32>
          %sub3A_363 = arith.subi %add3A_360, %sub3A_362 : vector<16xi32>
          %min3A_364 = arith.constant 2047 : i32
          %min3A_365 = vector.broadcast %min3A_364 : i32 to vector<16xi32>
          %min3A_366 = arith.minsi %sub3A_363, %min3A_365 : vector<16xi32>
          tpu.vector_store_idx %arg20[%min3A_366], %mul3A_353 masked %ge3A_355 : memref<2048xf32, #tpu.memory_space<vmem>>[vector<16xi32>], vector<16xf32>, vector<16xi1>
          %mul3A_367 = arith.constant 16 : i32
          %mul3A_368 = arith.muli %scan3A_345, %mul3A_367 : i32
          %add3A_369 = arith.addi %add3A_268, %mul3A_368 : i32
          %add3A_370 = vector.broadcast %add3A_369 : i32 to vector<16xi32>
          %add3A_371 = arith.addi %add3A_370, %iota3A : vector<16xi32>
          tpu.vector_store_idx %arg21[%min3A_366], %add3A_371 masked %ge3A_355 : memref<2048xi32, #tpu.memory_space<vmem>>[vector<16xi32>], vector<16xi32>, vector<16xi1>
          %all_reduce_population_count3A_372 = tpu.all_reduce %ge3A_355 {dim = 0 : i64, kind = #tpu.reduction_kind<sum>} : vector<16xi1> -> vector<16xi32>
          %add3A_373 = arith.addi %scan3A_346, %all_reduce_population_count3A_372 : vector<16xi32>
          %scan3A_374 = arith.constant 1 : i32
          %scan3A_375 = arith.addi %scan3A_345, %scan3A_374 : i32
          %mul3A_376 = arith.constant 16 : i32
          %mul3A_377 = arith.muli %scan3A_375, %mul3A_376 : i32
          %get3A_378 = arith.index_cast %select_n3A_207 : i32 to index
          %get3A_379 = arith.index_cast %mul3A_377 : i32 to index
          %get3A_380 = tpu.vector_load %arg11[%get3A_378, %get3A_379] {strides = array<i32>} : memref<8x160xf32, #tpu.memory_space<vmem>>, vector<16xf32>,
          %mul3A_381 = vector.broadcast %reduce_max3A_263 : f32 to vector<16xf32>
          %mul3A_382 = arith.mulf %get3A_380, %mul3A_381 : vector<16xf32>
          %ge3A_383 = vector.broadcast %squeeze3A : f32 to vector<16xf32>
          %ge3A_384 = arith.cmpf oge, %mul3A_382, %ge3A_383 : vector<16xf32>
          %convert_element_type3A_385 = arith.extui %ge3A_384 : vector<16xi1> to vector<16xi32>
          %broadcast_in_dim3A_386 = arith.constant true
          %broadcast_in_dim3A_387 = vector.broadcast %broadcast_in_dim3A_386 : i1 to vector<16xi1>
          %masked_cumsum3A_388 = tpu.scan <sum>, %convert_element_type3A_385 masked %broadcast_in_dim3A_387 : vector<16xi32>, vector<16xi1> -> vector<16xi32>
          %add3A_389 = arith.addi %add3A_373, %masked_cumsum3A_388 : vector<16xi32>
          %sub3A_390 = arith.constant 1 : i32
          %sub3A_391 = vector.broadcast %sub3A_390 : i32 to vector<16xi32>
          %sub3A_392 = arith.subi %add3A_389, %sub3A_391 : vector<16xi32>
          %min3A_393 = arith.constant 2047 : i32
          %min3A_394 = vector.broadcast %min3A_393 : i32 to vector<16xi32>
          %min3A_395 = arith.minsi %sub3A_392, %min3A_394 : vector<16xi32>
          tpu.vector_store_idx %arg20[%min3A_395], %mul3A_382 masked %ge3A_384 : memref<2048xf32, #tpu.memory_space<vmem>>[vector<16xi32>], vector<16xf32>, vector<16xi1>
          %mul3A_396 = arith.constant 16 : i32
          %mul3A_397 = arith.muli %scan3A_375, %mul3A_396 : i32
          %add3A_398 = arith.addi %add3A_268, %mul3A_397 : i32
          %add3A_399 = vector.broadcast %add3A_398 : i32 to vector<16xi32>
          %add3A_400 = arith.addi %add3A_399, %iota3A : vector<16xi32>
          tpu.vector_store_idx %arg21[%min3A_395], %add3A_400 masked %ge3A_384 : memref<2048xi32, #tpu.memory_space<vmem>>[vector<16xi32>], vector<16xi32>, vector<16xi1>
          %all_reduce_population_count3A_401 = tpu.all_reduce %ge3A_384 {dim = 0 : i64, kind = #tpu.reduction_kind<sum>} : vector<16xi1> -> vector<16xi32>
          %add3A_402 = arith.addi %add3A_373, %all_reduce_population_count3A_401 : vector<16xi32>
          %scan3A_403 = arith.constant 2 : i32
          %scan3A_404 = arith.addi %scan3A_345, %scan3A_403 : i32
          %mul3A_405 = arith.constant 16 : i32
          %mul3A_406 = arith.muli %scan3A_404, %mul3A_405 : i32
          %get3A_407 = arith.index_cast %select_n3A_207 : i32 to index
          %get3A_408 = arith.index_cast %mul3A_406 : i32 to index
          %get3A_409 = tpu.vector_load %arg11[%get3A_407, %get3A_408] {strides = array<i32>} : memref<8x160xf32, #tpu.memory_space<vmem>>, vector<16xf32>,
          %mul3A_410 = vector.broadcast %reduce_max3A_263 : f32 to vector<16xf32>
          %mul3A_411 = arith.mulf %get3A_409, %mul3A_410 : vector<16xf32>
          %ge3A_412 = vector.broadcast %squeeze3A : f32 to vector<16xf32>
          %ge3A_413 = arith.cmpf oge, %mul3A_411, %ge3A_412 : vector<16xf32>
          %convert_element_type3A_414 = arith.extui %ge3A_413 : vector<16xi1> to vector<16xi32>
          %broadcast_in_dim3A_415 = arith.constant true
          %broadcast_in_dim3A_416 = vector.broadcast %broadcast_in_dim3A_415 : i1 to vector<16xi1>
          %masked_cumsum3A_417 = tpu.scan <sum>, %convert_element_type3A_414 masked %broadcast_in_dim3A_416 : vector<16xi32>, vector<16xi1> -> vector<16xi32>
          %add3A_418 = arith.addi %add3A_402, %masked_cumsum3A_417 : vector<16xi32>
          %sub3A_419 = arith.constant 1 : i32
          %sub3A_420 = vector.broadcast %sub3A_419 : i32 to vector<16xi32>
          %sub3A_421 = arith.subi %add3A_418, %sub3A_420 : vector<16xi32>
          %min3A_422 = arith.constant 2047 : i32
          %min3A_423 = vector.broadcast %min3A_422 : i32 to vector<16xi32>
          %min3A_424 = arith.minsi %sub3A_421, %min3A_423 : vector<16xi32>
          tpu.vector_store_idx %arg20[%min3A_424], %mul3A_411 masked %ge3A_413 : memref<2048xf32, #tpu.memory_space<vmem>>[vector<16xi32>], vector<16xf32>, vector<16xi1>
          %mul3A_425 = arith.constant 16 : i32
          %mul3A_426 = arith.muli %scan3A_404, %mul3A_425 : i32
          %add3A_427 = arith.addi %add3A_268, %mul3A_426 : i32
          %add3A_428 = vector.broadcast %add3A_427 : i32 to vector<16xi32>
          %add3A_429 = arith.addi %add3A_428, %iota3A : vector<16xi32>
          tpu.vector_store_idx %arg21[%min3A_424], %add3A_429 masked %ge3A_413 : memref<2048xi32, #tpu.memory_space<vmem>>[vector<16xi32>], vector<16xi32>, vector<16xi1>
          %all_reduce_population_count3A_430 = tpu.all_reduce %ge3A_413 {dim = 0 : i64, kind = #tpu.reduction_kind<sum>} : vector<16xi1> -> vector<16xi32>
          %add3A_431 = arith.addi %add3A_402, %all_reduce_population_count3A_430 : vector<16xi32>
          %scan3A_432 = arith.constant 3 : i32
          %scan3A_433 = arith.addi %scan3A_345, %scan3A_432 : i32
          %mul3A_434 = arith.constant 16 : i32
          %mul3A_435 = arith.muli %scan3A_433, %mul3A_434 : i32
          %get3A_436 = arith.index_cast %select_n3A_207 : i32 to index
          %get3A_437 = arith.index_cast %mul3A_435 : i32 to index
          %get3A_438 = tpu.vector_load %arg11[%get3A_436, %get3A_437] {strides = array<i32>} : memref<8x160xf32, #tpu.memory_space<vmem>>, vector<16xf32>,
          %mul3A_439 = vector.broadcast %reduce_max3A_263 : f32 to vector<16xf32>
          %mul3A_440 = arith.mulf %get3A_438, %mul3A_439 : vector<16xf32>
          %ge3A_441 = vector.broadcast %squeeze3A : f32 to vector<16xf32>
          %ge3A_442 = arith.cmpf oge, %mul3A_440, %ge3A_441 : vector<16xf32>
          %convert_element_type3A_443 = arith.extui %ge3A_442 : vector<16xi1> to vector<16xi32>
          %broadcast_in_dim3A_444 = arith.constant true
          %broadcast_in_dim3A_445 = vector.broadcast %broadcast_in_dim3A_444 : i1 to vector<16xi1>
          %masked_cumsum3A_446 = tpu.scan <sum>, %convert_element_type3A_443 masked %broadcast_in_dim3A_445 : vector<16xi32>, vector<16xi1> -> vector<16xi32>
          %add3A_447 = arith.addi %add3A_431, %masked_cumsum3A_446 : vector<16xi32>
          %sub3A_448 = arith.constant 1 : i32
          %sub3A_449 = vector.broadcast %sub3A_448 : i32 to vector<16xi32>
          %sub3A_450 = arith.subi %add3A_447, %sub3A_449 : vector<16xi32>
          %min3A_451 = arith.constant 2047 : i32
          %min3A_452 = vector.broadcast %min3A_451 : i32 to vector<16xi32>
          %min3A_453 = arith.minsi %sub3A_450, %min3A_452 : vector<16xi32>
          tpu.vector_store_idx %arg20[%min3A_453], %mul3A_440 masked %ge3A_442 : memref<2048xf32, #tpu.memory_space<vmem>>[vector<16xi32>], vector<16xf32>, vector<16xi1>
          %mul3A_454 = arith.constant 16 : i32
          %mul3A_455 = arith.muli %scan3A_433, %mul3A_454 : i32
          %add3A_456 = arith.addi %add3A_268, %mul3A_455 : i32
          %add3A_457 = vector.broadcast %add3A_456 : i32 to vector<16xi32>
          %add3A_458 = arith.addi %add3A_457, %iota3A : vector<16xi32>
          tpu.vector_store_idx %arg21[%min3A_453], %add3A_458 masked %ge3A_442 : memref<2048xi32, #tpu.memory_space<vmem>>[vector<16xi32>], vector<16xi32>, vector<16xi1>
          %all_reduce_population_count3A_459 = tpu.all_reduce %ge3A_442 {dim = 0 : i64, kind = #tpu.reduction_kind<sum>} : vector<16xi1> -> vector<16xi32>
          %add3A_460 = arith.addi %add3A_431, %all_reduce_population_count3A_459 : vector<16xi32>
          scf.yield %add3A_460 : vector<16xi32>
        }
        %scan3A_288 = arith.constant 8 : i32
        %scan3A_289 = arith.addi %scan3A_283, %scan3A_288 : i32
        %mul3A_290 = arith.constant 16 : i32
        %mul3A_291 = arith.muli %scan3A_289, %mul3A_290 : i32
        %get3A_292 = arith.index_cast %select_n3A_207 : i32 to index
        %get3A_293 = arith.index_cast %mul3A_291 : i32 to index
        %get3A_294 = tpu.vector_load %arg11[%get3A_292, %get3A_293] {strides = array<i32>} : memref<8x160xf32, #tpu.memory_space<vmem>>, vector<16xf32>,
        %mul3A_295 = vector.broadcast %reduce_max3A_263 : f32 to vector<16xf32>
        %mul3A_296 = arith.mulf %get3A_294, %mul3A_295 : vector<16xf32>
        %ge3A = vector.broadcast %squeeze3A : f32 to vector<16xf32>
        %ge3A_297 = arith.cmpf oge, %mul3A_296, %ge3A : vector<16xf32>
        %convert_element_type3A_298 = arith.extui %ge3A_297 : vector<16xi1> to vector<16xi32>
        %broadcast_in_dim3A_299 = arith.constant true
        %broadcast_in_dim3A_300 = vector.broadcast %broadcast_in_dim3A_299 : i1 to vector<16xi1>
        %masked_cumsum3A = tpu.scan <sum>, %convert_element_type3A_298 masked %broadcast_in_dim3A_300 : vector<16xi32>, vector<16xi1> -> vector<16xi32>
        %add3A_301 = arith.addi %scan3A_287, %masked_cumsum3A : vector<16xi32>
        %sub3A_302 = arith.constant 1 : i32
        %sub3A_303 = vector.broadcast %sub3A_302 : i32 to vector<16xi32>
        %sub3A_304 = arith.subi %add3A_301, %sub3A_303 : vector<16xi32>
        %min3A = arith.constant 2047 : i32
        %min3A_305 = vector.broadcast %min3A : i32 to vector<16xi32>
        %min3A_306 = arith.minsi %sub3A_304, %min3A_305 : vector<16xi32>
        tpu.vector_store_idx %arg20[%min3A_306], %mul3A_296 masked %ge3A_297 : memref<2048xf32, #tpu.memory_space<vmem>>[vector<16xi32>], vector<16xf32>, vector<16xi1>
        %mul3A_307 = arith.constant 16 : i32
        %mul3A_308 = arith.muli %scan3A_289, %mul3A_307 : i32
        %add3A_309 = arith.addi %add3A_268, %mul3A_308 : i32
        %add3A_310 = vector.broadcast %add3A_309 : i32 to vector<16xi32>
        %add3A_311 = arith.addi %add3A_310, %iota3A : vector<16xi32>
        tpu.vector_store_idx %arg21[%min3A_306], %add3A_311 masked %ge3A_297 : memref<2048xi32, #tpu.memory_space<vmem>>[vector<16xi32>], vector<16xi32>, vector<16xi1>
        %all_reduce_population_count3A = tpu.all_reduce %ge3A_297 {dim = 0 : i64, kind = #tpu.reduction_kind<sum>} : vector<16xi1> -> vector<16xi32>
        %add3A_312 = arith.addi %scan3A_287, %all_reduce_population_count3A : vector<16xi32>
        %scan3A_313 = arith.constant 9 : i32
        %scan3A_314 = arith.addi %scan3A_283, %scan3A_313 : i32
        %mul3A_315 = arith.constant 16 : i32
        %mul3A_316 = arith.muli %scan3A_314, %mul3A_315 : i32
        %get3A_317 = arith.index_cast %select_n3A_207 : i32 to index
        %get3A_318 = arith.index_cast %mul3A_316 : i32 to index
        %get3A_319 = tpu.vector_load %arg11[%get3A_317, %get3A_318] {strides = array<i32>} : memref<8x160xf32, #tpu.memory_space<vmem>>, vector<16xf32>,
        %mul3A_320 = vector.broadcast %reduce_max3A_263 : f32 to vector<16xf32>
        %mul3A_321 = arith.mulf %get3A_319, %mul3A_320 : vector<16xf32>
        %ge3A_322 = vector.broadcast %squeeze3A : f32 to vector<16xf32>
        %ge3A_323 = arith.cmpf oge, %mul3A_321, %ge3A_322 : vector<16xf32>
        %convert_element_type3A_324 = arith.extui %ge3A_323 : vector<16xi1> to vector<16xi32>
        %broadcast_in_dim3A_325 = arith.constant true
        %broadcast_in_dim3A_326 = vector.broadcast %broadcast_in_dim3A_325 : i1 to vector<16xi1>
        %masked_cumsum3A_327 = tpu.scan <sum>, %convert_element_type3A_324 masked %broadcast_in_dim3A_326 : vector<16xi32>, vector<16xi1> -> vector<16xi32>
        %add3A_328 = arith.addi %add3A_312, %masked_cumsum3A_327 : vector<16xi32>
        %sub3A_329 = arith.constant 1 : i32
        %sub3A_330 = vector.broadcast %sub3A_329 : i32 to vector<16xi32>
        %sub3A_331 = arith.subi %add3A_328, %sub3A_330 : vector<16xi32>
        %min3A_332 = arith.constant 2047 : i32
        %min3A_333 = vector.broadcast %min3A_332 : i32 to vector<16xi32>
        %min3A_334 = arith.minsi %sub3A_331, %min3A_333 : vector<16xi32>
        tpu.vector_store_idx %arg20[%min3A_334], %mul3A_321 masked %ge3A_323 : memref<2048xf32, #tpu.memory_space<vmem>>[vector<16xi32>], vector<16xf32>, vector<16xi1>
        %mul3A_335 = arith.constant 16 : i32
        %mul3A_336 = arith.muli %scan3A_314, %mul3A_335 : i32
        %add3A_337 = arith.addi %add3A_268, %mul3A_336 : i32
        %add3A_338 = vector.broadcast %add3A_337 : i32 to vector<16xi32>
        %add3A_339 = arith.addi %add3A_338, %iota3A : vector<16xi32>
        tpu.vector_store_idx %arg21[%min3A_334], %add3A_339 masked %ge3A_323 : memref<2048xi32, #tpu.memory_space<vmem>>[vector<16xi32>], vector<16xi32>, vector<16xi1>
        %all_reduce_population_count3A_340 = tpu.all_reduce %ge3A_323 {dim = 0 : i64, kind = #tpu.reduction_kind<sum>} : vector<16xi1> -> vector<16xi32>
        %add3A_341 = arith.addi %add3A_312, %all_reduce_population_count3A_340 : vector<16xi32>
        %scan3A_342 = arith.constant 10 : i32
        %swap3A_343 = arith.constant 0 : index
        %swap3A_344 = tpu.vector_load %arg19[%swap3A_343] {strides = array<i32>} : memref<16xi32, #tpu.memory_space<vmem>>, vector<16xi32>,
        tpu.vector_store %arg19[%swap3A_343], %add3A_341 {strides = array<i32>} : memref<16xi32, #tpu.memory_space<vmem>>, vector<16xi32>,
      } else {
      }
    }
    %scan3A_93 = arith.constant 16 : i32
    %scan3A_94 = arith.constant 0 : i32
    %scan3A_95 = arith.constant 0 : i32
    %scan3A_96 = arith.constant 128 : i32
    %scan3A_97 = arith.addi %scan3A_95, %scan3A_96 : i32
    %scan3A_98 = arith.constant 4 : i32
    scf.for %scan3A_113 = %scan3A_95 to %scan3A_97 step %scan3A_98  : i32 {
      %mul3A_114 = arith.constant 16 : i32
      %mul3A_115 = arith.muli %scan3A_113, %mul3A_114 : i32
      %get3A_116 = arith.index_cast %mul3A_115 : i32 to index
      %get3A_117 = tpu.vector_load %arg20[%get3A_116] {strides = array<i32>} : memref<2048xf32, #tpu.memory_space<vmem>>, vector<16xf32>,
      %reduce_max3A = arith.constant true
      %reduce_max3A_118 = vector.broadcast %reduce_max3A : i1 to vector<16xi1>
      %reduce_max3A_119 = tpu.scan <max>, %get3A_117 masked %reduce_max3A_118 : vector<16xf32>, vector<16xi1> -> vector<16xf32>
      %reduce_max3A_120 = vector.extract %reduce_max3A_119[15] : f32 from vector<16xf32>
      %jit3A_121 = arith.constant 16 : i32
      %div3A_122 = arith.divsi %scan3A_113, %jit3A_121 : i32
      %sign3A_123 = arith.constant 0 : i32
      %sign3A_124 = arith.cmpi sgt, %scan3A_113, %sign3A_123 : i32
      %sign3A_125 = arith.extui %sign3A_124 : i1 to i32
      %sign3A_126 = arith.constant 0 : i32
      %sign3A_127 = arith.cmpi slt, %scan3A_113, %sign3A_126 : i32
      %sign3A_128 = arith.extui %sign3A_127 : i1 to i32
      %sign3A_129 = arith.subi %sign3A_125, %sign3A_128 : i32
      %sign3A_130 = arith.constant 0 : i32
      %sign3A_131 = arith.cmpi sgt, %jit3A_121, %sign3A_130 : i32
      %sign3A_132 = arith.extui %sign3A_131 : i1 to i32
      %sign3A_133 = arith.constant 0 : i32
      %sign3A_134 = arith.cmpi slt, %jit3A_121, %sign3A_133 : i32
      %sign3A_135 = arith.extui %sign3A_134 : i1 to i32
      %sign3A_136 = arith.subi %sign3A_132, %sign3A_135 : i32
      %ne3A_137 = arith.cmpi ne, %sign3A_129, %sign3A_136 : i32
      %rem3A_138 = arith.remsi %scan3A_113, %jit3A_121 : i32
      %ne3A_139 = arith.constant 0 : i32
      %ne3A_140 = arith.cmpi ne, %rem3A_138, %ne3A_139 : i32
      %and3A_141 = arith.andi %ne3A_137, %ne3A_140 : i1
      %sub3A_142 = arith.constant 1 : i32
      %sub3A_143 = arith.subi %div3A_122, %sub3A_142 : i32
      %select_n3A_144 = arith.select %and3A_141, %sub3A_143, %div3A_122 : i32
      %mul3A_145 = arith.constant 16 : i32
      %mul3A_146 = arith.muli %select_n3A_144, %mul3A_145 : i32
      %get3A_147 = arith.index_cast %mul3A_146 : i32 to index
      %get3A_148 = tpu.vector_load %arg22[%get3A_147] {strides = array<i32>} : memref<128xf32, #tpu.memory_space<vmem>>, vector<16xf32>,
      %jit3A_149 = arith.constant 16 : i32
      %eq3A_150 = arith.constant 0 : i32
      %eq3A_151 = arith.cmpi eq, %jit3A_149, %eq3A_150 : i32
      %jit3A_152 = arith.constant 1 : i32
      %select_n3A_153 = arith.select %eq3A_151, %jit3A_152, %jit3A_149 : i32
      %rem3A_154 = arith.remsi %scan3A_113, %select_n3A_153 : i32
      %ne3A_155 = arith.constant 0 : i32
      %ne3A_156 = arith.cmpi ne, %rem3A_154, %ne3A_155 : i32
      %lt3A_157 = arith.constant 0 : i32
      %lt3A_158 = arith.cmpi slt, %rem3A_154, %lt3A_157 : i32
      %lt3A_159 = arith.constant 0 : i32
      %lt3A_160 = arith.cmpi slt, %select_n3A_153, %lt3A_159 : i32
      %ne3A_161 = arith.xori %lt3A_158, %lt3A_160 : i1
      %and3A_162 = arith.andi %ne3A_161, %ne3A_156 : i1
      %add3A_163 = arith.addi %rem3A_154, %select_n3A_153 : i32
      %select_n3A_164 = arith.select %and3A_162, %add3A_163, %rem3A_154 : i32
      %eq3A_165 = vector.broadcast %select_n3A_164 : i32 to vector<16xi32>
      %eq3A_166 = arith.cmpi eq, %iota3A, %eq3A_165 : vector<16xi32>
      %broadcast_in_dim3A_167 = vector.broadcast %reduce_max3A_120 : f32 to vector<16xf32>
      %select_n3A_168 = arith.select %eq3A_166, %broadcast_in_dim3A_167, %get3A_148 : vector<16xi1>, vector<16xf32>
      %swap3A_169 = arith.index_cast %mul3A_146 : i32 to index
      %swap3A_170 = tpu.vector_load %arg22[%swap3A_169] {strides = array<i32>} : memref<128xf32, #tpu.memory_space<vmem>>, vector<16xf32>,
      tpu.vector_store %arg22[%swap3A_169], %select_n3A_168 {strides = array<i32>} : memref<128xf32, #tpu.memory_space<vmem>>, vector<16xf32>,
      %scan3A_171 = arith.constant 1 : i32
      %scan3A_172 = arith.addi %scan3A_113, %scan3A_171 : i32
      %mul3A_173 = arith.constant 16 : i32
      %mul3A_174 = arith.muli %scan3A_172, %mul3A_173 : i32
      %get3A_175 = arith.index_cast %mul3A_174 : i32 to index
      %get3A_176 = tpu.vector_load %arg20[%get3A_175] {strides = array<i32>} : memref<2048xf32, #tpu.memory_space<vmem>>, vector<16xf32>,
      %reduce_max3A_177 = arith.constant true
      %reduce_max3A_178 = vector.broadcast %reduce_max3A_177 : i1 to vector<16xi1>
      %reduce_max3A_179 = tpu.scan <max>, %get3A_176 masked %reduce_max3A_178 : vector<16xf32>, vector<16xi1> -> vector<16xf32>
      %reduce_max3A_180 = vector.extract %reduce_max3A_179[15] : f32 from vector<16xf32>
      %jit3A_181 = arith.constant 16 : i32
      %div3A_182 = arith.divsi %scan3A_172, %jit3A_181 : i32
      %sign3A_183 = arith.constant 0 : i32
      %sign3A_184 = arith.cmpi sgt, %scan3A_172, %sign3A_183 : i32
      %sign3A_185 = arith.extui %sign3A_184 : i1 to i32
      %sign3A_186 = arith.constant 0 : i32
      %sign3A_187 = arith.cmpi slt, %scan3A_172, %sign3A_186 : i32
      %sign3A_188 = arith.extui %sign3A_187 : i1 to i32
      %sign3A_189 = arith.subi %sign3A_185, %sign3A_188 : i32
      %sign3A_190 = arith.constant 0 : i32
      %sign3A_191 = arith.cmpi sgt, %jit3A_181, %sign3A_190 : i32
      %sign3A_192 = arith.extui %sign3A_191 : i1 to i32
      %sign3A_193 = arith.constant 0 : i32
      %sign3A_194 = arith.cmpi slt, %jit3A_181, %sign3A_193 : i32
      %sign3A_195 = arith.extui %sign3A_194 : i1 to i32
      %sign3A_196 = arith.subi %sign3A_192, %sign3A_195 : i32
      %ne3A_197 = arith.cmpi ne, %sign3A_189, %sign3A_196 : i32
      %rem3A_198 = arith.remsi %scan3A_172, %jit3A_181 : i32
      %ne3A_199 = arith.constant 0 : i32
      %ne3A_200 = arith.cmpi ne, %rem3A_198, %ne3A_199 : i32
      %and3A_201 = arith.andi %ne3A_197, %ne3A_200 : i1
      %sub3A_202 = arith.constant 1 : i32
      %sub3A_203 = arith.subi %div3A_182, %sub3A_202 : i32
      %select_n3A_204 = arith.select %and3A_201, %sub3A_203, %div3A_182 : i32
      %mul3A_205 = arith.constant 16 : i32
      %mul3A_206 = arith.muli %select_n3A_204, %mul3A_205 : i32
      %get3A_207 = arith.index_cast %mul3A_206 : i32 to index
      %get3A_208 = tpu.vector_load %arg22[%get3A_207] {strides = array<i32>} : memref<128xf32, #tpu.memory_space<vmem>>, vector<16xf32>,
      %jit3A_209 = arith.constant 16 : i32
      %eq3A_210 = arith.constant 0 : i32
      %eq3A_211 = arith.cmpi eq, %jit3A_209, %eq3A_210 : i32
      %jit3A_212 = arith.constant 1 : i32
      %select_n3A_213 = arith.select %eq3A_211, %jit3A_212, %jit3A_209 : i32
      %rem3A_214 = arith.remsi %scan3A_172, %select_n3A_213 : i32
      %ne3A_215 = arith.constant 0 : i32
      %ne3A_216 = arith.cmpi ne, %rem3A_214, %ne3A_215 : i32
      %lt3A_217 = arith.constant 0 : i32
      %lt3A_218 = arith.cmpi slt, %rem3A_214, %lt3A_217 : i32
      %lt3A_219 = arith.constant 0 : i32
      %lt3A_220 = arith.cmpi slt, %select_n3A_213, %lt3A_219 : i32
      %ne3A_221 = arith.xori %lt3A_218, %lt3A_220 : i1
      %and3A_222 = arith.andi %ne3A_221, %ne3A_216 : i1
      %add3A_223 = arith.addi %rem3A_214, %select_n3A_213 : i32
      %select_n3A_224 = arith.select %and3A_222, %add3A_223, %rem3A_214 : i32
      %eq3A_225 = vector.broadcast %select_n3A_224 : i32 to vector<16xi32>
      %eq3A_226 = arith.cmpi eq, %iota3A, %eq3A_225 : vector<16xi32>
      %broadcast_in_dim3A_227 = vector.broadcast %reduce_max3A_180 : f32 to vector<16xf32>
      %select_n3A_228 = arith.select %eq3A_226, %broadcast_in_dim3A_227, %get3A_208 : vector<16xi1>, vector<16xf32>
      %swap3A_229 = arith.index_cast %mul3A_206 : i32 to index
      %swap3A_230 = tpu.vector_load %arg22[%swap3A_229] {strides = array<i32>} : memref<128xf32, #tpu.memory_space<vmem>>, vector<16xf32>,
      tpu.vector_store %arg22[%swap3A_229], %select_n3A_228 {strides = array<i32>} : memref<128xf32, #tpu.memory_space<vmem>>, vector<16xf32>,
      %scan3A_231 = arith.constant 2 : i32
      %scan3A_232 = arith.addi %scan3A_113, %scan3A_231 : i32
      %mul3A_233 = arith.constant 16 : i32
      %mul3A_234 = arith.muli %scan3A_232, %mul3A_233 : i32
      %get3A_235 = arith.index_cast %mul3A_234 : i32 to index
      %get3A_236 = tpu.vector_load %arg20[%get3A_235] {strides = array<i32>} : memref<2048xf32, #tpu.memory_space<vmem>>, vector<16xf32>,
      %reduce_max3A_237 = arith.constant true
      %reduce_max3A_238 = vector.broadcast %reduce_max3A_237 : i1 to vector<16xi1>
      %reduce_max3A_239 = tpu.scan <max>, %get3A_236 masked %reduce_max3A_238 : vector<16xf32>, vector<16xi1> -> vector<16xf32>
      %reduce_max3A_240 = vector.extract %reduce_max3A_239[15] : f32 from vector<16xf32>
      %jit3A_241 = arith.constant 16 : i32
      %div3A_242 = arith.divsi %scan3A_232, %jit3A_241 : i32
      %sign3A_243 = arith.constant 0 : i32
      %sign3A_244 = arith.cmpi sgt, %scan3A_232, %sign3A_243 : i32
      %sign3A_245 = arith.extui %sign3A_244 : i1 to i32
      %sign3A_246 = arith.constant 0 : i32
      %sign3A_247 = arith.cmpi slt, %scan3A_232, %sign3A_246 : i32
      %sign3A_248 = arith.extui %sign3A_247 : i1 to i32
      %sign3A_249 = arith.subi %sign3A_245, %sign3A_248 : i32
      %sign3A_250 = arith.constant 0 : i32
      %sign3A_251 = arith.cmpi sgt, %jit3A_241, %sign3A_250 : i32
      %sign3A_252 = arith.extui %sign3A_251 : i1 to i32
      %sign3A_253 = arith.constant 0 : i32
      %sign3A_254 = arith.cmpi slt, %jit3A_241, %sign3A_253 : i32
      %sign3A_255 = arith.extui %sign3A_254 : i1 to i32
      %sign3A_256 = arith.subi %sign3A_252, %sign3A_255 : i32
      %ne3A_257 = arith.cmpi ne, %sign3A_249, %sign3A_256 : i32
      %rem3A_258 = arith.remsi %scan3A_232, %jit3A_241 : i32
      %ne3A_259 = arith.constant 0 : i32
      %ne3A_260 = arith.cmpi ne, %rem3A_258, %ne3A_259 : i32
      %and3A_261 = arith.andi %ne3A_257, %ne3A_260 : i1
      %sub3A_262 = arith.constant 1 : i32
      %sub3A_263 = arith.subi %div3A_242, %sub3A_262 : i32
      %select_n3A_264 = arith.select %and3A_261, %sub3A_263, %div3A_242 : i32
      %mul3A_265 = arith.constant 16 : i32
      %mul3A_266 = arith.muli %select_n3A_264, %mul3A_265 : i32
      %get3A_267 = arith.index_cast %mul3A_266 : i32 to index
      %get3A_268 = tpu.vector_load %arg22[%get3A_267] {strides = array<i32>} : memref<128xf32, #tpu.memory_space<vmem>>, vector<16xf32>,
      %jit3A_269 = arith.constant 16 : i32
      %eq3A_270 = arith.constant 0 : i32
      %eq3A_271 = arith.cmpi eq, %jit3A_269, %eq3A_270 : i32
      %jit3A_272 = arith.constant 1 : i32
      %select_n3A_273 = arith.select %eq3A_271, %jit3A_272, %jit3A_269 : i32
      %rem3A_274 = arith.remsi %scan3A_232, %select_n3A_273 : i32
      %ne3A_275 = arith.constant 0 : i32
      %ne3A_276 = arith.cmpi ne, %rem3A_274, %ne3A_275 : i32
      %lt3A_277 = arith.constant 0 : i32
      %lt3A_278 = arith.cmpi slt, %rem3A_274, %lt3A_277 : i32
      %lt3A_279 = arith.constant 0 : i32
      %lt3A_280 = arith.cmpi slt, %select_n3A_273, %lt3A_279 : i32
      %ne3A_281 = arith.xori %lt3A_278, %lt3A_280 : i1
      %and3A_282 = arith.andi %ne3A_281, %ne3A_276 : i1
      %add3A_283 = arith.addi %rem3A_274, %select_n3A_273 : i32
      %select_n3A_284 = arith.select %and3A_282, %add3A_283, %rem3A_274 : i32
      %eq3A_285 = vector.broadcast %select_n3A_284 : i32 to vector<16xi32>
      %eq3A_286 = arith.cmpi eq, %iota3A, %eq3A_285 : vector<16xi32>
      %broadcast_in_dim3A_287 = vector.broadcast %reduce_max3A_240 : f32 to vector<16xf32>
      %select_n3A_288 = arith.select %eq3A_286, %broadcast_in_dim3A_287, %get3A_268 : vector<16xi1>, vector<16xf32>
      %swap3A_289 = arith.index_cast %mul3A_266 : i32 to index
      %swap3A_290 = tpu.vector_load %arg22[%swap3A_289] {strides = array<i32>} : memref<128xf32, #tpu.memory_space<vmem>>, vector<16xf32>,
      tpu.vector_store %arg22[%swap3A_289], %select_n3A_288 {strides = array<i32>} : memref<128xf32, #tpu.memory_space<vmem>>, vector<16xf32>,
      %scan3A_291 = arith.constant 3 : i32
      %scan3A_292 = arith.addi %scan3A_113, %scan3A_291 : i32
      %mul3A_293 = arith.constant 16 : i32
      %mul3A_294 = arith.muli %scan3A_292, %mul3A_293 : i32
      %get3A_295 = arith.index_cast %mul3A_294 : i32 to index
      %get3A_296 = tpu.vector_load %arg20[%get3A_295] {strides = array<i32>} : memref<2048xf32, #tpu.memory_space<vmem>>, vector<16xf32>,
      %reduce_max3A_297 = arith.constant true
      %reduce_max3A_298 = vector.broadcast %reduce_max3A_297 : i1 to vector<16xi1>
      %reduce_max3A_299 = tpu.scan <max>, %get3A_296 masked %reduce_max3A_298 : vector<16xf32>, vector<16xi1> -> vector<16xf32>
      %reduce_max3A_300 = vector.extract %reduce_max3A_299[15] : f32 from vector<16xf32>
      %jit3A_301 = arith.constant 16 : i32
      %div3A_302 = arith.divsi %scan3A_292, %jit3A_301 : i32
      %sign3A_303 = arith.constant 0 : i32
      %sign3A_304 = arith.cmpi sgt, %scan3A_292, %sign3A_303 : i32
      %sign3A_305 = arith.extui %sign3A_304 : i1 to i32
      %sign3A_306 = arith.constant 0 : i32
      %sign3A_307 = arith.cmpi slt, %scan3A_292, %sign3A_306 : i32
      %sign3A_308 = arith.extui %sign3A_307 : i1 to i32
      %sign3A_309 = arith.subi %sign3A_305, %sign3A_308 : i32
      %sign3A_310 = arith.constant 0 : i32
      %sign3A_311 = arith.cmpi sgt, %jit3A_301, %sign3A_310 : i32
      %sign3A_312 = arith.extui %sign3A_311 : i1 to i32
      %sign3A_313 = arith.constant 0 : i32
      %sign3A_314 = arith.cmpi slt, %jit3A_301, %sign3A_313 : i32
      %sign3A_315 = arith.extui %sign3A_314 : i1 to i32
      %sign3A_316 = arith.subi %sign3A_312, %sign3A_315 : i32
      %ne3A_317 = arith.cmpi ne, %sign3A_309, %sign3A_316 : i32
      %rem3A_318 = arith.remsi %scan3A_292, %jit3A_301 : i32
      %ne3A_319 = arith.constant 0 : i32
      %ne3A_320 = arith.cmpi ne, %rem3A_318, %ne3A_319 : i32
      %and3A_321 = arith.andi %ne3A_317, %ne3A_320 : i1
      %sub3A_322 = arith.constant 1 : i32
      %sub3A_323 = arith.subi %div3A_302, %sub3A_322 : i32
      %select_n3A_324 = arith.select %and3A_321, %sub3A_323, %div3A_302 : i32
      %mul3A_325 = arith.constant 16 : i32
      %mul3A_326 = arith.muli %select_n3A_324, %mul3A_325 : i32
      %get3A_327 = arith.index_cast %mul3A_326 : i32 to index
      %get3A_328 = tpu.vector_load %arg22[%get3A_327] {strides = array<i32>} : memref<128xf32, #tpu.memory_space<vmem>>, vector<16xf32>,
      %jit3A_329 = arith.constant 16 : i32
      %eq3A_330 = arith.constant 0 : i32
      %eq3A_331 = arith.cmpi eq, %jit3A_329, %eq3A_330 : i32
      %jit3A_332 = arith.constant 1 : i32
      %select_n3A_333 = arith.select %eq3A_331, %jit3A_332, %jit3A_329 : i32
      %rem3A_334 = arith.remsi %scan3A_292, %select_n3A_333 : i32
      %ne3A_335 = arith.constant 0 : i32
      %ne3A_336 = arith.cmpi ne, %rem3A_334, %ne3A_335 : i32
      %lt3A_337 = arith.constant 0 : i32
      %lt3A_338 = arith.cmpi slt, %rem3A_334, %lt3A_337 : i32
      %lt3A_339 = arith.constant 0 : i32
      %lt3A_340 = arith.cmpi slt, %select_n3A_333, %lt3A_339 : i32
      %ne3A_341 = arith.xori %lt3A_338, %lt3A_340 : i1
      %and3A_342 = arith.andi %ne3A_341, %ne3A_336 : i1
      %add3A_343 = arith.addi %rem3A_334, %select_n3A_333 : i32
      %select_n3A_344 = arith.select %and3A_342, %add3A_343, %rem3A_334 : i32
      %eq3A_345 = vector.broadcast %select_n3A_344 : i32 to vector<16xi32>
      %eq3A_346 = arith.cmpi eq, %iota3A, %eq3A_345 : vector<16xi32>
      %broadcast_in_dim3A_347 = vector.broadcast %reduce_max3A_300 : f32 to vector<16xf32>
      %select_n3A_348 = arith.select %eq3A_346, %broadcast_in_dim3A_347, %get3A_328 : vector<16xi1>, vector<16xf32>
      %swap3A_349 = arith.index_cast %mul3A_326 : i32 to index
      %swap3A_350 = tpu.vector_load %arg22[%swap3A_349] {strides = array<i32>} : memref<128xf32, #tpu.memory_space<vmem>>, vector<16xf32>,
      tpu.vector_store %arg22[%swap3A_349], %select_n3A_348 {strides = array<i32>} : memref<128xf32, #tpu.memory_space<vmem>>, vector<16xf32>,
    }
    %scan3A_99 = arith.constant 128 : i32
    %mul3A_100 = arith.constant 2048 : i32
    %mul3A_101 = arith.muli %arg1, %mul3A_100 : i32
    "tpu.region"() ({
      %run_scoped3A = tpu.sem_alloc : memref<!tpu.dma_semaphore, #tpu.memory_space<semaphore_mem>>
      %dma_start3A_113 = tpu.memref_slice %arg33[%mul3A_101] : memref<32768xf32, #tpu.memory_space<vmem_shared>> -> memref<2048xf32, #tpu.memory_space<vmem_shared>>
      %dma_start3A_114 = tpu.memref_slice %arg33[%mul3A_101] : memref<32768xf32, #tpu.memory_space<vmem_shared>> -> memref<2048xf32, #tpu.memory_space<vmem_shared>>
      tpu.enqueue_dma source(%arg20 : memref<2048xf32, #tpu.memory_space<vmem>>) target(%dma_start3A_114 : memref<2048xf32, #tpu.memory_space<vmem_shared>>) target_semaphore(%run_scoped3A : memref<!tpu.dma_semaphore, #tpu.memory_space<semaphore_mem>>)
      %dma_wait3A = tpu.memref_slice %arg33[%mul3A_101] : memref<32768xf32, #tpu.memory_space<vmem_shared>> -> memref<2048xf32, #tpu.memory_space<vmem_shared>>
      %dma_wait3A_115 = tpu.memref_slice %arg33[%mul3A_101] : memref<32768xf32, #tpu.memory_space<vmem_shared>> -> memref<2048xf32, #tpu.memory_space<vmem_shared>>
      tpu.wait_dma2 semaphore(%run_scoped3A : memref<!tpu.dma_semaphore, #tpu.memory_space<semaphore_mem>>) src(%arg20 : memref<2048xf32, #tpu.memory_space<vmem>>) dst(%dma_wait3A_115 : memref<2048xf32, #tpu.memory_space<vmem_shared>>)
      tpu.yield
    }) : () -> ()
    %mul3A_102 = arith.constant 2048 : i32
    %mul3A_103 = arith.muli %arg1, %mul3A_102 : i32
    "tpu.region"() ({
      %run_scoped3A = tpu.sem_alloc : memref<!tpu.dma_semaphore, #tpu.memory_space<semaphore_mem>>
      %dma_start3A_113 = tpu.memref_slice %arg34[%mul3A_103] : memref<32768xi32, #tpu.memory_space<vmem_shared>> -> memref<2048xi32, #tpu.memory_space<vmem_shared>>
      %dma_start3A_114 = tpu.memref_slice %arg34[%mul3A_103] : memref<32768xi32, #tpu.memory_space<vmem_shared>> -> memref<2048xi32, #tpu.memory_space<vmem_shared>>
      tpu.enqueue_dma source(%arg21 : memref<2048xi32, #tpu.memory_space<vmem>>) target(%dma_start3A_114 : memref<2048xi32, #tpu.memory_space<vmem_shared>>) target_semaphore(%run_scoped3A : memref<!tpu.dma_semaphore, #tpu.memory_space<semaphore_mem>>)
      %dma_wait3A = tpu.memref_slice %arg34[%mul3A_103] : memref<32768xi32, #tpu.memory_space<vmem_shared>> -> memref<2048xi32, #tpu.memory_space<vmem_shared>>
      %dma_wait3A_115 = tpu.memref_slice %arg34[%mul3A_103] : memref<32768xi32, #tpu.memory_space<vmem_shared>> -> memref<2048xi32, #tpu.memory_space<vmem_shared>>
      tpu.wait_dma2 semaphore(%run_scoped3A : memref<!tpu.dma_semaphore, #tpu.memory_space<semaphore_mem>>) src(%arg21 : memref<2048xi32, #tpu.memory_space<vmem>>) dst(%dma_wait3A_115 : memref<2048xi32, #tpu.memory_space<vmem_shared>>)
      tpu.yield
    }) : () -> ()
    %mul3A_104 = arith.constant 128 : i32
    %mul3A_105 = arith.muli %arg1, %mul3A_104 : i32
    "tpu.region"() ({
      %run_scoped3A = tpu.sem_alloc : memref<!tpu.dma_semaphore, #tpu.memory_space<semaphore_mem>>
      %dma_start3A_113 = tpu.memref_slice %arg35[%mul3A_105] : memref<2048xf32, #tpu.memory_space<vmem_shared>> -> memref<128xf32, #tpu.memory_space<vmem_shared>>
      %dma_start3A_114 = tpu.memref_slice %arg35[%mul3A_105] : memref<2048xf32, #tpu.memory_space<vmem_shared>> -> memref<128xf32, #tpu.memory_space<vmem_shared>>
      tpu.enqueue_dma source(%arg22 : memref<128xf32, #tpu.memory_space<vmem>>) target(%dma_start3A_114 : memref<128xf32, #tpu.memory_space<vmem_shared>>) target_semaphore(%run_scoped3A : memref<!tpu.dma_semaphore, #tpu.memory_space<semaphore_mem>>)
      %dma_wait3A = tpu.memref_slice %arg35[%mul3A_105] : memref<2048xf32, #tpu.memory_space<vmem_shared>> -> memref<128xf32, #tpu.memory_space<vmem_shared>>
      %dma_wait3A_115 = tpu.memref_slice %arg35[%mul3A_105] : memref<2048xf32, #tpu.memory_space<vmem_shared>> -> memref<128xf32, #tpu.memory_space<vmem_shared>>
      tpu.wait_dma2 semaphore(%run_scoped3A : memref<!tpu.dma_semaphore, #tpu.memory_space<semaphore_mem>>) src(%arg22 : memref<128xf32, #tpu.memory_space<vmem>>) dst(%dma_wait3A_115 : memref<128xf32, #tpu.memory_space<vmem_shared>>)
      tpu.yield
    }) : () -> ()
    %barrier3A_106 = arith.constant 0 : index
    tpu.barrier barrier_id(%barrier3A_106)
    %eq3A_107 = arith.constant 0 : i32
    %eq3A_108 = arith.cmpi eq, %select_n3A_28, %eq3A_107 : i32
    %convert_element_type3A_109 = arith.extui %eq3A_108 : i1 to i32
    %cond3A_110 = arith.constant 0 : i32
    %cond3A_111 = arith.cmpi ne, %convert_element_type3A_109, %cond3A_110 : i32
    scf.if %cond3A_111 {
      %mul3A_113 = arith.constant 4 : i32
      %mul3A_114 = arith.muli %select_n3A, %mul3A_113 : i32
      %add3A_115 = arith.constant 0 : i32
      %add3A_116 = arith.addi %mul3A_114, %add3A_115 : i32
      %mul3A_117 = arith.constant 2048 : i32
      %mul3A_118 = arith.muli %add3A_116, %mul3A_117 : i32
      "tpu.region"() ({
        %run_scoped3A = tpu.sem_alloc : memref<!tpu.dma_semaphore, #tpu.memory_space<semaphore_mem>>
        %dma_start3A_175 = arith.constant 0 : i32
        %dma_start3A_176 = tpu.memref_slice %arg23[%dma_start3A_175] : memref<8192xf32, #tpu.memory_space<vmem>> -> memref<2048xf32, #tpu.memory_space<vmem>>
        %dma_start3A_177 = tpu.memref_slice %arg33[%mul3A_118] : memref<32768xf32, #tpu.memory_space<vmem_shared>> -> memref<2048xf32, #tpu.memory_space<vmem_shared>>
        %dma_start3A_178 = arith.constant 0 : i32
        %dma_start3A_179 = tpu.memref_slice %arg23[%dma_start3A_178] : memref<8192xf32, #tpu.memory_space<vmem>> -> memref<2048xf32, #tpu.memory_space<vmem>>
        %dma_start3A_180 = tpu.memref_slice %arg33[%mul3A_118] : memref<32768xf32, #tpu.memory_space<vmem_shared>> -> memref<2048xf32, #tpu.memory_space<vmem_shared>>
        tpu.enqueue_dma source(%dma_start3A_180 : memref<2048xf32, #tpu.memory_space<vmem_shared>>) target(%dma_start3A_179 : memref<2048xf32, #tpu.memory_space<vmem>>) target_semaphore(%run_scoped3A : memref<!tpu.dma_semaphore, #tpu.memory_space<semaphore_mem>>)
        %dma_wait3A = arith.constant 0 : i32
        %dma_wait3A_181 = tpu.memref_slice %arg23[%dma_wait3A] : memref<8192xf32, #tpu.memory_space<vmem>> -> memref<2048xf32, #tpu.memory_space<vmem>>
        %dma_wait3A_182 = tpu.memref_slice %arg33[%mul3A_118] : memref<32768xf32, #tpu.memory_space<vmem_shared>> -> memref<2048xf32, #tpu.memory_space<vmem_shared>>
        %dma_wait3A_183 = arith.constant 0 : i32
        %dma_wait3A_184 = tpu.memref_slice %arg23[%dma_wait3A_183] : memref<8192xf32, #tpu.memory_space<vmem>> -> memref<2048xf32, #tpu.memory_space<vmem>>
        %dma_wait3A_185 = tpu.memref_slice %arg33[%mul3A_118] : memref<32768xf32, #tpu.memory_space<vmem_shared>> -> memref<2048xf32, #tpu.memory_space<vmem_shared>>
        tpu.wait_dma2 semaphore(%run_scoped3A : memref<!tpu.dma_semaphore, #tpu.memory_space<semaphore_mem>>) src(%dma_wait3A_185 : memref<2048xf32, #tpu.memory_space<vmem_shared>>) dst(%dma_wait3A_184 : memref<2048xf32, #tpu.memory_space<vmem>>)
        tpu.yield
      }) : () -> ()
      %mul3A_119 = arith.constant 2048 : i32
      %mul3A_120 = arith.muli %add3A_116, %mul3A_119 : i32
      "tpu.region"() ({
        %run_scoped3A = tpu.sem_alloc : memref<!tpu.dma_semaphore, #tpu.memory_space<semaphore_mem>>
        %dma_start3A_175 = arith.constant 0 : i32
        %dma_start3A_176 = tpu.memref_slice %arg24[%dma_start3A_175] : memref<8192xi32, #tpu.memory_space<vmem>> -> memref<2048xi32, #tpu.memory_space<vmem>>
        %dma_start3A_177 = tpu.memref_slice %arg34[%mul3A_120] : memref<32768xi32, #tpu.memory_space<vmem_shared>> -> memref<2048xi32, #tpu.memory_space<vmem_shared>>
        %dma_start3A_178 = arith.constant 0 : i32
        %dma_start3A_179 = tpu.memref_slice %arg24[%dma_start3A_178] : memref<8192xi32, #tpu.memory_space<vmem>> -> memref<2048xi32, #tpu.memory_space<vmem>>
        %dma_start3A_180 = tpu.memref_slice %arg34[%mul3A_120] : memref<32768xi32, #tpu.memory_space<vmem_shared>> -> memref<2048xi32, #tpu.memory_space<vmem_shared>>
        tpu.enqueue_dma source(%dma_start3A_180 : memref<2048xi32, #tpu.memory_space<vmem_shared>>) target(%dma_start3A_179 : memref<2048xi32, #tpu.memory_space<vmem>>) target_semaphore(%run_scoped3A : memref<!tpu.dma_semaphore, #tpu.memory_space<semaphore_mem>>)
        %dma_wait3A = arith.constant 0 : i32
        %dma_wait3A_181 = tpu.memref_slice %arg24[%dma_wait3A] : memref<8192xi32, #tpu.memory_space<vmem>> -> memref<2048xi32, #tpu.memory_space<vmem>>
        %dma_wait3A_182 = tpu.memref_slice %arg34[%mul3A_120] : memref<32768xi32, #tpu.memory_space<vmem_shared>> -> memref<2048xi32, #tpu.memory_space<vmem_shared>>
        %dma_wait3A_183 = arith.constant 0 : i32
        %dma_wait3A_184 = tpu.memref_slice %arg24[%dma_wait3A_183] : memref<8192xi32, #tpu.memory_space<vmem>> -> memref<2048xi32, #tpu.memory_space<vmem>>
        %dma_wait3A_185 = tpu.memref_slice %arg34[%mul3A_120] : memref<32768xi32, #tpu.memory_space<vmem_shared>> -> memref<2048xi32, #tpu.memory_space<vmem_shared>>
        tpu.wait_dma2 semaphore(%run_scoped3A : memref<!tpu.dma_semaphore, #tpu.memory_space<semaphore_mem>>) src(%dma_wait3A_185 : memref<2048xi32, #tpu.memory_space<vmem_shared>>) dst(%dma_wait3A_184 : memref<2048xi32, #tpu.memory_space<vmem>>)
        tpu.yield
      }) : () -> ()
      %mul3A_121 = arith.constant 128 : i32
      %mul3A_122 = arith.muli %add3A_116, %mul3A_121 : i32
      "tpu.region"() ({
        %run_scoped3A = tpu.sem_alloc : memref<!tpu.dma_semaphore, #tpu.memory_space<semaphore_mem>>
        %dma_start3A_175 = arith.constant 0 : i32
        %dma_start3A_176 = tpu.memref_slice %arg25[%dma_start3A_175] : memref<512xf32, #tpu.memory_space<vmem>> -> memref<128xf32, #tpu.memory_space<vmem>>
        %dma_start3A_177 = tpu.memref_slice %arg35[%mul3A_122] : memref<2048xf32, #tpu.memory_space<vmem_shared>> -> memref<128xf32, #tpu.memory_space<vmem_shared>>
        %dma_start3A_178 = arith.constant 0 : i32
        %dma_start3A_179 = tpu.memref_slice %arg25[%dma_start3A_178] : memref<512xf32, #tpu.memory_space<vmem>> -> memref<128xf32, #tpu.memory_space<vmem>>
        %dma_start3A_180 = tpu.memref_slice %arg35[%mul3A_122] : memref<2048xf32, #tpu.memory_space<vmem_shared>> -> memref<128xf32, #tpu.memory_space<vmem_shared>>
        tpu.enqueue_dma source(%dma_start3A_180 : memref<128xf32, #tpu.memory_space<vmem_shared>>) target(%dma_start3A_179 : memref<128xf32, #tpu.memory_space<vmem>>) target_semaphore(%run_scoped3A : memref<!tpu.dma_semaphore, #tpu.memory_space<semaphore_mem>>)
        %dma_wait3A = arith.constant 0 : i32
        %dma_wait3A_181 = tpu.memref_slice %arg25[%dma_wait3A] : memref<512xf32, #tpu.memory_space<vmem>> -> memref<128xf32, #tpu.memory_space<vmem>>
        %dma_wait3A_182 = tpu.memref_slice %arg35[%mul3A_122] : memref<2048xf32, #tpu.memory_space<vmem_shared>> -> memref<128xf32, #tpu.memory_space<vmem_shared>>
        %dma_wait3A_183 = arith.constant 0 : i32
        %dma_wait3A_184 = tpu.memref_slice %arg25[%dma_wait3A_183] : memref<512xf32, #tpu.memory_space<vmem>> -> memref<128xf32, #tpu.memory_space<vmem>>
        %dma_wait3A_185 = tpu.memref_slice %arg35[%mul3A_122] : memref<2048xf32, #tpu.memory_space<vmem_shared>> -> memref<128xf32, #tpu.memory_space<vmem_shared>>
        tpu.wait_dma2 semaphore(%run_scoped3A : memref<!tpu.dma_semaphore, #tpu.memory_space<semaphore_mem>>) src(%dma_wait3A_185 : memref<128xf32, #tpu.memory_space<vmem_shared>>) dst(%dma_wait3A_184 : memref<128xf32, #tpu.memory_space<vmem>>)
        tpu.yield
      }) : () -> ()
      %mul3A_123 = arith.constant 4 : i32
      %mul3A_124 = arith.muli %select_n3A, %mul3A_123 : i32
      %add3A_125 = arith.constant 1 : i32
      %add3A_126 = arith.addi %mul3A_124, %add3A_125 : i32
      %mul3A_127 = arith.constant 2048 : i32
      %mul3A_128 = arith.muli %add3A_126, %mul3A_127 : i32
      "tpu.region"() ({
        %run_scoped3A = tpu.sem_alloc : memref<!tpu.dma_semaphore, #tpu.memory_space<semaphore_mem>>
        %dma_start3A_175 = arith.constant 2048 : i32
        %dma_start3A_176 = tpu.memref_slice %arg23[%dma_start3A_175] : memref<8192xf32, #tpu.memory_space<vmem>> -> memref<2048xf32, #tpu.memory_space<vmem>>
        %dma_start3A_177 = tpu.memref_slice %arg33[%mul3A_128] : memref<32768xf32, #tpu.memory_space<vmem_shared>> -> memref<2048xf32, #tpu.memory_space<vmem_shared>>
        %dma_start3A_178 = arith.constant 2048 : i32
        %dma_start3A_179 = tpu.memref_slice %arg23[%dma_start3A_178] : memref<8192xf32, #tpu.memory_space<vmem>> -> memref<2048xf32, #tpu.memory_space<vmem>>
        %dma_start3A_180 = tpu.memref_slice %arg33[%mul3A_128] : memref<32768xf32, #tpu.memory_space<vmem_shared>> -> memref<2048xf32, #tpu.memory_space<vmem_shared>>
        tpu.enqueue_dma source(%dma_start3A_180 : memref<2048xf32, #tpu.memory_space<vmem_shared>>) target(%dma_start3A_179 : memref<2048xf32, #tpu.memory_space<vmem>>) target_semaphore(%run_scoped3A : memref<!tpu.dma_semaphore, #tpu.memory_space<semaphore_mem>>)
        %dma_wait3A = arith.constant 2048 : i32
        %dma_wait3A_181 = tpu.memref_slice %arg23[%dma_wait3A] : memref<8192xf32, #tpu.memory_space<vmem>> -> memref<2048xf32, #tpu.memory_space<vmem>>
        %dma_wait3A_182 = tpu.memref_slice %arg33[%mul3A_128] : memref<32768xf32, #tpu.memory_space<vmem_shared>> -> memref<2048xf32, #tpu.memory_space<vmem_shared>>
        %dma_wait3A_183 = arith.constant 2048 : i32
        %dma_wait3A_184 = tpu.memref_slice %arg23[%dma_wait3A_183] : memref<8192xf32, #tpu.memory_space<vmem>> -> memref<2048xf32, #tpu.memory_space<vmem>>
        %dma_wait3A_185 = tpu.memref_slice %arg33[%mul3A_128] : memref<32768xf32, #tpu.memory_space<vmem_shared>> -> memref<2048xf32, #tpu.memory_space<vmem_shared>>
        tpu.wait_dma2 semaphore(%run_scoped3A : memref<!tpu.dma_semaphore, #tpu.memory_space<semaphore_mem>>) src(%dma_wait3A_185 : memref<2048xf32, #tpu.memory_space<vmem_shared>>) dst(%dma_wait3A_184 : memref<2048xf32, #tpu.memory_space<vmem>>)
        tpu.yield
      }) : () -> ()
      %mul3A_129 = arith.constant 2048 : i32
      %mul3A_130 = arith.muli %add3A_126, %mul3A_129 : i32
      "tpu.region"() ({
        %run_scoped3A = tpu.sem_alloc : memref<!tpu.dma_semaphore, #tpu.memory_space<semaphore_mem>>
        %dma_start3A_175 = arith.constant 2048 : i32
        %dma_start3A_176 = tpu.memref_slice %arg24[%dma_start3A_175] : memref<8192xi32, #tpu.memory_space<vmem>> -> memref<2048xi32, #tpu.memory_space<vmem>>
        %dma_start3A_177 = tpu.memref_slice %arg34[%mul3A_130] : memref<32768xi32, #tpu.memory_space<vmem_shared>> -> memref<2048xi32, #tpu.memory_space<vmem_shared>>
        %dma_start3A_178 = arith.constant 2048 : i32
        %dma_start3A_179 = tpu.memref_slice %arg24[%dma_start3A_178] : memref<8192xi32, #tpu.memory_space<vmem>> -> memref<2048xi32, #tpu.memory_space<vmem>>
        %dma_start3A_180 = tpu.memref_slice %arg34[%mul3A_130] : memref<32768xi32, #tpu.memory_space<vmem_shared>> -> memref<2048xi32, #tpu.memory_space<vmem_shared>>
        tpu.enqueue_dma source(%dma_start3A_180 : memref<2048xi32, #tpu.memory_space<vmem_shared>>) target(%dma_start3A_179 : memref<2048xi32, #tpu.memory_space<vmem>>) target_semaphore(%run_scoped3A : memref<!tpu.dma_semaphore, #tpu.memory_space<semaphore_mem>>)
        %dma_wait3A = arith.constant 2048 : i32
        %dma_wait3A_181 = tpu.memref_slice %arg24[%dma_wait3A] : memref<8192xi32, #tpu.memory_space<vmem>> -> memref<2048xi32, #tpu.memory_space<vmem>>
        %dma_wait3A_182 = tpu.memref_slice %arg34[%mul3A_130] : memref<32768xi32, #tpu.memory_space<vmem_shared>> -> memref<2048xi32, #tpu.memory_space<vmem_shared>>
        %dma_wait3A_183 = arith.constant 2048 : i32
        %dma_wait3A_184 = tpu.memref_slice %arg24[%dma_wait3A_183] : memref<8192xi32, #tpu.memory_space<vmem>> -> memref<2048xi32, #tpu.memory_space<vmem>>
        %dma_wait3A_185 = tpu.memref_slice %arg34[%mul3A_130] : memref<32768xi32, #tpu.memory_space<vmem_shared>> -> memref<2048xi32, #tpu.memory_space<vmem_shared>>
        tpu.wait_dma2 semaphore(%run_scoped3A : memref<!tpu.dma_semaphore, #tpu.memory_space<semaphore_mem>>) src(%dma_wait3A_185 : memref<2048xi32, #tpu.memory_space<vmem_shared>>) dst(%dma_wait3A_184 : memref<2048xi32, #tpu.memory_space<vmem>>)
        tpu.yield
      }) : () -> ()
      %mul3A_131 = arith.constant 128 : i32
      %mul3A_132 = arith.muli %add3A_126, %mul3A_131 : i32
      "tpu.region"() ({
        %run_scoped3A = tpu.sem_alloc : memref<!tpu.dma_semaphore, #tpu.memory_space<semaphore_mem>>
        %dma_start3A_175 = arith.constant 128 : i32
        %dma_start3A_176 = tpu.memref_slice %arg25[%dma_start3A_175] : memref<512xf32, #tpu.memory_space<vmem>> -> memref<128xf32, #tpu.memory_space<vmem>>
        %dma_start3A_177 = tpu.memref_slice %arg35[%mul3A_132] : memref<2048xf32, #tpu.memory_space<vmem_shared>> -> memref<128xf32, #tpu.memory_space<vmem_shared>>
        %dma_start3A_178 = arith.constant 128 : i32
        %dma_start3A_179 = tpu.memref_slice %arg25[%dma_start3A_178] : memref<512xf32, #tpu.memory_space<vmem>> -> memref<128xf32, #tpu.memory_space<vmem>>
        %dma_start3A_180 = tpu.memref_slice %arg35[%mul3A_132] : memref<2048xf32, #tpu.memory_space<vmem_shared>> -> memref<128xf32, #tpu.memory_space<vmem_shared>>
        tpu.enqueue_dma source(%dma_start3A_180 : memref<128xf32, #tpu.memory_space<vmem_shared>>) target(%dma_start3A_179 : memref<128xf32, #tpu.memory_space<vmem>>) target_semaphore(%run_scoped3A : memref<!tpu.dma_semaphore, #tpu.memory_space<semaphore_mem>>)
        %dma_wait3A = arith.constant 128 : i32
        %dma_wait3A_181 = tpu.memref_slice %arg25[%dma_wait3A] : memref<512xf32, #tpu.memory_space<vmem>> -> memref<128xf32, #tpu.memory_space<vmem>>
        %dma_wait3A_182 = tpu.memref_slice %arg35[%mul3A_132] : memref<2048xf32, #tpu.memory_space<vmem_shared>> -> memref<128xf32, #tpu.memory_space<vmem_shared>>
        %dma_wait3A_183 = arith.constant 128 : i32
        %dma_wait3A_184 = tpu.memref_slice %arg25[%dma_wait3A_183] : memref<512xf32, #tpu.memory_space<vmem>> -> memref<128xf32, #tpu.memory_space<vmem>>
        %dma_wait3A_185 = tpu.memref_slice %arg35[%mul3A_132] : memref<2048xf32, #tpu.memory_space<vmem_shared>> -> memref<128xf32, #tpu.memory_space<vmem_shared>>
        tpu.wait_dma2 semaphore(%run_scoped3A : memref<!tpu.dma_semaphore, #tpu.memory_space<semaphore_mem>>) src(%dma_wait3A_185 : memref<128xf32, #tpu.memory_space<vmem_shared>>) dst(%dma_wait3A_184 : memref<128xf32, #tpu.memory_space<vmem>>)
        tpu.yield
      }) : () -> ()
      %mul3A_133 = arith.constant 4 : i32
      %mul3A_134 = arith.muli %select_n3A, %mul3A_133 : i32
      %add3A_135 = arith.constant 2 : i32
      %add3A_136 = arith.addi %mul3A_134, %add3A_135 : i32
      %mul3A_137 = arith.constant 2048 : i32
      %mul3A_138 = arith.muli %add3A_136, %mul3A_137 : i32
      "tpu.region"() ({
        %run_scoped3A = tpu.sem_alloc : memref<!tpu.dma_semaphore, #tpu.memory_space<semaphore_mem>>
        %dma_start3A_175 = arith.constant 4096 : i32
        %dma_start3A_176 = tpu.memref_slice %arg23[%dma_start3A_175] : memref<8192xf32, #tpu.memory_space<vmem>> -> memref<2048xf32, #tpu.memory_space<vmem>>
        %dma_start3A_177 = tpu.memref_slice %arg33[%mul3A_138] : memref<32768xf32, #tpu.memory_space<vmem_shared>> -> memref<2048xf32, #tpu.memory_space<vmem_shared>>
        %dma_start3A_178 = arith.constant 4096 : i32
        %dma_start3A_179 = tpu.memref_slice %arg23[%dma_start3A_178] : memref<8192xf32, #tpu.memory_space<vmem>> -> memref<2048xf32, #tpu.memory_space<vmem>>
        %dma_start3A_180 = tpu.memref_slice %arg33[%mul3A_138] : memref<32768xf32, #tpu.memory_space<vmem_shared>> -> memref<2048xf32, #tpu.memory_space<vmem_shared>>
        tpu.enqueue_dma source(%dma_start3A_180 : memref<2048xf32, #tpu.memory_space<vmem_shared>>) target(%dma_start3A_179 : memref<2048xf32, #tpu.memory_space<vmem>>) target_semaphore(%run_scoped3A : memref<!tpu.dma_semaphore, #tpu.memory_space<semaphore_mem>>)
        %dma_wait3A = arith.constant 4096 : i32
        %dma_wait3A_181 = tpu.memref_slice %arg23[%dma_wait3A] : memref<8192xf32, #tpu.memory_space<vmem>> -> memref<2048xf32, #tpu.memory_space<vmem>>
        %dma_wait3A_182 = tpu.memref_slice %arg33[%mul3A_138] : memref<32768xf32, #tpu.memory_space<vmem_shared>> -> memref<2048xf32, #tpu.memory_space<vmem_shared>>
        %dma_wait3A_183 = arith.constant 4096 : i32
        %dma_wait3A_184 = tpu.memref_slice %arg23[%dma_wait3A_183] : memref<8192xf32, #tpu.memory_space<vmem>> -> memref<2048xf32, #tpu.memory_space<vmem>>
        %dma_wait3A_185 = tpu.memref_slice %arg33[%mul3A_138] : memref<32768xf32, #tpu.memory_space<vmem_shared>> -> memref<2048xf32, #tpu.memory_space<vmem_shared>>
        tpu.wait_dma2 semaphore(%run_scoped3A : memref<!tpu.dma_semaphore, #tpu.memory_space<semaphore_mem>>) src(%dma_wait3A_185 : memref<2048xf32, #tpu.memory_space<vmem_shared>>) dst(%dma_wait3A_184 : memref<2048xf32, #tpu.memory_space<vmem>>)
        tpu.yield
      }) : () -> ()
      %mul3A_139 = arith.constant 2048 : i32
      %mul3A_140 = arith.muli %add3A_136, %mul3A_139 : i32
      "tpu.region"() ({
        %run_scoped3A = tpu.sem_alloc : memref<!tpu.dma_semaphore, #tpu.memory_space<semaphore_mem>>
        %dma_start3A_175 = arith.constant 4096 : i32
        %dma_start3A_176 = tpu.memref_slice %arg24[%dma_start3A_175] : memref<8192xi32, #tpu.memory_space<vmem>> -> memref<2048xi32, #tpu.memory_space<vmem>>
        %dma_start3A_177 = tpu.memref_slice %arg34[%mul3A_140] : memref<32768xi32, #tpu.memory_space<vmem_shared>> -> memref<2048xi32, #tpu.memory_space<vmem_shared>>
        %dma_start3A_178 = arith.constant 4096 : i32
        %dma_start3A_179 = tpu.memref_slice %arg24[%dma_start3A_178] : memref<8192xi32, #tpu.memory_space<vmem>> -> memref<2048xi32, #tpu.memory_space<vmem>>
        %dma_start3A_180 = tpu.memref_slice %arg34[%mul3A_140] : memref<32768xi32, #tpu.memory_space<vmem_shared>> -> memref<2048xi32, #tpu.memory_space<vmem_shared>>
        tpu.enqueue_dma source(%dma_start3A_180 : memref<2048xi32, #tpu.memory_space<vmem_shared>>) target(%dma_start3A_179 : memref<2048xi32, #tpu.memory_space<vmem>>) target_semaphore(%run_scoped3A : memref<!tpu.dma_semaphore, #tpu.memory_space<semaphore_mem>>)
        %dma_wait3A = arith.constant 4096 : i32
        %dma_wait3A_181 = tpu.memref_slice %arg24[%dma_wait3A] : memref<8192xi32, #tpu.memory_space<vmem>> -> memref<2048xi32, #tpu.memory_space<vmem>>
        %dma_wait3A_182 = tpu.memref_slice %arg34[%mul3A_140] : memref<32768xi32, #tpu.memory_space<vmem_shared>> -> memref<2048xi32, #tpu.memory_space<vmem_shared>>
        %dma_wait3A_183 = arith.constant 4096 : i32
        %dma_wait3A_184 = tpu.memref_slice %arg24[%dma_wait3A_183] : memref<8192xi32, #tpu.memory_space<vmem>> -> memref<2048xi32, #tpu.memory_space<vmem>>
        %dma_wait3A_185 = tpu.memref_slice %arg34[%mul3A_140] : memref<32768xi32, #tpu.memory_space<vmem_shared>> -> memref<2048xi32, #tpu.memory_space<vmem_shared>>
        tpu.wait_dma2 semaphore(%run_scoped3A : memref<!tpu.dma_semaphore, #tpu.memory_space<semaphore_mem>>) src(%dma_wait3A_185 : memref<2048xi32, #tpu.memory_space<vmem_shared>>) dst(%dma_wait3A_184 : memref<2048xi32, #tpu.memory_space<vmem>>)
        tpu.yield
      }) : () -> ()
      %mul3A_141 = arith.constant 128 : i32
      %mul3A_142 = arith.muli %add3A_136, %mul3A_141 : i32
      "tpu.region"() ({
        %run_scoped3A = tpu.sem_alloc : memref<!tpu.dma_semaphore, #tpu.memory_space<semaphore_mem>>
        %dma_start3A_175 = arith.constant 256 : i32
        %dma_start3A_176 = tpu.memref_slice %arg25[%dma_start3A_175] : memref<512xf32, #tpu.memory_space<vmem>> -> memref<128xf32, #tpu.memory_space<vmem>>
        %dma_start3A_177 = tpu.memref_slice %arg35[%mul3A_142] : memref<2048xf32, #tpu.memory_space<vmem_shared>> -> memref<128xf32, #tpu.memory_space<vmem_shared>>
        %dma_start3A_178 = arith.constant 256 : i32
        %dma_start3A_179 = tpu.memref_slice %arg25[%dma_start3A_178] : memref<512xf32, #tpu.memory_space<vmem>> -> memref<128xf32, #tpu.memory_space<vmem>>
        %dma_start3A_180 = tpu.memref_slice %arg35[%mul3A_142] : memref<2048xf32, #tpu.memory_space<vmem_shared>> -> memref<128xf32, #tpu.memory_space<vmem_shared>>
        tpu.enqueue_dma source(%dma_start3A_180 : memref<128xf32, #tpu.memory_space<vmem_shared>>) target(%dma_start3A_179 : memref<128xf32, #tpu.memory_space<vmem>>) target_semaphore(%run_scoped3A : memref<!tpu.dma_semaphore, #tpu.memory_space<semaphore_mem>>)
        %dma_wait3A = arith.constant 256 : i32
        %dma_wait3A_181 = tpu.memref_slice %arg25[%dma_wait3A] : memref<512xf32, #tpu.memory_space<vmem>> -> memref<128xf32, #tpu.memory_space<vmem>>
        %dma_wait3A_182 = tpu.memref_slice %arg35[%mul3A_142] : memref<2048xf32, #tpu.memory_space<vmem_shared>> -> memref<128xf32, #tpu.memory_space<vmem_shared>>
        %dma_wait3A_183 = arith.constant 256 : i32
        %dma_wait3A_184 = tpu.memref_slice %arg25[%dma_wait3A_183] : memref<512xf32, #tpu.memory_space<vmem>> -> memref<128xf32, #tpu.memory_space<vmem>>
        %dma_wait3A_185 = tpu.memref_slice %arg35[%mul3A_142] : memref<2048xf32, #tpu.memory_space<vmem_shared>> -> memref<128xf32, #tpu.memory_space<vmem_shared>>
        tpu.wait_dma2 semaphore(%run_scoped3A : memref<!tpu.dma_semaphore, #tpu.memory_space<semaphore_mem>>) src(%dma_wait3A_185 : memref<128xf32, #tpu.memory_space<vmem_shared>>) dst(%dma_wait3A_184 : memref<128xf32, #tpu.memory_space<vmem>>)
        tpu.yield
      }) : () -> ()
      %mul3A_143 = arith.constant 4 : i32
      %mul3A_144 = arith.muli %select_n3A, %mul3A_143 : i32
      %add3A_145 = arith.constant 3 : i32
      %add3A_146 = arith.addi %mul3A_144, %add3A_145 : i32
      %mul3A_147 = arith.constant 2048 : i32
      %mul3A_148 = arith.muli %add3A_146, %mul3A_147 : i32
      "tpu.region"() ({
        %run_scoped3A = tpu.sem_alloc : memref<!tpu.dma_semaphore, #tpu.memory_space<semaphore_mem>>
        %dma_start3A_175 = arith.constant 6144 : i32
        %dma_start3A_176 = tpu.memref_slice %arg23[%dma_start3A_175] : memref<8192xf32, #tpu.memory_space<vmem>> -> memref<2048xf32, #tpu.memory_space<vmem>>
        %dma_start3A_177 = tpu.memref_slice %arg33[%mul3A_148] : memref<32768xf32, #tpu.memory_space<vmem_shared>> -> memref<2048xf32, #tpu.memory_space<vmem_shared>>
        %dma_start3A_178 = arith.constant 6144 : i32
        %dma_start3A_179 = tpu.memref_slice %arg23[%dma_start3A_178] : memref<8192xf32, #tpu.memory_space<vmem>> -> memref<2048xf32, #tpu.memory_space<vmem>>
        %dma_start3A_180 = tpu.memref_slice %arg33[%mul3A_148] : memref<32768xf32, #tpu.memory_space<vmem_shared>> -> memref<2048xf32, #tpu.memory_space<vmem_shared>>
        tpu.enqueue_dma source(%dma_start3A_180 : memref<2048xf32, #tpu.memory_space<vmem_shared>>) target(%dma_start3A_179 : memref<2048xf32, #tpu.memory_space<vmem>>) target_semaphore(%run_scoped3A : memref<!tpu.dma_semaphore, #tpu.memory_space<semaphore_mem>>)
        %dma_wait3A = arith.constant 6144 : i32
        %dma_wait3A_181 = tpu.memref_slice %arg23[%dma_wait3A] : memref<8192xf32, #tpu.memory_space<vmem>> -> memref<2048xf32, #tpu.memory_space<vmem>>
        %dma_wait3A_182 = tpu.memref_slice %arg33[%mul3A_148] : memref<32768xf32, #tpu.memory_space<vmem_shared>> -> memref<2048xf32, #tpu.memory_space<vmem_shared>>
        %dma_wait3A_183 = arith.constant 6144 : i32
        %dma_wait3A_184 = tpu.memref_slice %arg23[%dma_wait3A_183] : memref<8192xf32, #tpu.memory_space<vmem>> -> memref<2048xf32, #tpu.memory_space<vmem>>
        %dma_wait3A_185 = tpu.memref_slice %arg33[%mul3A_148] : memref<32768xf32, #tpu.memory_space<vmem_shared>> -> memref<2048xf32, #tpu.memory_space<vmem_shared>>
        tpu.wait_dma2 semaphore(%run_scoped3A : memref<!tpu.dma_semaphore, #tpu.memory_space<semaphore_mem>>) src(%dma_wait3A_185 : memref<2048xf32, #tpu.memory_space<vmem_shared>>) dst(%dma_wait3A_184 : memref<2048xf32, #tpu.memory_space<vmem>>)
        tpu.yield
      }) : () -> ()
      %mul3A_149 = arith.constant 2048 : i32
      %mul3A_150 = arith.muli %add3A_146, %mul3A_149 : i32
      "tpu.region"() ({
        %run_scoped3A = tpu.sem_alloc : memref<!tpu.dma_semaphore, #tpu.memory_space<semaphore_mem>>
        %dma_start3A_175 = arith.constant 6144 : i32
        %dma_start3A_176 = tpu.memref_slice %arg24[%dma_start3A_175] : memref<8192xi32, #tpu.memory_space<vmem>> -> memref<2048xi32, #tpu.memory_space<vmem>>
        %dma_start3A_177 = tpu.memref_slice %arg34[%mul3A_150] : memref<32768xi32, #tpu.memory_space<vmem_shared>> -> memref<2048xi32, #tpu.memory_space<vmem_shared>>
        %dma_start3A_178 = arith.constant 6144 : i32
        %dma_start3A_179 = tpu.memref_slice %arg24[%dma_start3A_178] : memref<8192xi32, #tpu.memory_space<vmem>> -> memref<2048xi32, #tpu.memory_space<vmem>>
        %dma_start3A_180 = tpu.memref_slice %arg34[%mul3A_150] : memref<32768xi32, #tpu.memory_space<vmem_shared>> -> memref<2048xi32, #tpu.memory_space<vmem_shared>>
        tpu.enqueue_dma source(%dma_start3A_180 : memref<2048xi32, #tpu.memory_space<vmem_shared>>) target(%dma_start3A_179 : memref<2048xi32, #tpu.memory_space<vmem>>) target_semaphore(%run_scoped3A : memref<!tpu.dma_semaphore, #tpu.memory_space<semaphore_mem>>)
        %dma_wait3A = arith.constant 6144 : i32
        %dma_wait3A_181 = tpu.memref_slice %arg24[%dma_wait3A] : memref<8192xi32, #tpu.memory_space<vmem>> -> memref<2048xi32, #tpu.memory_space<vmem>>
        %dma_wait3A_182 = tpu.memref_slice %arg34[%mul3A_150] : memref<32768xi32, #tpu.memory_space<vmem_shared>> -> memref<2048xi32, #tpu.memory_space<vmem_shared>>
        %dma_wait3A_183 = arith.constant 6144 : i32
        %dma_wait3A_184 = tpu.memref_slice %arg24[%dma_wait3A_183] : memref<8192xi32, #tpu.memory_space<vmem>> -> memref<2048xi32, #tpu.memory_space<vmem>>
        %dma_wait3A_185 = tpu.memref_slice %arg34[%mul3A_150] : memref<32768xi32, #tpu.memory_space<vmem_shared>> -> memref<2048xi32, #tpu.memory_space<vmem_shared>>
        tpu.wait_dma2 semaphore(%run_scoped3A : memref<!tpu.dma_semaphore, #tpu.memory_space<semaphore_mem>>) src(%dma_wait3A_185 : memref<2048xi32, #tpu.memory_space<vmem_shared>>) dst(%dma_wait3A_184 : memref<2048xi32, #tpu.memory_space<vmem>>)
        tpu.yield
      }) : () -> ()
      %mul3A_151 = arith.constant 128 : i32
      %mul3A_152 = arith.muli %add3A_146, %mul3A_151 : i32
      "tpu.region"() ({
        %run_scoped3A = tpu.sem_alloc : memref<!tpu.dma_semaphore, #tpu.memory_space<semaphore_mem>>
        %dma_start3A_175 = arith.constant 384 : i32
        %dma_start3A_176 = tpu.memref_slice %arg25[%dma_start3A_175] : memref<512xf32, #tpu.memory_space<vmem>> -> memref<128xf32, #tpu.memory_space<vmem>>
        %dma_start3A_177 = tpu.memref_slice %arg35[%mul3A_152] : memref<2048xf32, #tpu.memory_space<vmem_shared>> -> memref<128xf32, #tpu.memory_space<vmem_shared>>
        %dma_start3A_178 = arith.constant 384 : i32
        %dma_start3A_179 = tpu.memref_slice %arg25[%dma_start3A_178] : memref<512xf32, #tpu.memory_space<vmem>> -> memref<128xf32, #tpu.memory_space<vmem>>
        %dma_start3A_180 = tpu.memref_slice %arg35[%mul3A_152] : memref<2048xf32, #tpu.memory_space<vmem_shared>> -> memref<128xf32, #tpu.memory_space<vmem_shared>>
        tpu.enqueue_dma source(%dma_start3A_180 : memref<128xf32, #tpu.memory_space<vmem_shared>>) target(%dma_start3A_179 : memref<128xf32, #tpu.memory_space<vmem>>) target_semaphore(%run_scoped3A : memref<!tpu.dma_semaphore, #tpu.memory_space<semaphore_mem>>)
        %dma_wait3A = arith.constant 384 : i32
        %dma_wait3A_181 = tpu.memref_slice %arg25[%dma_wait3A] : memref<512xf32, #tpu.memory_space<vmem>> -> memref<128xf32, #tpu.memory_space<vmem>>
        %dma_wait3A_182 = tpu.memref_slice %arg35[%mul3A_152] : memref<2048xf32, #tpu.memory_space<vmem_shared>> -> memref<128xf32, #tpu.memory_space<vmem_shared>>
        %dma_wait3A_183 = arith.constant 384 : i32
        %dma_wait3A_184 = tpu.memref_slice %arg25[%dma_wait3A_183] : memref<512xf32, #tpu.memory_space<vmem>> -> memref<128xf32, #tpu.memory_space<vmem>>
        %dma_wait3A_185 = tpu.memref_slice %arg35[%mul3A_152] : memref<2048xf32, #tpu.memory_space<vmem_shared>> -> memref<128xf32, #tpu.memory_space<vmem_shared>>
        tpu.wait_dma2 semaphore(%run_scoped3A : memref<!tpu.dma_semaphore, #tpu.memory_space<semaphore_mem>>) src(%dma_wait3A_185 : memref<128xf32, #tpu.memory_space<vmem_shared>>) dst(%dma_wait3A_184 : memref<128xf32, #tpu.memory_space<vmem>>)
        tpu.yield
      }) : () -> ()
      %scan3A_153 = arith.constant 0 : i32
      %scan3A_154 = arith.constant 0 : i32
      %scan3A_155 = arith.constant 32 : i32
      %scan3A_156 = arith.addi %scan3A_154, %scan3A_155 : i32
      %scan3A_157 = arith.constant 4 : i32
      scf.for %scan3A_175 = %scan3A_154 to %scan3A_156 step %scan3A_157  : i32 {
        %mul3A_176 = arith.constant 16 : i32
        %mul3A_177 = arith.muli %scan3A_175, %mul3A_176 : i32
        %get3A_178 = arith.index_cast %mul3A_177 : i32 to index
        %get3A_179 = tpu.vector_load %arg25[%get3A_178] {strides = array<i32>} : memref<512xf32, #tpu.memory_space<vmem>>, vector<16xf32>,
        %reduce_max3A = arith.constant true
        %reduce_max3A_180 = vector.broadcast %reduce_max3A : i1 to vector<16xi1>
        %reduce_max3A_181 = tpu.scan <max>, %get3A_179 masked %reduce_max3A_180 : vector<16xf32>, vector<16xi1> -> vector<16xf32>
        %reduce_max3A_182 = vector.extract %reduce_max3A_181[15] : f32 from vector<16xf32>
        %jit3A_183 = arith.constant 16 : i32
        %div3A_184 = arith.divsi %scan3A_175, %jit3A_183 : i32
        %sign3A_185 = arith.constant 0 : i32
        %sign3A_186 = arith.cmpi sgt, %scan3A_175, %sign3A_185 : i32
        %sign3A_187 = arith.extui %sign3A_186 : i1 to i32
        %sign3A_188 = arith.constant 0 : i32
        %sign3A_189 = arith.cmpi slt, %scan3A_175, %sign3A_188 : i32
        %sign3A_190 = arith.extui %sign3A_189 : i1 to i32
        %sign3A_191 = arith.subi %sign3A_187, %sign3A_190 : i32
        %sign3A_192 = arith.constant 0 : i32
        %sign3A_193 = arith.cmpi sgt, %jit3A_183, %sign3A_192 : i32
        %sign3A_194 = arith.extui %sign3A_193 : i1 to i32
        %sign3A_195 = arith.constant 0 : i32
        %sign3A_196 = arith.cmpi slt, %jit3A_183, %sign3A_195 : i32
        %sign3A_197 = arith.extui %sign3A_196 : i1 to i32
        %sign3A_198 = arith.subi %sign3A_194, %sign3A_197 : i32
        %ne3A_199 = arith.cmpi ne, %sign3A_191, %sign3A_198 : i32
        %rem3A_200 = arith.remsi %scan3A_175, %jit3A_183 : i32
        %ne3A_201 = arith.constant 0 : i32
        %ne3A_202 = arith.cmpi ne, %rem3A_200, %ne3A_201 : i32
        %and3A_203 = arith.andi %ne3A_199, %ne3A_202 : i1
        %sub3A_204 = arith.constant 1 : i32
        %sub3A_205 = arith.subi %div3A_184, %sub3A_204 : i32
        %select_n3A_206 = arith.select %and3A_203, %sub3A_205, %div3A_184 : i32
        %mul3A_207 = arith.constant 16 : i32
        %mul3A_208 = arith.muli %select_n3A_206, %mul3A_207 : i32
        %get3A_209 = arith.index_cast %mul3A_208 : i32 to index
        %get3A_210 = tpu.vector_load %arg26[%get3A_209] {strides = array<i32>} : memref<32xf32, #tpu.memory_space<vmem>>, vector<16xf32>,
        %jit3A_211 = arith.constant 16 : i32
        %eq3A_212 = arith.constant 0 : i32
        %eq3A_213 = arith.cmpi eq, %jit3A_211, %eq3A_212 : i32
        %jit3A_214 = arith.constant 1 : i32
        %select_n3A_215 = arith.select %eq3A_213, %jit3A_214, %jit3A_211 : i32
        %rem3A_216 = arith.remsi %scan3A_175, %select_n3A_215 : i32
        %ne3A_217 = arith.constant 0 : i32
        %ne3A_218 = arith.cmpi ne, %rem3A_216, %ne3A_217 : i32
        %lt3A_219 = arith.constant 0 : i32
        %lt3A_220 = arith.cmpi slt, %rem3A_216, %lt3A_219 : i32
        %lt3A_221 = arith.constant 0 : i32
        %lt3A_222 = arith.cmpi slt, %select_n3A_215, %lt3A_221 : i32
        %ne3A_223 = arith.xori %lt3A_220, %lt3A_222 : i1
        %and3A_224 = arith.andi %ne3A_223, %ne3A_218 : i1
        %add3A_225 = arith.addi %rem3A_216, %select_n3A_215 : i32
        %select_n3A_226 = arith.select %and3A_224, %add3A_225, %rem3A_216 : i32
        %eq3A_227 = vector.broadcast %select_n3A_226 : i32 to vector<16xi32>
        %eq3A_228 = arith.cmpi eq, %iota3A, %eq3A_227 : vector<16xi32>
        %broadcast_in_dim3A_229 = vector.broadcast %reduce_max3A_182 : f32 to vector<16xf32>
        %select_n3A_230 = arith.select %eq3A_228, %broadcast_in_dim3A_229, %get3A_210 : vector<16xi1>, vector<16xf32>
        %swap3A_231 = arith.index_cast %mul3A_208 : i32 to index
        %swap3A_232 = tpu.vector_load %arg26[%swap3A_231] {strides = array<i32>} : memref<32xf32, #tpu.memory_space<vmem>>, vector<16xf32>,
        tpu.vector_store %arg26[%swap3A_231], %select_n3A_230 {strides = array<i32>} : memref<32xf32, #tpu.memory_space<vmem>>, vector<16xf32>,
        %scan3A_233 = arith.constant 1 : i32
        %scan3A_234 = arith.addi %scan3A_175, %scan3A_233 : i32
        %mul3A_235 = arith.constant 16 : i32
        %mul3A_236 = arith.muli %scan3A_234, %mul3A_235 : i32
        %get3A_237 = arith.index_cast %mul3A_236 : i32 to index
        %get3A_238 = tpu.vector_load %arg25[%get3A_237] {strides = array<i32>} : memref<512xf32, #tpu.memory_space<vmem>>, vector<16xf32>,
        %reduce_max3A_239 = arith.constant true
        %reduce_max3A_240 = vector.broadcast %reduce_max3A_239 : i1 to vector<16xi1>
        %reduce_max3A_241 = tpu.scan <max>, %get3A_238 masked %reduce_max3A_240 : vector<16xf32>, vector<16xi1> -> vector<16xf32>
        %reduce_max3A_242 = vector.extract %reduce_max3A_241[15] : f32 from vector<16xf32>
        %jit3A_243 = arith.constant 16 : i32
        %div3A_244 = arith.divsi %scan3A_234, %jit3A_243 : i32
        %sign3A_245 = arith.constant 0 : i32
        %sign3A_246 = arith.cmpi sgt, %scan3A_234, %sign3A_245 : i32
        %sign3A_247 = arith.extui %sign3A_246 : i1 to i32
        %sign3A_248 = arith.constant 0 : i32
        %sign3A_249 = arith.cmpi slt, %scan3A_234, %sign3A_248 : i32
        %sign3A_250 = arith.extui %sign3A_249 : i1 to i32
        %sign3A_251 = arith.subi %sign3A_247, %sign3A_250 : i32
        %sign3A_252 = arith.constant 0 : i32
        %sign3A_253 = arith.cmpi sgt, %jit3A_243, %sign3A_252 : i32
        %sign3A_254 = arith.extui %sign3A_253 : i1 to i32
        %sign3A_255 = arith.constant 0 : i32
        %sign3A_256 = arith.cmpi slt, %jit3A_243, %sign3A_255 : i32
        %sign3A_257 = arith.extui %sign3A_256 : i1 to i32
        %sign3A_258 = arith.subi %sign3A_254, %sign3A_257 : i32
        %ne3A_259 = arith.cmpi ne, %sign3A_251, %sign3A_258 : i32
        %rem3A_260 = arith.remsi %scan3A_234, %jit3A_243 : i32
        %ne3A_261 = arith.constant 0 : i32
        %ne3A_262 = arith.cmpi ne, %rem3A_260, %ne3A_261 : i32
        %and3A_263 = arith.andi %ne3A_259, %ne3A_262 : i1
        %sub3A_264 = arith.constant 1 : i32
        %sub3A_265 = arith.subi %div3A_244, %sub3A_264 : i32
        %select_n3A_266 = arith.select %and3A_263, %sub3A_265, %div3A_244 : i32
        %mul3A_267 = arith.constant 16 : i32
        %mul3A_268 = arith.muli %select_n3A_266, %mul3A_267 : i32
        %get3A_269 = arith.index_cast %mul3A_268 : i32 to index
        %get3A_270 = tpu.vector_load %arg26[%get3A_269] {strides = array<i32>} : memref<32xf32, #tpu.memory_space<vmem>>, vector<16xf32>,
        %jit3A_271 = arith.constant 16 : i32
        %eq3A_272 = arith.constant 0 : i32
        %eq3A_273 = arith.cmpi eq, %jit3A_271, %eq3A_272 : i32
        %jit3A_274 = arith.constant 1 : i32
        %select_n3A_275 = arith.select %eq3A_273, %jit3A_274, %jit3A_271 : i32
        %rem3A_276 = arith.remsi %scan3A_234, %select_n3A_275 : i32
        %ne3A_277 = arith.constant 0 : i32
        %ne3A_278 = arith.cmpi ne, %rem3A_276, %ne3A_277 : i32
        %lt3A_279 = arith.constant 0 : i32
        %lt3A_280 = arith.cmpi slt, %rem3A_276, %lt3A_279 : i32
        %lt3A_281 = arith.constant 0 : i32
        %lt3A_282 = arith.cmpi slt, %select_n3A_275, %lt3A_281 : i32
        %ne3A_283 = arith.xori %lt3A_280, %lt3A_282 : i1
        %and3A_284 = arith.andi %ne3A_283, %ne3A_278 : i1
        %add3A_285 = arith.addi %rem3A_276, %select_n3A_275 : i32
        %select_n3A_286 = arith.select %and3A_284, %add3A_285, %rem3A_276 : i32
        %eq3A_287 = vector.broadcast %select_n3A_286 : i32 to vector<16xi32>
        %eq3A_288 = arith.cmpi eq, %iota3A, %eq3A_287 : vector<16xi32>
        %broadcast_in_dim3A_289 = vector.broadcast %reduce_max3A_242 : f32 to vector<16xf32>
        %select_n3A_290 = arith.select %eq3A_288, %broadcast_in_dim3A_289, %get3A_270 : vector<16xi1>, vector<16xf32>
        %swap3A_291 = arith.index_cast %mul3A_268 : i32 to index
        %swap3A_292 = tpu.vector_load %arg26[%swap3A_291] {strides = array<i32>} : memref<32xf32, #tpu.memory_space<vmem>>, vector<16xf32>,
        tpu.vector_store %arg26[%swap3A_291], %select_n3A_290 {strides = array<i32>} : memref<32xf32, #tpu.memory_space<vmem>>, vector<16xf32>,
        %scan3A_293 = arith.constant 2 : i32
        %scan3A_294 = arith.addi %scan3A_175, %scan3A_293 : i32
        %mul3A_295 = arith.constant 16 : i32
        %mul3A_296 = arith.muli %scan3A_294, %mul3A_295 : i32
        %get3A_297 = arith.index_cast %mul3A_296 : i32 to index
        %get3A_298 = tpu.vector_load %arg25[%get3A_297] {strides = array<i32>} : memref<512xf32, #tpu.memory_space<vmem>>, vector<16xf32>,
        %reduce_max3A_299 = arith.constant true
        %reduce_max3A_300 = vector.broadcast %reduce_max3A_299 : i1 to vector<16xi1>
        %reduce_max3A_301 = tpu.scan <max>, %get3A_298 masked %reduce_max3A_300 : vector<16xf32>, vector<16xi1> -> vector<16xf32>
        %reduce_max3A_302 = vector.extract %reduce_max3A_301[15] : f32 from vector<16xf32>
        %jit3A_303 = arith.constant 16 : i32
        %div3A_304 = arith.divsi %scan3A_294, %jit3A_303 : i32
        %sign3A_305 = arith.constant 0 : i32
        %sign3A_306 = arith.cmpi sgt, %scan3A_294, %sign3A_305 : i32
        %sign3A_307 = arith.extui %sign3A_306 : i1 to i32
        %sign3A_308 = arith.constant 0 : i32
        %sign3A_309 = arith.cmpi slt, %scan3A_294, %sign3A_308 : i32
        %sign3A_310 = arith.extui %sign3A_309 : i1 to i32
        %sign3A_311 = arith.subi %sign3A_307, %sign3A_310 : i32
        %sign3A_312 = arith.constant 0 : i32
        %sign3A_313 = arith.cmpi sgt, %jit3A_303, %sign3A_312 : i32
        %sign3A_314 = arith.extui %sign3A_313 : i1 to i32
        %sign3A_315 = arith.constant 0 : i32
        %sign3A_316 = arith.cmpi slt, %jit3A_303, %sign3A_315 : i32
        %sign3A_317 = arith.extui %sign3A_316 : i1 to i32
        %sign3A_318 = arith.subi %sign3A_314, %sign3A_317 : i32
        %ne3A_319 = arith.cmpi ne, %sign3A_311, %sign3A_318 : i32
        %rem3A_320 = arith.remsi %scan3A_294, %jit3A_303 : i32
        %ne3A_321 = arith.constant 0 : i32
        %ne3A_322 = arith.cmpi ne, %rem3A_320, %ne3A_321 : i32
        %and3A_323 = arith.andi %ne3A_319, %ne3A_322 : i1
        %sub3A_324 = arith.constant 1 : i32
        %sub3A_325 = arith.subi %div3A_304, %sub3A_324 : i32
        %select_n3A_326 = arith.select %and3A_323, %sub3A_325, %div3A_304 : i32
        %mul3A_327 = arith.constant 16 : i32
        %mul3A_328 = arith.muli %select_n3A_326, %mul3A_327 : i32
        %get3A_329 = arith.index_cast %mul3A_328 : i32 to index
        %get3A_330 = tpu.vector_load %arg26[%get3A_329] {strides = array<i32>} : memref<32xf32, #tpu.memory_space<vmem>>, vector<16xf32>,
        %jit3A_331 = arith.constant 16 : i32
        %eq3A_332 = arith.constant 0 : i32
        %eq3A_333 = arith.cmpi eq, %jit3A_331, %eq3A_332 : i32
        %jit3A_334 = arith.constant 1 : i32
        %select_n3A_335 = arith.select %eq3A_333, %jit3A_334, %jit3A_331 : i32
        %rem3A_336 = arith.remsi %scan3A_294, %select_n3A_335 : i32
        %ne3A_337 = arith.constant 0 : i32
        %ne3A_338 = arith.cmpi ne, %rem3A_336, %ne3A_337 : i32
        %lt3A_339 = arith.constant 0 : i32
        %lt3A_340 = arith.cmpi slt, %rem3A_336, %lt3A_339 : i32
        %lt3A_341 = arith.constant 0 : i32
        %lt3A_342 = arith.cmpi slt, %select_n3A_335, %lt3A_341 : i32
        %ne3A_343 = arith.xori %lt3A_340, %lt3A_342 : i1
        %and3A_344 = arith.andi %ne3A_343, %ne3A_338 : i1
        %add3A_345 = arith.addi %rem3A_336, %select_n3A_335 : i32
        %select_n3A_346 = arith.select %and3A_344, %add3A_345, %rem3A_336 : i32
        %eq3A_347 = vector.broadcast %select_n3A_346 : i32 to vector<16xi32>
        %eq3A_348 = arith.cmpi eq, %iota3A, %eq3A_347 : vector<16xi32>
        %broadcast_in_dim3A_349 = vector.broadcast %reduce_max3A_302 : f32 to vector<16xf32>
        %select_n3A_350 = arith.select %eq3A_348, %broadcast_in_dim3A_349, %get3A_330 : vector<16xi1>, vector<16xf32>
        %swap3A_351 = arith.index_cast %mul3A_328 : i32 to index
        %swap3A_352 = tpu.vector_load %arg26[%swap3A_351] {strides = array<i32>} : memref<32xf32, #tpu.memory_space<vmem>>, vector<16xf32>,
        tpu.vector_store %arg26[%swap3A_351], %select_n3A_350 {strides = array<i32>} : memref<32xf32, #tpu.memory_space<vmem>>, vector<16xf32>,
        %scan3A_353 = arith.constant 3 : i32
        %scan3A_354 = arith.addi %scan3A_175, %scan3A_353 : i32
        %mul3A_355 = arith.constant 16 : i32
        %mul3A_356 = arith.muli %scan3A_354, %mul3A_355 : i32
        %get3A_357 = arith.index_cast %mul3A_356 : i32 to index
        %get3A_358 = tpu.vector_load %arg25[%get3A_357] {strides = array<i32>} : memref<512xf32, #tpu.memory_space<vmem>>, vector<16xf32>,
        %reduce_max3A_359 = arith.constant true
        %reduce_max3A_360 = vector.broadcast %reduce_max3A_359 : i1 to vector<16xi1>
        %reduce_max3A_361 = tpu.scan <max>, %get3A_358 masked %reduce_max3A_360 : vector<16xf32>, vector<16xi1> -> vector<16xf32>
        %reduce_max3A_362 = vector.extract %reduce_max3A_361[15] : f32 from vector<16xf32>
        %jit3A_363 = arith.constant 16 : i32
        %div3A_364 = arith.divsi %scan3A_354, %jit3A_363 : i32
        %sign3A_365 = arith.constant 0 : i32
        %sign3A_366 = arith.cmpi sgt, %scan3A_354, %sign3A_365 : i32
        %sign3A_367 = arith.extui %sign3A_366 : i1 to i32
        %sign3A_368 = arith.constant 0 : i32
        %sign3A_369 = arith.cmpi slt, %scan3A_354, %sign3A_368 : i32
        %sign3A_370 = arith.extui %sign3A_369 : i1 to i32
        %sign3A_371 = arith.subi %sign3A_367, %sign3A_370 : i32
        %sign3A_372 = arith.constant 0 : i32
        %sign3A_373 = arith.cmpi sgt, %jit3A_363, %sign3A_372 : i32
        %sign3A_374 = arith.extui %sign3A_373 : i1 to i32
        %sign3A_375 = arith.constant 0 : i32
        %sign3A_376 = arith.cmpi slt, %jit3A_363, %sign3A_375 : i32
        %sign3A_377 = arith.extui %sign3A_376 : i1 to i32
        %sign3A_378 = arith.subi %sign3A_374, %sign3A_377 : i32
        %ne3A_379 = arith.cmpi ne, %sign3A_371, %sign3A_378 : i32
        %rem3A_380 = arith.remsi %scan3A_354, %jit3A_363 : i32
        %ne3A_381 = arith.constant 0 : i32
        %ne3A_382 = arith.cmpi ne, %rem3A_380, %ne3A_381 : i32
        %and3A_383 = arith.andi %ne3A_379, %ne3A_382 : i1
        %sub3A_384 = arith.constant 1 : i32
        %sub3A_385 = arith.subi %div3A_364, %sub3A_384 : i32
        %select_n3A_386 = arith.select %and3A_383, %sub3A_385, %div3A_364 : i32
        %mul3A_387 = arith.constant 16 : i32
        %mul3A_388 = arith.muli %select_n3A_386, %mul3A_387 : i32
        %get3A_389 = arith.index_cast %mul3A_388 : i32 to index
        %get3A_390 = tpu.vector_load %arg26[%get3A_389] {strides = array<i32>} : memref<32xf32, #tpu.memory_space<vmem>>, vector<16xf32>,
        %jit3A_391 = arith.constant 16 : i32
        %eq3A_392 = arith.constant 0 : i32
        %eq3A_393 = arith.cmpi eq, %jit3A_391, %eq3A_392 : i32
        %jit3A_394 = arith.constant 1 : i32
        %select_n3A_395 = arith.select %eq3A_393, %jit3A_394, %jit3A_391 : i32
        %rem3A_396 = arith.remsi %scan3A_354, %select_n3A_395 : i32
        %ne3A_397 = arith.constant 0 : i32
        %ne3A_398 = arith.cmpi ne, %rem3A_396, %ne3A_397 : i32
        %lt3A_399 = arith.constant 0 : i32
        %lt3A_400 = arith.cmpi slt, %rem3A_396, %lt3A_399 : i32
        %lt3A_401 = arith.constant 0 : i32
        %lt3A_402 = arith.cmpi slt, %select_n3A_395, %lt3A_401 : i32
        %ne3A_403 = arith.xori %lt3A_400, %lt3A_402 : i1
        %and3A_404 = arith.andi %ne3A_403, %ne3A_398 : i1
        %add3A_405 = arith.addi %rem3A_396, %select_n3A_395 : i32
        %select_n3A_406 = arith.select %and3A_404, %add3A_405, %rem3A_396 : i32
        %eq3A_407 = vector.broadcast %select_n3A_406 : i32 to vector<16xi32>
        %eq3A_408 = arith.cmpi eq, %iota3A, %eq3A_407 : vector<16xi32>
        %broadcast_in_dim3A_409 = vector.broadcast %reduce_max3A_362 : f32 to vector<16xf32>
        %select_n3A_410 = arith.select %eq3A_408, %broadcast_in_dim3A_409, %get3A_390 : vector<16xi1>, vector<16xf32>
        %swap3A_411 = arith.index_cast %mul3A_388 : i32 to index
        %swap3A_412 = tpu.vector_load %arg26[%swap3A_411] {strides = array<i32>} : memref<32xf32, #tpu.memory_space<vmem>>, vector<16xf32>,
        tpu.vector_store %arg26[%swap3A_411], %select_n3A_410 {strides = array<i32>} : memref<32xf32, #tpu.memory_space<vmem>>, vector<16xf32>,
      }
      %scan3A_158 = arith.constant 32 : i32
      %broadcast_in_dim3A_159 = arith.constant 0 : i32
      %broadcast_in_dim3A_160 = vector.broadcast %broadcast_in_dim3A_159 : i32 to vector<16xi32>
      %broadcast_in_dim3A_161 = arith.constant 0.000000e+00 : f32
      %broadcast_in_dim3A_162 = vector.broadcast %broadcast_in_dim3A_161 : f32 to vector<16xf32>
      %scan3A_163 = arith.constant 0 : i32
      %scan3A_164 = arith.constant 64 : i32
      %scan3A_165 = arith.addi %scan3A_163, %scan3A_164 : i32
      %scan3A_166 = arith.constant 1 : i32
      %scan3A_167:3 = scf.for %scan3A_175 = %scan3A_163 to %scan3A_165 step %scan3A_166 iter_args(%scan3A_176 = %broadcast_in_dim3A_160, %scan3A_177 = %broadcast_in_dim3A_162, %scan3A_178 = %broadcast_in_dim3A_160) -> (vector<16xi32>, vector<16xf32>, vector<16xi32>)  : i32 {
        %get3A_179 = arith.constant 0 : index
        %get3A_180 = tpu.vector_load %arg26[%get3A_179] {strides = array<i32>} : memref<32xf32, #tpu.memory_space<vmem>>, vector<16xf32>,
        %get3A_181 = arith.constant 16 : index
        %get3A_182 = tpu.vector_load %arg26[%get3A_181] {strides = array<i32>} : memref<32xf32, #tpu.memory_space<vmem>>, vector<16xf32>,
        %max3A = arith.maximumf %get3A_180, %get3A_182 : vector<16xf32>
        %reduce_max3A = arith.constant true
        %reduce_max3A_183 = vector.broadcast %reduce_max3A : i1 to vector<16xi1>
        %reduce_max3A_184 = tpu.scan <max>, %max3A masked %reduce_max3A_183 : vector<16xf32>, vector<16xi1> -> vector<16xf32>
        %reduce_max3A_185 = vector.extract %reduce_max3A_184[15] : f32 from vector<16xf32>
        %broadcast_in_dim3A_186 = arith.constant 1073741824 : i32
        %broadcast_in_dim3A_187 = vector.broadcast %broadcast_in_dim3A_186 : i32 to vector<16xi32>
        %get3A_188 = arith.constant 0 : index
        %get3A_189 = tpu.vector_load %arg26[%get3A_188] {strides = array<i32>} : memref<32xf32, #tpu.memory_space<vmem>>, vector<16xf32>,
        %eq3A_190 = vector.broadcast %reduce_max3A_185 : f32 to vector<16xf32>
        %eq3A_191 = arith.cmpf oeq, %get3A_189, %eq3A_190 : vector<16xf32>
        %add3A_192 = arith.constant 0 : i32
        %add3A_193 = vector.broadcast %add3A_192 : i32 to vector<16xi32>
        %add3A_194 = arith.addi %add3A_193, %iota3A : vector<16xi32>
        %jit3A_195 = arith.constant 1073741824 : i32
        %broadcast_in_dim3A_196 = vector.broadcast %jit3A_195 : i32 to vector<16xi32>
        %select_n3A_197 = arith.select %eq3A_191, %add3A_194, %broadcast_in_dim3A_196 : vector<16xi1>, vector<16xi32>
        %min3A = arith.minsi %broadcast_in_dim3A_187, %select_n3A_197 : vector<16xi32>
        %get3A_198 = arith.constant 16 : index
        %get3A_199 = tpu.vector_load %arg26[%get3A_198] {strides = array<i32>} : memref<32xf32, #tpu.memory_space<vmem>>, vector<16xf32>,
        %eq3A_200 = vector.broadcast %reduce_max3A_185 : f32 to vector<16xf32>
        %eq3A_201 = arith.cmpf oeq, %get3A_199, %eq3A_200 : vector<16xf32>
        %add3A_202 = arith.constant 16 : i32
        %add3A_203 = vector.broadcast %add3A_202 : i32 to vector<16xi32>
        %add3A_204 = arith.addi %add3A_203, %iota3A : vector<16xi32>
        %jit3A_205 = arith.constant 1073741824 : i32
        %broadcast_in_dim3A_206 = vector.broadcast %jit3A_205 : i32 to vector<16xi32>
        %select_n3A_207 = arith.select %eq3A_201, %add3A_204, %broadcast_in_dim3A_206 : vector<16xi1>, vector<16xi32>
        %min3A_208 = arith.minsi %min3A, %select_n3A_207 : vector<16xi32>
        %reduce_min3A = arith.constant true
        %reduce_min3A_209 = vector.broadcast %reduce_min3A : i1 to vector<16xi1>
        %reduce_min3A_210 = arith.constant -2147483648 : i32
        %reduce_min3A_211 = vector.broadcast %reduce_min3A_210 : i32 to vector<16xi32>
        %reduce_min3A_212 = arith.xori %min3A_208, %reduce_min3A_211 : vector<16xi32>
        %reduce_min3A_213 = tpu.scan <min>, %reduce_min3A_212 masked %reduce_min3A_209 : vector<16xi32>, vector<16xi1> -> vector<16xi32>
        %reduce_min3A_214 = arith.xori %reduce_min3A_213, %reduce_min3A_211 : vector<16xi32>
        %reduce_min3A_215 = vector.extract %reduce_min3A_214[15] : i32 from vector<16xi32>
        %mul3A_216 = arith.constant 16 : i32
        %mul3A_217 = arith.muli %reduce_min3A_215, %mul3A_216 : i32
        %get3A_218 = arith.index_cast %mul3A_217 : i32 to index
        %get3A_219 = tpu.vector_load %arg25[%get3A_218] {strides = array<i32>} : memref<512xf32, #tpu.memory_space<vmem>>, vector<16xf32>,
        %eq3A_220 = vector.broadcast %reduce_max3A_185 : f32 to vector<16xf32>
        %eq3A_221 = arith.cmpf oeq, %get3A_219, %eq3A_220 : vector<16xf32>
        %mul3A_222 = arith.constant 16 : i32
        %mul3A_223 = arith.muli %reduce_min3A_215, %mul3A_222 : i32
        %add3A_224 = vector.broadcast %mul3A_223 : i32 to vector<16xi32>
        %add3A_225 = arith.addi %add3A_224, %iota3A : vector<16xi32>
        %jit3A_226 = arith.constant 1073741824 : i32
        %broadcast_in_dim3A_227 = vector.broadcast %jit3A_226 : i32 to vector<16xi32>
        %select_n3A_228 = arith.select %eq3A_221, %add3A_225, %broadcast_in_dim3A_227 : vector<16xi1>, vector<16xi32>
        %reduce_min3A_229 = arith.constant true
        %reduce_min3A_230 = vector.broadcast %reduce_min3A_229 : i1 to vector<16xi1>
        %reduce_min3A_231 = arith.constant -2147483648 : i32
        %reduce_min3A_232 = vector.broadcast %reduce_min3A_231 : i32 to vector<16xi32>
        %reduce_min3A_233 = arith.xori %select_n3A_228, %reduce_min3A_232 : vector<16xi32>
        %reduce_min3A_234 = tpu.scan <min>, %reduce_min3A_233 masked %reduce_min3A_230 : vector<16xi32>, vector<16xi1> -> vector<16xi32>
        %reduce_min3A_235 = arith.xori %reduce_min3A_234, %reduce_min3A_232 : vector<16xi32>
        %reduce_min3A_236 = vector.extract %reduce_min3A_235[15] : i32 from vector<16xi32>
        %mul3A_237 = arith.constant 16 : i32
        %mul3A_238 = arith.muli %reduce_min3A_236, %mul3A_237 : i32
        %get3A_239 = arith.index_cast %mul3A_238 : i32 to index
        %get3A_240 = tpu.vector_load %arg23[%get3A_239] {strides = array<i32>} : memref<8192xf32, #tpu.memory_space<vmem>>, vector<16xf32>,
        %mul3A_241 = arith.constant 16 : i32
        %mul3A_242 = arith.muli %reduce_min3A_236, %mul3A_241 : i32
        %get3A_243 = arith.index_cast %mul3A_242 : i32 to index
        %get3A_244 = tpu.vector_load %arg24[%get3A_243] {strides = array<i32>} : memref<8192xi32, #tpu.memory_space<vmem>>, vector<16xi32>,
        %eq3A_245 = vector.broadcast %reduce_max3A_185 : f32 to vector<16xf32>
        %eq3A_246 = arith.cmpf oeq, %get3A_240, %eq3A_245 : vector<16xf32>
        %jit3A_247 = arith.constant 1073741824 : i32
        %broadcast_in_dim3A_248 = vector.broadcast %jit3A_247 : i32 to vector<16xi32>
        %select_n3A_249 = arith.select %eq3A_246, %get3A_244, %broadcast_in_dim3A_248 : vector<16xi1>, vector<16xi32>
        %reduce_min3A_250 = arith.constant true
        %reduce_min3A_251 = vector.broadcast %reduce_min3A_250 : i1 to vector<16xi1>
        %reduce_min3A_252 = arith.constant -2147483648 : i32
        %reduce_min3A_253 = vector.broadcast %reduce_min3A_252 : i32 to vector<16xi32>
        %reduce_min3A_254 = arith.xori %select_n3A_249, %reduce_min3A_253 : vector<16xi32>
        %reduce_min3A_255 = tpu.scan <min>, %reduce_min3A_254 masked %reduce_min3A_251 : vector<16xi32>, vector<16xi1> -> vector<16xi32>
        %reduce_min3A_256 = arith.xori %reduce_min3A_255, %reduce_min3A_253 : vector<16xi32>
        %reduce_min3A_257 = vector.extract %reduce_min3A_256[15] : i32 from vector<16xi32>
        %eq3A_258 = vector.broadcast %reduce_min3A_257 : i32 to vector<16xi32>
        %eq3A_259 = arith.cmpi eq, %get3A_244, %eq3A_258 : vector<16xi32>
        %and3A_260 = arith.andi %eq3A_246, %eq3A_259 : vector<16xi1>
        %jit3A_261 = arith.constant 1073741824 : i32
        %broadcast_in_dim3A_262 = vector.broadcast %jit3A_261 : i32 to vector<16xi32>
        %select_n3A_263 = arith.select %and3A_260, %iota3A, %broadcast_in_dim3A_262 : vector<16xi1>, vector<16xi32>
        %reduce_min3A_264 = arith.constant true
        %reduce_min3A_265 = vector.broadcast %reduce_min3A_264 : i1 to vector<16xi1>
        %reduce_min3A_266 = arith.constant -2147483648 : i32
        %reduce_min3A_267 = vector.broadcast %reduce_min3A_266 : i32 to vector<16xi32>
        %reduce_min3A_268 = arith.xori %select_n3A_263, %reduce_min3A_267 : vector<16xi32>
        %reduce_min3A_269 = tpu.scan <min>, %reduce_min3A_268 masked %reduce_min3A_265 : vector<16xi32>, vector<16xi1> -> vector<16xi32>
        %reduce_min3A_270 = arith.xori %reduce_min3A_269, %reduce_min3A_267 : vector<16xi32>
        %reduce_min3A_271 = vector.extract %reduce_min3A_270[15] : i32 from vector<16xi32>
        %jit3A_272 = arith.constant 100000 : i32
        %eq3A_273 = arith.constant 0 : i32
        %eq3A_274 = arith.cmpi eq, %jit3A_272, %eq3A_273 : i32
        %jit3A_275 = arith.constant 1 : i32
        %select_n3A_276 = arith.select %eq3A_274, %jit3A_275, %jit3A_272 : i32
        %rem3A_277 = arith.remsi %reduce_min3A_257, %select_n3A_276 : i32
        %ne3A_278 = arith.constant 0 : i32
        %ne3A_279 = arith.cmpi ne, %rem3A_277, %ne3A_278 : i32
        %lt3A_280 = arith.constant 0 : i32
        %lt3A_281 = arith.cmpi slt, %rem3A_277, %lt3A_280 : i32
        %lt3A_282 = arith.constant 0 : i32
        %lt3A_283 = arith.cmpi slt, %select_n3A_276, %lt3A_282 : i32
        %ne3A_284 = arith.xori %lt3A_281, %lt3A_283 : i1
        %and3A_285 = arith.andi %ne3A_284, %ne3A_279 : i1
        %add3A_286 = arith.addi %rem3A_277, %select_n3A_276 : i32
        %select_n3A_287 = arith.select %and3A_285, %add3A_286, %rem3A_277 : i32
        %jit3A_288 = arith.constant 100000 : i32
        %div3A_289 = arith.divsi %reduce_min3A_257, %jit3A_288 : i32
        %sign3A_290 = arith.constant 0 : i32
        %sign3A_291 = arith.cmpi sgt, %reduce_min3A_257, %sign3A_290 : i32
        %sign3A_292 = arith.extui %sign3A_291 : i1 to i32
        %sign3A_293 = arith.constant 0 : i32
        %sign3A_294 = arith.cmpi slt, %reduce_min3A_257, %sign3A_293 : i32
        %sign3A_295 = arith.extui %sign3A_294 : i1 to i32
        %sign3A_296 = arith.subi %sign3A_292, %sign3A_295 : i32
        %sign3A_297 = arith.constant 0 : i32
        %sign3A_298 = arith.cmpi sgt, %jit3A_288, %sign3A_297 : i32
        %sign3A_299 = arith.extui %sign3A_298 : i1 to i32
        %sign3A_300 = arith.constant 0 : i32
        %sign3A_301 = arith.cmpi slt, %jit3A_288, %sign3A_300 : i32
        %sign3A_302 = arith.extui %sign3A_301 : i1 to i32
        %sign3A_303 = arith.subi %sign3A_299, %sign3A_302 : i32
        %ne3A_304 = arith.cmpi ne, %sign3A_296, %sign3A_303 : i32
        %rem3A_305 = arith.remsi %reduce_min3A_257, %jit3A_288 : i32
        %ne3A_306 = arith.constant 0 : i32
        %ne3A_307 = arith.cmpi ne, %rem3A_305, %ne3A_306 : i32
        %and3A_308 = arith.andi %ne3A_304, %ne3A_307 : i1
        %sub3A_309 = arith.constant 1 : i32
        %sub3A_310 = arith.subi %div3A_289, %sub3A_309 : i32
        %select_n3A_311 = arith.select %and3A_308, %sub3A_310, %div3A_289 : i32
        %jit3A_312 = arith.constant 16 : i32
        %eq3A_313 = arith.constant 0 : i32
        %eq3A_314 = arith.cmpi eq, %jit3A_312, %eq3A_313 : i32
        %jit3A_315 = arith.constant 1 : i32
        %select_n3A_316 = arith.select %eq3A_314, %jit3A_315, %jit3A_312 : i32
        %rem3A_317 = arith.remsi %scan3A_175, %select_n3A_316 : i32
        %ne3A_318 = arith.constant 0 : i32
        %ne3A_319 = arith.cmpi ne, %rem3A_317, %ne3A_318 : i32
        %lt3A_320 = arith.constant 0 : i32
        %lt3A_321 = arith.cmpi slt, %rem3A_317, %lt3A_320 : i32
        %lt3A_322 = arith.constant 0 : i32
        %lt3A_323 = arith.cmpi slt, %select_n3A_316, %lt3A_322 : i32
        %ne3A_324 = arith.xori %lt3A_321, %lt3A_323 : i1
        %and3A_325 = arith.andi %ne3A_324, %ne3A_319 : i1
        %add3A_326 = arith.addi %rem3A_317, %select_n3A_316 : i32
        %select_n3A_327 = arith.select %and3A_325, %add3A_326, %rem3A_317 : i32
        %eq3A_328 = vector.broadcast %select_n3A_327 : i32 to vector<16xi32>
        %eq3A_329 = arith.cmpi eq, %iota3A, %eq3A_328 : vector<16xi32>
        %broadcast_in_dim3A_330 = vector.broadcast %select_n3A_287 : i32 to vector<16xi32>
        %select_n3A_331 = arith.select %eq3A_329, %broadcast_in_dim3A_330, %scan3A_176 : vector<16xi1>, vector<16xi32>
        %jit3A_332 = arith.constant 16 : i32
        %eq3A_333 = arith.constant 0 : i32
        %eq3A_334 = arith.cmpi eq, %jit3A_332, %eq3A_333 : i32
        %jit3A_335 = arith.constant 1 : i32
        %select_n3A_336 = arith.select %eq3A_334, %jit3A_335, %jit3A_332 : i32
        %rem3A_337 = arith.remsi %scan3A_175, %select_n3A_336 : i32
        %ne3A_338 = arith.constant 0 : i32
        %ne3A_339 = arith.cmpi ne, %rem3A_337, %ne3A_338 : i32
        %lt3A_340 = arith.constant 0 : i32
        %lt3A_341 = arith.cmpi slt, %rem3A_337, %lt3A_340 : i32
        %lt3A_342 = arith.constant 0 : i32
        %lt3A_343 = arith.cmpi slt, %select_n3A_336, %lt3A_342 : i32
        %ne3A_344 = arith.xori %lt3A_341, %lt3A_343 : i1
        %and3A_345 = arith.andi %ne3A_344, %ne3A_339 : i1
        %add3A_346 = arith.addi %rem3A_337, %select_n3A_336 : i32
        %select_n3A_347 = arith.select %and3A_345, %add3A_346, %rem3A_337 : i32
        %eq3A_348 = vector.broadcast %select_n3A_347 : i32 to vector<16xi32>
        %eq3A_349 = arith.cmpi eq, %iota3A, %eq3A_348 : vector<16xi32>
        %broadcast_in_dim3A_350 = vector.broadcast %select_n3A_311 : i32 to vector<16xi32>
        %select_n3A_351 = arith.select %eq3A_349, %broadcast_in_dim3A_350, %scan3A_178 : vector<16xi1>, vector<16xi32>
        %jit3A_352 = arith.constant 16 : i32
        %eq3A_353 = arith.constant 0 : i32
        %eq3A_354 = arith.cmpi eq, %jit3A_352, %eq3A_353 : i32
        %jit3A_355 = arith.constant 1 : i32
        %select_n3A_356 = arith.select %eq3A_354, %jit3A_355, %jit3A_352 : i32
        %rem3A_357 = arith.remsi %scan3A_175, %select_n3A_356 : i32
        %ne3A_358 = arith.constant 0 : i32
        %ne3A_359 = arith.cmpi ne, %rem3A_357, %ne3A_358 : i32
        %lt3A_360 = arith.constant 0 : i32
        %lt3A_361 = arith.cmpi slt, %rem3A_357, %lt3A_360 : i32
        %lt3A_362 = arith.constant 0 : i32
        %lt3A_363 = arith.cmpi slt, %select_n3A_356, %lt3A_362 : i32
        %ne3A_364 = arith.xori %lt3A_361, %lt3A_363 : i1
        %and3A_365 = arith.andi %ne3A_364, %ne3A_359 : i1
        %add3A_366 = arith.addi %rem3A_357, %select_n3A_356 : i32
        %select_n3A_367 = arith.select %and3A_365, %add3A_366, %rem3A_357 : i32
        %eq3A_368 = vector.broadcast %select_n3A_367 : i32 to vector<16xi32>
        %eq3A_369 = arith.cmpi eq, %iota3A, %eq3A_368 : vector<16xi32>
        %broadcast_in_dim3A_370 = vector.broadcast %reduce_max3A_185 : f32 to vector<16xf32>
        %select_n3A_371 = arith.select %eq3A_369, %broadcast_in_dim3A_370, %scan3A_177 : vector<16xi1>, vector<16xf32>
        %jit3A_372 = arith.constant 16 : i32
        %eq3A_373 = arith.constant 0 : i32
        %eq3A_374 = arith.cmpi eq, %jit3A_372, %eq3A_373 : i32
        %jit3A_375 = arith.constant 1 : i32
        %select_n3A_376 = arith.select %eq3A_374, %jit3A_375, %jit3A_372 : i32
        %rem3A_377 = arith.remsi %scan3A_175, %select_n3A_376 : i32
        %ne3A_378 = arith.constant 0 : i32
        %ne3A_379 = arith.cmpi ne, %rem3A_377, %ne3A_378 : i32
        %lt3A_380 = arith.constant 0 : i32
        %lt3A_381 = arith.cmpi slt, %rem3A_377, %lt3A_380 : i32
        %lt3A_382 = arith.constant 0 : i32
        %lt3A_383 = arith.cmpi slt, %select_n3A_376, %lt3A_382 : i32
        %ne3A_384 = arith.xori %lt3A_381, %lt3A_383 : i1
        %and3A_385 = arith.andi %ne3A_384, %ne3A_379 : i1
        %add3A_386 = arith.addi %rem3A_377, %select_n3A_376 : i32
        %select_n3A_387 = arith.select %and3A_385, %add3A_386, %rem3A_377 : i32
        %eq3A_388 = arith.constant 15 : i32
        %eq3A_389 = arith.cmpi eq, %select_n3A_387, %eq3A_388 : i32
        %convert_element_type3A_390 = arith.extui %eq3A_389 : i1 to i32
        %cond3A_391 = arith.constant 0 : i32
        %cond3A_392 = arith.cmpi ne, %convert_element_type3A_390, %cond3A_391 : i32
        scf.if %cond3A_392 {
          %jit3A_484 = arith.constant 16 : i32
          %div3A_485 = arith.divsi %scan3A_175, %jit3A_484 : i32
          %sign3A_486 = arith.constant 0 : i32
          %sign3A_487 = arith.cmpi sgt, %scan3A_175, %sign3A_486 : i32
          %sign3A_488 = arith.extui %sign3A_487 : i1 to i32
          %sign3A_489 = arith.constant 0 : i32
          %sign3A_490 = arith.cmpi slt, %scan3A_175, %sign3A_489 : i32
          %sign3A_491 = arith.extui %sign3A_490 : i1 to i32
          %sign3A_492 = arith.subi %sign3A_488, %sign3A_491 : i32
          %sign3A_493 = arith.constant 0 : i32
          %sign3A_494 = arith.cmpi sgt, %jit3A_484, %sign3A_493 : i32
          %sign3A_495 = arith.extui %sign3A_494 : i1 to i32
          %sign3A_496 = arith.constant 0 : i32
          %sign3A_497 = arith.cmpi slt, %jit3A_484, %sign3A_496 : i32
          %sign3A_498 = arith.extui %sign3A_497 : i1 to i32
          %sign3A_499 = arith.subi %sign3A_495, %sign3A_498 : i32
          %ne3A_500 = arith.cmpi ne, %sign3A_492, %sign3A_499 : i32
          %rem3A_501 = arith.remsi %scan3A_175, %jit3A_484 : i32
          %ne3A_502 = arith.constant 0 : i32
          %ne3A_503 = arith.cmpi ne, %rem3A_501, %ne3A_502 : i32
          %and3A_504 = arith.andi %ne3A_500, %ne3A_503 : i1
          %sub3A_505 = arith.constant 1 : i32
          %sub3A_506 = arith.subi %div3A_485, %sub3A_505 : i32
          %select_n3A_507 = arith.select %and3A_504, %sub3A_506, %div3A_485 : i32
          %mul3A_508 = arith.constant 16 : i32
          %mul3A_509 = arith.muli %select_n3A_507, %mul3A_508 : i32
          %swap3A_510 = arith.index_cast %mul3A_509 : i32 to index
          %swap3A_511 = tpu.vector_load %arg27[%swap3A_510] {strides = array<i32>} : memref<64xi32, #tpu.memory_space<vmem>>, vector<16xi32>,
          tpu.vector_store %arg27[%swap3A_510], %select_n3A_331 {strides = array<i32>} : memref<64xi32, #tpu.memory_space<vmem>>, vector<16xi32>,
          %swap3A_512 = arith.index_cast %mul3A_509 : i32 to index
          %swap3A_513 = tpu.vector_load %arg28[%swap3A_512] {strides = array<i32>} : memref<64xf32, #tpu.memory_space<vmem>>, vector<16xf32>,
          tpu.vector_store %arg28[%swap3A_512], %select_n3A_371 {strides = array<i32>} : memref<64xf32, #tpu.memory_space<vmem>>, vector<16xf32>,
          %swap3A_514 = arith.index_cast %mul3A_509 : i32 to index
          %swap3A_515 = tpu.vector_load %arg29[%swap3A_514] {strides = array<i32>} : memref<64xi32, #tpu.memory_space<vmem>>, vector<16xi32>,
          tpu.vector_store %arg29[%swap3A_514], %select_n3A_351 {strides = array<i32>} : memref<64xi32, #tpu.memory_space<vmem>>, vector<16xi32>,
        } else {
        }
        %eq3A_393 = vector.broadcast %reduce_min3A_271 : i32 to vector<16xi32>
        %eq3A_394 = arith.cmpi eq, %iota3A, %eq3A_393 : vector<16xi32>
        %jit3A_395 = arith.constant -2.000000e+00 : f32
        %broadcast_in_dim3A_396 = vector.broadcast %jit3A_395 : f32 to vector<16xf32>
        %select_n3A_397 = arith.select %eq3A_394, %broadcast_in_dim3A_396, %get3A_240 : vector<16xi1>, vector<16xf32>
        %mul3A_398 = arith.constant 16 : i32
        %mul3A_399 = arith.muli %reduce_min3A_236, %mul3A_398 : i32
        %swap3A_400 = arith.index_cast %mul3A_399 : i32 to index
        %swap3A_401 = tpu.vector_load %arg23[%swap3A_400] {strides = array<i32>} : memref<8192xf32, #tpu.memory_space<vmem>>, vector<16xf32>,
        tpu.vector_store %arg23[%swap3A_400], %select_n3A_397 {strides = array<i32>} : memref<8192xf32, #tpu.memory_space<vmem>>, vector<16xf32>,
        %reduce_max3A_402 = arith.constant true
        %reduce_max3A_403 = vector.broadcast %reduce_max3A_402 : i1 to vector<16xi1>
        %reduce_max3A_404 = tpu.scan <max>, %select_n3A_397 masked %reduce_max3A_403 : vector<16xf32>, vector<16xi1> -> vector<16xf32>
        %reduce_max3A_405 = vector.extract %reduce_max3A_404[15] : f32 from vector<16xf32>
        %jit3A_406 = arith.constant 16 : i32
        %eq3A_407 = arith.constant 0 : i32
        %eq3A_408 = arith.cmpi eq, %jit3A_406, %eq3A_407 : i32
        %jit3A_409 = arith.constant 1 : i32
        %select_n3A_410 = arith.select %eq3A_408, %jit3A_409, %jit3A_406 : i32
        %rem3A_411 = arith.remsi %reduce_min3A_236, %select_n3A_410 : i32
        %ne3A_412 = arith.constant 0 : i32
        %ne3A_413 = arith.cmpi ne, %rem3A_411, %ne3A_412 : i32
        %lt3A_414 = arith.constant 0 : i32
        %lt3A_415 = arith.cmpi slt, %rem3A_411, %lt3A_414 : i32
        %lt3A_416 = arith.constant 0 : i32
        %lt3A_417 = arith.cmpi slt, %select_n3A_410, %lt3A_416 : i32
        %ne3A_418 = arith.xori %lt3A_415, %lt3A_417 : i1
        %and3A_419 = arith.andi %ne3A_418, %ne3A_413 : i1
        %add3A_420 = arith.addi %rem3A_411, %select_n3A_410 : i32
        %select_n3A_421 = arith.select %and3A_419, %add3A_420, %rem3A_411 : i32
        %eq3A_422 = vector.broadcast %select_n3A_421 : i32 to vector<16xi32>
        %eq3A_423 = arith.cmpi eq, %iota3A, %eq3A_422 : vector<16xi32>
        %broadcast_in_dim3A_424 = vector.broadcast %reduce_max3A_405 : f32 to vector<16xf32>
        %select_n3A_425 = arith.select %eq3A_423, %broadcast_in_dim3A_424, %get3A_219 : vector<16xi1>, vector<16xf32>
        %mul3A_426 = arith.constant 16 : i32
        %mul3A_427 = arith.muli %reduce_min3A_215, %mul3A_426 : i32
        %swap3A_428 = arith.index_cast %mul3A_427 : i32 to index
        %swap3A_429 = tpu.vector_load %arg25[%swap3A_428] {strides = array<i32>} : memref<512xf32, #tpu.memory_space<vmem>>, vector<16xf32>,
        tpu.vector_store %arg25[%swap3A_428], %select_n3A_425 {strides = array<i32>} : memref<512xf32, #tpu.memory_space<vmem>>, vector<16xf32>,
        %reduce_max3A_430 = arith.constant true
        %reduce_max3A_431 = vector.broadcast %reduce_max3A_430 : i1 to vector<16xi1>
        %reduce_max3A_432 = tpu.scan <max>, %select_n3A_425 masked %reduce_max3A_431 : vector<16xf32>, vector<16xi1> -> vector<16xf32>
        %reduce_max3A_433 = vector.extract %reduce_max3A_432[15] : f32 from vector<16xf32>
        %jit3A_434 = arith.constant 16 : i32
        %div3A_435 = arith.divsi %reduce_min3A_215, %jit3A_434 : i32
        %sign3A_436 = arith.constant 0 : i32
        %sign3A_437 = arith.cmpi sgt, %reduce_min3A_215, %sign3A_436 : i32
        %sign3A_438 = arith.extui %sign3A_437 : i1 to i32
        %sign3A_439 = arith.constant 0 : i32
        %sign3A_440 = arith.cmpi slt, %reduce_min3A_215, %sign3A_439 : i32
        %sign3A_441 = arith.extui %sign3A_440 : i1 to i32
        %sign3A_442 = arith.subi %sign3A_438, %sign3A_441 : i32
        %sign3A_443 = arith.constant 0 : i32
        %sign3A_444 = arith.cmpi sgt, %jit3A_434, %sign3A_443 : i32
        %sign3A_445 = arith.extui %sign3A_444 : i1 to i32
        %sign3A_446 = arith.constant 0 : i32
        %sign3A_447 = arith.cmpi slt, %jit3A_434, %sign3A_446 : i32
        %sign3A_448 = arith.extui %sign3A_447 : i1 to i32
        %sign3A_449 = arith.subi %sign3A_445, %sign3A_448 : i32
        %ne3A_450 = arith.cmpi ne, %sign3A_442, %sign3A_449 : i32
        %rem3A_451 = arith.remsi %reduce_min3A_215, %jit3A_434 : i32
        %ne3A_452 = arith.constant 0 : i32
        %ne3A_453 = arith.cmpi ne, %rem3A_451, %ne3A_452 : i32
        %and3A_454 = arith.andi %ne3A_450, %ne3A_453 : i1
        %sub3A_455 = arith.constant 1 : i32
        %sub3A_456 = arith.subi %div3A_435, %sub3A_455 : i32
        %select_n3A_457 = arith.select %and3A_454, %sub3A_456, %div3A_435 : i32
        %mul3A_458 = arith.constant 16 : i32
        %mul3A_459 = arith.muli %select_n3A_457, %mul3A_458 : i32
        %get3A_460 = arith.index_cast %mul3A_459 : i32 to index
        %get3A_461 = tpu.vector_load %arg26[%get3A_460] {strides = array<i32>} : memref<32xf32, #tpu.memory_space<vmem>>, vector<16xf32>,
        %jit3A_462 = arith.constant 16 : i32
        %eq3A_463 = arith.constant 0 : i32
        %eq3A_464 = arith.cmpi eq, %jit3A_462, %eq3A_463 : i32
        %jit3A_465 = arith.constant 1 : i32
        %select_n3A_466 = arith.select %eq3A_464, %jit3A_465, %jit3A_462 : i32
        %rem3A_467 = arith.remsi %reduce_min3A_215, %select_n3A_466 : i32
        %ne3A_468 = arith.constant 0 : i32
        %ne3A_469 = arith.cmpi ne, %rem3A_467, %ne3A_468 : i32
        %lt3A_470 = arith.constant 0 : i32
        %lt3A_471 = arith.cmpi slt, %rem3A_467, %lt3A_470 : i32
        %lt3A_472 = arith.constant 0 : i32
        %lt3A_473 = arith.cmpi slt, %select_n3A_466, %lt3A_472 : i32
        %ne3A_474 = arith.xori %lt3A_471, %lt3A_473 : i1
        %and3A_475 = arith.andi %ne3A_474, %ne3A_469 : i1
        %add3A_476 = arith.addi %rem3A_467, %select_n3A_466 : i32
        %select_n3A_477 = arith.select %and3A_475, %add3A_476, %rem3A_467 : i32
        %eq3A_478 = vector.broadcast %select_n3A_477 : i32 to vector<16xi32>
        %eq3A_479 = arith.cmpi eq, %iota3A, %eq3A_478 : vector<16xi32>
        %broadcast_in_dim3A_480 = vector.broadcast %reduce_max3A_433 : f32 to vector<16xf32>
        %select_n3A_481 = arith.select %eq3A_479, %broadcast_in_dim3A_480, %get3A_461 : vector<16xi1>, vector<16xf32>
        %swap3A_482 = arith.index_cast %mul3A_459 : i32 to index
        %swap3A_483 = tpu.vector_load %arg26[%swap3A_482] {strides = array<i32>} : memref<32xf32, #tpu.memory_space<vmem>>, vector<16xf32>,
        tpu.vector_store %arg26[%swap3A_482], %select_n3A_481 {strides = array<i32>} : memref<32xf32, #tpu.memory_space<vmem>>, vector<16xf32>,
        scf.yield %select_n3A_331, %select_n3A_371, %select_n3A_351 : vector<16xi32>, vector<16xf32>, vector<16xi32>
      }
      %scan3A_168 = arith.constant 64 : i32
      %mul3A_169 = arith.constant 64 : i32
      %mul3A_170 = arith.muli %add3A_30, %mul3A_169 : i32
      "tpu.region"() ({
        %run_scoped3A = tpu.sem_alloc : memref<!tpu.dma_semaphore, #tpu.memory_space<semaphore_mem>>
        %dma_start3A_175 = tpu.memref_slice %arg4[%mul3A_170] : memref<512xi32, #tpu.memory_space<hbm>> -> memref<64xi32, #tpu.memory_space<hbm>>
        %dma_start3A_176 = tpu.memref_slice %arg4[%mul3A_170] : memref<512xi32, #tpu.memory_space<hbm>> -> memref<64xi32, #tpu.memory_space<hbm>>
        tpu.enqueue_dma source(%arg27 : memref<64xi32, #tpu.memory_space<vmem>>) target(%dma_start3A_176 : memref<64xi32, #tpu.memory_space<hbm>>) target_semaphore(%run_scoped3A : memref<!tpu.dma_semaphore, #tpu.memory_space<semaphore_mem>>)
        %dma_wait3A = tpu.memref_slice %arg4[%mul3A_170] : memref<512xi32, #tpu.memory_space<hbm>> -> memref<64xi32, #tpu.memory_space<hbm>>
        %dma_wait3A_177 = tpu.memref_slice %arg4[%mul3A_170] : memref<512xi32, #tpu.memory_space<hbm>> -> memref<64xi32, #tpu.memory_space<hbm>>
        tpu.wait_dma2 semaphore(%run_scoped3A : memref<!tpu.dma_semaphore, #tpu.memory_space<semaphore_mem>>) src(%arg27 : memref<64xi32, #tpu.memory_space<vmem>>) dst(%dma_wait3A_177 : memref<64xi32, #tpu.memory_space<hbm>>)
        tpu.yield
      }) : () -> ()
      %mul3A_171 = arith.constant 64 : i32
      %mul3A_172 = arith.muli %add3A_30, %mul3A_171 : i32
      "tpu.region"() ({
        %run_scoped3A = tpu.sem_alloc : memref<!tpu.dma_semaphore, #tpu.memory_space<semaphore_mem>>
        %dma_start3A_175 = tpu.memref_slice %arg5[%mul3A_172] : memref<512xf32, #tpu.memory_space<hbm>> -> memref<64xf32, #tpu.memory_space<hbm>>
        %dma_start3A_176 = tpu.memref_slice %arg5[%mul3A_172] : memref<512xf32, #tpu.memory_space<hbm>> -> memref<64xf32, #tpu.memory_space<hbm>>
        tpu.enqueue_dma source(%arg28 : memref<64xf32, #tpu.memory_space<vmem>>) target(%dma_start3A_176 : memref<64xf32, #tpu.memory_space<hbm>>) target_semaphore(%run_scoped3A : memref<!tpu.dma_semaphore, #tpu.memory_space<semaphore_mem>>)
        %dma_wait3A = tpu.memref_slice %arg5[%mul3A_172] : memref<512xf32, #tpu.memory_space<hbm>> -> memref<64xf32, #tpu.memory_space<hbm>>
        %dma_wait3A_177 = tpu.memref_slice %arg5[%mul3A_172] : memref<512xf32, #tpu.memory_space<hbm>> -> memref<64xf32, #tpu.memory_space<hbm>>
        tpu.wait_dma2 semaphore(%run_scoped3A : memref<!tpu.dma_semaphore, #tpu.memory_space<semaphore_mem>>) src(%arg28 : memref<64xf32, #tpu.memory_space<vmem>>) dst(%dma_wait3A_177 : memref<64xf32, #tpu.memory_space<hbm>>)
        tpu.yield
      }) : () -> ()
      %mul3A_173 = arith.constant 64 : i32
      %mul3A_174 = arith.muli %add3A_30, %mul3A_173 : i32
      "tpu.region"() ({
        %run_scoped3A = tpu.sem_alloc : memref<!tpu.dma_semaphore, #tpu.memory_space<semaphore_mem>>
        %dma_start3A_175 = tpu.memref_slice %arg6[%mul3A_174] : memref<512xi32, #tpu.memory_space<hbm>> -> memref<64xi32, #tpu.memory_space<hbm>>
        %dma_start3A_176 = tpu.memref_slice %arg6[%mul3A_174] : memref<512xi32, #tpu.memory_space<hbm>> -> memref<64xi32, #tpu.memory_space<hbm>>
        tpu.enqueue_dma source(%arg29 : memref<64xi32, #tpu.memory_space<vmem>>) target(%dma_start3A_176 : memref<64xi32, #tpu.memory_space<hbm>>) target_semaphore(%run_scoped3A : memref<!tpu.dma_semaphore, #tpu.memory_space<semaphore_mem>>)
        %dma_wait3A = tpu.memref_slice %arg6[%mul3A_174] : memref<512xi32, #tpu.memory_space<hbm>> -> memref<64xi32, #tpu.memory_space<hbm>>
        %dma_wait3A_177 = tpu.memref_slice %arg6[%mul3A_174] : memref<512xi32, #tpu.memory_space<hbm>> -> memref<64xi32, #tpu.memory_space<hbm>>
        tpu.wait_dma2 semaphore(%run_scoped3A : memref<!tpu.dma_semaphore, #tpu.memory_space<semaphore_mem>>) src(%arg29 : memref<64xi32, #tpu.memory_space<vmem>>) dst(%dma_wait3A_177 : memref<64xi32, #tpu.memory_space<hbm>>)
        tpu.yield
      }) : () -> ()
    } else {
    }
    %barrier3A_112 = arith.constant 0 : index
    tpu.barrier barrier_id(%barrier3A_112)
    return
  }
}

</mosaic_0001>

<sc_bundles>
// kernel: _sc_topk.3.cloned.1.call-start
scs
__scs_entry_jumppad:
0x0: {  	(pc) =	sbr.rel $0x88, $3  }
0x1: {  	(tag) =	ssettag $0x0;
	lr =	simm.s32 $0x1  }
0x2: {  	[smem:$0x3F9F] =	sst lr;
	_ =	strace $0xD0000000  }
0x3: {  	_ = 	snop  }
0x4: {  	_ = 	snop  }
0x5: {  	_ = 	snop  }
0x6: {  	_ = 	snop  }
0x7: {  	_ = 	snop  }
__scs_overlays_trampoline_lowered:
0x8: {  	[smem:$0x3FAE] =	sst s0  }
0x9: {  	[smem:$0x3FAF] =	sst s1  }
0xa: {  	[smem:$0x3FB0] =	sst s2  }
0xb: {  	[smem:$0x3FB1] =	sst s3  }
0xc: {  	[smem:$0x3FB2] =	sst s4  }
0xd: {  	[smem:$0x3FB3] =	sst s5  }
0xe: {  	[smem:$0x3FB4] =	sst s6  }
0xf: {  	[smem:$0x3FB5] =	sst s7  }
0x10: {  	[smem:$0x3FB6] =	sst s8  }
0x11: {  	[smem:$0x3FB7] =	sst s9;
	s0 =	simm.s32 @!p0 $0x0  }
0x12: {  	s1 =	sld [smem:$0x3F9D];
	s0 =	simm.s32 @p0 $0x1  }
0x13: {  	[smem:$0x3FB8] =	sst s0;
	s0 =	simm.s32 @!p1 $0x0  }
0x14: {  	s2 =	sld [smem:$0x3F9C];
	s0 =	simm.s32 @p1 $0x1  }
0x15: {  	[smem:$0x3FB9] =	sst s0;
	s0 =	simm.s32 @!p2 $0x0  }
0x16: {  	s3 =	sld [smem:$0x3FDB];
	s0 =	simm.s32 @p2 $0x1  }
0x17: {  	s4 =	simm.s32 $0x1BF5;
	[smem:$0x3FBB] =	sst s0  }
0x18: {  	s0 =	sld [smem:$0x3F9E];
	_ =	swait.ge [sflag:s4], $0x0  }
0x19: {  	s7 =	sld [smem:$0x3F9F]  }
0x1a: {  	s8 =	sadd.s32 $0xFFFFE003, lr  }
0x1b: {  	s9 =	sadd.s32 $0xFFFFFEF7, lr;
	s5 =	simm.s32 $0xFFFFFFFF;
	p2 =	slt.u32 s8, $0xFFFFF086  }
0x1c: {  	p1 =	slt.u32 s9, $0xF7A;
	s5 =	simm.s32 @!p2 $0x0  }
0x1d: {  	s5 =	simm.s32 @p1 $0x1;
	p0 =	seq.s32 s7, s2  }
0x1e: {  	s7 =	smul.u32 @!p0 $0xF7A, s2;
	p2 =	seq.s32 @!p0 s5, $0x0  }
0x1f: {  	s9 =	smul.u32 $0xF7A, s1;
	s8 =	simm.s32 @!p0 $0x1BF5;
	p2 =	por !p2, p0  }
0x20: {  	[sflag:s8] =	ssyncset.s32 @!p0 $0xFFFFF086;
	s6 =	sadd.s32 @!p0 s3, s7;
	s7 =	simm.s32 @!p0 $0x108  }
0x21: {  	s3 =	sadd.s32 s3, s9;
	s6 =	sadd.s32 @!p0 $0x88, s6;
	s7 =	simm.s32 @p2 $0x1082  }
0x22: {  	[simem:s7], [sflag:s8] =	dma.local @!p0 [hbm:s6], $0xF7A  }
0x23: {  	s9 =	sor.u32 $0xD0000000, s2;
	s6 =	simm.s32 $0x108;
	_ =	swait.ge @!p0 [sflag:s8], $0x0  }
0x24: {  	s3 =	sadd.s32 $0x88, s3;
	s6 =	simm.s32 @!p1 $0x1082;
	[sflag:s4] =	ssyncset.s32 $0xFFFFF086  }
0x25: {  	[simem:s6], [sflag:s4] =	dma.local [hbm:s3], $0xF7A  }
0x26: {  	[smem:$0x3F9F] =	sst s1;
	(tag) =	ssettag s2;
	_ =	strace s9  }
0x27: {  	s1 =	sld [smem:$0x3FAF]  }
0x28: {  	s2 =	sld [smem:$0x3FB0]  }
0x29: {  	s4 =	sld [smem:$0x3FB2]  }
0x2a: {  	p0 =	seq.s32 s5, $0x0;
	s5 =	sld [smem:$0x3FB3]  }
0x2b: {  	s6 =	sld [smem:$0x3FB4]  }
0x2c: {  	s7 =	sld [smem:$0x3FB5]  }
0x2d: {  	s3 =	simm.s32 $0x108;
	s8 =	sld [smem:$0x3FB6]  }
0x2e: {  	s3 =	simm.s32 @!p0 $0x1082;
	s9 =	sld [smem:$0x3FB7]  }
0x2f: {  	lr =	sadd.s32 s0, s3;
	s0 =	sld [smem:$0x3FAE]  }
0x30: {  	s3 =	sld [smem:$0x3FB1]  }
0x31: {  	[smem:$0x3FBA] =	sst s10  }
0x32: {  	s10 =	sld [smem:$0x3FB8];
	_ =	sdelay $0x3  }
0x33: {  	p0 =	seq.s32 s10, $0x1;
	s10 =	sld [smem:$0x3FBA];
	_ =	sdelay $0x3  }
0x34: {  	[smem:$0x3FBA] =	sst s10  }
0x35: {  	s10 =	sld [smem:$0x3FB9];
	_ =	sdelay $0x3  }
0x36: {  	p1 =	seq.s32 s10, $0x1;
	s10 =	sld [smem:$0x3FBA];
	_ =	sdelay $0x3  }
0x37: {  	[smem:$0x3FBA] =	sst s10  }
0x38: {  	s10 =	sld [smem:$0x3FBB]  }
0x39: {  	_ = 	snop;
	(pc) =	sbr.ind lr, $3  }
0x3a: {  	_ = 	snop  }
0x3b: {  	_ = 	snop  }
0x3c: {  	p2 =	seq.s32 s10, $0x1;
	s10 =	sld [smem:$0x3FBA]  }
0x3d: {  	_ =	shalt  }
0x3e: {  	_ =	shalt  }
0x3f: {  	_ =	shalt  }
0x40: {  	_ =	shalt  }
0x41: {  	_ =	shalt  }
0x42: {  	_ =	shalt  }
0x43: {  	_ =	shalt  }
0x44: {  	_ =	shalt  }
0x45: {  	_ =	shalt  }
0x46: {  	_ =	shalt  }
0x47: {  	_ =	shalt  }
0x48: {  	_ =	shalt  }
0x49: {  	_ =	shalt  }
0x4a: {  	_ =	shalt  }
0x4b: {  	_ =	shalt  }
0x4c: {  	_ =	shalt  }
0x4d: {  	_ =	shalt  }
0x4e: {  	_ =	shalt  }
0x4f: {  	_ =	shalt  }
0x50: {  	_ =	shalt  }
0x51: {  	_ =	shalt  }
0x52: {  	_ =	shalt  }
0x53: {  	_ =	shalt  }
0x54: {  	_ =	shalt  }
0x55: {  	_ =	shalt  }
0x56: {  	_ =	shalt  }
0x57: {  	_ =	shalt  }
0x58: {  	_ =	shalt  }
0x59: {  	_ =	shalt  }
0x5a: {  	_ =	shalt  }
0x5b: {  	_ =	shalt  }
0x5c: {  	_ =	shalt  }
0x5d: {  	_ =	shalt  }
0x5e: {  	_ =	shalt  }
0x5f: {  	_ =	shalt  }
0x60: {  	_ =	shalt  }
0x61: {  	_ =	shalt  }
0x62: {  	_ =	shalt  }
0x63: {  	_ =	shalt  }
0x64: {  	_ =	shalt  }
0x65: {  	_ =	shalt  }
0x66: {  	_ =	shalt  }
0x67: {  	_ =	shalt  }
0x68: {  	_ =	shalt  }
0x69: {  	_ =	shalt  }
0x6a: {  	_ =	shalt  }
0x6b: {  	_ =	shalt  }
0x6c: {  	_ =	shalt  }
0x6d: {  	_ =	shalt  }
0x6e: {  	_ =	shalt  }
0x6f: {  	_ =	shalt  }
0x70: {  	_ =	shalt  }
0x71: {  	_ =	shalt  }
0x72: {  	_ =	shalt  }
0x73: {  	_ =	shalt  }
0x74: {  	_ =	shalt  }
0x75: {  	_ =	shalt  }
0x76: {  	_ =	shalt  }
0x77: {  	_ =	shalt  }
0x78: {  	_ =	shalt  }
0x79: {  	_ =	shalt  }
0x7a: {  	_ =	shalt  }
0x7b: {  	_ =	shalt  }
0x7c: {  	_ =	shalt  }
0x7d: {  	_ =	shalt  }
0x7e: {  	_ =	shalt  }
0x7f: {  	_ =	shalt  }
0x80: {  	_ =	shalt  }
0x81: {  	_ =	shalt  }
0x82: {  	_ =	shalt  }
0x83: {  	_ =	shalt  }
0x84: {  	_ =	shalt  }
0x85: {  	_ =	shalt  }
0x86: {  	_ =	shalt  }
0x87: {  	_ =	shalt  }
.Lfunc_end0:
.L_simem_size_0:
called_computation_lowered:
.L_overlay_start_0:
0x88: {  	s2 =	sld [smem:$0x3FD9]  }
0x89: {  	s3 =	sld [smem:$0x3FFE];
	_ =	sdelay $0x1  }
0x8a: {  	s1 =	srdreg.scid  }
0x8b: {  	s0 =	sand.u32 $0x1, s1  }
0x8c: {  	s15 =	sshll.u32 s0, $0xA;
	s2 =	sadd.s32 s3, s2  }
0x8d: {  	s2 =	sadd.s32 s2, s15  }
0x8e: {  	[smem:$0x3FC6] =	sst s2  }
0x8f: {  	_ = 	snop  }
0x90: {  	s2 =	sld [smem:$0x3FD0];
	_ =	sdelay $0x1  }
0x91: {  	s16 =	sld [smem:$0x3FC9]  }
0x92: {  	s5 =	simm.s32 $0xA;
	s6 =	simm.s32 $0x10;
	s4 =	sld [smem:$0x3FC8]  }
0x93: {  	[smem:s6], [sflag:s5] =	dma.local [hbm:s2], $0x1  }
0x94: {  	_ =	swait.eq [sflag:s5], $0x1  }
0x95: {  	s17 =	sld [smem:$0x10];
	[sflag:s5] =	ssyncset.done $0x0  }
0x96: {  	s18 =	sld [smem:$0x11];
	[sflag:s5] =	ssyncadd.s32 $0xFFFFFFFF  }
0x97: {  	s19 =	sld [smem:$0x12];
	(tm) =	ssettm $0x1  }
0x98: {  	s7 =	sld [smem:$0x3FFB];
	_ =	sdelay $0x3  }
0x99: {  	_ =	strace s7  }
0x9a: {  	s7 =	sld [smem:$0x3FFC];
	_ =	sdelay $0x3  }
0x9b: {  	_ =	strace s7  }
0x9c: {  	s7 =	sld [smem:$0x3FFD];
	_ =	sdelay $0x3  }
0x9d: {  	_ =	strace s7  }
0x9e: {  	_ =	strace $0x8FFFFFFF  }
0x9f: {  	s20 =	sld [smem:$0x3FDB];
	_ =	sdelay $0x1  }
0xa0: {  	s8 =	simm.s32 $_scs_section_size  }
0xa1: {  	s9 =	simm.s32 $_size__tile_overlayer_lowered;
	s10 =	simm.s32 $_tile_overlayer_lowered  }
0xa2: {  	s23 =	simm.s32 $0x1BFF;
	s22 =	sshll.u32 s10, $0x1;
	s7 =	sadd.s32 s8, s20  }
0xa3: {  	s11 =	simm.s32 $0x0;
	s21 =	sshll.u32 s9, $0x1;
	s9 =	sadd.s32 s22, s7  }
0xa4: {  	[timem:s11], [sflag:s23] =	dma.local [hbm:s9], s21  }
0xa5: {  	_ =	swait.ge [sflag:s23], s21  }
0xa6: {  	s8 =	ssub.s32 $0x0, s21;
	[sflag:s23] =	ssyncset.done $0x0  }
0xa7: {  	[sflag:s23] =	ssyncadd.s32 s8;
	_ =	sdelay $0x1  }
0xa8: {  	s24 =	simm.s32 $0x1B8B  }
0xa9: {  	_ =	swait.ge [sflag:s24], $0x1  }
0xaa: {  	[sflag:s24] =	ssyncset.done $0x0  }
0xab: {  	s25 =	simm.s32 $0x1B8E;
	[sflag:s24] =	ssyncadd.s32 $0xFFFFFFFF  }
0xac: {  	s26 =	simm.s32 $execute0_lowered;
	[smem:$0x3FD2] =	sst s25  }
0xad: {  	s8 =	sshll.u32 s26, $0x1;
	_ =	strace $0x80000046;
	[dreg:$0x1] =	wrdreg $0xFFFFFFFF  }
0xae: {  	s28 =	simm.s32 $_size_execute0_lowered;
	s7 =	sadd.s32 s7, s8;
	[dreg:$0x0] =	wrdreg $0x0  }
0xaf: {  	s8 =	sshll.u32 s28, $0x1;
	[dreg:$0x2] =	wrdreg s7  }
0xb0: {  	[dreg:$0x3] =	wrdreg s8  }
0xb1: {  	[dreg:$0x4] =	wrdreg $0xC0  }
0xb2: {  	_ =	task [dreg:s11], $0x5FFFF  }
0xb3: {  	[dreg:$0x1] =	wrdreg $0xFFFFFFFF  }
0xb4: {  	[dreg:$0x0] =	wrdreg $0x60  }
0xb5: {  	[dreg:$0x2] =	wrdreg s16  }
0xb6: {  	[dreg:$0x3] =	wrdreg s4  }
0xb7: {  	[dreg:$0x4] =	wrdreg s17  }
0xb8: {  	[dreg:$0x5] =	wrdreg s18  }
0xb9: {  	[dreg:$0x6] =	wrdreg s19  }
0xba: {  	[dreg:$0x7] =	wrdreg $0x18C800  }
0xbb: {  	[dreg:$0x8] =	wrdreg $0x18EF80  }
0xbc: {  	[dreg:$0x9] =	wrdreg $0x18F080  }
0xbd: {  	[dreg:$0xa] =	wrdreg $0x18F100  }
0xbe: {  	[dreg:$0xb] =	wrdreg $0x197100  }
0xbf: {  	[dreg:$0xc] =	wrdreg $0x19F100  }
0xc0: {  	[dreg:$0xd] =	wrdreg $0x9  }
0xc1: {  	_ =	task.clear_ibuf [dreg:s11], $0xEFFFF;
	_ =	strace $0x90000046  }
0xc2: {  	s29 =	simm.s32 $0x9;
	_ =	strace $0x80000048  }
0xc3: {  	_ =	swait.ge [sflag:s29], $0x1  }
0xc4: {  	[sflag:s29] =	ssyncadd.s32 $0xFFFFFFFF  }
0xc5: {  	_ =	strace $0x90000048  }
0xc6: {  	_ =	sfence  }
0xc7: {  	s30 =	sld [smem:$0x0];
	_ =	sdelay $0x2  }
0xc8: {  	s31 =	sshll.u32 s1, $0xD;
	s1 =	sshrl.u32 s1, $0x2  }
0xc9: {  	s3 =	sand.u32 $0x4000, s31;
	s1 =	sadd.s32 s1, s30  }
0xca: {  	s0 =	sor.u32 s3, s0;
	s1 =	sshll.u32 s1, $0x11  }
0xcb: {  	s0 =	sor.u32 s1, s0  }
0xcc: {  	s0 =	sadd.s32 $0x8F2B, s0  }
0xcd: {  	[sflag:s0] =	ssyncadd.remote.s32 $0x1  }
0xce: {  	_ =	sfence.sel $0xFFFF  }
0xcf: {  	[dreg:$0x0] =	wrdreg $0xFFFFFFFF;
	(pc) =	sbr.abs _section_cstart, $3  }
0xd0: {  	[dreg:$0x1] =	wrdreg $0xFFFFFFFF  }
0xd1: {  	_ =	task.clear_ibuf [dreg:s11], $0x2FFFF;
	_ =	strace $0x9FFFFFFF  }
0xd2: {  	(tm) =	ssettm $0x7FFFFFFF  }
0xd3: {  	_ =	shalt  }
tec
execute0_lowered:
.L_overlay_start_1:
0x0: {  	(tag) =	ssettag $0x1  }
0x1: {  	s0 =	rddreg [dreg:$0x1]  }
0x2: {  	s1 =	rddreg [dreg:$0x2]  }
0x3: {  	s2 =	rddreg [dreg:$0x3]  }
0x4: {  	s3 =	rddreg [dreg:$0x5]  }
0x5: {  	s4 =	rddreg [dreg:$0x6]  }
0x6: {  	s5 =	rddreg [dreg:$0x7]  }
0x7: {  	s6 =	rddreg [dreg:$0x8]  }
0x8: {  	s7 =	rddreg [dreg:$0x9];
	s8 =	srdreg.scid  }
0x9: {  	s9 =	rddreg [dreg:$0xa];
	s14 =	stileid.u32;
	s15 =	simm.s32 $0x0  }
0xa: {  	s8 =	sand.u32 $0x1, s8;
	s11 =	sshrl.u32 s14, $0x2;
	s25 =	sshll.u32 s14, $0xB  }
0xb: {  	s19 =	sor.u32 $0x2, s14;
	s20 =	sor.u32 $0x3, s14;
	[smem:$0x7FF] =	sst s15  }
0xc: {  	s10 =	ssub.s32 $0x2, s8;
	s8 =	sshll.u32 s8, $0x2;
	s13 =	smul.u32 $0x2780, s11  }
0xd: {  	s23 =	sshll.u32 s11, $0x6;
	s26 =	sadd.s32 s25, s6;
	s29 =	sadd.s32 s25, s7  }
0xe: {  	s25 =	sshll.u32 s14, $0x7;
	s12 =	sshrl.u32 s10, $0x1;
	s8 =	sor.u32 s11, s8  }
0xf: {  	s24 =	sshrl.u32 s23, $0x2;
	s16 =	sadd.s32 s23, s4;
	[dreg:$0x10] =	wrdreg s26  }
0x10: {  	[dreg:$0x11] =	wrdreg s29;
	s26 =	sshll.u32 s11, $0x9;
	s4 =	sshll.u32 s19, $0x7  }
0x11: {  	s10 =	ssub.s32 s10, s12;
	s21 =	sshll.u32 s8, $0x2;
	s22 =	sshrl.u32 s13, $0x2  }
0x12: {  	s29 =	sadd.s32 s26, s9;
	s26 =	rddreg [dreg:$0x0];
	s0 =	sadd.s32 s0, s21  }
0x13: {  	s13 =	sadd.s32 s22, s3;
	s3 =	sshll.u32 s11, $0xD;
	[dreg:$0x1b] =	wrdreg s29  }
0x14: {  	s21 =	sshll.u32 s19, $0xB;
	[dreg:$0xc] =	wrdreg s0;
	s0 =	sadd.s32 s24, s5  }
0x15: {  	s22 =	sshll.u32 s20, $0xB;
	s12 =	sadd.s32 s3, s6;
	[dreg:$0xf] =	wrdreg s0  }
0x16: {  	s11 =	sand.u32 $0x3, s14;
	s23 =	sadd.s32 s22, s6;
	[dreg:$0x12] =	wrdreg s12  }
0x17: {  	s5 =	sor.u32 $0x1, s14;
	s24 =	sadd.s32 s22, s7;
	[dreg:$0x18] =	wrdreg s23  }
0x18: {  	s15 =	smul.u32 $0xC3800, s11;
	p0 =	sne.s32 s11, $0x0;
	[dreg:$0x19] =	wrdreg s24  }
0x19: {  	s0 =	sadd.s32 s3, s7;
	s17 =	sshll.u32 s5, $0xB;
	s12 =	rddreg [dreg:$0x4]  }
0x1a: {  	s22 =	sshll.u32 s11, $0x4;
	[dreg:$0x13] =	wrdreg s0;
	s18 =	sadd.s32 s17, s6  }
0x1b: {  	s3 =	sshll.u32 s5, $0x7;
	s0 =	sadd.s32 s17, s7;
	[dreg:$0x14] =	wrdreg s18  }
0x1c: {  	s5 =	sshll.u32 s20, $0x7;
	s17 =	sadd.s32 s21, s6;
	[dreg:$0x15] =	wrdreg s0  }
0x1d: {  	s20 =	sshll.u32 s14, $0x5;
	s6 =	sadd.s32 s4, s9;
	[dreg:$0x16] =	wrdreg s17  }
0x1e: {  	s23 =	sshll.u32 s14, $0x3;
	s0 =	sadd.s32 s21, s7;
	[dreg:$0x1d] =	wrdreg s6  }
0x1f: {  	s24 =	sadd.s32 s22, s16;
	s7 =	sadd.s32 s5, s9;
	[dreg:$0x17] =	wrdreg s0  }
0x20: {  	s14 =	simm.s32 $0x7800;
	s0 =	sadd.s32 s25, s9;
	[dreg:$0x1e] =	wrdreg s7  }
0x21: {  	[dreg:$0x1a] =	wrdreg s0;
	s0 =	sadd.s32 s3, s9;
	s9 =	sshll.u32 s8, $0x3  }
0x22: {  	s30 =	sand.u32 $0x40, s20;
	[dreg:$0x1c] =	wrdreg s0;
	s1 =	sadd.s32 s1, s9  }
0x23: {  	s31 =	sand.u32 $0x8, s23;
	s2 =	sadd.s32 s2, s9;
	[smem:$0x7F6] =	sst s1  }
0x24: {  	s18 =	smul.u32 $0x30E000, s8;
	s0 =	sadd.s32 s12, s9;
	[smem:$0x7F7] =	sst s2  }
0x25: {  	s17 =	smul.u32 $0x9E0, s11;
	s25 =	smax.u32 s10, $0x1;
	[smem:$0x7F8] =	sst s0  }
0x26: {  	s28 =	sadd.s32 s15, s18;
	_ =	strace $0x80000047;
	[dreg:$0xd] =	wrdreg s13  }
0x27: {  	s11 =	sadd.s32 $0xC3000, s18;
	s15 =	simm.s32 $0x1;
	[dreg:$0xe] =	wrdreg s16  }
0x28: {  	v0 =	vlaneseq.u32;
	v9 =	vimm.f32 $-2.000000000e+00;
	vm1 =	vcmask $0x3330;
	s3 =	simm.s32 $0x14000;
	s19 =	sshrl.u32 s28, $0x3;
	[smem:$0x7FA] =	sst s24  }
.Ltmp0:
0x29: {  	vm2 =	vcmask $0x3338;
	v13 =	vimm.s32 $0x40000000;
	v1 =	vor.u32 $0x80000090, v0;
	s21 =	sadd.s32 s26, s19;
	[smem:$0x7FB] =	sst s25;
	(pc) =	sbr.rel .LBB2_1-.Ltmp0, $4  }
0x2a: {  	vm0 =	vmmov $0xff;
	v2 =	vor.u32 $0x80000080, v0;
	v3 =	vor.u32 $0x80000070, v0;
	s9 =	sadd.s32 $0xF000, s28;
	s0 =	sshrl.u32 s17, $0x2;
	[smem:$0x7FC] =	sst s21  }
0x2b: {  	v4 =	vor.u32 $0x80000060, v0;
	v5 =	vor.u32 $0x80000050, v0;
	v6 =	vor.u32 $0x80000040, v0;
	s17 =	simm.s32 $0x2;
	s0 =	sadd.s32 s0, s13;
	[dreg:$0x1f] =	wrdreg s18  }
0x2c: {  	v12 =	vimm.f32 $-1.000000000e+00;
	v7 =	vor.u32 $0x80000030, v0;
	v8 =	vor.u32 $0x80000020, v0;
	s1 =	simm.s32 $0x0;
	s29 =	sadd.s32 $0x18600, s21;
	[smem:$0x7F9] =	sst s0  }
0x2d: {  	v14 =	vimm.s32 $0x0;
	v10 =	vor.u32 $0x80000010, v0;
	v11 =	vor.u32 $0x80000000, v0;
	s13 =	simm.s32 $0x3;
	s25 =	simm.s32 $0x13800;
	[smem:$0x7FD] =	sst s29  }
.LBB2_41:
0x2e: {  	s0 =	sld [smem:$0x7FB];
	_ =	sdelay $0x1  }
0x2f: {  	s1 =	sadd.s32 $0x1, s1  }
0x30: {  	p1 =	sne.s32 s1, s0  }
.Ltmp1:
0x31: {  	_ = 	snop;
	(pc) =	sbr.rel @!p1 .LBB2_42-.Ltmp1, $2  }
0x32: {  	_ =	sdelay $0x1  }
0x33: {  	[bflag:$0x0] =	sbarrier.arrive $0xFFFF;
	_ =	sdelay $0x1  }
.LBB2_1:
0x34: {  	[smem:$0x7F5] =	sst s1  }
0x35: {  	s0 =	simm.s32 $0x0;
	s24 =	rddreg [dreg:$0xc];
	s2 =	simm.s32 $0x12800  }
0x36: {  	[tilespmem:s2], [sflag:$0x3] =	stream.linear.gather [hbm4b:s24+s0], $0x20, $0x38;
	[tilespmem:$0x19F90] =	vst v63  }
0x37: {  	_ =	swait.ge [sflag:s13], $0x20  }
0x38: {  	s29 =	sld [smem:$0x7FC]  }
0x39: {  	[sflag:s13] =	ssyncset.done $0x0  }
0x3a: {  	s19 =	simm.s32 $0x0;
	[sflag:s13] =	ssyncadd.s32 $0xFFFFFFE0  }
0x3b: {  	v15 =	vimm.f32 $-2.000000000e+00;
	[tilespmem:s0], [sflag:$0x1] =	stream.linear.gather [hbm4b:s29+s0], $0x7800, $0x38;
	[tilespmem:$0x19F90] =	vst v63  }
.LBB2_2:
0x3c: {  	s4 =	sshllo.u32 s19, $0x1  }
0x3d: {  	s0 =	smul.u32 $0x7800, s4;
	_ =	sdelay $0x1  }
0x3e: {  	s0 =	sadd.s32 s28, s0  }
0x3f: {  	s0 =	sshrl.u32 s0, $0x3  }
0x40: {  	s20 =	simm.s32 $0x0;
	s0 =	sadd.s32 s26, s0  }
0x41: {  	[tilespmem:s14], [sflag:$0x2] =	stream.linear.gather [hbm4b:s0+s20], $0x7800, $0x38;
	[tilespmem:$0x19F90] =	vst v63  }
0x42: {  	_ =	swait.ge [sflag:s15], $0x7800  }
0x43: {  	[sflag:s15] =	ssyncset.done $0x0  }
0x44: {  	s2 =	smul.u32 $0x6, s19;
	s5 =	simm.s32 $0x800;
	[sflag:s15] =	ssyncadd.s32 $0xFFFF8800  }
.LBB2_3:
0x45: {  	_ = 	snop  }
0x46: {  	s0 =	sadd.s32 s2, s20  }
0x47: {  	s1 =	sshll.u32 s0, $0x3;
	s0 =	sshll.u32 s0, $0x5  }
0x48: {  	s23 =	simm.s32 $0x0;
	s7 =	sand.u32 $0x8, s1;
	s16 =	sand.u32 $0x1FC0, s0  }
.LBB2_4:
0x49: {  	s0 =	sshll.u32 s23, $0x7  }
0x4a: {  	v17 =	vmov s0;
	_ =	sdelay $0x1  }
0x4b: {  	s18 =	simm.s32 $0x0  }
0x4c: {  	s22 =	sshrl.u32 s30, $0x2;
	s21 =	sand.u32 $0xFC00, s5;
	s6 =	sand.u32 $0x40, s18  }
0x4d: {  	v16 =	vld [tilespmem:s22+$0x12800];
	s0 =	sor.u32 s6, s21  }
0x4e: {  	s1 =	simm.s32 $0xC0;
	s8 =	sadd.s32 $0xFFFFFE00, s5;
	v20 =	vld.idx.msk [tilespmem:v17+s0+$0x0 ss:$0x1], $0xffff  }
0x4f: {  	s1 =	sand.u32 $0x40, s1;
	s8 =	sand.u32 $0xFC00, s8;
	v19 =	vld.idx.msk [tilespmem:v17+s0+$0x10 ss:$0x1], $0xffff  }
0x50: {  	s8 =	sor.u32 s1, s8;
	v22 =	vld.idx.msk [tilespmem:v17+s0+$0x20 ss:$0x1], $0xffff  }
0x51: {  	s24 =	sadd.s32 $0xFFFFFC00, s5;
	v23 =	vld.idx.msk [tilespmem:v17+s8+$0x0 ss:$0x1], $0xffff  }
0x52: {  	s1 =	sand.u32 $0xFC00, s24;
	v18 =	vld.idx.msk [tilespmem:v17+s8+$0x10 ss:$0x1], $0xffff  }
0x53: {  	s1 =	sor.u32 s6, s1;
	v21 =	vld.idx.msk [tilespmem:v17+s8+$0x20 ss:$0x1], $0xffff  }
0x54: {  	s10 =	simm.s32 $0x40;
	s29 =	sadd.s32 $0xFFFFFA00, s5;
	v29 =	vld.idx.msk [tilespmem:v17+s1+$0x0 ss:$0x1], $0xffff  }
0x55: {  	s18 =	sadd.s32 $0xFFFFF800, s5;
	s10 =	sand.u32 $0x40, s10;
	s29 =	sand.u32 $0xFC00, s29;
	v24 =	vld.idx.msk [tilespmem:v17+s1+$0x10 ss:$0x1], $0xffff  }
0x56: {  	s18 =	sand.u32 $0xFC00, s18;
	s29 =	sor.u32 s10, s29;
	v25 =	vld.idx.msk [tilespmem:v17+s1+$0x20 ss:$0x1], $0xffff  }
0x57: {  	s6 =	sor.u32 s6, s18;
	v36 =	vld.idx.msk [tilespmem:v17+s29+$0x0 ss:$0x1], $0xffff  }
0x58: {  	v27 =	vld.idx.msk [tilespmem:v17+s6+$0x0 ss:$0x1], $0xffff  }
0x59: {  	v30 =	vld.idx.msk [tilespmem:v17+s29+$0x10 ss:$0x1], $0xffff  }
0x5a: {  	v31 =	vld.idx.msk [tilespmem:v17+s29+$0x20 ss:$0x1], $0xffff  }
0x5b: {  	v32 =	vld.idx.msk [tilespmem:v17+s6+$0x10 ss:$0x1], $0xffff  }
0x5c: {  	v34 =	vld.idx.msk [tilespmem:v17+s6+$0x20 ss:$0x1], $0xffff  }
0x5d: {  	v26 =	vimm.f32 $-1.000000000e+00;
	v35 =	vld.idx.msk [tilespmem:v17+s6+$0x30 ss:$0x1], $0xffff  }
0x5e: {  	v28 =	vimm.f32 $-1.000000000e+00;
	s10 =	simm.s32 $0x0;
	v33 =	vld.idx.msk [tilespmem:v17+s29+$0x30 ss:$0x1], $0xffff;
	s29 =	simm.s32 $0x200;
	s6 =	smov.u32 s5;
	v37 =	vmax.f32 v26, v27;
	v27 =	vimm.f32 $-1.000000000e+00  }
.LBB2_5:
0x5f: {  	s18 =	sadd.s32 $0xFFFFFF40, s29;
	v36 =	vmax.f32 v37, v36;
	v37 =	vld.idx.msk [tilespmem:v17+s1+$0x30 ss:$0x1], $0xffff;
	s6 =	sadd.s32 $0xA00, s6  }
0x60: {  	s18 =	sand.u32 $0x40, s18;
	s1 =	sand.u32 $0xFC00, s6;
	v29 =	vmax.f32 v36, v29;
	v36 =	vld.idx.msk [tilespmem:v17+s8+$0x30 ss:$0x1], $0xffff  }
0x61: {  	v23 =	vmax.f32 v29, v23;
	v29 =	vld.idx.msk [tilespmem:v17+s0+$0x30 ss:$0x1], $0xffff;
	s0 =	sor.u32 s18, s1  }
0x62: {  	s1 =	sadd.s32 $0xFFFFFE00, s6;
	v38 =	vmax.f32 v23, v20;
	v20 =	vld.idx.msk [tilespmem:v17+s0+$0x0 ss:$0x1], $0xffff  }
0x63: {  	s8 =	sand.u32 $0x40, s29;
	s1 =	sand.u32 $0xFC00, s1;
	v23 =	vmax.f32 v26, v32;
	v26 =	vmax.f32 v27, v34;
	v27 =	vmax.f32 v28, v35;
	v39 =	vld.idx.msk [tilespmem:v17+s0+$0x10 ss:$0x1], $0xffff  }
0x64: {  	s8 =	sor.u32 s8, s1;
	v28 =	vmax.f32 v23, v30;
	v26 =	vmax.f32 v26, v31;
	v27 =	vmax.f32 v27, v33;
	v32 =	vld.idx.msk [tilespmem:v17+s0+$0x20 ss:$0x1], $0xffff  }
0x65: {  	s1 =	sadd.s32 $0xFFFFFC00, s6;
	v24 =	vmax.f32 v28, v24;
	v25 =	vmax.f32 v26, v25;
	v26 =	vmax.f32 v27, v37;
	v23 =	vld.idx.msk [tilespmem:v17+s8+$0x0 ss:$0x1], $0xffff  }
0x66: {  	s1 =	sand.u32 $0xFC00, s1;
	v24 =	vmax.f32 v24, v18;
	v25 =	vmax.f32 v25, v21;
	v28 =	vmax.f32 v26, v36;
	v18 =	vld.idx.msk [tilespmem:v17+s8+$0x10 ss:$0x1], $0xffff  }
0x67: {  	s1 =	sor.u32 s18, s1;
	v26 =	vmax.f32 v24, v19;
	v27 =	vmax.f32 v25, v22;
	v28 =	vmax.f32 v28, v29;
	v21 =	vld.idx.msk [tilespmem:v17+s8+$0x20 ss:$0x1], $0xffff  }
0x68: {  	s24 =	sadd.s32 $0xFFFFFF80, s29;
	s12 =	sadd.s32 $0xFFFFFA00, s6;
	v29 =	vld.idx.msk [tilespmem:v17+s1+$0x0 ss:$0x1], $0xffff  }
0x69: {  	s21 =	sadd.s32 $0xFFFFF800, s6;
	s24 =	sand.u32 $0x40, s24;
	s12 =	sand.u32 $0xFC00, s12;
	v19 =	vmov v39;
	v24 =	vld.idx.msk [tilespmem:v17+s1+$0x10 ss:$0x1], $0xffff  }
0x6a: {  	s21 =	sand.u32 $0xFC00, s21;
	s12 =	sor.u32 s24, s12;
	v22 =	vmov v32;
	v25 =	vld.idx.msk [tilespmem:v17+s1+$0x20 ss:$0x1], $0xffff  }
0x6b: {  	s18 =	sor.u32 s18, s21;
	v36 =	vld.idx.msk [tilespmem:v17+s12+$0x0 ss:$0x1], $0xffff  }
0x6c: {  	s10 =	sadd.s32 $0x5, s10;
	v33 =	vld.idx.msk [tilespmem:v17+s18+$0x0 ss:$0x1], $0xffff  }
0x6d: {  	p1 =	slt.u32 s10, $0xF;
	v30 =	vld.idx.msk [tilespmem:v17+s12+$0x10 ss:$0x1], $0xffff  }
.Ltmp2:
0x6e: {  	v31 =	vld.idx.msk [tilespmem:v17+s12+$0x20 ss:$0x1], $0xffff;
	(pc) =	sbr.rel @p1 .LBB2_5-.Ltmp2, $4  }
0x6f: {  	v32 =	vld.idx.msk [tilespmem:v17+s18+$0x10 ss:$0x1], $0xffff  }
0x70: {  	v34 =	vld.idx.msk [tilespmem:v17+s18+$0x20 ss:$0x1], $0xffff  }
0x71: {  	v35 =	vld.idx.msk [tilespmem:v17+s18+$0x30 ss:$0x1], $0xffff  }
0x72: {  	s29 =	sadd.s32 $0x140, s29;
	v37 =	vmax.f32 v38, v33;
	v33 =	vld.idx.msk [tilespmem:v17+s12+$0x30 ss:$0x1], $0xffff  }
0x73: {  	_ =	sdelay $0x3  }
0x74: {  	v36 =	vmax.f32 v37, v36;
	v55 =	vld.idx.msk [tilespmem:v17+s1+$0x30 ss:$0x1], $0xffff  }
0x75: {  	v56 =	vld.idx.msk [tilespmem:v17+s8+$0x30 ss:$0x1], $0xffff;
	s21 =	sor.u32 s31, s23;
	v29 =	vmax.f32 v36, v29;
	v57 =	vmax.f32 v26, v32  }
0x76: {  	v17 =	vld.idx.msk [tilespmem:v17+s0+$0x30 ss:$0x1], $0xffff;
	v63 =	vmov s21;
	v23 =	vmax.f32 v29, v23;
	v58 =	vmax.f32 v27, v34  }
0x77: {  	vm3 =	veq.s32 v63, v0;
	v20 =	vmax.f32 v23, v20;
	v59 =	vmax.f32 v28, v35  }
0x78: {  	v23 =	vmax.f32 v57, v30;
	v26 =	vmax.f32 v58, v31;
	v27 =	vmax.f32 v59, v33  }
0x79: {  	v23 =	vmax.f32 v23, v24;
	v60 =	vmax.f32 v26, v25;
	v61 =	vmax.f32 v27, v55  }
0x7a: {  	v18 =	vmax.f32 v23, v18;
	v21 =	vmax.f32 v60, v21;
	v62 =	vmax.f32 v61, v56  }
0x7b: {  	v18 =	vmax.f32 v18, v19;
	v21 =	vmax.f32 v21, v22;
	v17 =	vmax.f32 v62, v17  }
0x7c: {  	v16 =	vnsel vm3, $0xBF800000, v16;
	v18 =	vmax.f32 v20, v18;
	v17 =	vmax.f32 v21, v17  }
0x7d: {  	(xrf0) =	vmax.scan.msk.f32 $0xffff, v16;
	v16 =	vmax.f32 v18, v17  }
0x7e: {  	(xrf0) =	vmax.scan.msk.f32 $0xffff, v16;
	_ =	sdelay $0x4  }
0x7f: {  	v16, _, _ =	vpop (xrf0)  }
0x80: {  	(v2sf) =	vpush v16, $0xF;
	v16, _, _ =	vpop (xrf0)  }
0x81: {  	(v2sf) =	vpush v16, $0xF;
	_ =	sdelay $0xc  }
0x82: {  	s6 =	sor.u32 s7, s23;
	s23 =	sadd.s32 $0x1, s23  }
0x83: {  	p2 =	sne.s32 s23, $0x8;
	s24 =	spop (v2sf)  }
.Ltmp3:
0x84: {  	s29 =	spop (v2sf);
	(pc) =	sbr.rel @p2 .LBB2_4-.Ltmp3, $4  }
0x85: {  	v16 =	vmov s6;
	s0 =	smul.f32 s29, s24  }
0x86: {  	p1 =	sne.s32 s6, $0xF;
	vm3 =	veq.s32 v16, v0  }
0x87: {  	v15 =	vsel vm3, s0, v15;
	s0 =	sshrl.u32 @!p1 s16, $0x2  }
0x88: {  	[tilespmem:s0+$0x12880] =	vst @!p1 v15  }
0x89: {  	s20 =	sadd.s32 $0x1, s20  }
0x8a: {  	p1 =	sne.s32 s20, $0x3  }
.Ltmp4:
0x8b: {  	_ = 	snop;
	(pc) =	sbr.rel @p1 .LBB2_3-.Ltmp4, $2  }
0x8c: {  	_ =	sdelay $0x2  }
0x8d: {  	s5 =	sadd.s32 $0x2800, s5  }
0x8e: {  	p1 =	seq.s32 s19, $0xC  }
0x8f: {  	s0 =	smul.u32 @!p1 $0xF000, s19;
	_ =	sdelay $0x1  }
0x90: {  	s0 =	sadd.s32 @!p1 s0, s9  }
0x91: {  	s0 =	sshrl.u32 @!p1 s0, $0x3  }
0x92: {  	s1 =	simm.s32 @!p1 $0x0;
	s0 =	sadd.s32 @!p1 s26, s0  }
0x93: {  	[tilespmem:s1], [sflag:$0x1] =	stream.linear.gather @!p1 [hbm4b:s0+s1], $0x7800, $0x38;
	[tilespmem:$0x19F90] =	vst v63  }
0x94: {  	_ =	swait.ge [sflag:s17], $0x7800  }
0x95: {  	s2 =	smul.u32 $0x3, s4;
	[sflag:s17] =	ssyncset.done $0x0  }
0x96: {  	s4 =	simm.s32 $0x0;
	s6 =	simm.s32 $0x800;
	[sflag:s17] =	ssyncadd.s32 $0xFFFF8800  }
.LBB2_9:
0x97: {  	s0 =	sadd.s32 s2, s4  }
0x98: {  	s1 =	sshll.u32 s0, $0x3;
	s0 =	sshll.u32 s0, $0x5  }
0x99: {  	s20 =	simm.s32 $0x0;
	s7 =	sand.u32 $0x8, s1;
	s16 =	sand.u32 $0x7FFFFFC0, s0  }
.LBB2_10:
0x9a: {  	s0 =	sshll.u32 s20, $0x7  }
0x9b: {  	v17 =	vmov s0;
	_ =	sdelay $0x1  }
0x9c: {  	s23 =	simm.s32 $0x0  }
0x9d: {  	s24 =	sand.u32 $0xFC00, s6;
	s5 =	sand.u32 $0x40, s23  }
0x9e: {  	v16 =	vld [tilespmem:s22+$0x12800];
	s0 =	sor.u32 s5, s24  }
0x9f: {  	s1 =	simm.s32 $0xC0;
	s8 =	sadd.s32 $0xFFFFFE00, s6;
	v20 =	vld.idx.msk [tilespmem:v17+s0+$0x7800 ss:$0x1], $0xffff  }
0xa0: {  	s1 =	sand.u32 $0x40, s1;
	s8 =	sand.u32 $0xFC00, s8;
	v19 =	vld.idx.msk [tilespmem:v17+s0+$0x7810 ss:$0x1], $0xffff  }
0xa1: {  	s8 =	sor.u32 s1, s8;
	v22 =	vld.idx.msk [tilespmem:v17+s0+$0x7820 ss:$0x1], $0xffff  }
0xa2: {  	s29 =	sadd.s32 $0xFFFFFC00, s6;
	v23 =	vld.idx.msk [tilespmem:v17+s8+$0x7800 ss:$0x1], $0xffff  }
0xa3: {  	s1 =	sand.u32 $0xFC00, s29;
	v18 =	vld.idx.msk [tilespmem:v17+s8+$0x7810 ss:$0x1], $0xffff  }
0xa4: {  	s1 =	sor.u32 s5, s1;
	v21 =	vld.idx.msk [tilespmem:v17+s8+$0x7820 ss:$0x1], $0xffff  }
0xa5: {  	s10 =	simm.s32 $0x40;
	s12 =	sadd.s32 $0xFFFFFA00, s6;
	v29 =	vld.idx.msk [tilespmem:v17+s1+$0x7800 ss:$0x1], $0xffff  }
0xa6: {  	s18 =	sadd.s32 $0xFFFFF800, s6;
	s10 =	sand.u32 $0x40, s10;
	s12 =	sand.u32 $0xFC00, s12;
	v24 =	vld.idx.msk [tilespmem:v17+s1+$0x7810 ss:$0x1], $0xffff  }
0xa7: {  	s18 =	sand.u32 $0xFC00, s18;
	s12 =	sor.u32 s10, s12;
	v25 =	vld.idx.msk [tilespmem:v17+s1+$0x7820 ss:$0x1], $0xffff  }
0xa8: {  	s5 =	sor.u32 s5, s18;
	v36 =	vld.idx.msk [tilespmem:v17+s12+$0x7800 ss:$0x1], $0xffff  }
0xa9: {  	v27 =	vld.idx.msk [tilespmem:v17+s5+$0x7800 ss:$0x1], $0xffff  }
0xaa: {  	v30 =	vld.idx.msk [tilespmem:v17+s12+$0x7810 ss:$0x1], $0xffff  }
0xab: {  	v31 =	vld.idx.msk [tilespmem:v17+s12+$0x7820 ss:$0x1], $0xffff  }
0xac: {  	v32 =	vld.idx.msk [tilespmem:v17+s5+$0x7810 ss:$0x1], $0xffff  }
0xad: {  	v34 =	vld.idx.msk [tilespmem:v17+s5+$0x7820 ss:$0x1], $0xffff  }
0xae: {  	v26 =	vimm.f32 $-1.000000000e+00;
	v35 =	vld.idx.msk [tilespmem:v17+s5+$0x7830 ss:$0x1], $0xffff  }
0xaf: {  	v28 =	vimm.f32 $-1.000000000e+00;
	s23 =	simm.s32 $0x200;
	s10 =	simm.s32 $0x0;
	v33 =	vld.idx.msk [tilespmem:v17+s12+$0x7830 ss:$0x1], $0xffff;
	s5 =	smov.u32 s6;
	v37 =	vmax.f32 v26, v27;
	v27 =	vimm.f32 $-1.000000000e+00  }
.LBB2_11:
0xb0: {  	s12 =	sadd.s32 $0xFFFFFF40, s23;
	v36 =	vmax.f32 v37, v36;
	v37 =	vld.idx.msk [tilespmem:v17+s1+$0x7830 ss:$0x1], $0xffff;
	s5 =	sadd.s32 $0xA00, s5  }
0xb1: {  	s12 =	sand.u32 $0x40, s12;
	s1 =	sand.u32 $0xFC00, s5;
	v29 =	vmax.f32 v36, v29;
	v36 =	vld.idx.msk [tilespmem:v17+s8+$0x7830 ss:$0x1], $0xffff  }
0xb2: {  	v23 =	vmax.f32 v29, v23;
	v29 =	vld.idx.msk [tilespmem:v17+s0+$0x7830 ss:$0x1], $0xffff;
	s0 =	sor.u32 s12, s1  }
0xb3: {  	s1 =	sadd.s32 $0xFFFFFE00, s5;
	v38 =	vmax.f32 v23, v20;
	v20 =	vld.idx.msk [tilespmem:v17+s0+$0x7800 ss:$0x1], $0xffff  }
0xb4: {  	s8 =	sand.u32 $0x40, s23;
	s1 =	sand.u32 $0xFC00, s1;
	v23 =	vmax.f32 v26, v32;
	v26 =	vmax.f32 v27, v34;
	v27 =	vmax.f32 v28, v35;
	v39 =	vld.idx.msk [tilespmem:v17+s0+$0x7810 ss:$0x1], $0xffff  }
0xb5: {  	s8 =	sor.u32 s8, s1;
	v28 =	vmax.f32 v23, v30;
	v26 =	vmax.f32 v26, v31;
	v27 =	vmax.f32 v27, v33;
	v32 =	vld.idx.msk [tilespmem:v17+s0+$0x7820 ss:$0x1], $0xffff  }
0xb6: {  	s1 =	sadd.s32 $0xFFFFFC00, s5;
	v24 =	vmax.f32 v28, v24;
	v25 =	vmax.f32 v26, v25;
	v26 =	vmax.f32 v27, v37;
	v23 =	vld.idx.msk [tilespmem:v17+s8+$0x7800 ss:$0x1], $0xffff  }
0xb7: {  	s1 =	sand.u32 $0xFC00, s1;
	v24 =	vmax.f32 v24, v18;
	v25 =	vmax.f32 v25, v21;
	v28 =	vmax.f32 v26, v36;
	v18 =	vld.idx.msk [tilespmem:v17+s8+$0x7810 ss:$0x1], $0xffff  }
0xb8: {  	s1 =	sor.u32 s12, s1;
	v26 =	vmax.f32 v24, v19;
	v27 =	vmax.f32 v25, v22;
	v28 =	vmax.f32 v28, v29;
	v21 =	vld.idx.msk [tilespmem:v17+s8+$0x7820 ss:$0x1], $0xffff  }
0xb9: {  	s18 =	sadd.s32 $0xFFFFFF80, s23;
	s21 =	sadd.s32 $0xFFFFFA00, s5;
	v29 =	vld.idx.msk [tilespmem:v17+s1+$0x7800 ss:$0x1], $0xffff  }
0xba: {  	s24 =	sadd.s32 $0xFFFFF800, s5;
	s18 =	sand.u32 $0x40, s18;
	s21 =	sand.u32 $0xFC00, s21;
	v19 =	vmov v39;
	v24 =	vld.idx.msk [tilespmem:v17+s1+$0x7810 ss:$0x1], $0xffff  }
0xbb: {  	s24 =	sand.u32 $0xFC00, s24;
	s18 =	sor.u32 s18, s21;
	v22 =	vmov v32;
	v25 =	vld.idx.msk [tilespmem:v17+s1+$0x7820 ss:$0x1], $0xffff  }
0xbc: {  	s12 =	sor.u32 s12, s24;
	v36 =	vld.idx.msk [tilespmem:v17+s18+$0x7800 ss:$0x1], $0xffff  }
0xbd: {  	s10 =	sadd.s32 $0x5, s10;
	v33 =	vld.idx.msk [tilespmem:v17+s12+$0x7800 ss:$0x1], $0xffff  }
0xbe: {  	p1 =	slt.u32 s10, $0xF;
	v30 =	vld.idx.msk [tilespmem:v17+s18+$0x7810 ss:$0x1], $0xffff  }
.Ltmp5:
0xbf: {  	v31 =	vld.idx.msk [tilespmem:v17+s18+$0x7820 ss:$0x1], $0xffff;
	(pc) =	sbr.rel @p1 .LBB2_11-.Ltmp5, $4  }
0xc0: {  	v32 =	vld.idx.msk [tilespmem:v17+s12+$0x7810 ss:$0x1], $0xffff  }
0xc1: {  	v34 =	vld.idx.msk [tilespmem:v17+s12+$0x7820 ss:$0x1], $0xffff  }
0xc2: {  	v35 =	vld.idx.msk [tilespmem:v17+s12+$0x7830 ss:$0x1], $0xffff  }
0xc3: {  	s23 =	sadd.s32 $0x140, s23;
	v37 =	vmax.f32 v38, v33;
	v33 =	vld.idx.msk [tilespmem:v17+s18+$0x7830 ss:$0x1], $0xffff  }
0xc4: {  	_ =	sdelay $0x3  }
0xc5: {  	v36 =	vmax.f32 v37, v36;
	v55 =	vld.idx.msk [tilespmem:v17+s1+$0x7830 ss:$0x1], $0xffff  }
0xc6: {  	v56 =	vld.idx.msk [tilespmem:v17+s8+$0x7830 ss:$0x1], $0xffff;
	s23 =	sor.u32 s31, s20;
	v29 =	vmax.f32 v36, v29;
	v57 =	vmax.f32 v26, v32  }
0xc7: {  	v17 =	vld.idx.msk [tilespmem:v17+s0+$0x7830 ss:$0x1], $0xffff;
	v63 =	vmov s23;
	v23 =	vmax.f32 v29, v23;
	v58 =	vmax.f32 v27, v34  }
0xc8: {  	vm3 =	veq.s32 v63, v0;
	v20 =	vmax.f32 v23, v20;
	v59 =	vmax.f32 v28, v35  }
0xc9: {  	v23 =	vmax.f32 v57, v30;
	v26 =	vmax.f32 v58, v31;
	v27 =	vmax.f32 v59, v33  }
0xca: {  	v23 =	vmax.f32 v23, v24;
	v60 =	vmax.f32 v26, v25;
	v61 =	vmax.f32 v27, v55  }
0xcb: {  	v18 =	vmax.f32 v23, v18;
	v21 =	vmax.f32 v60, v21;
	v62 =	vmax.f32 v61, v56  }
0xcc: {  	v18 =	vmax.f32 v18, v19;
	v21 =	vmax.f32 v21, v22;
	v17 =	vmax.f32 v62, v17  }
0xcd: {  	v16 =	vnsel vm3, $0xBF800000, v16;
	v18 =	vmax.f32 v20, v18;
	v17 =	vmax.f32 v21, v17  }
0xce: {  	(xrf0) =	vmax.scan.msk.f32 $0xffff, v16;
	v16 =	vmax.f32 v18, v17  }
0xcf: {  	(xrf0) =	vmax.scan.msk.f32 $0xffff, v16;
	_ =	sdelay $0x4  }
0xd0: {  	v16, _, _ =	vpop (xrf0)  }
0xd1: {  	(v2sf) =	vpush v16, $0xF;
	v16, _, _ =	vpop (xrf0)  }
0xd2: {  	(v2sf) =	vpush v16, $0xF;
	_ =	sdelay $0xc  }
0xd3: {  	s5 =	sor.u32 s7, s20;
	s20 =	sadd.s32 $0x1, s20  }
0xd4: {  	p2 =	sne.s32 s20, $0x8;
	s24 =	spop (v2sf)  }
.Ltmp6:
0xd5: {  	s29 =	spop (v2sf);
	(pc) =	sbr.rel @p2 .LBB2_10-.Ltmp6, $4  }
0xd6: {  	v16 =	vmov s5;
	s0 =	smul.f32 s29, s24  }
0xd7: {  	p1 =	sne.s32 s5, $0xF;
	vm3 =	veq.s32 v16, v0  }
0xd8: {  	v15 =	vsel vm3, s0, v15;
	s0 =	sshrl.u32 @!p1 s16, $0x2  }
0xd9: {  	[tilespmem:s0+$0x12880] =	vst @!p1 v15  }
0xda: {  	s4 =	sadd.s32 $0x1, s4  }
0xdb: {  	p1 =	sne.s32 s4, $0x3  }
.Ltmp7:
0xdc: {  	_ = 	snop;
	(pc) =	sbr.rel @p1 .LBB2_9-.Ltmp7, $2  }
0xdd: {  	_ =	sdelay $0x2  }
0xde: {  	s6 =	sadd.s32 $0x2800, s6  }
0xdf: {  	s19 =	sadd.s32 $0x1, s19  }
0xe0: {  	p1 =	sne.s32 s19, $0xD  }
.Ltmp8:
0xe1: {  	_ = 	snop;
	(pc) =	sbr.rel @p1 .LBB2_2-.Ltmp8, $1  }
0xe2: {  	_ =	sdelay $0x3  }
0xe3: {  	s0 =	sld [smem:$0x7FD];
	_ =	sdelay $0x1  }
0xe4: {  	s4 =	simm.s32 $0x0;
	s1 =	simm.s32 $0xF000  }
0xe5: {  	[tilespmem:s1], [sflag:$0x3] =	stream.linear.gather [hbm4b:s0+s4], $0x800, $0x38;
	[tilespmem:$0x19F90] =	vst v63  }
0xe6: {  	_ =	swait.ge [sflag:s13], $0x800  }
0xe7: {  	[sflag:s13] =	ssyncset.done $0x0  }
0xe8: {  	[sflag:s13] =	ssyncadd.s32 $0xFFFFF800  }
0xe9: {  	s19 =	simm.s32 $0x0;
	v16 =	vld [tilespmem:s22+$0x12800]  }
0xea: {  	v17 =	vld [tilespmem:s19+$0xF000]  }
0xeb: {  	v18 =	vld [tilespmem:s19+$0xF010]  }
0xec: {  	v19 =	vld [tilespmem:s19+$0xF020]  }
0xed: {  	v20 =	vld [tilespmem:s19+$0xF030]  }
0xee: {  	v21 =	vld [tilespmem:s19+$0xF040]  }
0xef: {  	s20 =	simm.s32 $0x80;
	v22 =	vld [tilespmem:s19+$0xF050]  }
0xf0: {  	v23 =	vld [tilespmem:s20+$0xF000]  }
0xf1: {  	v55 =	vld [tilespmem:s20+$0xF070]  }
0xf2: {  	v25 =	vld [tilespmem:s20+$0xF400];
	v17 =	vmax.f32 v17, $-1.000000000e+00  }
0xf3: {  	s21 =	sadd.s32 $0x0, s31;
	v17 =	vmax.f32 v17, v18;
	v18 =	vld [tilespmem:s19+$0xF060]  }
0xf4: {  	v24 =	vmov s21;
	v17 =	vmax.f32 v17, v19;
	v19 =	vld [tilespmem:s19+$0xF070]  }
0xf5: {  	vm3 =	veq.s32 v24, v0;
	v17 =	vmax.f32 v17, v20;
	v20 =	vld [tilespmem:s19+$0xF400]  }
0xf6: {  	v24 =	vnsel vm3, $0xBF800000, v16;
	v17 =	vmax.f32 v17, v21;
	v21 =	vld [tilespmem:s19+$0xF410]  }
0xf7: {  	v26 =	vld [tilespmem:s20+$0xF410];
	(xrf0) =	vmax.scan.msk.f32 $0xffff, v24;
	v17 =	vmax.f32 v17, v22  }
0xf8: {  	v22 =	vld [tilespmem:s20+$0xF010];
	v17 =	vmax.f32 v17, v18  }
0xf9: {  	v18 =	vld [tilespmem:s20+$0xF020];
	v17 =	vmax.f32 v17, v19  }
0xfa: {  	v19 =	vld [tilespmem:s20+$0xF030];
	v17 =	vmax.f32 v17, v20  }
0xfb: {  	v20 =	vld [tilespmem:s20+$0xF040];
	v17 =	vmax.f32 v17, v21  }
0xfc: {  	v23 =	vmax.f32 v23, $-1.000000000e+00;
	v21 =	vld [tilespmem:s20+$0xF050];
	(xrf0) =	vmax.scan.msk.f32 $0xffff, v17  }
0xfd: {  	s7 =	simm.s32 $0x180;
	v28, _, _ =	vpop (xrf0);
	v17 =	vld [tilespmem:s20+$0xF060];
	v22 =	vmax.f32 v23, v22  }
0xfe: {  	s22 =	simm.s32 $0x100;
	v59 =	vld [tilespmem:s7+$0xF000];
	(v2sf) =	vpush v28, $0xF;
	v18 =	vmax.f32 v22, v18  }
0xff: {  	v27 =	vld [tilespmem:s22+$0xF000];
	v18 =	vmax.f32 v18, v19  }
0x100: {  	v29 =	vld [tilespmem:s22+$0xF010];
	v18 =	vmax.f32 v18, v20  }
0x101: {  	s23 =	sadd.s32 $0x1, s31;
	v30 =	vld [tilespmem:s22+$0xF020];
	v18 =	vmax.f32 v18, v21  }
0x102: {  	v57 =	vld [tilespmem:s22+$0xF050];
	v19 =	vmov s23;
	v17 =	vmax.f32 v18, v17;
	v56, _, _ =	vpop (xrf0)  }
0x103: {  	v23 =	vld [tilespmem:s22+$0xF030];
	vm3 =	veq.s32 v19, v0;
	v17 =	vmax.f32 v17, v55;
	(v2sf) =	vpush v56, $0xF  }
0x104: {  	v58 =	vld [tilespmem:s22+$0xF410];
	v20 =	vnsel vm3, $0xBF800000, v16;
	v17 =	vmax.f32 v17, v25  }
0x105: {  	v22 =	vld [tilespmem:s22+$0xF040];
	(xrf0) =	vmax.scan.msk.f32 $0xffff, v20;
	v18 =	vmax.f32 v27, $-1.000000000e+00;
	v17 =	vmax.f32 v17, v26  }
0x106: {  	v19 =	vld [tilespmem:s22+$0xF060];
	v18 =	vmax.f32 v18, v29;
	(xrf0) =	vmax.scan.msk.f32 $0xffff, v17  }
0x107: {  	v21 =	vld [tilespmem:s22+$0xF070];
	v18 =	vmax.f32 v18, v30  }
0x108: {  	v20 =	vld [tilespmem:s22+$0xF400];
	v18 =	vmax.f32 v18, v23  }
0x109: {  	v23 =	vld [tilespmem:s7+$0xF010]  }
0x10a: {  	s24 =	sadd.s32 $0x2, s31;
	v17 =	vmax.f32 v18, v22;
	v22 =	vld [tilespmem:s7+$0xF020]  }
0x10b: {  	v62 =	vmov s24;
	v17 =	vmax.f32 v17, v57;
	v18, _, _ =	vpop (xrf0)  }
0x10c: {  	vm3 =	veq.s32 v62, v0;
	v17 =	vmax.f32 v17, v19;
	(v2sf) =	vpush v18, $0xF;
	v63, _, _ =	vpop (xrf0)  }
0x10d: {  	v18 =	vmax.f32 v59, $-1.000000000e+00;
	v17 =	vmax.f32 v17, v21;
	s29 =	spop (v2sf);
	(v2sf) =	vpush v63, $0xF  }
0x10e: {  	v60 =	vld [tilespmem:s7+$0xF030];
	v21 =	vmax.f32 v18, v23;
	v20 =	vmax.f32 v17, v20;
	v23 =	vnsel vm3, $0xBF800000, v16  }
0x10f: {  	v61 =	vld [tilespmem:s7+$0xF040];
	v21 =	vmax.f32 v21, v22;
	v22 =	vmax.f32 v20, v58;
	(xrf0) =	vmax.scan.msk.f32 $0xffff, v23  }
0x110: {  	v19 =	vld [tilespmem:s7+$0xF050];
	(xrf0) =	vmax.scan.msk.f32 $0xffff, v22  }
0x111: {  	v18 =	vld [tilespmem:s7+$0xF060]  }
0x112: {  	v17 =	vld [tilespmem:s7+$0xF070];
	s5 =	spop (v2sf)  }
0x113: {  	s2 =	simm.s32 $0x2;
	s0 =	simm.s32 $0x1;
	v20 =	vld [tilespmem:s7+$0xF400];
	v23 =	vmov s4;
	v21 =	vmax.f32 v21, v60;
	s6 =	smul.f32 s5, s29  }
0x114: {  	s1 =	simm.s32 $0xA00;
	s4 =	simm.s32 $0x3;
	vm3 =	veq.s32 v23, v0;
	v22 =	vmax.f32 v21, v61;
	v21 =	vld [tilespmem:s7+$0xF410];
	s5 =	simm.s32 $0x200  }
.LBB2_16:
0x115: {  	p1 =	sne.s32 s1, $0xE00;
	v23 =	vld [tilespmem:s5+$0xF000];
	s7 =	sadd.s32 s4, s31;
	v26 =	vmax.f32 v22, v19;
	v22, _, _ =	vpop (xrf0);
	v15 =	vsel vm3, s6, v15  }
0x116: {  	v24 =	vld [tilespmem:s5+$0xF010];
	v25 =	vmov s7;
	v18 =	vmax.f32 v26, v18;
	(v2sf) =	vpush v22, $0xF;
	v19, _, _ =	vpop (xrf0)  }
0x117: {  	v22 =	vld [tilespmem:s5+$0xF020];
	vm3 =	veq.s32 v25, v0;
	v17 =	vmax.f32 v18, v17;
	(v2sf) =	vpush v19, $0xF  }
0x118: {  	v25 =	vld [tilespmem:s5+$0xF030];
	v18 =	vnsel vm3, $0xBF800000, v16;
	v17 =	vmax.f32 v17, v20  }
0x119: {  	v26 =	vld [tilespmem:s5+$0xF040];
	v17 =	vmax.f32 v17, v21;
	(xrf0) =	vmax.scan.msk.f32 $0xffff, v18  }
.Ltmp9:
0x11a: {  	v18 =	vmax.f32 v23, $-1.000000000e+00;
	v19 =	vld [tilespmem:s5+$0xF050];
	(xrf0) =	vmax.scan.msk.f32 $0xffff, v17;
	(pc) =	sbr.rel @p1 .LBB2_16-.Ltmp9, $4  }
0x11b: {  	v17 =	vmax.f32 v18, v24;
	v18 =	vld [tilespmem:s5+$0xF060];
	s6 =	spop (v2sf)  }
0x11c: {  	v20 =	vmax.f32 v17, v22;
	v17 =	vld [tilespmem:s5+$0xF070];
	s7 =	spop (v2sf)  }
0x11d: {  	v23 =	vmov s0;
	s0 =	smov.u32 s2;
	s2 =	smov.u32 s4;
	v21 =	vmax.f32 v20, v25;
	v20 =	vld [tilespmem:s5+$0xF400];
	s6 =	smul.f32 s7, s6  }
0x11e: {  	s4 =	sadd.s32 $0x1, s4;
	vm3 =	veq.s32 v23, v0;
	v22 =	vmax.f32 v21, v26;
	v21 =	vld [tilespmem:s5+$0xF410];
	s5 =	sshra.s32 s1, $0x2;
	s1 =	sadd.s32 $0x200, s1  }
0x11f: {  	v23 =	vld [tilespmem:s5+$0xF000]  }
0x120: {  	v24 =	vld [tilespmem:s5+$0xF010]  }
0x121: {  	v25 =	vld [tilespmem:s5+$0xF020]  }
0x122: {  	v26 =	vld [tilespmem:s5+$0xF030]  }
0x123: {  	v27 =	vld [tilespmem:s5+$0xF040]  }
0x124: {  	v28 =	vld [tilespmem:s5+$0xF050];
	v23 =	vmax.f32 v23, $-1.000000000e+00  }
0x125: {  	v43 =	vld [tilespmem:s5+$0xF060];
	v23 =	vmax.f32 v23, v24  }
0x126: {  	v19 =	vmax.f32 v22, v19;
	v45 =	vld [tilespmem:s5+$0xF070];
	v44 =	vmax.f32 v23, v25  }
0x127: {  	s1 =	sadd.s32 s4, s31;
	v47 =	vld [tilespmem:s5+$0xF400];
	s16 =	sadd.s32 $0x1, s4;
	v18 =	vmax.f32 v19, v18;
	v46 =	vmax.f32 v44, v26  }
0x128: {  	v49 =	vld [tilespmem:s5+$0xF410];
	v48 =	vmov s1;
	s18 =	sadd.s32 s16, s31;
	v17 =	vmax.f32 v18, v17;
	v19 =	vmax.f32 v46, v27  }
0x129: {  	vm4 =	veq.s32 v48, v0;
	v50 =	vmov s18;
	v19 =	vmax.f32 v19, v28  }
0x12a: {  	v17 =	vmax.f32 v17, v20;
	v18 =	vnsel vm4, $0xBF800000, v16;
	v19 =	vmax.f32 v19, v43  }
0x12b: {  	vm15 =	veq.s32 v50, v0;
	v17 =	vmax.f32 v17, v21;
	(xrf0) =	vmax.scan.msk.f32 $0xffff, v18;
	v51 =	vmax.f32 v19, v45  }
0x12c: {  	v52 =	vnsel vm15, $0xBF800000, v16;
	(xrf0) =	vmax.scan.msk.f32 $0xffff, v17;
	v53 =	vmax.f32 v51, v47  }
0x12d: {  	(xrf0) =	vmax.scan.msk.f32 $0xffff, v52;
	v17 =	vmax.f32 v53, v49  }
0x12e: {  	(xrf0) =	vmax.scan.msk.f32 $0xffff, v17  }
0x12f: {  	v54, _, _ =	vpop (xrf0)  }
0x130: {  	v55, _, _ =	vpop (xrf0);
	(v2sf) =	vpush v54, $0xF  }
0x131: {  	(v2sf) =	vpush v55, $0xF;
	v56, _, _ =	vpop (xrf0)  }
0x132: {  	v57, _, _ =	vpop (xrf0);
	(v2sf) =	vpush v56, $0xF  }
0x133: {  	(v2sf) =	vpush v57, $0xF;
	v58, _, _ =	vpop (xrf0)  }
0x134: {  	(v2sf) =	vpush v58, $0xF;
	v59, _, _ =	vpop (xrf0)  }
0x135: {  	(v2sf) =	vpush v59, $0xF;
	_ =	sdelay $0x7  }
0x136: {  	s19 =	spop (v2sf)  }
0x137: {  	s7 =	spop (v2sf)  }
0x138: {  	s8 =	spop (v2sf)  }
0x139: {  	s10 =	spop (v2sf)  }
0x13a: {  	s12 =	spop (v2sf)  }
0x13b: {  	v60 =	vmov s0;
	s5 =	smul.f32 s7, s19;
	s20 =	spop (v2sf)  }
0x13c: {  	v15 =	vsel vm3, s6, v15;
	v61 =	vmov s2;
	vm3 =	veq.s32 v60, v0;
	s21 =	smul.f32 s10, s8;
	s22 =	spop (v2sf)  }
0x13d: {  	v62 =	vmov s4;
	v15 =	vsel vm3, s5, v15;
	vm3 =	veq.s32 v61, v0;
	s0 =	smul.f32 s20, s12;
	s23 =	spop (v2sf)  }
0x13e: {  	v63 =	vmov s16;
	v15 =	vsel vm3, s21, v15;
	vm3 =	veq.s32 v62, v0;
	s2 =	smul.f32 s23, s22  }
0x13f: {  	v15 =	vsel vm3, s0, v15;
	vm3 =	veq.s32 v63, v0  }
0x140: {  	s24 =	sld [smem:$0x7F9];
	v15 =	vsel vm3, s2, v15  }
0x141: {  	v15 =	vnsel vm0, $0xC0000000, v15  }
0x142: {  	s29 =	simm.s32 $0x12880;
	[tilespmem:$0x12AF0] =	vst v15  }
0x143: {  	[spmem:s24] =	stream.linear.scatter [tilespmem:s29], [sflag:$0x3], $0x278, $0x38;
	[tilespmem:$0x19F90] =	vst v63  }
.Ltmp10:
0x144: {  	_ =	swait.ge [sflag:s13], $0x278;
	(pc) =	sbr.rel @p0 .LBB2_23-.Ltmp10, $4  }
0x145: {  	[sflag:s13] =	ssyncset.done $0x0  }
0x146: {  	[sflag:s13] =	ssyncadd.s32 $0xFFFFFD88  }
0x147: {  	[bflag:$0x0] =	sbarrier.arrive $0xFFFF  }
0x148: {  	s18 =	rddreg [dreg:$0x1f]  }
0x149: {  	s0 =	rddreg [dreg:$0xd];
	s1 =	simm.s32 $0x12B00  }
0x14a: {  	[tilespmem:s1], [sflag:$0x3] =	stream.linear.gather [spmem:s0], $0x9E0, $0x38;
	[tilespmem:$0x19F90] =	vst v63  }
0x14b: {  	_ =	swait.ge [sflag:s13], $0x9E0  }
0x14c: {  	[sflag:s13] =	ssyncset.done $0x0  }
0x14d: {  	[sflag:s13] =	ssyncadd.s32 $0xFFFFF620  }
0x14e: {  	[tilespmem:$0x13500] =	vst v9  }
0x14f: {  	[tilespmem:$0x13510] =	vst v9  }
0x150: {  	[tilespmem:$0x13520] =	vst v9  }
0x151: {  	[tilespmem:$0x13530] =	vst v9  }
0x152: {  	[tilespmem:$0x13540] =	vst v9  }
0x153: {  	[tilespmem:$0x13550] =	vst v9  }
0x154: {  	[tilespmem:$0x13560] =	vst v9  }
0x155: {  	[tilespmem:$0x13570] =	vst v9  }
0x156: {  	[tilespmem:$0x13580] =	vst v9  }
0x157: {  	s2 =	simm.s32 $0x12B20;
	[tilespmem:$0x13590] =	vst v9  }
0x158: {  	v15 =	vld [tilespmem:s2+$0xFFFFFFE0];
	_ =	sdelay $0x4  }
0x159: {  	(xrf0) =	vmax.scan.msk.f32 $0xffff, v15  }
0x15a: {  	s4 =	simm.s32 $0x0  }
0x15b: {  	s21 =	sand.u32 $0x3C0, s4  }
0x15c: {  	s0 =	sshrl.u32 s21, $0x2  }
0x15d: {  	v15 =	vld [tilespmem:s0+$0x13500]  }
0x15e: {  	s6 =	simm.s32 $0x0  }
0x15f: {  	s22 =	sand.u32 $0xC, s6;
	v16, _, _ =	vpop (xrf0)  }
0x160: {  	v17 =	vmov s22;
	v16 =	vbroadcast v16, $0xF  }
0x161: {  	vm3 =	veq.s32 v17, v0  }
0x162: {  	v15 =	vsel vm3, v16, v15  }
0x163: {  	[tilespmem:s0+$0x13500] =	vst v15  }
0x164: {  	v16 =	vld [tilespmem:s2+$0xFFFFFFF0];
	_ =	sdelay $0x4  }
0x165: {  	(xrf0) =	vmax.scan.msk.f32 $0xffff, v16;
	_ =	sdelay $0x4  }
0x166: {  	s23 =	simm.s32 $0x1  }
0x167: {  	s1 =	sand.u32 $0xD, s23;
	v16, _, _ =	vpop (xrf0)  }
0x168: {  	v17 =	vmov s1;
	v16 =	vbroadcast v16, $0xF  }
0x169: {  	vm3 =	veq.s32 v17, v0  }
0x16a: {  	v15 =	vsel vm3, v16, v15  }
0x16b: {  	[tilespmem:s0+$0x13500] =	vst v15  }
0x16c: {  	v16 =	vld [tilespmem:s2+$0x0];
	_ =	sdelay $0x4  }
0x16d: {  	(xrf0) =	vmax.scan.msk.f32 $0xffff, v16;
	_ =	sdelay $0x4  }
0x16e: {  	s24 =	simm.s32 $0x2  }
0x16f: {  	s1 =	sand.u32 $0xE, s24;
	v16, _, _ =	vpop (xrf0)  }
0x170: {  	v17 =	vmov s1;
	v16 =	vbroadcast v16, $0xF  }
0x171: {  	vm3 =	veq.s32 v17, v0  }
0x172: {  	v15 =	vsel vm3, v16, v15  }
0x173: {  	[tilespmem:s0+$0x13500] =	vst v15  }
0x174: {  	v16 =	vld [tilespmem:s2+$0x10];
	_ =	sdelay $0x4  }
0x175: {  	(xrf0) =	vmax.scan.msk.f32 $0xffff, v16;
	_ =	sdelay $0x4  }
0x176: {  	s29 =	simm.s32 $0x3  }
0x177: {  	s1 =	sand.u32 $0xF, s29;
	v16, _, _ =	vpop (xrf0)  }
0x178: {  	v17 =	vmov s1;
	v16 =	vbroadcast v16, $0xF  }
0x179: {  	vm3 =	veq.s32 v17, v0  }
0x17a: {  	v15 =	vsel vm3, v16, v15  }
.LBB2_19:
0x17b: {  	s4 =	sadd.s32 $0x10, s4  }
0x17c: {  	[tilespmem:s0+$0x13500] =	vst v15;
	s2 =	sadd.s32 $0x40, s2;
	s7 =	smov.u32 s6;
	s6 =	sadd.s32 $0x4, s6  }
0x17d: {  	v15 =	vld [tilespmem:s2+$0xFFFFFFE0];
	s0 =	sand.u32 $0xC, s6;
	p1 =	slt.u32 s6, $0x98  }
0x17e: {  	v16 =	vmov s0;
	_ =	sdelay $0x3  }
0x17f: {  	(xrf0) =	vmax.scan.msk.f32 $0xffff, v15;
	_ =	sdelay $0x1  }
0x180: {  	s0 =	sand.u32 $0x3C0, s4  }
0x181: {  	s0 =	sshrl.u32 s0, $0x2  }
0x182: {  	v15 =	vld [tilespmem:s0+$0x13500];
	_ =	sdelay $0x1  }
0x183: {  	v17, _, _ =	vpop (xrf0)  }
0x184: {  	v17 =	vbroadcast v17, $0xF  }
0x185: {  	vm3 =	veq.s32 v16, v0  }
0x186: {  	v15 =	vsel vm3, v17, v15  }
0x187: {  	[tilespmem:s0+$0x13500] =	vst v15  }
0x188: {  	v16 =	vld [tilespmem:s2+$0xFFFFFFF0];
	_ =	sdelay $0x4  }
0x189: {  	(xrf0) =	vmax.scan.msk.f32 $0xffff, v16;
	_ =	sdelay $0x4  }
0x18a: {  	s1 =	sadd.s32 $0x5, s7  }
0x18b: {  	s1 =	sand.u32 $0xD, s1;
	v16, _, _ =	vpop (xrf0)  }
0x18c: {  	v17 =	vmov s1;
	v16 =	vbroadcast v16, $0xF  }
0x18d: {  	vm3 =	veq.s32 v17, v0  }
0x18e: {  	v15 =	vsel vm3, v16, v15  }
0x18f: {  	[tilespmem:s0+$0x13500] =	vst v15  }
0x190: {  	v16 =	vld [tilespmem:s2+$0x0];
	_ =	sdelay $0x4  }
0x191: {  	(xrf0) =	vmax.scan.msk.f32 $0xffff, v16;
	_ =	sdelay $0x4  }
0x192: {  	s1 =	sadd.s32 $0x6, s7  }
0x193: {  	s1 =	sand.u32 $0xE, s1;
	v16, _, _ =	vpop (xrf0)  }
0x194: {  	v17 =	vmov s1;
	v16 =	vbroadcast v16, $0xF  }
0x195: {  	vm3 =	veq.s32 v17, v0  }
0x196: {  	v15 =	vsel vm3, v16, v15  }
0x197: {  	[tilespmem:s0+$0x13500] =	vst v15  }
0x198: {  	v16 =	vld [tilespmem:s2+$0x10];
	_ =	sdelay $0x4  }
0x199: {  	(xrf0) =	vmax.scan.msk.f32 $0xffff, v16;
	_ =	sdelay $0x4  }
.Ltmp11:
0x19a: {  	s1 =	sadd.s32 $0x7, s7;
	(pc) =	sbr.rel @p1 .LBB2_19-.Ltmp11, $4  }
0x19b: {  	s1 =	sand.u32 $0xF, s1;
	v16, _, _ =	vpop (xrf0)  }
0x19c: {  	v17 =	vmov s1;
	v16 =	vbroadcast v16, $0xF  }
0x19d: {  	vm3 =	veq.s32 v17, v0  }
0x19e: {  	v15 =	vsel vm3, v16, v15  }
0x19f: {  	[tilespmem:s0+$0x13500] =	vst v15  }
0x1a0: {  	v15 =	vld [tilespmem:$0x134C0]  }
0x1a1: {  	v16 =	vld [tilespmem:$0x134D0];
	_ =	sdelay $0x3  }
0x1a2: {  	(xrf0) =	vmax.scan.msk.f32 $0xffff, v15  }
0x1a3: {  	(xrf0) =	vmax.scan.msk.f32 $0xffff, v16  }
0x1a4: {  	v17 =	vld [tilespmem:$0x13510]  }
0x1a5: {  	v15 =	vld [tilespmem:$0x13590]  }
0x1a6: {  	v16 =	vld [tilespmem:$0x13500]  }
0x1a7: {  	v18 =	vld [tilespmem:$0x13520]  }
0x1a8: {  	v20 =	vld [tilespmem:$0x13530];
	v19, _, _ =	vpop (xrf0)  }
0x1a9: {  	v22 =	vld [tilespmem:$0x13540];
	v19 =	vbroadcast v19, $0xF;
	v21, _, _ =	vpop (xrf0)  }
0x1aa: {  	v23 =	vld [tilespmem:$0x13550];
	v21 =	vbroadcast v21, $0xF  }
0x1ab: {  	v24 =	vld [tilespmem:$0x13560];
	v15 =	vsel vm1, v19, v15;
	v19 =	vmax.f32 v16, v17  }
0x1ac: {  	v63 =	vld [tilespmem:$0x13570];
	[tilespmem:$0x13590] =	vst v15;
	v15 =	vsel vm2, v15, v21;
	v19 =	vmax.f32 v19, v18  }
0x1ad: {  	[tilespmem:$0x13590] =	vst v15;
	v15 =	vmax.f32 v19, v20;
	v19 =	vld [tilespmem:$0x13580]  }
0x1ae: {  	v15 =	vmax.f32 v15, v22;
	v25 =	vld [tilespmem:$0x13590]  }
0x1af: {  	v15 =	vmax.f32 v15, v23  }
0x1b0: {  	v15 =	vmax.f32 v15, v24  }
0x1b1: {  	v15 =	vmax.f32 v15, v63  }
0x1b2: {  	v15 =	vmax.f32 v15, v19  }
0x1b3: {  	v15 =	vmax.f32 v15, v25  }
0x1b4: {  	(xrf0) =	vmax.scan.msk.f32 $0xffff, v15;
	_ =	sdelay $0x5  }
0x1b5: {  	v15, _, _ =	vpop (xrf0)  }
0x1b6: {  	v15 =	vbroadcast v15, $0xF;
	_ =	sdelay $0x1  }
0x1b7: {  	vm3 =	veq.f32 v25, v15  }
0x1b8: {  	vm4 =	veq.f32 v19, v15;
	v19 =	vnsel vm3, $0xC0000000, v1  }
0x1b9: {  	vm3 =	veq.f32 v63, v15;
	v19 =	vsel vm4, v2, v19  }
0x1ba: {  	vm12 =	veq.f32 v24, v15;
	v19 =	vsel vm3, v3, v19  }
0x1bb: {  	vm3 =	veq.f32 v23, v15;
	v19 =	vsel vm12, v4, v19  }
0x1bc: {  	vm13 =	veq.f32 v22, v15;
	v19 =	vsel vm3, v5, v19  }
0x1bd: {  	vm3 =	veq.f32 v20, v15;
	v19 =	vsel vm13, v6, v19  }
0x1be: {  	vm14 =	veq.f32 v18, v15;
	v18 =	vsel vm3, v7, v19  }
0x1bf: {  	vm3 =	veq.f32 v17, v15;
	v17 =	vsel vm14, v8, v18  }
0x1c0: {  	vm15 =	veq.f32 v16, v15;
	v16 =	vsel vm3, v10, v17  }
0x1c1: {  	v16 =	vsel vm15, v11, v16  }
0x1c2: {  	(xrf0) =	vmin.scan.msk.u32 $0xffff, v16;
	_ =	sdelay $0x5  }
0x1c3: {  	v16, _, _ =	vpop (xrf0)  }
0x1c4: {  	(v2sf) =	vpush v16, $0xF;
	_ =	sdelay $0xe  }
0x1c5: {  	s1 =	spop (v2sf)  }
0x1c6: {  	s23 =	sshll.u32 s1, $0x4  }
0x1c7: {  	v16 =	vld [tilespmem:s23+$0x12B00];
	_ =	sdelay $0x4  }
0x1c8: {  	vm3 =	veq.f32 v16, v15  }
0x1c9: {  	v15 =	vnsel vm3, $0xC0000000, v11  }
0x1ca: {  	(xrf0) =	vmin.scan.msk.u32 $0xffff, v15;
	_ =	sdelay $0x5  }
0x1cb: {  	v15, _, _ =	vpop (xrf0)  }
0x1cc: {  	(v2sf) =	vpush v15, $0xF;
	_ =	sdelay $0xb  }
0x1cd: {  	s2 =	sxor.u32 $0x80000000, s1  }
0x1ce: {  	s4 =	sshra.s32 s2, $0x1F  }
0x1cf: {  	s19 =	simm.s32 $0x0;
	s4 =	sshrl.u32 s4, $0x1C  }
0x1d0: {  	p1 =	sgt.s32 s1, $0xFFFFFFFF;
	s4 =	sadd.s32 s4, s2;
	s6 =	spop (v2sf)  }
0x1d1: {  	p2 =	slt.s32 s2, $0x1;
	s5 =	sand.u32 $0xFFFFFFF0, s4;
	s24 =	sxor.u32 $0x80000000, s6  }
0x1d2: {  	s29 =	sand.u32 $0xF, s19;
	p1 =	por p1, p2;
	p6 =	sne.s32 s2, s5;
	v15 =	vmov s24  }
0x1d3: {  	p2 =	sne.s32 s29, $0xF;
	p1 =	por !p1, !p6;
	vm3 =	veq.s32 v15, v0  }
0x1d4: {  	s4 =	sshrl.u32 s4, $0x4;
	p1 =	por !p1, !p1;
	s6 =	simm.s32 $0x1;
	v15 =	vmov s29;
	v16 =	vsel vm3, $0xC0000000, v16  }
0x1d5: {  	v17 =	vimm.s32 $0x0;
	s5 =	sand.u32 @!p2 $0xC0, s19;
	s6 =	simm.s32 @!p1 $0x0;
	s2 =	sadd.s32 s24, s23;
	vm3 =	veq.s32 v15, v0;
	(xrf0) =	vmax.scan.msk.f32 $0xffff, v16  }
0x1d6: {  	s4 =	ssub.s32 s4, s6;
	v15 =	vsel vm3, s2, v17;
	s2 =	sshrl.u32 @!p2 s5, $0x2  }
0x1d7: {  	s4 =	sshll.u32 s4, $0x6;
	[tilespmem:s2+$0x13600] =	vst @!p2 v15  }
0x1d8: {  	s0 =	sshra.s32 s4, $0x2;
	[tilespmem:s23+$0x12B00] =	vst v16  }
0x1d9: {  	v16 =	vld [tilespmem:s0+$0x13500];
	_ =	sdelay $0x1  }
0x1da: {  	s1 =	sand.u32 $0xF, s1;
	v17, _, _ =	vpop (xrf0)  }
0x1db: {  	v18 =	vmov s1;
	v17 =	vbroadcast v17, $0xF  }
0x1dc: {  	vm3 =	veq.s32 v18, v0  }
0x1dd: {  	s4 =	simm.s32 $0x1;
	v17 =	vsel vm3, v17, v16  }
.LBB2_21:
0x1de: {  	[tilespmem:s0+$0x13500] =	vst v17;
	s19 =	sadd.s32 $0x4, s19;
	s2 =	smov.u32 s4;
	s4 =	sadd.s32 $0x1, s4  }
0x1df: {  	v17 =	vld [tilespmem:$0x13500];
	p1 =	sne.s32 s4, $0x40  }
0x1e0: {  	v18 =	vld [tilespmem:$0x13510]  }
0x1e1: {  	v19 =	vld [tilespmem:$0x13520]  }
0x1e2: {  	v20 =	vld [tilespmem:$0x13530]  }
0x1e3: {  	v21 =	vld [tilespmem:$0x13540]  }
0x1e4: {  	v22 =	vld [tilespmem:$0x13550]  }
0x1e5: {  	v16 =	vmax.f32 v17, v18;
	v23 =	vld [tilespmem:$0x13560]  }
0x1e6: {  	v16 =	vmax.f32 v16, v19;
	v24 =	vld [tilespmem:$0x13570]  }
0x1e7: {  	v16 =	vmax.f32 v16, v20;
	v25 =	vld [tilespmem:$0x13580]  }
0x1e8: {  	v16 =	vmax.f32 v16, v21;
	v26 =	vld [tilespmem:$0x13590]  }
0x1e9: {  	v16 =	vmax.f32 v16, v22  }
0x1ea: {  	v16 =	vmax.f32 v16, v23  }
0x1eb: {  	v16 =	vmax.f32 v16, v24  }
0x1ec: {  	v16 =	vmax.f32 v16, v25  }
0x1ed: {  	v16 =	vmax.f32 v16, v26  }
0x1ee: {  	(xrf0) =	vmax.scan.msk.f32 $0xffff, v16;
	_ =	sdelay $0x5  }
0x1ef: {  	v16, _, _ =	vpop (xrf0)  }
0x1f0: {  	v16 =	vbroadcast v16, $0xF;
	_ =	sdelay $0x1  }
0x1f1: {  	vm3 =	veq.f32 v20, v16;
	vm4 =	veq.f32 v21, v16;
	vm5 =	veq.f32 v26, v16  }
0x1f2: {  	vm6 =	veq.f32 v19, v16;
	vm7 =	veq.f32 v25, v16;
	v19 =	vnsel vm5, $0xC0000000, v1  }
0x1f3: {  	vm8 =	veq.f32 v24, v16;
	vm5 =	veq.f32 v18, v16;
	v18 =	vsel vm7, v2, v19  }
0x1f4: {  	vm9 =	veq.f32 v23, v16;
	vm7 =	veq.f32 v17, v16;
	v17 =	vsel vm8, v3, v18  }
0x1f5: {  	vm8 =	veq.f32 v22, v16;
	v17 =	vsel vm9, v4, v17  }
0x1f6: {  	v17 =	vsel vm8, v5, v17  }
0x1f7: {  	v17 =	vsel vm4, v6, v17  }
0x1f8: {  	v17 =	vsel vm3, v7, v17  }
0x1f9: {  	v17 =	vsel vm6, v8, v17  }
0x1fa: {  	v17 =	vsel vm5, v10, v17  }
0x1fb: {  	v17 =	vsel vm7, v11, v17  }
0x1fc: {  	(xrf0) =	vmin.scan.msk.u32 $0xffff, v17;
	_ =	sdelay $0x5  }
0x1fd: {  	v17, _, _ =	vpop (xrf0)  }
0x1fe: {  	(v2sf) =	vpush v17, $0xF;
	_ =	sdelay $0xe  }
0x1ff: {  	s1 =	spop (v2sf)  }
0x200: {  	s5 =	sxor.u32 $0x80000000, s1;
	s0 =	sshll.u32 s1, $0x4;
	p2 =	sgt.s32 s1, $0xFFFFFFFF  }
0x201: {  	s1 =	sand.u32 $0xF, s1;
	v17 =	vld [tilespmem:s0+$0x12B00];
	s6 =	sshra.s32 s5, $0x1F;
	p3 =	slt.s32 s5, $0x1  }
0x202: {  	v18 =	vmov s1;
	s6 =	sshrl.u32 s6, $0x1C;
	p2 =	por p2, p3  }
0x203: {  	s1 =	sadd.s32 s6, s5  }
0x204: {  	s6 =	sand.u32 $0xFFFFFFF0, s1  }
0x205: {  	p3 =	sne.s32 s5, s6  }
0x206: {  	vm3 =	veq.f32 v17, v16;
	p2 =	por !p2, !p3  }
0x207: {  	s5 =	simm.s32 $0x1;
	v19 =	vnsel vm3, $0xC0000000, v11;
	p2 =	por !p2, !p2  }
0x208: {  	s1 =	sshrl.u32 s1, $0x4;
	s5 =	simm.s32 @!p2 $0x0;
	(xrf0) =	vmin.scan.msk.u32 $0xffff, v19  }
0x209: {  	s1 =	ssub.s32 s1, s5  }
0x20a: {  	s1 =	sshll.u32 s1, $0x6;
	_ =	sdelay $0x3  }
0x20b: {  	v19, _, _ =	vpop (xrf0)  }
0x20c: {  	(v2sf) =	vpush v19, $0xF;
	_ =	sdelay $0xe  }
0x20d: {  	s2 =	sand.u32 $0xF, s2;
	s5 =	spop (v2sf)  }
0x20e: {  	p2 =	sne.s32 s2, $0xF;
	v19 =	vmov s2;
	s5 =	sxor.u32 $0x80000000, s5  }
0x20f: {  	s6 =	sand.u32 @!p2 $0xC0, s19;
	vm3 =	veq.s32 v19, v0;
	s2 =	sadd.s32 s5, s0;
	v19 =	vmov s5  }
0x210: {  	v15 =	vsel vm3, s2, v15;
	s2 =	sshrl.u32 @!p2 s6, $0x2;
	vm3 =	veq.s32 v19, v0  }
0x211: {  	[tilespmem:s2+$0x13600] =	vst @!p2 v15;
	v17 =	vsel vm3, $0xC0000000, v17  }
0x212: {  	[tilespmem:s0+$0x12B00] =	vst v17;
	(xrf0) =	vmax.scan.msk.f32 $0xffff, v17;
	_ =	sdelay $0x2  }
0x213: {  	s0 =	sshra.s32 s1, $0x2  }
0x214: {  	v17 =	vld [tilespmem:s0+$0x13500]  }
.Ltmp12:
0x215: {  	(pc) =	sbr.rel @p1 .LBB2_21-.Ltmp12, $4  }
0x216: {  	v19, _, _ =	vpop (xrf0)  }
0x217: {  	v19 =	vbroadcast v19, $0xF  }
0x218: {  	vm3 =	veq.s32 v18, v0  }
0x219: {  	v17 =	vsel vm3, v19, v17  }
0x21a: {  	[tilespmem:s0+$0x13500] =	vst v17;
	s23 =	rddreg [dreg:$0xe];
	s1 =	simm.s32 $0x13600  }
0x21b: {  	[spmem:s23] =	stream.linear.scatter [tilespmem:s1], [sflag:$0x3], $0x40, $0x38;
	[tilespmem:$0x19F90] =	vst v63  }
0x21c: {  	_ =	swait.ge [sflag:s13], $0x40  }
0x21d: {  	[sflag:s13] =	ssyncset.done $0x0  }
0x21e: {  	[sflag:s13] =	ssyncadd.s32 $0xFFFFFFC0  }
0x21f: {  	s29 =	simm.s32 $0x13680;
	s24 =	rddreg [dreg:$0xf];
	[tilespmem:$0x13680] =	vst v16  }
0x220: {  	[spmem:s24] =	stream.linear.scatter [tilespmem:s29], [sflag:$0x3], $0x10, $0x38;
	[tilespmem:$0x19F90] =	vst v63  }
0x221: {  	_ =	swait.ge [sflag:s13], $0x10  }
0x222: {  	[sflag:s13] =	ssyncset.done $0x0  }
0x223: {  	[sflag:s13] =	ssyncadd.s32 $0xFFFFFFF0  }
.LBB2_23:
0x224: {  	[bflag:$0x0] =	sbarrier.arrive $0xFFFF  }
0x225: {  	s0 =	sld [smem:$0x7FA];
	_ =	sdelay $0x1  }
0x226: {  	s1 =	simm.s32 $0x13700  }
0x227: {  	[tilespmem:s1], [sflag:$0x3] =	stream.linear.gather [spmem:s0], $0x10, $0x38;
	[tilespmem:$0x19F90] =	vst v63  }
0x228: {  	_ =	swait.ge [sflag:s13], $0x10  }
0x229: {  	[sflag:s13] =	ssyncset.done $0x0  }
0x22a: {  	s24 =	simm.s32 $0x13680;
	s23 =	rddreg [dreg:$0xf];
	[sflag:s13] =	ssyncadd.s32 $0xFFFFFFF0  }
0x22b: {  	[tilespmem:s24], [sflag:$0x3] =	stream.linear.gather [spmem:s23], $0x10, $0x38;
	[tilespmem:$0x19F90] =	vst v63  }
0x22c: {  	_ =	swait.ge [sflag:s13], $0x10  }
0x22d: {  	[sflag:s13] =	ssyncset.done $0x0  }
0x22e: {  	s29 =	simm.s32 $0x13840;
	[sflag:s13] =	ssyncadd.s32 $0xFFFFFFF0  }
0x22f: {  	s0 =	simm.s32 $0x14040;
	v15 =	vld [tilespmem:$0x13680];
	[tilespmem:s29+$0xFFFFFFC0] =	vst v12  }
0x230: {  	[tilespmem:s0+$0xFFFFFFC0] =	vst v13  }
0x231: {  	[tilespmem:s29+$0xFFFFFFD0] =	vst v12  }
0x232: {  	[tilespmem:s0+$0xFFFFFFD0] =	vst v13  }
0x233: {  	[tilespmem:s29+$0xFFFFFFE0] =	vst v12  }
0x234: {  	[tilespmem:s0+$0xFFFFFFE0] =	vst v13  }
0x235: {  	[tilespmem:s29+$0xFFFFFFF0] =	vst v12  }
0x236: {  	[tilespmem:s0+$0xFFFFFFF0] =	vst v13  }
0x237: {  	[tilespmem:s29+$0x0] =	vst v12  }
0x238: {  	[tilespmem:s0+$0x0] =	vst v13  }
0x239: {  	[tilespmem:s29+$0x10] =	vst v12  }
0x23a: {  	[tilespmem:s0+$0x10] =	vst v13  }
0x23b: {  	[tilespmem:s29+$0x20] =	vst v12  }
0x23c: {  	[tilespmem:s0+$0x20] =	vst v13  }
0x23d: {  	s2 =	simm.s32 $0x138C0;
	[tilespmem:s29+$0x30] =	vst v12  }
0x23e: {  	s10 =	simm.s32 $0x12000;
	s12 =	simm.s32 $0xF800;
	s1 =	simm.s32 $0x0;
	[tilespmem:s0+$0x30] =	vst v13  }
.LBB2_24:
0x23f: {  	[tilespmem:s2+$0xFFFFFFC0] =	vst v12;
	s0 =	sadd.s32 $0x80, s0  }
0x240: {  	[tilespmem:s0+$0xFFFFFFC0] =	vst v13  }
0x241: {  	[tilespmem:s2+$0xFFFFFFD0] =	vst v12  }
0x242: {  	[tilespmem:s0+$0xFFFFFFD0] =	vst v13  }
0x243: {  	[tilespmem:s2+$0xFFFFFFE0] =	vst v12  }
0x244: {  	[tilespmem:s0+$0xFFFFFFE0] =	vst v13  }
0x245: {  	[tilespmem:s2+$0xFFFFFFF0] =	vst v12  }
0x246: {  	[tilespmem:s0+$0xFFFFFFF0] =	vst v13  }
0x247: {  	[tilespmem:s2+$0x0] =	vst v12  }
0x248: {  	s1 =	sadd.s32 $0x8, s1;
	[tilespmem:s0+$0x0] =	vst v13  }
0x249: {  	p1 =	slt.u32 s1, $0x78;
	[tilespmem:s2+$0x10] =	vst v12  }
.Ltmp13:
0x24a: {  	[tilespmem:s0+$0x10] =	vst v13;
	(pc) =	sbr.rel @p1 .LBB2_24-.Ltmp13, $4  }
0x24b: {  	[tilespmem:s2+$0x20] =	vst v12  }
0x24c: {  	[tilespmem:s0+$0x20] =	vst v13  }
0x24d: {  	[tilespmem:s2+$0x30] =	vst v12  }
0x24e: {  	s2 =	sadd.s32 $0x80, s2;
	[tilespmem:s0+$0x30] =	vst v13  }
.Ltmp14:
0x24f: {  	(pc) =	sbr.rel .LBB2_26-.Ltmp14, $2  }
0x250: {  	_ =	sdelay $0x2  }
0x251: {  	[tilespmem:$0x13780] =	vst v14;
	v15 =	vbroadcast v15, $0x0;
	s19 =	simm.s32 $0x0  }
.LBB2_32:
0x252: {  	s19 =	sadd.s32 $0x1, s19  }
0x253: {  	p1 =	sne.s32 s19, $0x10  }
.Ltmp15:
0x254: {  	_ = 	snop;
	(pc) =	sbr.rel @!p1 .LBB2_33-.Ltmp15, $2  }
0x255: {  	_ =	sdelay $0x2  }
0x256: {  	[tilespmem:$0x13780] =	vst v18  }
.LBB2_26:
0x257: {  	v16 =	vld [tilespmem:$0x13700];
	_ =	sdelay $0x3  }
0x258: {  	v17 =	vmov s19  }
0x259: {  	vm3 =	veq.s32 v17, v0;
	v16 =	vxor.u32 $0x80000000, v16  }
0x25a: {  	v16 =	vnsel vm3, $0x7FFFFFFF, v16  }
0x25b: {  	(xrf0) =	vmax.scan.msk.u32 $0xffff, v16;
	_ =	sdelay $0x5  }
0x25c: {  	v16, _, _ =	vpop (xrf0)  }
0x25d: {  	(v2sf) =	vpush v16, $0xF;
	_ =	sdelay $0xe  }
0x25e: {  	s0 =	spop (v2sf)  }
0x25f: {  	s1 =	sxor.u32 $0x80000000, s0  }
0x260: {  	s2 =	smulhi.u32 $0x67B23A55, s1;
	s4 =	sshra.s32 s1, $0x1F  }
0x261: {  	s4 =	smul.u32 $0x67B23A55, s4;
	_ =	sdelay $0x1  }
0x262: {  	s2 =	sadd.s32 s4, s2  }
0x263: {  	s4 =	sshrl.u32 s2, $0x1F;
	s2 =	sshra.s32 s2, $0x8  }
0x264: {  	s2 =	sadd.s32 s4, s2  }
0x265: {  	s4 =	smul.u32 $0xFFFFFD88, s2;
	_ =	sdelay $0x1  }
0x266: {  	p2 =	sgt.s32 s0, $0xFFFFFFFF;
	p1 =	slt.s32 s1, $0x1;
	s4 =	sadd.s32 s1, s4  }
0x267: {  	p1 =	por p2, p1;
	p6 =	sne.s32 s4, $0x0  }
0x268: {  	p1 =	por !p1, !p6  }
0x269: {  	s0 =	simm.s32 $0x1;
	p1 =	por !p1, !p1  }
0x26a: {  	s1 =	sadd.s32 $0x278, s4;
	s0 =	simm.s32 @!p1 $0x0;
	p1 =	slt.s32 s4, $0x0  }
0x26b: {  	s2 =	ssub.s32 s2, s0;
	s4 =	smov.u32 @p1 s1  }
0x26c: {  	s1 =	sand.u32 $0x7, s4;
	s0 =	sshll.u32 s2, $0x3  }
0x26d: {  	s5 =	sshra.s32 s2, $0x1F;
	s0 =	sor.u32 s1, s0  }
0x26e: {  	s7 =	simm.s32 $0x1;
	s6 =	sshrl.u32 s5, $0x1C;
	p1 =	sgt.s32 s0, $0x0  }
0x26f: {  	s6 =	sadd.s32 s6, s0;
	s7 =	simm.s32 @!p1 $0x0  }
0x270: {  	s20 =	sand.u32 $0xFFFFFFF0, s6;
	s5 =	sadd.s32 s7, s5  }
0x271: {  	p4 =	sne.s32 s0, s20;
	p3 =	sne.s32 s5, $0x1  }
0x272: {  	p1 =	por !p4, !p3  }
0x273: {  	s5 =	simm.s32 $0x1;
	p1 =	por !p1, !p1  }
0x274: {  	s6 =	sshrl.u32 s6, $0x4;
	s5 =	simm.s32 @!p1 $0x0  }
0x275: {  	s5 =	ssub.s32 s6, s5  }
0x276: {  	s5 =	sshll.u32 s5, $0x6  }
0x277: {  	s21 =	sshll.u32 s4, $0x10;
	s5 =	sshra.s32 s5, $0x2  }
0x278: {  	v16 =	vld [tilespmem:s5+$0x12800];
	s5 =	sshra.s32 s21, $0x1F  }
0x279: {  	s5 =	sand.u32 $0x7, s5  }
0x27a: {  	s5 =	sadd.s32 s5, s4  }
0x27b: {  	s23 =	sand.u32 $0xFFFF, s4;
	s24 =	sand.u32 $0xFFF8, s5  }
0x27c: {  	p5 =	slt.s32 s4, $0x1;
	s22 =	sand.u32 $0xF, s0;
	p6 =	sne.s32 s24, s23  }
0x27d: {  	v17 =	vmov s22;
	p1 =	por !p5, !p6  }
0x27e: {  	vm3 =	veq.s32 v17, v0;
	s29 =	sshll.u32 s5, $0x10;
	s5 =	simm.s32 $0x1;
	p1 =	por !p1, !p1  }
0x27f: {  	s4 =	sshra.s32 s29, $0x13;
	v16 =	vnsel vm3, $0xBF800000, v16;
	s5 =	simm.s32 @!p1 $0x0  }
0x280: {  	(xrf0) =	vmax.scan.msk.f32 $0xffff, v16;
	s5 =	ssub.s32 s4, s5  }
0x281: {  	p2 =	seq.s32 s5, $0x4E  }
.Ltmp16:
0x282: {  	_ = 	snop;
	(pc) =	sbr.rel @!p2 .LBB2_27-.Ltmp16, $2  }
0x283: {  	_ =	sdelay $0x2  }
0x284: {  	s6 =	smul.u32 $0xC3800, s2;
	v16, _, _ =	vpop (xrf0)  }
0x285: {  	_ = 	snop  }
0x286: {  	s2 =	sadd.s32 s6, s11  }
0x287: {  	s2 =	sshrl.u32 s2, $0x3  }
0x288: {  	s4 =	simm.s32 $0x0;
	s2 =	sadd.s32 s26, s2  }
0x289: {  	[tilespmem:s10], [sflag:$0x3] =	stream.linear.gather [hbm4b:s2+s4], $0x800, $0x38;
	[tilespmem:$0x19F90] =	vst v63  }
0x28a: {  	s2 =	sshll.u32 s1, $0x7  }
0x28b: {  	s1 =	sor.u32 $0x12000, s2  }
0x28c: {  	v17 =	vmov s1  }
0x28d: {  	s0 =	smul.u32 $0x186A0, s0;
	_ =	swait.ge [sflag:s13], $0x800  }
0x28e: {  	s5 =	smul.u32 $0x500, s5;
	[sflag:s13] =	ssyncset.done $0x0  }
0x28f: {  	[sflag:s13] =	ssyncadd.s32 $0xFFFFF800  }
0x290: {  	v16 =	vbroadcast v16, $0xF;
	p1 =	por $0x1, $0x1;
	s0 =	sadd.s32 s0, s5;
	v18 =	vld [tilespmem:$0x13780]  }
.LBB2_30:
0x291: {  	v19 =	vld.idx.msk [tilespmem:v17+s4+$0x0 ss:$0x1], $0xffff;
	_ =	sdelay $0x4  }
0x292: {  	v19 =	vmul.f32 v19, v16;
	_ =	sdelay $0x1  }
0x293: {  	vm3 =	vge.f32 v19, v15  }
0x294: {  	v20 =	vsel vm3, $0x1, v14  }
0x295: {  	(xrf0) =	vadd.scan.msk.s32 $0xffff, v20;
	_ =	sdelay $0x5  }
0x296: {  	v20, _, _ =	vpop (xrf0)  }
0x297: {  	v20 =	vadd.s32 v20, v18  }
0x298: {  	v20 =	vadd.s32 $0xFFFFFFFF, v20  }
0x299: {  	vm4 =	vlt.s32 v20, $0x7FF  }
0x29a: {  	v20 =	vnsel vm4, $0x7FF, v20;
	_ =	sdelay $0x3  }
0x29b: {  	s1 =	sadd.s32 s0, s4  }
0x29c: {  	[tilespmem:v20+s25+$0x0] =	vst.idx.msk vm3, v19;
	v19 =	vor.u32 s1, v0  }
0x29d: {  	s23 =	sor.u32 $0x10, s4;
	[tilespmem:v20+s3+$0x0] =	vst.idx.msk vm3, v19  }
0x29e: {  	v19 =	vld.idx.msk [tilespmem:v17+s23+$0x0 ss:$0x1], $0xffff;
	_ =	sdelay $0x4  }
0x29f: {  	v19 =	vmul.f32 v19, v16;
	_ =	sdelay $0x1  }
0x2a0: {  	vm13 =	vge.f32 v19, v15  }
0x2a1: {  	v20 =	vsel vm13, $0x1, v14  }
0x2a2: {  	(xrf0) =	vadd.scan.msk.s32 $0xffff, v20;
	_ =	sdelay $0x1  }
0x2a3: {  	v20 =	vmpcnt.ones.xlane vm3;
	_ =	sdelay $0x3  }
0x2a4: {  	v18 =	vadd.s32 v18, v20;
	v20, _, _ =	vpop (xrf0)  }
0x2a5: {  	v20 =	vadd.s32 v20, v18  }
0x2a6: {  	v20 =	vadd.s32 $0xFFFFFFFF, v20  }
0x2a7: {  	vm3 =	vlt.s32 v20, $0x7FF  }
0x2a8: {  	v20 =	vnsel vm3, $0x7FF, v20;
	_ =	sdelay $0x3  }
0x2a9: {  	s1 =	sadd.s32 s0, s23  }
0x2aa: {  	[tilespmem:v20+s25+$0x0] =	vst.idx.msk vm13, v19;
	v19 =	vor.u32 s1, v0  }
0x2ab: {  	s24 =	sor.u32 $0x20, s4;
	[tilespmem:v20+s3+$0x0] =	vst.idx.msk vm13, v19  }
0x2ac: {  	v19 =	vld.idx.msk [tilespmem:v17+s24+$0x0 ss:$0x1], $0xffff;
	_ =	sdelay $0x4  }
0x2ad: {  	v19 =	vmul.f32 v19, v16;
	_ =	sdelay $0x1  }
0x2ae: {  	vm3 =	vge.f32 v19, v15  }
0x2af: {  	v20 =	vsel vm3, $0x1, v14  }
0x2b0: {  	(xrf0) =	vadd.scan.msk.s32 $0xffff, v20;
	_ =	sdelay $0x1  }
0x2b1: {  	v20 =	vmpcnt.ones.xlane vm13;
	_ =	sdelay $0x3  }
0x2b2: {  	v18 =	vadd.s32 v18, v20;
	v20, _, _ =	vpop (xrf0)  }
0x2b3: {  	v20 =	vadd.s32 v20, v18  }
0x2b4: {  	v20 =	vadd.s32 $0xFFFFFFFF, v20  }
0x2b5: {  	vm14 =	vlt.s32 v20, $0x7FF  }
0x2b6: {  	v20 =	vnsel vm14, $0x7FF, v20;
	_ =	sdelay $0x3  }
0x2b7: {  	s1 =	sadd.s32 s0, s24  }
0x2b8: {  	[tilespmem:v20+s25+$0x0] =	vst.idx.msk vm3, v19;
	v19 =	vor.u32 s1, v0  }
0x2b9: {  	s29 =	sor.u32 $0x30, s4;
	[tilespmem:v20+s3+$0x0] =	vst.idx.msk vm3, v19  }
0x2ba: {  	v19 =	vld.idx.msk [tilespmem:v17+s29+$0x0 ss:$0x1], $0xffff;
	_ =	sdelay $0x4  }
0x2bb: {  	v19 =	vmul.f32 v19, v16;
	_ =	sdelay $0x1  }
0x2bc: {  	vm15 =	vge.f32 v19, v15  }
0x2bd: {  	v20 =	vsel vm15, $0x1, v14  }
0x2be: {  	(xrf0) =	vadd.scan.msk.s32 $0xffff, v20;
	_ =	sdelay $0x1  }
0x2bf: {  	v20 =	vmpcnt.ones.xlane vm3;
	_ =	sdelay $0x3  }
0x2c0: {  	v18 =	vadd.s32 v18, v20;
	v20, _, _ =	vpop (xrf0)  }
0x2c1: {  	v20 =	vadd.s32 v20, v18  }
0x2c2: {  	v20 =	vadd.s32 $0xFFFFFFFF, v20  }
0x2c3: {  	vm3 =	vlt.s32 v20, $0x7FF  }
0x2c4: {  	v20 =	vnsel vm3, $0x7FF, v20  }
0x2c5: {  	p2 =	por p1, p1  }
.Ltmp17:
0x2c6: {  	_ = 	snop;
	(pc) =	sbr.rel @p2 .LBB2_30-.Ltmp17, $4  }
0x2c7: {  	_ = 	snop  }
0x2c8: {  	s1 =	sadd.s32 s0, s29;
	v21 =	vmpcnt.ones.xlane vm15  }
0x2c9: {  	[tilespmem:v20+s25+$0x0] =	vst.idx.msk vm15, v19;
	v19 =	vor.u32 s1, v0  }
0x2ca: {  	s4 =	simm.s32 $0x40;
	p1 =	por $0x0, $0x0;
	v18 =	vadd.s32 v18, v21;
	[tilespmem:v20+s3+$0x0] =	vst.idx.msk vm15, v19  }
0x2cb: {  	v17 =	vld [tilespmem:s2+$0x12400];
	_ =	sdelay $0x4  }
0x2cc: {  	v17 =	vmul.f32 v17, v16;
	_ =	sdelay $0x1  }
0x2cd: {  	vm3 =	vge.f32 v17, v15  }
0x2ce: {  	v19 =	vsel vm3, $0x1, v14  }
0x2cf: {  	(xrf0) =	vadd.scan.msk.s32 $0xffff, v19;
	_ =	sdelay $0x5  }
0x2d0: {  	v19, _, _ =	vpop (xrf0)  }
0x2d1: {  	v19 =	vadd.s32 v19, v18  }
0x2d2: {  	v19 =	vadd.s32 $0xFFFFFFFF, v19  }
0x2d3: {  	vm4 =	vlt.s32 v19, $0x7FF  }
0x2d4: {  	v19 =	vnsel vm4, $0x7FF, v19;
	_ =	sdelay $0x3  }
0x2d5: {  	s1 =	sadd.s32 $0x80, s0  }
0x2d6: {  	[tilespmem:v19+s25+$0x0] =	vst.idx.msk vm3, v17;
	v17 =	vor.u32 s1, v0  }
0x2d7: {  	[tilespmem:v19+s3+$0x0] =	vst.idx.msk vm3, v17  }
0x2d8: {  	v17 =	vld [tilespmem:s2+$0x12410];
	_ =	sdelay $0x4  }
0x2d9: {  	v16 =	vmul.f32 v17, v16;
	_ =	sdelay $0x1  }
0x2da: {  	vm15 =	vge.f32 v16, v15  }
0x2db: {  	v17 =	vsel vm15, $0x1, v14  }
0x2dc: {  	(xrf0) =	vadd.scan.msk.s32 $0xffff, v17;
	_ =	sdelay $0x3  }
0x2dd: {  	v17 =	vmpcnt.ones.xlane vm3;
	_ =	sdelay $0x1  }
0x2de: {  	v17 =	vadd.s32 v18, v17;
	v18, _, _ =	vpop (xrf0)  }
0x2df: {  	v18 =	vadd.s32 v18, v17  }
0x2e0: {  	v18 =	vadd.s32 $0xFFFFFFFF, v18  }
0x2e1: {  	vm3 =	vlt.s32 v18, $0x7FF  }
0x2e2: {  	v18 =	vnsel vm3, $0x7FF, v18;
	_ =	sdelay $0x1  }
.Ltmp18:
0x2e3: {  	_ = 	snop;
	(pc) =	sbr.rel .LBB2_32-.Ltmp18, $4  }
0x2e4: {  	_ = 	snop  }
0x2e5: {  	s29 =	sadd.s32 $0x90, s0;
	v19 =	vmpcnt.ones.xlane vm15  }
0x2e6: {  	[tilespmem:v18+s25+$0x0] =	vst.idx.msk vm15, v16;
	v16 =	vor.u32 s29, v0  }
0x2e7: {  	[tilespmem:v18+s3+$0x0] =	vst.idx.msk vm15, v16;
	v18 =	vadd.s32 v17, v19  }
.LBB2_27:
0x2e8: {  	s0 =	smul.u32 $0x2800, s5  }
0x2e9: {  	s22 =	sadd.s32 s18, s6  }
0x2ea: {  	s2 =	smul.u32 $0xC3500, s2;
	s0 =	sadd.s32 s0, s22  }
0x2eb: {  	s5 =	simm.s32 $0xFFFFFFFF;
	s24 =	smul.u32 $0x186A0, s1;
	s0 =	sshrl.u32 s0, $0x3  }
0x2ec: {  	s4 =	smul.u32 $0x500, s4;
	s23 =	sadd.s32 s26, s0;
	s0 =	simm.s32 $0x0  }
0x2ed: {  	[tilespmem:s12], [sflag:$0x3] =	stream.linear.gather [hbm4b:s23+s0], $0x2800, $0x38;
	[tilespmem:$0x19F90] =	vst v63  }
0x2ee: {  	s29 =	sshll.u32 s1, $0x7;
	s5 =	simm.s32 @!p1 $0x0;
	_ =	swait.ge [sflag:s13], $0x2800  }
0x2ef: {  	s2 =	sadd.s32 s24, s2;
	s5 =	smul.u32 $0x500, s5;
	[sflag:s13] =	ssyncset.done $0x0  }
0x2f0: {  	v17 =	vmov s29;
	s2 =	sadd.s32 s4, s2;
	[sflag:s13] =	ssyncadd.s32 $0xFFFFD800  }
0x2f1: {  	v16 =	vbroadcast v16, $0xF;
	s4 =	simm.s32 $0xFFFFFFFC;
	s2 =	sadd.s32 s5, s2;
	s5 =	simm.s32 $0x30;
	v18 =	vld [tilespmem:$0x13780]  }
.LBB2_28:
0x2f2: {  	s1 =	sadd.s32 $0xFFFFFFD0, s5;
	s6 =	sand.u32 $0x3C00, s0  }
0x2f3: {  	s1 =	sand.u32 $0x40, s1;
	s6 =	sadd.s32 $0xF800, s6  }
0x2f4: {  	s1 =	sor.u32 s1, s6  }
0x2f5: {  	v19 =	vld.idx.msk [tilespmem:v17+s1+$0x0 ss:$0x1], $0xffff;
	_ =	sdelay $0x4  }
0x2f6: {  	v19 =	vmul.f32 v19, v16;
	_ =	sdelay $0x1  }
0x2f7: {  	vm3 =	vge.f32 v19, v15  }
0x2f8: {  	v20 =	vsel vm3, $0x1, v14  }
0x2f9: {  	(xrf0) =	vadd.scan.msk.s32 $0xffff, v20;
	_ =	sdelay $0x5  }
0x2fa: {  	v20, _, _ =	vpop (xrf0)  }
0x2fb: {  	v20 =	vadd.s32 v20, v18  }
0x2fc: {  	v20 =	vadd.s32 $0xFFFFFFFF, v20  }
0x2fd: {  	vm4 =	vlt.s32 v20, $0x7FF  }
0x2fe: {  	v20 =	vnsel vm4, $0x7FF, v20;
	_ =	sdelay $0x2  }
0x2ff: {  	s16 =	sadd.s32 s5, s2  }
0x300: {  	s8 =	sadd.s32 $0xFFFFFFE0, s5;
	s7 =	sadd.s32 $0xFFFFFFD0, s16  }
0x301: {  	s20 =	sand.u32 $0x50, s8;
	[tilespmem:v20+s25+$0x0] =	vst.idx.msk vm3, v19;
	v19 =	vor.u32 s7, v0  }
0x302: {  	s7 =	sor.u32 s20, s6;
	[tilespmem:v20+s3+$0x0] =	vst.idx.msk vm3, v19  }
0x303: {  	v19 =	vld.idx.msk [tilespmem:v17+s7+$0x0 ss:$0x1], $0xffff;
	_ =	sdelay $0x4  }
0x304: {  	v19 =	vmul.f32 v19, v16;
	_ =	sdelay $0x1  }
0x305: {  	vm13 =	vge.f32 v19, v15  }
0x306: {  	v20 =	vsel vm13, $0x1, v14  }
0x307: {  	(xrf0) =	vadd.scan.msk.s32 $0xffff, v20;
	_ =	sdelay $0x1  }
0x308: {  	v20 =	vmpcnt.ones.xlane vm3;
	_ =	sdelay $0x3  }
0x309: {  	v18 =	vadd.s32 v18, v20;
	v20, _, _ =	vpop (xrf0)  }
0x30a: {  	v20 =	vadd.s32 v20, v18  }
0x30b: {  	v20 =	vadd.s32 $0xFFFFFFFF, v20  }
0x30c: {  	vm3 =	vlt.s32 v20, $0x7FF  }
0x30d: {  	v20 =	vnsel vm3, $0x7FF, v20;
	_ =	sdelay $0x3  }
0x30e: {  	s22 =	sadd.s32 $0xFFFFFFF0, s5;
	s21 =	sadd.s32 $0xFFFFFFE0, s16  }
0x30f: {  	s23 =	sand.u32 $0x60, s22;
	v21 =	vor.u32 s21, v0;
	[tilespmem:v20+s25+$0x0] =	vst.idx.msk vm13, v19  }
0x310: {  	s7 =	sor.u32 s23, s6;
	[tilespmem:v20+s3+$0x0] =	vst.idx.msk vm13, v21  }
0x311: {  	v19 =	vld.idx.msk [tilespmem:v17+s7+$0x0 ss:$0x1], $0xffff;
	_ =	sdelay $0x4  }
0x312: {  	v19 =	vmul.f32 v19, v16;
	_ =	sdelay $0x1  }
0x313: {  	vm3 =	vge.f32 v19, v15  }
0x314: {  	v20 =	vsel vm3, $0x1, v14  }
0x315: {  	(xrf0) =	vadd.scan.msk.s32 $0xffff, v20;
	_ =	sdelay $0x1  }
0x316: {  	v20 =	vmpcnt.ones.xlane vm13;
	_ =	sdelay $0x3  }
0x317: {  	v18 =	vadd.s32 v18, v20;
	v20, _, _ =	vpop (xrf0)  }
0x318: {  	v20 =	vadd.s32 v20, v18  }
0x319: {  	v20 =	vadd.s32 $0xFFFFFFFF, v20  }
0x31a: {  	vm14 =	vlt.s32 v20, $0x7FF  }
0x31b: {  	v20 =	vnsel vm14, $0x7FF, v20;
	_ =	sdelay $0x3  }
0x31c: {  	s24 =	sadd.s32 $0xFFFFFFF0, s16  }
0x31d: {  	s29 =	sand.u32 $0x70, s5;
	[tilespmem:v20+s25+$0x0] =	vst.idx.msk vm3, v19;
	v19 =	vor.u32 s24, v0  }
0x31e: {  	s6 =	sor.u32 s29, s6;
	[tilespmem:v20+s3+$0x0] =	vst.idx.msk vm3, v19  }
0x31f: {  	v19 =	vld.idx.msk [tilespmem:v17+s6+$0x0 ss:$0x1], $0xffff;
	_ =	sdelay $0x4  }
0x320: {  	v19 =	vmul.f32 v19, v16;
	_ =	sdelay $0x1  }
0x321: {  	vm15 =	vge.f32 v19, v15  }
0x322: {  	v20 =	vsel vm15, $0x1, v14  }
0x323: {  	(xrf0) =	vadd.scan.msk.s32 $0xffff, v20;
	_ =	sdelay $0x1  }
0x324: {  	v20 =	vmpcnt.ones.xlane vm3;
	_ =	sdelay $0x3  }
0x325: {  	v18 =	vadd.s32 v18, v20;
	v20, _, _ =	vpop (xrf0)  }
0x326: {  	v20 =	vadd.s32 v20, v18  }
0x327: {  	v20 =	vadd.s32 $0xFFFFFFFF, v20  }
0x328: {  	vm3 =	vlt.s32 v20, $0x7FF  }
0x329: {  	s4 =	sadd.s32 $0x4, s4;
	v20 =	vnsel vm3, $0x7FF, v20  }
0x32a: {  	p1 =	slt.u32 s4, $0x4C  }
.Ltmp19:
0x32b: {  	_ = 	snop;
	(pc) =	sbr.rel @p1 .LBB2_28-.Ltmp19, $4  }
0x32c: {  	_ = 	snop  }
0x32d: {  	v63 =	vmpcnt.ones.xlane vm15  }
0x32e: {  	[tilespmem:v20+s25+$0x0] =	vst.idx.msk vm15, v19;
	v19 =	vor.u32 s16, v0  }
0x32f: {  	s0 =	sadd.s32 $0x200, s0;
	s5 =	sadd.s32 $0x40, s5;
	v18 =	vadd.s32 v18, v63;
	[tilespmem:v20+s3+$0x0] =	vst.idx.msk vm15, v19  }
.Ltmp20:
0x330: {  	_ = 	snop;
	(pc) =	sbr.rel .LBB2_32-.Ltmp20, $1  }
0x331: {  	_ =	sdelay $0x3  }
.LBB2_33:
0x332: {  	s2 =	simm.s32 $0x13820  }
0x333: {  	v15 =	vld [tilespmem:s2+$0xFFFFFFE0];
	_ =	sdelay $0x4  }
0x334: {  	(xrf0) =	vmax.scan.msk.f32 $0xffff, v15  }
0x335: {  	s4 =	simm.s32 $0x0  }
0x336: {  	s0 =	sand.u32 $0x1C0, s4  }
0x337: {  	s0 =	sshrl.u32 s0, $0x2  }
0x338: {  	v15 =	vld [tilespmem:s0+$0x14800]  }
0x339: {  	s6 =	simm.s32 $0x0  }
0x33a: {  	s1 =	sand.u32 $0xC, s6;
	v16, _, _ =	vpop (xrf0)  }
0x33b: {  	v17 =	vmov s1;
	v16 =	vbroadcast v16, $0xF  }
0x33c: {  	vm3 =	veq.s32 v17, v0  }
0x33d: {  	v15 =	vsel vm3, v16, v15  }
0x33e: {  	[tilespmem:s0+$0x14800] =	vst v15  }
0x33f: {  	v16 =	vld [tilespmem:s2+$0xFFFFFFF0];
	_ =	sdelay $0x4  }
0x340: {  	(xrf0) =	vmax.scan.msk.f32 $0xffff, v16;
	_ =	sdelay $0x4  }
0x341: {  	s23 =	simm.s32 $0x1  }
0x342: {  	s1 =	sand.u32 $0xD, s23;
	v16, _, _ =	vpop (xrf0)  }
0x343: {  	v17 =	vmov s1;
	v16 =	vbroadcast v16, $0xF  }
0x344: {  	vm3 =	veq.s32 v17, v0  }
0x345: {  	v15 =	vsel vm3, v16, v15  }
0x346: {  	[tilespmem:s0+$0x14800] =	vst v15  }
0x347: {  	v16 =	vld [tilespmem:s2+$0x0];
	_ =	sdelay $0x4  }
0x348: {  	(xrf0) =	vmax.scan.msk.f32 $0xffff, v16;
	_ =	sdelay $0x4  }
0x349: {  	s24 =	simm.s32 $0x2  }
0x34a: {  	s1 =	sand.u32 $0xE, s24;
	v16, _, _ =	vpop (xrf0)  }
0x34b: {  	v17 =	vmov s1;
	v16 =	vbroadcast v16, $0xF  }
0x34c: {  	vm3 =	veq.s32 v17, v0  }
0x34d: {  	v15 =	vsel vm3, v16, v15  }
0x34e: {  	[tilespmem:s0+$0x14800] =	vst v15  }
0x34f: {  	v16 =	vld [tilespmem:s2+$0x10];
	_ =	sdelay $0x4  }
0x350: {  	(xrf0) =	vmax.scan.msk.f32 $0xffff, v16;
	_ =	sdelay $0x4  }
0x351: {  	s29 =	simm.s32 $0x3  }
0x352: {  	s1 =	sand.u32 $0xF, s29;
	v16, _, _ =	vpop (xrf0)  }
0x353: {  	v17 =	vmov s1;
	v16 =	vbroadcast v16, $0xF  }
0x354: {  	vm3 =	veq.s32 v17, v0  }
0x355: {  	v15 =	vsel vm3, v16, v15  }
.LBB2_34:
0x356: {  	s4 =	sadd.s32 $0x10, s4  }
0x357: {  	[tilespmem:s0+$0x14800] =	vst v15;
	s2 =	sadd.s32 $0x40, s2;
	s7 =	smov.u32 s6;
	s6 =	sadd.s32 $0x4, s6  }
0x358: {  	v15 =	vld [tilespmem:s2+$0xFFFFFFE0];
	s0 =	sand.u32 $0xC, s6;
	p1 =	slt.u32 s6, $0x7C  }
0x359: {  	v16 =	vmov s0;
	_ =	sdelay $0x3  }
0x35a: {  	(xrf0) =	vmax.scan.msk.f32 $0xffff, v15;
	_ =	sdelay $0x1  }
0x35b: {  	s0 =	sand.u32 $0x1C0, s4  }
0x35c: {  	s0 =	sshrl.u32 s0, $0x2  }
0x35d: {  	v15 =	vld [tilespmem:s0+$0x14800];
	_ =	sdelay $0x1  }
0x35e: {  	v17, _, _ =	vpop (xrf0)  }
0x35f: {  	v17 =	vbroadcast v17, $0xF  }
0x360: {  	vm3 =	veq.s32 v16, v0  }
0x361: {  	v15 =	vsel vm3, v17, v15  }
0x362: {  	[tilespmem:s0+$0x14800] =	vst v15  }
0x363: {  	v16 =	vld [tilespmem:s2+$0xFFFFFFF0];
	_ =	sdelay $0x4  }
0x364: {  	(xrf0) =	vmax.scan.msk.f32 $0xffff, v16;
	_ =	sdelay $0x4  }
0x365: {  	s1 =	sadd.s32 $0x5, s7  }
0x366: {  	s1 =	sand.u32 $0xD, s1;
	v16, _, _ =	vpop (xrf0)  }
0x367: {  	v17 =	vmov s1;
	v16 =	vbroadcast v16, $0xF  }
0x368: {  	vm3 =	veq.s32 v17, v0  }
0x369: {  	v15 =	vsel vm3, v16, v15  }
0x36a: {  	[tilespmem:s0+$0x14800] =	vst v15  }
0x36b: {  	v16 =	vld [tilespmem:s2+$0x0];
	_ =	sdelay $0x4  }
0x36c: {  	(xrf0) =	vmax.scan.msk.f32 $0xffff, v16;
	_ =	sdelay $0x4  }
0x36d: {  	s1 =	sadd.s32 $0x6, s7  }
0x36e: {  	s1 =	sand.u32 $0xE, s1;
	v16, _, _ =	vpop (xrf0)  }
0x36f: {  	v17 =	vmov s1;
	v16 =	vbroadcast v16, $0xF  }
0x370: {  	vm3 =	veq.s32 v17, v0  }
0x371: {  	v15 =	vsel vm3, v16, v15  }
0x372: {  	[tilespmem:s0+$0x14800] =	vst v15  }
0x373: {  	v16 =	vld [tilespmem:s2+$0x10];
	_ =	sdelay $0x4  }
0x374: {  	(xrf0) =	vmax.scan.msk.f32 $0xffff, v16;
	_ =	sdelay $0x4  }
.Ltmp21:
0x375: {  	s1 =	sadd.s32 $0x7, s7;
	(pc) =	sbr.rel @p1 .LBB2_34-.Ltmp21, $4  }
0x376: {  	s1 =	sand.u32 $0xF, s1;
	v16, _, _ =	vpop (xrf0)  }
0x377: {  	v17 =	vmov s1;
	v16 =	vbroadcast v16, $0xF  }
0x378: {  	vm3 =	veq.s32 v17, v0  }
0x379: {  	v15 =	vsel vm3, v16, v15  }
0x37a: {  	[tilespmem:s0+$0x14800] =	vst v15;
	s23 =	rddreg [dreg:$0x10]  }
0x37b: {  	[spmem:s23] =	stream.linear.scatter [tilespmem:s25], [sflag:$0x3], $0x800, $0x38;
	[tilespmem:$0x19F90] =	vst v63  }
0x37c: {  	_ =	swait.ge [sflag:s13], $0x800  }
0x37d: {  	[sflag:s13] =	ssyncset.done $0x0  }
0x37e: {  	s24 =	rddreg [dreg:$0x11];
	[sflag:s13] =	ssyncadd.s32 $0xFFFFF800  }
0x37f: {  	[spmem:s24] =	stream.linear.scatter [tilespmem:s3], [sflag:$0x3], $0x800, $0x38;
	[tilespmem:$0x19F90] =	vst v63  }
0x380: {  	_ =	swait.ge [sflag:s13], $0x800  }
0x381: {  	[sflag:s13] =	ssyncset.done $0x0  }
0x382: {  	s1 =	simm.s32 $0x14800;
	s29 =	rddreg [dreg:$0x1a];
	[sflag:s13] =	ssyncadd.s32 $0xFFFFF800  }
0x383: {  	[spmem:s29] =	stream.linear.scatter [tilespmem:s1], [sflag:$0x3], $0x80, $0x38;
	[tilespmem:$0x19F90] =	vst v63  }
.Ltmp22:
0x384: {  	_ =	swait.ge [sflag:s13], $0x80;
	(pc) =	sbr.rel @p0 .LBB2_41-.Ltmp22, $4  }
0x385: {  	[sflag:s13] =	ssyncset.done $0x0  }
0x386: {  	[sflag:s13] =	ssyncadd.s32 $0xFFFFFF80  }
0x387: {  	[bflag:$0x0] =	sbarrier.arrive $0xFFFF  }
0x388: {  	s1 =	sld [smem:$0x7F5]  }
0x389: {  	s0 =	rddreg [dreg:$0x12];
	s1 =	simm.s32 $0x14880  }
0x38a: {  	[tilespmem:s1], [sflag:$0x3] =	stream.linear.gather [spmem:s0], $0x800, $0x38;
	[tilespmem:$0x19F90] =	vst v63  }
0x38b: {  	_ =	swait.ge [sflag:s13], $0x800  }
0x38c: {  	[sflag:s13] =	ssyncset.done $0x0  }
0x38d: {  	s16 =	simm.s32 $0x16880;
	s12 =	rddreg [dreg:$0x13];
	[sflag:s13] =	ssyncadd.s32 $0xFFFFF800  }
0x38e: {  	[tilespmem:s16], [sflag:$0x3] =	stream.linear.gather [spmem:s12], $0x800, $0x38;
	[tilespmem:$0x19F90] =	vst v63  }
0x38f: {  	_ =	swait.ge [sflag:s13], $0x800  }
0x390: {  	[sflag:s13] =	ssyncset.done $0x0  }
0x391: {  	s19 =	simm.s32 $0x18880;
	s18 =	rddreg [dreg:$0x1b];
	[sflag:s13] =	ssyncadd.s32 $0xFFFFF800  }
0x392: {  	[tilespmem:s19], [sflag:$0x3] =	stream.linear.gather [spmem:s18], $0x80, $0x38;
	[tilespmem:$0x19F90] =	vst v63  }
0x393: {  	_ =	swait.ge [sflag:s13], $0x80  }
0x394: {  	[sflag:s13] =	ssyncset.done $0x0  }
0x395: {  	s21 =	simm.s32 $0x15080;
	s20 =	rddreg [dreg:$0x14];
	[sflag:s13] =	ssyncadd.s32 $0xFFFFFF80  }
0x396: {  	[tilespmem:s21], [sflag:$0x3] =	stream.linear.gather [spmem:s20], $0x800, $0x38;
	[tilespmem:$0x19F90] =	vst v63  }
0x397: {  	_ =	swait.ge [sflag:s13], $0x800  }
0x398: {  	[sflag:s13] =	ssyncset.done $0x0  }
0x399: {  	s23 =	simm.s32 $0x17080;
	s22 =	rddreg [dreg:$0x15];
	[sflag:s13] =	ssyncadd.s32 $0xFFFFF800  }
0x39a: {  	[tilespmem:s23], [sflag:$0x3] =	stream.linear.gather [spmem:s22], $0x800, $0x38;
	[tilespmem:$0x19F90] =	vst v63  }
0x39b: {  	_ =	swait.ge [sflag:s13], $0x800  }
0x39c: {  	[sflag:s13] =	ssyncset.done $0x0  }
0x39d: {  	s29 =	simm.s32 $0x18900;
	s24 =	rddreg [dreg:$0x1c];
	[sflag:s13] =	ssyncadd.s32 $0xFFFFF800  }
0x39e: {  	[tilespmem:s29], [sflag:$0x3] =	stream.linear.gather [spmem:s24], $0x80, $0x38;
	[tilespmem:$0x19F90] =	vst v63  }
0x39f: {  	_ =	swait.ge [sflag:s13], $0x80  }
0x3a0: {  	[sflag:s13] =	ssyncset.done $0x0  }
0x3a1: {  	s4 =	simm.s32 $0x15880;
	s2 =	rddreg [dreg:$0x16];
	[sflag:s13] =	ssyncadd.s32 $0xFFFFFF80  }
0x3a2: {  	[tilespmem:s4], [sflag:$0x3] =	stream.linear.gather [spmem:s2], $0x800, $0x38;
	[tilespmem:$0x19F90] =	vst v63  }
0x3a3: {  	_ =	swait.ge [sflag:s13], $0x800  }
0x3a4: {  	[sflag:s13] =	ssyncset.done $0x0  }
0x3a5: {  	s6 =	simm.s32 $0x17880;
	s5 =	rddreg [dreg:$0x17];
	[sflag:s13] =	ssyncadd.s32 $0xFFFFF800  }
0x3a6: {  	[tilespmem:s6], [sflag:$0x3] =	stream.linear.gather [spmem:s5], $0x800, $0x38;
	[tilespmem:$0x19F90] =	vst v63  }
0x3a7: {  	_ =	swait.ge [sflag:s13], $0x800  }
0x3a8: {  	[sflag:s13] =	ssyncset.done $0x0  }
0x3a9: {  	s8 =	simm.s32 $0x18980;
	s7 =	rddreg [dreg:$0x1d];
	[sflag:s13] =	ssyncadd.s32 $0xFFFFF800  }
0x3aa: {  	[tilespmem:s8], [sflag:$0x3] =	stream.linear.gather [spmem:s7], $0x80, $0x38;
	[tilespmem:$0x19F90] =	vst v63  }
0x3ab: {  	_ =	swait.ge [sflag:s13], $0x80  }
0x3ac: {  	[sflag:s13] =	ssyncset.done $0x0  }
0x3ad: {  	s12 =	simm.s32 $0x16080;
	s10 =	rddreg [dreg:$0x18];
	[sflag:s13] =	ssyncadd.s32 $0xFFFFFF80  }
0x3ae: {  	[tilespmem:s12], [sflag:$0x3] =	stream.linear.gather [spmem:s10], $0x800, $0x38;
	[tilespmem:$0x19F90] =	vst v63  }
0x3af: {  	_ =	swait.ge [sflag:s13], $0x800  }
0x3b0: {  	[sflag:s13] =	ssyncset.done $0x0  }
0x3b1: {  	s18 =	simm.s32 $0x18080;
	s16 =	rddreg [dreg:$0x19];
	[sflag:s13] =	ssyncadd.s32 $0xFFFFF800  }
0x3b2: {  	[tilespmem:s18], [sflag:$0x3] =	stream.linear.gather [spmem:s16], $0x800, $0x38;
	[tilespmem:$0x19F90] =	vst v63  }
0x3b3: {  	_ =	swait.ge [sflag:s13], $0x800  }
0x3b4: {  	[sflag:s13] =	ssyncset.done $0x0  }
0x3b5: {  	s20 =	simm.s32 $0x18A00;
	s19 =	rddreg [dreg:$0x1e];
	[sflag:s13] =	ssyncadd.s32 $0xFFFFF800  }
0x3b6: {  	[tilespmem:s20], [sflag:$0x3] =	stream.linear.gather [spmem:s19], $0x80, $0x38;
	[tilespmem:$0x19F90] =	vst v63  }
0x3b7: {  	_ =	swait.ge [sflag:s13], $0x80  }
0x3b8: {  	[sflag:s13] =	ssyncset.done $0x0  }
0x3b9: {  	s2 =	simm.s32 $0x188A0;
	[sflag:s13] =	ssyncadd.s32 $0xFFFFFF80  }
0x3ba: {  	v15 =	vld [tilespmem:s2+$0xFFFFFFE0];
	_ =	sdelay $0x4  }
0x3bb: {  	(xrf0) =	vmax.scan.msk.f32 $0xffff, v15  }
0x3bc: {  	s19 =	simm.s32 $0x0  }
0x3bd: {  	s21 =	sand.u32 $0x40, s19  }
0x3be: {  	s6 =	sshrl.u32 s21, $0x2  }
0x3bf: {  	v15 =	vld [tilespmem:s6+$0x18A80]  }
0x3c0: {  	s4 =	simm.s32 $0x0  }
0x3c1: {  	s22 =	sand.u32 $0xC, s4;
	v16, _, _ =	vpop (xrf0)  }
0x3c2: {  	v17 =	vmov s22;
	v16 =	vbroadcast v16, $0xF  }
0x3c3: {  	vm3 =	veq.s32 v17, v0  }
0x3c4: {  	v15 =	vsel vm3, v16, v15  }
0x3c5: {  	[tilespmem:s6+$0x18A80] =	vst v15  }
0x3c6: {  	v16 =	vld [tilespmem:s2+$0xFFFFFFF0];
	_ =	sdelay $0x4  }
0x3c7: {  	(xrf0) =	vmax.scan.msk.f32 $0xffff, v16;
	_ =	sdelay $0x4  }
0x3c8: {  	s23 =	simm.s32 $0x1  }
0x3c9: {  	s0 =	sand.u32 $0xD, s23;
	v16, _, _ =	vpop (xrf0)  }
0x3ca: {  	v17 =	vmov s0;
	v16 =	vbroadcast v16, $0xF  }
0x3cb: {  	vm3 =	veq.s32 v17, v0  }
0x3cc: {  	v15 =	vsel vm3, v16, v15  }
0x3cd: {  	[tilespmem:s6+$0x18A80] =	vst v15  }
0x3ce: {  	v16 =	vld [tilespmem:s2+$0x0];
	_ =	sdelay $0x4  }
0x3cf: {  	(xrf0) =	vmax.scan.msk.f32 $0xffff, v16;
	_ =	sdelay $0x4  }
0x3d0: {  	s24 =	simm.s32 $0x2  }
0x3d1: {  	s0 =	sand.u32 $0xE, s24;
	v16, _, _ =	vpop (xrf0)  }
0x3d2: {  	v17 =	vmov s0;
	v16 =	vbroadcast v16, $0xF  }
0x3d3: {  	vm3 =	veq.s32 v17, v0  }
0x3d4: {  	v15 =	vsel vm3, v16, v15  }
0x3d5: {  	[tilespmem:s6+$0x18A80] =	vst v15  }
0x3d6: {  	v16 =	vld [tilespmem:s2+$0x10];
	_ =	sdelay $0x4  }
0x3d7: {  	(xrf0) =	vmax.scan.msk.f32 $0xffff, v16;
	_ =	sdelay $0x4  }
0x3d8: {  	s29 =	simm.s32 $0x3  }
0x3d9: {  	s0 =	sand.u32 $0xF, s29;
	v16, _, _ =	vpop (xrf0)  }
0x3da: {  	v17 =	vmov s0;
	v16 =	vbroadcast v16, $0xF  }
0x3db: {  	vm3 =	veq.s32 v17, v0  }
0x3dc: {  	s0 =	simm.s32 $0x0;
	v16 =	vsel vm3, v16, v15  }
.LBB2_37:
0x3dd: {  	s0 =	sadd.s32 $0x10, s0  }
0x3de: {  	[tilespmem:s6+$0x18A80] =	vst v16;
	s2 =	sadd.s32 $0x40, s2;
	v15 =	vimm.f32 $0.0e+00;
	s7 =	smov.u32 s4;
	s4 =	sadd.s32 $0x4, s4  }
0x3df: {  	v16 =	vld [tilespmem:s2+$0xFFFFFFE0];
	s1 =	sand.u32 $0xC, s4;
	p1 =	slt.u32 s4, $0x1C  }
0x3e0: {  	v17 =	vmov s1;
	_ =	sdelay $0x3  }
0x3e1: {  	(xrf0) =	vmax.scan.msk.f32 $0xffff, v16;
	_ =	sdelay $0x1  }
0x3e2: {  	s1 =	sand.u32 $0x40, s0  }
0x3e3: {  	s6 =	sshrl.u32 s1, $0x2  }
0x3e4: {  	v16 =	vld [tilespmem:s6+$0x18A80];
	_ =	sdelay $0x1  }
0x3e5: {  	v18, _, _ =	vpop (xrf0)  }
0x3e6: {  	v18 =	vbroadcast v18, $0xF  }
0x3e7: {  	vm3 =	veq.s32 v17, v0  }
0x3e8: {  	v16 =	vsel vm3, v18, v16  }
0x3e9: {  	[tilespmem:s6+$0x18A80] =	vst v16  }
0x3ea: {  	v17 =	vld [tilespmem:s2+$0xFFFFFFF0];
	_ =	sdelay $0x4  }
0x3eb: {  	(xrf0) =	vmax.scan.msk.f32 $0xffff, v17;
	_ =	sdelay $0x4  }
0x3ec: {  	s1 =	sadd.s32 $0x5, s7  }
0x3ed: {  	s1 =	sand.u32 $0xD, s1;
	v17, _, _ =	vpop (xrf0)  }
0x3ee: {  	v18 =	vmov s1;
	v17 =	vbroadcast v17, $0xF  }
0x3ef: {  	vm3 =	veq.s32 v18, v0  }
0x3f0: {  	v16 =	vsel vm3, v17, v16  }
0x3f1: {  	[tilespmem:s6+$0x18A80] =	vst v16  }
0x3f2: {  	v17 =	vld [tilespmem:s2+$0x0];
	_ =	sdelay $0x4  }
0x3f3: {  	(xrf0) =	vmax.scan.msk.f32 $0xffff, v17;
	_ =	sdelay $0x4  }
0x3f4: {  	s1 =	sadd.s32 $0x6, s7  }
0x3f5: {  	s1 =	sand.u32 $0xE, s1;
	v17, _, _ =	vpop (xrf0)  }
0x3f6: {  	v18 =	vmov s1;
	v17 =	vbroadcast v17, $0xF  }
0x3f7: {  	vm3 =	veq.s32 v18, v0  }
0x3f8: {  	v16 =	vsel vm3, v17, v16  }
0x3f9: {  	[tilespmem:s6+$0x18A80] =	vst v16  }
0x3fa: {  	v17 =	vld [tilespmem:s2+$0x10];
	_ =	sdelay $0x4  }
0x3fb: {  	(xrf0) =	vmax.scan.msk.f32 $0xffff, v17;
	_ =	sdelay $0x4  }
.Ltmp23:
0x3fc: {  	s1 =	sadd.s32 $0x7, s7;
	(pc) =	sbr.rel @p1 .LBB2_37-.Ltmp23, $4  }
0x3fd: {  	s1 =	sand.u32 $0xF, s1;
	v17, _, _ =	vpop (xrf0)  }
0x3fe: {  	v18 =	vmov s1;
	v17 =	vbroadcast v17, $0xF  }
0x3ff: {  	vm3 =	veq.s32 v18, v0  }
0x400: {  	v16 =	vsel vm3, v17, v16  }
0x401: {  	[tilespmem:s6+$0x18A80] =	vst v16  }
0x402: {  	v16 =	vld [tilespmem:$0x18A80]  }
0x403: {  	v17 =	vld [tilespmem:$0x18A90];
	_ =	sdelay $0x4  }
0x404: {  	v18 =	vmax.f32 v16, v17  }
0x405: {  	(xrf0) =	vmax.scan.msk.f32 $0xffff, v18;
	_ =	sdelay $0x5  }
0x406: {  	v18, _, _ =	vpop (xrf0)  }
0x407: {  	v18 =	vbroadcast v18, $0xF;
	_ =	sdelay $0x1  }
0x408: {  	vm3 =	veq.f32 v17, v18  }
0x409: {  	vm4 =	veq.f32 v16, v18;
	v16 =	vnsel vm3, $0xC0000000, v10  }
0x40a: {  	v16 =	vsel vm4, v11, v16  }
0x40b: {  	(xrf0) =	vmin.scan.msk.u32 $0xffff, v16;
	_ =	sdelay $0x5  }
0x40c: {  	v16, _, _ =	vpop (xrf0)  }
0x40d: {  	(v2sf) =	vpush v16, $0xF;
	_ =	sdelay $0xe  }
0x40e: {  	s2 =	spop (v2sf)  }
0x40f: {  	s0 =	sshll.u32 s2, $0x4  }
0x410: {  	v16 =	vld [tilespmem:s0+$0x18880];
	_ =	sdelay $0x4  }
0x411: {  	v17 =	vxor.u32 s0, v11;
	vm3 =	veq.f32 v16, v18  }
0x412: {  	v17 =	vnsel vm3, $0xC0000000, v17  }
0x413: {  	(xrf0) =	vmin.scan.msk.u32 $0xffff, v17;
	_ =	sdelay $0x5  }
0x414: {  	v17, _, _ =	vpop (xrf0)  }
0x415: {  	(v2sf) =	vpush v17, $0xF;
	_ =	sdelay $0xe  }
0x416: {  	s1 =	spop (v2sf)  }
0x417: {  	s4 =	sshll.u32 s1, $0x4  }
0x418: {  	v17 =	vld [tilespmem:s4+$0x14880]  }
0x419: {  	v19 =	vld [tilespmem:s4+$0x16880];
	_ =	sdelay $0x4  }
0x41a: {  	vm3 =	veq.f32 v17, v18;
	v20 =	vxor.u32 $0x80000000, v19  }
0x41b: {  	v20 =	vnsel vm3, $0xC0000000, v20  }
0x41c: {  	(xrf0) =	vmin.scan.msk.u32 $0xffff, v20;
	_ =	sdelay $0x5  }
0x41d: {  	v20, _, _ =	vpop (xrf0)  }
0x41e: {  	(v2sf) =	vpush v20, $0xF;
	_ =	sdelay $0xe  }
0x41f: {  	s5 =	spop (v2sf)  }
0x420: {  	s18 =	sxor.u32 $0x80000000, s5  }
0x421: {  	vm4 =	veq.s32 v19, s18  }
0x422: {  	vm3 =	vmand vm3, vm4  }
0x423: {  	v19 =	vnsel vm3, $0xC0000000, v11  }
0x424: {  	(xrf0) =	vmin.scan.msk.u32 $0xffff, v19;
	_ =	sdelay $0x5  }
0x425: {  	v19, _, _ =	vpop (xrf0)  }
0x426: {  	(v2sf) =	vpush v19, $0xF;
	_ =	sdelay $0xe  }
0x427: {  	s7 =	spop (v2sf)  }
0x428: {  	s7 =	sxor.u32 $0x80000000, s7  }
0x429: {  	v19 =	vmov s7  }
0x42a: {  	s20 =	smulhi.u32 $0x14F8B589, s18;
	s8 =	sshra.s32 s18, $0x1F;
	vm3 =	veq.s32 v19, v0  }
0x42b: {  	s8 =	smul.u32 $0x14F8B589, s8;
	v19 =	vsel vm3, $0xC0000000, v17  }
0x42c: {  	s24 =	sand.u32 $0xF, s19;
	(xrf0) =	vmax.scan.msk.f32 $0xffff, v19  }
0x42d: {  	s10 =	sxor.u32 $0x80000000, s2;
	p4 =	sgt.s32 s2, $0xFFFFFFFF;
	s7 =	sadd.s32 s8, s20  }
0x42e: {  	s12 =	sshra.s32 s10, $0x1F;
	s22 =	sshrl.u32 s7, $0x1F;
	s7 =	sshra.s32 s7, $0xD  }
0x42f: {  	p2 =	slt.s32 s10, $0x1;
	s21 =	sshrl.u32 s12, $0x1C;
	s7 =	sadd.s32 s22, s7  }
0x430: {  	p2 =	por p4, p2;
	s1 =	sand.u32 $0xF, s1;
	s16 =	smul.u32 $0xFFFE7960, s7  }
0x431: {  	p6 =	sgt.s32 s5, $0xFFFFFFFF;
	s5 =	simm.s32 $0x1;
	s8 =	sadd.s32 s21, s10  }
0x432: {  	p3 =	slt.s32 s18, $0x1;
	s23 =	sand.u32 $0xFFFFFFF0, s8;
	s6 =	sadd.s32 s18, s16;
	v17, _, _ =	vpop (xrf0)  }
0x433: {  	v20 =	vmov s1;
	p3 =	por p6, p3;
	p1 =	sne.s32 s10, s23;
	p5 =	sne.s32 s6, $0x0;
	v17 =	vbroadcast v17, $0xF  }
0x434: {  	vm3 =	veq.s32 v20, v0;
	v20 =	vmov s24;
	p2 =	por !p2, !p1;
	p1 =	sne.s32 s24, $0xF;
	p3 =	por !p3, !p5  }
0x435: {  	p4 =	slt.s32 s6, $0x0;
	s1 =	sadd.s32 $0x186A0, s6;
	p3 =	por !p3, !p3;
	v21 =	vsel vm3, v17, v16;
	vm3 =	veq.s32 v20, v0  }
0x436: {  	s10 =	sand.u32 @!p1 $0x30, s19;
	s6 =	smov.u32 @p4 s1;
	s5 =	simm.s32 @!p3 $0x0;
	v17 =	vimm.s32 $0x0;
	v15 =	vsel vm3, v18, v15  }
0x437: {  	p2 =	por !p2, !p2;
	s1 =	simm.s32 $0x1;
	s5 =	ssub.s32 s7, s5;
	v16 =	vsel vm3, s6, v17;
	[tilespmem:s10+$0x18B80] =	vst @!p1 v15  }
0x438: {  	s29 =	sshrl.u32 s8, $0x4;
	s1 =	simm.s32 @!p2 $0x0;
	(xrf0) =	vmax.scan.msk.f32 $0xffff, v21;
	v17 =	vsel vm3, s5, v17;
	[tilespmem:s10+$0x18B00] =	vst @!p1 v16  }
0x439: {  	s1 =	ssub.s32 s29, s1;
	[tilespmem:s10+$0x18C00] =	vst @!p1 v17  }
0x43a: {  	s1 =	sshll.u32 s1, $0x6;
	[tilespmem:s4+$0x14880] =	vst v19  }
0x43b: {  	s1 =	sshra.s32 s1, $0x2;
	[tilespmem:s0+$0x18880] =	vst v21  }
0x43c: {  	v19 =	vld [tilespmem:s1+$0x18A80]  }
0x43d: {  	s2 =	sand.u32 $0xF, s2  }
0x43e: {  	v18 =	vmov s2;
	v20, _, _ =	vpop (xrf0)  }
0x43f: {  	s19 =	simm.s32 $0x1;
	vm3 =	veq.s32 v18, v0;
	v18 =	vbroadcast v20, $0xF  }
.LBB2_39:
0x440: {  	_ = 	snop  }
0x441: {  	s6 =	sand.u32 $0xF, s19;
	s0 =	smov.u32 s19;
	s19 =	sadd.s32 $0x1, s19;
	v18 =	vsel vm3, v18, v19  }
0x442: {  	v20 =	vmov s6;
	p1 =	sne.s32 s19, $0x40;
	[tilespmem:s1+$0x18A80] =	vst v18  }
0x443: {  	v18 =	vld [tilespmem:$0x18A80]  }
0x444: {  	v19 =	vld [tilespmem:$0x18A90];
	_ =	sdelay $0x4  }
0x445: {  	v21 =	vmax.f32 v18, v19  }
0x446: {  	(xrf0) =	vmax.scan.msk.f32 $0xffff, v21;
	_ =	sdelay $0x5  }
0x447: {  	v21, _, _ =	vpop (xrf0)  }
0x448: {  	v21 =	vbroadcast v21, $0xF;
	_ =	sdelay $0x1  }
0x449: {  	vm3 =	veq.f32 v18, v21;
	vm4 =	veq.f32 v19, v21  }
0x44a: {  	v18 =	vnsel vm4, $0xC0000000, v10  }
0x44b: {  	v18 =	vsel vm3, v11, v18  }
0x44c: {  	(xrf0) =	vmin.scan.msk.u32 $0xffff, v18;
	_ =	sdelay $0x5  }
0x44d: {  	v18, _, _ =	vpop (xrf0)  }
0x44e: {  	(v2sf) =	vpush v18, $0xF;
	_ =	sdelay $0xe  }
0x44f: {  	s1 =	spop (v2sf)  }
0x450: {  	s4 =	sxor.u32 $0x80000000, s1;
	s2 =	sshll.u32 s1, $0x4;
	p2 =	sgt.s32 s1, $0xFFFFFFFF  }
0x451: {  	s1 =	sand.u32 $0xF, s1;
	v19 =	vld [tilespmem:s2+$0x18880];
	s5 =	sshra.s32 s4, $0x1F  }
0x452: {  	v18 =	vmov s1;
	s5 =	sshrl.u32 s5, $0x1C  }
0x453: {  	s1 =	sadd.s32 s5, s4  }
0x454: {  	p3 =	slt.s32 s4, $0x1;
	s5 =	sand.u32 $0xFFFFFFF0, s1  }
0x455: {  	p2 =	por p2, p3;
	p3 =	sne.s32 s4, s5  }
0x456: {  	v22 =	vxor.u32 s2, v11;
	vm3 =	veq.f32 v19, v21;
	p2 =	por !p2, !p3  }
0x457: {  	s4 =	simm.s32 $0x1;
	v22 =	vnsel vm3, $0xC0000000, v22;
	p2 =	por !p2, !p2  }
0x458: {  	s1 =	sshrl.u32 s1, $0x4;
	s4 =	simm.s32 @!p2 $0x0;
	(xrf0) =	vmin.scan.msk.u32 $0xffff, v22  }
0x459: {  	s1 =	ssub.s32 s1, s4  }
0x45a: {  	s4 =	sshll.u32 s1, $0x6;
	_ =	sdelay $0x3  }
0x45b: {  	v22, _, _ =	vpop (xrf0)  }
0x45c: {  	(v2sf) =	vpush v22, $0xF;
	_ =	sdelay $0xe  }
0x45d: {  	s1 =	spop (v2sf)  }
0x45e: {  	s7 =	sshll.u32 s1, $0x4;
	s1 =	sand.u32 $0xF, s1  }
0x45f: {  	vm3 =	veq.s32 v20, v0;
	p2 =	sne.s32 s6, $0xF;
	v22 =	vld [tilespmem:s7+$0x14880];
	v20 =	vmov s1  }
0x460: {  	v15 =	vsel vm3, v21, v15;
	s0 =	sand.u32 @!p2 $0x30, s0;
	v23 =	vld [tilespmem:s7+$0x16880]  }
0x461: {  	[tilespmem:s0+$0x18B80] =	vst @!p2 v15;
	_ =	sdelay $0x2  }
0x462: {  	vm4 =	veq.f32 v22, v21  }
0x463: {  	v21 =	vxor.u32 $0x80000000, v23  }
0x464: {  	v21 =	vnsel vm4, $0xC0000000, v21  }
0x465: {  	(xrf0) =	vmin.scan.msk.u32 $0xffff, v21;
	_ =	sdelay $0x5  }
0x466: {  	v21, _, _ =	vpop (xrf0)  }
0x467: {  	(v2sf) =	vpush v21, $0xF;
	_ =	sdelay $0xe  }
0x468: {  	s1 =	spop (v2sf)  }
0x469: {  	s5 =	sxor.u32 $0x80000000, s1  }
0x46a: {  	vm5 =	veq.s32 v23, s5;
	s6 =	smulhi.u32 $0x14F8B589, s5;
	s8 =	sshra.s32 s5, $0x1F;
	p3 =	slt.s32 s5, $0x1  }
0x46b: {  	vm4 =	vmand vm4, vm5;
	s8 =	smul.u32 $0x14F8B589, s8  }
0x46c: {  	v21 =	vnsel vm4, $0xC0000000, v11  }
0x46d: {  	s6 =	sadd.s32 s8, s6;
	(xrf0) =	vmin.scan.msk.u32 $0xffff, v21  }
0x46e: {  	s8 =	sshrl.u32 s6, $0x1F;
	s6 =	sshra.s32 s6, $0xD  }
0x46f: {  	s6 =	sadd.s32 s8, s6  }
0x470: {  	s8 =	smul.u32 $0xFFFE7960, s6;
	_ =	sdelay $0x1  }
0x471: {  	p4 =	sgt.s32 s1, $0xFFFFFFFF;
	s5 =	sadd.s32 s5, s8  }
0x472: {  	p3 =	por p4, p3;
	p5 =	sne.s32 s5, $0x0;
	p6 =	slt.s32 s5, $0x0;
	v21, _, _ =	vpop (xrf0)  }
0x473: {  	s1 =	sadd.s32 $0x186A0, s5;
	p3 =	por !p3, !p5;
	(v2sf) =	vpush v21, $0xF  }
0x474: {  	s5 =	smov.u32 @p6 s1;
	s1 =	simm.s32 $0x1;
	p3 =	por !p3, !p3  }
0x475: {  	v16 =	vsel vm3, s5, v16;
	s1 =	simm.s32 @!p3 $0x0  }
0x476: {  	s1 =	ssub.s32 s6, s1;
	[tilespmem:s0+$0x18B00] =	vst @!p2 v16  }
0x477: {  	v17 =	vsel vm3, s1, v17  }
0x478: {  	[tilespmem:s0+$0x18C00] =	vst @!p2 v17;
	_ =	sdelay $0x9  }
0x479: {  	s0 =	spop (v2sf)  }
0x47a: {  	s0 =	sxor.u32 $0x80000000, s0  }
0x47b: {  	v21 =	vmov s0  }
0x47c: {  	vm3 =	veq.s32 v21, v0  }
0x47d: {  	v21 =	vsel vm3, $0xC0000000, v22  }
0x47e: {  	[tilespmem:s7+$0x14880] =	vst v21;
	(xrf0) =	vmax.scan.msk.f32 $0xffff, v21;
	_ =	sdelay $0x5  }
0x47f: {  	v21, _, _ =	vpop (xrf0)  }
0x480: {  	vm3 =	veq.s32 v20, v0;
	v20 =	vbroadcast v21, $0xF;
	_ =	sdelay $0x1  }
0x481: {  	v19 =	vsel vm3, v20, v19  }
0x482: {  	[tilespmem:s2+$0x18880] =	vst v19;
	(xrf0) =	vmax.scan.msk.f32 $0xffff, v19;
	_ =	sdelay $0x1  }
0x483: {  	s1 =	sshra.s32 s4, $0x2  }
.Ltmp24:
0x484: {  	v19 =	vld [tilespmem:s1+$0x18A80];
	(pc) =	sbr.rel @p1 .LBB2_39-.Ltmp24, $3  }
0x485: {  	_ =	sdelay $0x1  }
0x486: {  	v20, _, _ =	vpop (xrf0)  }
0x487: {  	vm3 =	veq.s32 v18, v0;
	v18 =	vbroadcast v20, $0xF  }
0x488: {  	s21 =	sld [smem:$0x7F6]  }
0x489: {  	v15 =	vsel vm3, v18, v19  }
0x48a: {  	s0 =	simm.s32 $0x0;
	s2 =	simm.s32 $0x18B00;
	[tilespmem:s1+$0x18A80] =	vst v15  }
0x48b: {  	[hbm4b:s21+s0] =	stream.linear.scatter [tilespmem:s2], [sflag:$0x3], $0x40, $0x38;
	[tilespmem:$0x19F90] =	vst v63  }
0x48c: {  	_ =	swait.ge [sflag:s13], $0x40  }
0x48d: {  	s22 =	sld [smem:$0x7F7]  }
0x48e: {  	[sflag:s13] =	ssyncset.done $0x0  }
0x48f: {  	s23 =	simm.s32 $0x18B80;
	[sflag:s13] =	ssyncadd.s32 $0xFFFFFFC0  }
0x490: {  	[hbm4b:s22+s0] =	stream.linear.scatter [tilespmem:s23], [sflag:$0x3], $0x40, $0x38;
	[tilespmem:$0x19F90] =	vst v63  }
0x491: {  	_ =	swait.ge [sflag:s13], $0x40  }
0x492: {  	s24 =	sld [smem:$0x7F8]  }
0x493: {  	[sflag:s13] =	ssyncset.done $0x0  }
.Ltmp25:
0x494: {  	s29 =	simm.s32 $0x18C00;
	[sflag:s13] =	ssyncadd.s32 $0xFFFFFFC0;
	(pc) =	sbr.rel .LBB2_41-.Ltmp25, $4  }
0x495: {  	[hbm4b:s24+s0] =	stream.linear.scatter [tilespmem:s29], [sflag:$0x3], $0x40, $0x38;
	[tilespmem:$0x19F90] =	vst v63  }
0x496: {  	_ =	swait.ge [sflag:s13], $0x40  }
0x497: {  	[sflag:s13] =	ssyncset.done $0x0  }
0x498: {  	s1 =	sld [smem:$0x7F5];
	[sflag:s13] =	ssyncadd.s32 $0xFFFFFFC0  }
.LBB2_42:
0x499: {  	_ =	sfence.sel $0x180000  }
0x49a: {  	[bflag:$0x0] =	sbarrier.arrive $0xFFFF  }
0x49b: {  	_ =	strace $0x90000047  }
0x49c: {  	s0 =	stileid.u32;
	[bflag:$0x2] =	sbarrier.arrive $0xFFFF  }
0x49d: {  	p0 =	sne.s32 s0, $0x0;
	s0 =	rddreg [dreg:$0xb]  }
0x49e: {  	s0 =	sadd.s32 @!p0 $0x100000, s0  }
0x49f: {  	[sflag:s0] =	ssyncadd.tile.s32 @!p0 $0x1;
	_ =	shalt  }
.Lfunc_end2:
_tile_overlayer_lowered:
.L_overlay_start_2:
0x4a0: {  	(tag) =	ssettag $0x2  }
0x4a1: {  	s0 =	rddreg [dreg:$0x0];
	s2 =	stileid.u32  }
0x4a2: {  	s1 =	rddreg [dreg:$0x1];
	p0 =	sne.s32 s2, $0x0  }
0x4a3: {  	s3 =	rddreg [dreg:$0x2];
	[bflag:$0x3] =	sbarrier.arrive $0xFFFF;
	s2 =	simm.s32 @!p0 $0x1C03  }
0x4a4: {  	[timem:s3], [sflag:s2] =	dma.local @!p0 [hbm:s0], s1  }
0x4a5: {  	s0 =	simm.s32 @!p0 $0x3  }
0x4a6: {  	_ =	swait.ge @!p0 [sflag:s0], s1  }
0x4a7: {  	s1 =	ssub.s32 @!p0 $0x0, s1;
	[sflag:s0] =	ssyncset.done @!p0 $0x0  }
0x4a8: {  	[sflag:s0] =	ssyncadd.s32 @!p0 s1  }
0x4a9: {  	[bflag:$0x3] =	sbarrier.arrive $0xFFFF  }
0x4aa: {  	_ =	shalt  }

</sc_bundles>
